<compile_context>
chip_gen: v7x
topology: tpu7x:2x2x1
jax: 0.10.2.dev20260603
libtpu: 0.0.44.dev20260713+nightly
codegen_flags: <defaults>
</compile_context>

<pallas_src>
import functools

import jax
import jax.numpy as jnp
from jax import lax
from jax.experimental import pallas as pl
from jax.experimental.pallas import tpu as pltpu
from jax.experimental.pallas import tpu_sc as plsc

B, T, N, D = 16, 2048, 8, 128
TOK = B * T
ROW = N * D
NC, NS, L = 2, 16, 16
NW = NC * NS
TPW = TOK // NW
CH = 32
NCH = TPW // CH

_mesh = plsc.VectorSubcoreMesh(core_axis_name="c", subcore_axis_name="s")


@functools.partial(
    pl.kernel,
    out_type=jax.ShapeDtypeStruct((TOK, ROW), jnp.float32),
    mesh=_mesh,
    scratch_types=[
        pltpu.VMEM((ROW,), jnp.float32),
        pltpu.VMEM((TPW * N,), jnp.int32),
        pltpu.VMEM((2, CH, ROW), jnp.float32),
        pltpu.SemaphoreType.DMA,
        pltpu.SemaphoreType.DMA,
    ],
)
def _sc_embed(bp_hbm, w_hbm, out_hbm, w_v, bp_v, ob, sem0, sem1):
    wid = lax.axis_index("s") * NC + lax.axis_index("c")
    base = wid * TPW
    pltpu.sync_copy(w_hbm, w_v)
    pltpu.sync_copy(bp_hbm.at[pl.ds(base * N, TPW * N)], bp_v)
    sems = (sem0, sem1)

    def compute_chunk(g, slot):
        def tok_body(t, carry):
            off = (g * CH + 2 * t) * N
            bpv = bp_v[pl.ds(off, 2 * N)].astype(jnp.float32)
            for tt in range(2):
                for n in range(N):
                    s = bpv[tt * N + n]
                    for c in range(D // L):
                        w_vec = w_v[pl.ds(n * D + c * L, L)]
                        ob[slot, 2 * t + tt, pl.ds(n * D + c * L, L)] = w_vec * s
            return carry

        lax.fori_loop(0, CH // 2, tok_body, 0)

    def outer(gp, carry):
        for b in range(2):
            g = gp * 2 + b

            @pl.when(gp > 0)
            def _wait():
                pltpu.make_async_copy(
                    ob.at[b], out_hbm.at[pl.ds(0, CH)], sems[b]
                ).wait()

            compute_chunk(g, b)
            pltpu.async_copy(
                ob.at[b], out_hbm.at[pl.ds(base + g * CH, CH)], sems[b]
            )
        return carry

    lax.fori_loop(0, NCH // 2, outer, 0)
    for b in range(2):
        pltpu.make_async_copy(ob.at[b], out_hbm.at[pl.ds(0, CH)], sems[b]).wait()


def kernel(button_presses, W):
    bp = button_presses.reshape(TOK * N)
    out = _sc_embed(bp, W.reshape(ROW))
    return out.reshape(B, T, N, D)

# --- scband reference (transcript-rebuilt; emitter-appended) ---
"""Pipeline reference for scband-action-embedding-66348654789056 (READ-ONLY COPY).

The authoritative reference and input builder live on the scoring server;
editing this copy changes nothing except your own understanding.
"""

import jax, jax.numpy as jnp
import numpy as np

N_BUTTONS = 8
D_MODEL = 128
B, T = 16, 2048

def setup_inputs(seed: int = 0) -> dict:
    key = jax.random.key(seed)
    k1, k2 = jax.random.split(key)
    button_presses = jax.random.randint(k1, (B, T, N_BUTTONS), 0, 2, dtype=jnp.int64 if jax.config.jax_enable_x64 else jnp.int32)
    # nn.Embedding default init: N(0, 1)
    W = jax.random.normal(k2, (N_BUTTONS, D_MODEL), dtype=jnp.float32)
    return {"button_presses": button_presses, "W": W}

def reference(button_presses, W):
    bp = button_presses.astype(jnp.float32)          # [B, T, N]
    button_mask = bp[..., None]                       # [B, T, N, 1]
    emb = W[None, None, :, :]                         # [1, 1, N, D]
    scaled_embeddings = emb * button_mask             # [B, T, N, D]
    return scaled_embeddings

if __name__ == "__main__":
    import jax
    _d = setup_inputs()
    print(jax.jit(kernel)(*tuple(_d.values())))

</pallas_src>

<mosaic_0001>
#map = affine_map<(d0, d1) -> (0)>
#map1 = affine_map<(d0, d1) -> (0, 0)>
module attributes {stable_mosaic.version = 14 : i64} {
  func.func @_sc_embed(%arg0: i32, %arg1: i32, %arg2: memref<262144xi32, #tpu.memory_space<hbm>>, %arg3: memref<1024xf32, #tpu.memory_space<hbm>>, %arg4: memref<32768x1024xf32, #tpu.memory_space<hbm>>, %arg5: memref<1024xf32, #tpu.memory_space<vmem>>, %arg6: memref<8192xi32, #tpu.memory_space<vmem>>, %arg7: memref<2x32x1024xf32, #tpu.memory_space<vmem>>, %arg8: memref<!tpu.dma_semaphore, #tpu.memory_space<semaphore_mem>>, %arg9: memref<!tpu.dma_semaphore, #tpu.memory_space<semaphore_mem>>) attributes {dimension_semantics = [#tpu.dimension_semantics<core_parallel>, #tpu.dimension_semantics<subcore_parallel>], iteration_bounds = array<i64: 2, 16>, scalar_prefetch = 0 : i64, scratch_operands = 5 : i64, tpu.core_type = #tpu.core_type<sc_vector_subcore>, window_params = [{transform_indices = #map}, {transform_indices = #map}, {transform_indices = #map1}]} {
    %mul3A = arith.constant 2 : i32
    %mul3A_0 = arith.muli %arg1, %mul3A : i32
    %add3A = arith.addi %mul3A_0, %arg0 : i32
    %mul3A_1 = arith.constant 1024 : i32
    %mul3A_2 = arith.muli %add3A, %mul3A_1 : i32
    "tpu.region"() ({
      %run_scoped3A = tpu.sem_alloc : memref<!tpu.dma_semaphore, #tpu.memory_space<semaphore_mem>>
      tpu.enqueue_dma source(%arg3 : memref<1024xf32, #tpu.memory_space<hbm>>) target(%arg5 : memref<1024xf32, #tpu.memory_space<vmem>>) target_semaphore(%run_scoped3A : memref<!tpu.dma_semaphore, #tpu.memory_space<semaphore_mem>>)
      tpu.wait_dma2 semaphore(%run_scoped3A : memref<!tpu.dma_semaphore, #tpu.memory_space<semaphore_mem>>) src(%arg3 : memref<1024xf32, #tpu.memory_space<hbm>>) dst(%arg5 : memref<1024xf32, #tpu.memory_space<vmem>>)
      tpu.yield
    }) : () -> ()
    %mul3A_3 = arith.constant 8 : i32
    %mul3A_4 = arith.muli %mul3A_2, %mul3A_3 : i32
    "tpu.region"() ({
      %run_scoped3A = tpu.sem_alloc : memref<!tpu.dma_semaphore, #tpu.memory_space<semaphore_mem>>
      %dma_start3A = tpu.memref_slice %arg2[%mul3A_4] : memref<262144xi32, #tpu.memory_space<hbm>> -> memref<8192xi32, #tpu.memory_space<hbm>>
      %dma_start3A_39 = tpu.memref_slice %arg2[%mul3A_4] : memref<262144xi32, #tpu.memory_space<hbm>> -> memref<8192xi32, #tpu.memory_space<hbm>>
      tpu.enqueue_dma source(%dma_start3A_39 : memref<8192xi32, #tpu.memory_space<hbm>>) target(%arg6 : memref<8192xi32, #tpu.memory_space<vmem>>) target_semaphore(%run_scoped3A : memref<!tpu.dma_semaphore, #tpu.memory_space<semaphore_mem>>)
      %dma_wait3A_40 = tpu.memref_slice %arg2[%mul3A_4] : memref<262144xi32, #tpu.memory_space<hbm>> -> memref<8192xi32, #tpu.memory_space<hbm>>
      %dma_wait3A_41 = tpu.memref_slice %arg2[%mul3A_4] : memref<262144xi32, #tpu.memory_space<hbm>> -> memref<8192xi32, #tpu.memory_space<hbm>>
      tpu.wait_dma2 semaphore(%run_scoped3A : memref<!tpu.dma_semaphore, #tpu.memory_space<semaphore_mem>>) src(%dma_wait3A_41 : memref<8192xi32, #tpu.memory_space<hbm>>) dst(%arg6 : memref<8192xi32, #tpu.memory_space<vmem>>)
      tpu.yield
    }) : () -> ()
    %scan3A = arith.constant 0 : i32
    %scan3A_5 = arith.constant 0 : i32
    %scan3A_6 = arith.constant 16 : i32
    %scan3A_7 = arith.addi %scan3A_5, %scan3A_6 : i32
    %scan3A_8 = arith.constant 1 : i32
    scf.for %scan3A_39 = %scan3A_5 to %scan3A_7 step %scan3A_8  : i32 {
      %mul3A_40 = arith.constant 2 : i32
      %mul3A_41 = arith.muli %scan3A_39, %mul3A_40 : i32
      %add3A_42 = arith.constant 0 : i32
      %add3A_43 = arith.addi %mul3A_41, %add3A_42 : i32
      %gt3A = arith.constant 0 : i32
      %gt3A_44 = arith.cmpi sgt, %scan3A_39, %gt3A : i32
      %convert_element_type3A = arith.extui %gt3A_44 : i1 to i32
      %cond3A = arith.constant 0 : i32
      %cond3A_45 = arith.cmpi ne, %convert_element_type3A, %cond3A : i32
      scf.if %cond3A_45 {
        %dma_wait3A_98 = arith.constant 0 : i32
        %dma_wait3A_99 = arith.constant 0 : i32
        %dma_wait3A_100 = arith.constant 0 : i32
        %dma_wait3A_101 = tpu.memref_slice %arg7[%dma_wait3A_98, %dma_wait3A_99, %dma_wait3A_100] : memref<2x32x1024xf32, #tpu.memory_space<vmem>> -> memref<1x32x1024xf32, #tpu.memory_space<vmem>>
        %dma_wait3A_102 = tpu.memref_squeeze %dma_wait3A_101 : memref<1x32x1024xf32, #tpu.memory_space<vmem>> -> memref<32x1024xf32, #tpu.memory_space<vmem>>
        %dma_wait3A_103 = arith.constant 0 : i32
        %dma_wait3A_104 = arith.constant 0 : i32
        %dma_wait3A_105 = tpu.memref_slice %arg4[%dma_wait3A_103, %dma_wait3A_104] : memref<32768x1024xf32, #tpu.memory_space<hbm>> -> memref<32x1024xf32, #tpu.memory_space<hbm>>
        %dma_wait3A_106 = arith.constant 0 : i32
        %dma_wait3A_107 = arith.constant 0 : i32
        %dma_wait3A_108 = tpu.memref_slice %arg4[%dma_wait3A_106, %dma_wait3A_107] : memref<32768x1024xf32, #tpu.memory_space<hbm>> -> memref<32x1024xf32, #tpu.memory_space<hbm>>
        %dma_wait3A_109 = arith.constant 0 : i32
        %dma_wait3A_110 = arith.constant 0 : i32
        %dma_wait3A_111 = tpu.memref_slice %arg7[%dma_wait3A_98, %dma_wait3A_109, %dma_wait3A_110] : memref<2x32x1024xf32, #tpu.memory_space<vmem>> -> memref<1x32x1024xf32, #tpu.memory_space<vmem>>
        %dma_wait3A_112 = tpu.memref_squeeze %dma_wait3A_111 : memref<1x32x1024xf32, #tpu.memory_space<vmem>> -> memref<32x1024xf32, #tpu.memory_space<vmem>>
        tpu.wait_dma2 semaphore(%arg8 : memref<!tpu.dma_semaphore, #tpu.memory_space<semaphore_mem>>) src(%dma_wait3A_112 : memref<32x1024xf32, #tpu.memory_space<vmem>>) dst(%dma_wait3A_108 : memref<32x1024xf32, #tpu.memory_space<hbm>>)
      } else {
      }
      %scan3A_46 = arith.constant 0 : i32
      %scan3A_47 = arith.constant 0 : i32
      %scan3A_48 = arith.constant 16 : i32
      %scan3A_49 = arith.addi %scan3A_47, %scan3A_48 : i32
      %scan3A_50 = arith.constant 1 : i32
      scf.for %scan3A_98 = %scan3A_47 to %scan3A_49 step %scan3A_50  : i32 {
        %mul3A_99 = arith.constant 32 : i32
        %mul3A_100 = arith.muli %add3A_43, %mul3A_99 : i32
        %mul3A_101 = arith.constant 2 : i32
        %mul3A_102 = arith.muli %mul3A_101, %scan3A_98 : i32
        %add3A_103 = arith.addi %mul3A_100, %mul3A_102 : i32
        %mul3A_104 = arith.constant 8 : i32
        %mul3A_105 = arith.muli %add3A_103, %mul3A_104 : i32
        %get3A = arith.index_cast %mul3A_105 : i32 to index
        %get3A_106 = tpu.vector_load %arg6[%get3A] {strides = array<i32>} : memref<8192xi32, #tpu.memory_space<vmem>>, vector<16xi32>,
        %get3A_107 = vector.shape_cast %get3A_106 : vector<16xi32> to vector<16xi32>
        %convert_element_type3A_108 = arith.sitofp %get3A_107 : vector<16xi32> to vector<16xf32>
        %slice3A = vector.extract_strided_slice %convert_element_type3A_108 {offsets = [0], sizes = [1], strides = [1]} : vector<16xf32> to vector<1xf32>
        %squeeze3A = vector.extract %slice3A[0] : f32 from vector<1xf32>
        %get3A_109 = arith.constant 0 : index
        %get3A_110 = tpu.vector_load %arg5[%get3A_109] {strides = array<i32>} : memref<1024xf32, #tpu.memory_space<vmem>>, vector<16xf32>,
        %get3A_111 = vector.shape_cast %get3A_110 : vector<16xf32> to vector<16xf32>
        %mul3A_112 = vector.broadcast %squeeze3A : f32 to vector<16xf32>
        %mul3A_113 = arith.mulf %get3A_111, %mul3A_112 : vector<16xf32>
        %mul3A_114 = arith.constant 2 : i32
        %mul3A_115 = arith.muli %mul3A_114, %scan3A_98 : i32
        %add3A_116 = arith.constant 0 : i32
        %add3A_117 = arith.addi %mul3A_115, %add3A_116 : i32
        %swap3A = arith.constant 0 : i32
        %swap3A_118 = arith.index_cast %swap3A : i32 to index
        %swap3A_119 = arith.index_cast %add3A_117 : i32 to index
        %swap3A_120 = arith.constant 0 : index
        %swap3A_121 = tpu.vector_load %arg7[%swap3A_118, %swap3A_119, %swap3A_120] {strides = array<i32>} : memref<2x32x1024xf32, #tpu.memory_space<vmem>>, vector<1x1x16xf32>,
        %swap3A_122 = vector.shape_cast %swap3A_121 : vector<1x1x16xf32> to vector<16xf32>
        %swap3A_123 = vector.shape_cast %mul3A_113 : vector<16xf32> to vector<1x1x16xf32>
        tpu.vector_store %arg7[%swap3A_118, %swap3A_119, %swap3A_120], %swap3A_123 {strides = array<i32>} : memref<2x32x1024xf32, #tpu.memory_space<vmem>>, vector<1x1x16xf32>,
        %get3A_124 = arith.constant 16 : index
        %get3A_125 = tpu.vector_load %arg5[%get3A_124] {strides = array<i32>} : memref<1024xf32, #tpu.memory_space<vmem>>, vector<16xf32>,
        %get3A_126 = vector.shape_cast %get3A_125 : vector<16xf32> to vector<16xf32>
        %mul3A_127 = vector.broadcast %squeeze3A : f32 to vector<16xf32>
        %mul3A_128 = arith.mulf %get3A_126, %mul3A_127 : vector<16xf32>
        %mul3A_129 = arith.constant 2 : i32
        %mul3A_130 = arith.muli %mul3A_129, %scan3A_98 : i32
        %add3A_131 = arith.constant 0 : i32
        %add3A_132 = arith.addi %mul3A_130, %add3A_131 : i32
        %swap3A_133 = arith.constant 0 : i32
        %swap3A_134 = arith.index_cast %swap3A_133 : i32 to index
        %swap3A_135 = arith.index_cast %add3A_132 : i32 to index
        %swap3A_136 = arith.constant 16 : index
        %swap3A_137 = tpu.vector_load %arg7[%swap3A_134, %swap3A_135, %swap3A_136] {strides = array<i32>} : memref<2x32x1024xf32, #tpu.memory_space<vmem>>, vector<1x1x16xf32>,
        %swap3A_138 = vector.shape_cast %swap3A_137 : vector<1x1x16xf32> to vector<16xf32>
        %swap3A_139 = vector.shape_cast %mul3A_128 : vector<16xf32> to vector<1x1x16xf32>
        tpu.vector_store %arg7[%swap3A_134, %swap3A_135, %swap3A_136], %swap3A_139 {strides = array<i32>} : memref<2x32x1024xf32, #tpu.memory_space<vmem>>, vector<1x1x16xf32>,
        %get3A_140 = arith.constant 32 : index
        %get3A_141 = tpu.vector_load %arg5[%get3A_140] {strides = array<i32>} : memref<1024xf32, #tpu.memory_space<vmem>>, vector<16xf32>,
        %get3A_142 = vector.shape_cast %get3A_141 : vector<16xf32> to vector<16xf32>
        %mul3A_143 = vector.broadcast %squeeze3A : f32 to vector<16xf32>
        %mul3A_144 = arith.mulf %get3A_142, %mul3A_143 : vector<16xf32>
        %mul3A_145 = arith.constant 2 : i32
        %mul3A_146 = arith.muli %mul3A_145, %scan3A_98 : i32
        %add3A_147 = arith.constant 0 : i32
        %add3A_148 = arith.addi %mul3A_146, %add3A_147 : i32
        %swap3A_149 = arith.constant 0 : i32
        %swap3A_150 = arith.index_cast %swap3A_149 : i32 to index
        %swap3A_151 = arith.index_cast %add3A_148 : i32 to index
        %swap3A_152 = arith.constant 32 : index
        %swap3A_153 = tpu.vector_load %arg7[%swap3A_150, %swap3A_151, %swap3A_152] {strides = array<i32>} : memref<2x32x1024xf32, #tpu.memory_space<vmem>>, vector<1x1x16xf32>,
        %swap3A_154 = vector.shape_cast %swap3A_153 : vector<1x1x16xf32> to vector<16xf32>
        %swap3A_155 = vector.shape_cast %mul3A_144 : vector<16xf32> to vector<1x1x16xf32>
        tpu.vector_store %arg7[%swap3A_150, %swap3A_151, %swap3A_152], %swap3A_155 {strides = array<i32>} : memref<2x32x1024xf32, #tpu.memory_space<vmem>>, vector<1x1x16xf32>,
        %get3A_156 = arith.constant 48 : index
        %get3A_157 = tpu.vector_load %arg5[%get3A_156] {strides = array<i32>} : memref<1024xf32, #tpu.memory_space<vmem>>, vector<16xf32>,
        %get3A_158 = vector.shape_cast %get3A_157 : vector<16xf32> to vector<16xf32>
        %mul3A_159 = vector.broadcast %squeeze3A : f32 to vector<16xf32>
        %mul3A_160 = arith.mulf %get3A_158, %mul3A_159 : vector<16xf32>
        %mul3A_161 = arith.constant 2 : i32
        %mul3A_162 = arith.muli %mul3A_161, %scan3A_98 : i32
        %add3A_163 = arith.constant 0 : i32
        %add3A_164 = arith.addi %mul3A_162, %add3A_163 : i32
        %swap3A_165 = arith.constant 0 : i32
        %swap3A_166 = arith.index_cast %swap3A_165 : i32 to index
        %swap3A_167 = arith.index_cast %add3A_164 : i32 to index
        %swap3A_168 = arith.constant 48 : index
        %swap3A_169 = tpu.vector_load %arg7[%swap3A_166, %swap3A_167, %swap3A_168] {strides = array<i32>} : memref<2x32x1024xf32, #tpu.memory_space<vmem>>, vector<1x1x16xf32>,
        %swap3A_170 = vector.shape_cast %swap3A_169 : vector<1x1x16xf32> to vector<16xf32>
        %swap3A_171 = vector.shape_cast %mul3A_160 : vector<16xf32> to vector<1x1x16xf32>
        tpu.vector_store %arg7[%swap3A_166, %swap3A_167, %swap3A_168], %swap3A_171 {strides = array<i32>} : memref<2x32x1024xf32, #tpu.memory_space<vmem>>, vector<1x1x16xf32>,
        %get3A_172 = arith.constant 64 : index
        %get3A_173 = tpu.vector_load %arg5[%get3A_172] {strides = array<i32>} : memref<1024xf32, #tpu.memory_space<vmem>>, vector<16xf32>,
        %get3A_174 = vector.shape_cast %get3A_173 : vector<16xf32> to vector<16xf32>
        %mul3A_175 = vector.broadcast %squeeze3A : f32 to vector<16xf32>
        %mul3A_176 = arith.mulf %get3A_174, %mul3A_175 : vector<16xf32>
        %mul3A_177 = arith.constant 2 : i32
        %mul3A_178 = arith.muli %mul3A_177, %scan3A_98 : i32
        %add3A_179 = arith.constant 0 : i32
        %add3A_180 = arith.addi %mul3A_178, %add3A_179 : i32
        %swap3A_181 = arith.constant 0 : i32
        %swap3A_182 = arith.index_cast %swap3A_181 : i32 to index
        %swap3A_183 = arith.index_cast %add3A_180 : i32 to index
        %swap3A_184 = arith.constant 64 : index
        %swap3A_185 = tpu.vector_load %arg7[%swap3A_182, %swap3A_183, %swap3A_184] {strides = array<i32>} : memref<2x32x1024xf32, #tpu.memory_space<vmem>>, vector<1x1x16xf32>,
        %swap3A_186 = vector.shape_cast %swap3A_185 : vector<1x1x16xf32> to vector<16xf32>
        %swap3A_187 = vector.shape_cast %mul3A_176 : vector<16xf32> to vector<1x1x16xf32>
        tpu.vector_store %arg7[%swap3A_182, %swap3A_183, %swap3A_184], %swap3A_187 {strides = array<i32>} : memref<2x32x1024xf32, #tpu.memory_space<vmem>>, vector<1x1x16xf32>,
        %get3A_188 = arith.constant 80 : index
        %get3A_189 = tpu.vector_load %arg5[%get3A_188] {strides = array<i32>} : memref<1024xf32, #tpu.memory_space<vmem>>, vector<16xf32>,
        %get3A_190 = vector.shape_cast %get3A_189 : vector<16xf32> to vector<16xf32>
        %mul3A_191 = vector.broadcast %squeeze3A : f32 to vector<16xf32>
        %mul3A_192 = arith.mulf %get3A_190, %mul3A_191 : vector<16xf32>
        %mul3A_193 = arith.constant 2 : i32
        %mul3A_194 = arith.muli %mul3A_193, %scan3A_98 : i32
        %add3A_195 = arith.constant 0 : i32
        %add3A_196 = arith.addi %mul3A_194, %add3A_195 : i32
        %swap3A_197 = arith.constant 0 : i32
        %swap3A_198 = arith.index_cast %swap3A_197 : i32 to index
        %swap3A_199 = arith.index_cast %add3A_196 : i32 to index
        %swap3A_200 = arith.constant 80 : index
        %swap3A_201 = tpu.vector_load %arg7[%swap3A_198, %swap3A_199, %swap3A_200] {strides = array<i32>} : memref<2x32x1024xf32, #tpu.memory_space<vmem>>, vector<1x1x16xf32>,
        %swap3A_202 = vector.shape_cast %swap3A_201 : vector<1x1x16xf32> to vector<16xf32>
        %swap3A_203 = vector.shape_cast %mul3A_192 : vector<16xf32> to vector<1x1x16xf32>
        tpu.vector_store %arg7[%swap3A_198, %swap3A_199, %swap3A_200], %swap3A_203 {strides = array<i32>} : memref<2x32x1024xf32, #tpu.memory_space<vmem>>, vector<1x1x16xf32>,
        %get3A_204 = arith.constant 96 : index
        %get3A_205 = tpu.vector_load %arg5[%get3A_204] {strides = array<i32>} : memref<1024xf32, #tpu.memory_space<vmem>>, vector<16xf32>,
        %get3A_206 = vector.shape_cast %get3A_205 : vector<16xf32> to vector<16xf32>
        %mul3A_207 = vector.broadcast %squeeze3A : f32 to vector<16xf32>
        %mul3A_208 = arith.mulf %get3A_206, %mul3A_207 : vector<16xf32>
        %mul3A_209 = arith.constant 2 : i32
        %mul3A_210 = arith.muli %mul3A_209, %scan3A_98 : i32
        %add3A_211 = arith.constant 0 : i32
        %add3A_212 = arith.addi %mul3A_210, %add3A_211 : i32
        %swap3A_213 = arith.constant 0 : i32
        %swap3A_214 = arith.index_cast %swap3A_213 : i32 to index
        %swap3A_215 = arith.index_cast %add3A_212 : i32 to index
        %swap3A_216 = arith.constant 96 : index
        %swap3A_217 = tpu.vector_load %arg7[%swap3A_214, %swap3A_215, %swap3A_216] {strides = array<i32>} : memref<2x32x1024xf32, #tpu.memory_space<vmem>>, vector<1x1x16xf32>,
        %swap3A_218 = vector.shape_cast %swap3A_217 : vector<1x1x16xf32> to vector<16xf32>
        %swap3A_219 = vector.shape_cast %mul3A_208 : vector<16xf32> to vector<1x1x16xf32>
        tpu.vector_store %arg7[%swap3A_214, %swap3A_215, %swap3A_216], %swap3A_219 {strides = array<i32>} : memref<2x32x1024xf32, #tpu.memory_space<vmem>>, vector<1x1x16xf32>,
        %get3A_220 = arith.constant 112 : index
        %get3A_221 = tpu.vector_load %arg5[%get3A_220] {strides = array<i32>} : memref<1024xf32, #tpu.memory_space<vmem>>, vector<16xf32>,
        %get3A_222 = vector.shape_cast %get3A_221 : vector<16xf32> to vector<16xf32>
        %mul3A_223 = vector.broadcast %squeeze3A : f32 to vector<16xf32>
        %mul3A_224 = arith.mulf %get3A_222, %mul3A_223 : vector<16xf32>
        %mul3A_225 = arith.constant 2 : i32
        %mul3A_226 = arith.muli %mul3A_225, %scan3A_98 : i32
        %add3A_227 = arith.constant 0 : i32
        %add3A_228 = arith.addi %mul3A_226, %add3A_227 : i32
        %swap3A_229 = arith.constant 0 : i32
        %swap3A_230 = arith.index_cast %swap3A_229 : i32 to index
        %swap3A_231 = arith.index_cast %add3A_228 : i32 to index
        %swap3A_232 = arith.constant 112 : index
        %swap3A_233 = tpu.vector_load %arg7[%swap3A_230, %swap3A_231, %swap3A_232] {strides = array<i32>} : memref<2x32x1024xf32, #tpu.memory_space<vmem>>, vector<1x1x16xf32>,
        %swap3A_234 = vector.shape_cast %swap3A_233 : vector<1x1x16xf32> to vector<16xf32>
        %swap3A_235 = vector.shape_cast %mul3A_224 : vector<16xf32> to vector<1x1x16xf32>
        tpu.vector_store %arg7[%swap3A_230, %swap3A_231, %swap3A_232], %swap3A_235 {strides = array<i32>} : memref<2x32x1024xf32, #tpu.memory_space<vmem>>, vector<1x1x16xf32>,
        %slice3A_236 = vector.extract_strided_slice %convert_element_type3A_108 {offsets = [1], sizes = [1], strides = [1]} : vector<16xf32> to vector<1xf32>
        %squeeze3A_237 = vector.extract %slice3A_236[0] : f32 from vector<1xf32>
        %get3A_238 = arith.constant 128 : index
        %get3A_239 = tpu.vector_load %arg5[%get3A_238] {strides = array<i32>} : memref<1024xf32, #tpu.memory_space<vmem>>, vector<16xf32>,
        %get3A_240 = vector.shape_cast %get3A_239 : vector<16xf32> to vector<16xf32>
        %mul3A_241 = vector.broadcast %squeeze3A_237 : f32 to vector<16xf32>
        %mul3A_242 = arith.mulf %get3A_240, %mul3A_241 : vector<16xf32>
        %mul3A_243 = arith.constant 2 : i32
        %mul3A_244 = arith.muli %mul3A_243, %scan3A_98 : i32
        %add3A_245 = arith.constant 0 : i32
        %add3A_246 = arith.addi %mul3A_244, %add3A_245 : i32
        %swap3A_247 = arith.constant 0 : i32
        %swap3A_248 = arith.index_cast %swap3A_247 : i32 to index
        %swap3A_249 = arith.index_cast %add3A_246 : i32 to index
        %swap3A_250 = arith.constant 128 : index
        %swap3A_251 = tpu.vector_load %arg7[%swap3A_248, %swap3A_249, %swap3A_250] {strides = array<i32>} : memref<2x32x1024xf32, #tpu.memory_space<vmem>>, vector<1x1x16xf32>,
        %swap3A_252 = vector.shape_cast %swap3A_251 : vector<1x1x16xf32> to vector<16xf32>
        %swap3A_253 = vector.shape_cast %mul3A_242 : vector<16xf32> to vector<1x1x16xf32>
        tpu.vector_store %arg7[%swap3A_248, %swap3A_249, %swap3A_250], %swap3A_253 {strides = array<i32>} : memref<2x32x1024xf32, #tpu.memory_space<vmem>>, vector<1x1x16xf32>,
        %get3A_254 = arith.constant 144 : index
        %get3A_255 = tpu.vector_load %arg5[%get3A_254] {strides = array<i32>} : memref<1024xf32, #tpu.memory_space<vmem>>, vector<16xf32>,
        %get3A_256 = vector.shape_cast %get3A_255 : vector<16xf32> to vector<16xf32>
        %mul3A_257 = vector.broadcast %squeeze3A_237 : f32 to vector<16xf32>
        %mul3A_258 = arith.mulf %get3A_256, %mul3A_257 : vector<16xf32>
        %mul3A_259 = arith.constant 2 : i32
        %mul3A_260 = arith.muli %mul3A_259, %scan3A_98 : i32
        %add3A_261 = arith.constant 0 : i32
        %add3A_262 = arith.addi %mul3A_260, %add3A_261 : i32
        %swap3A_263 = arith.constant 0 : i32
        %swap3A_264 = arith.index_cast %swap3A_263 : i32 to index
        %swap3A_265 = arith.index_cast %add3A_262 : i32 to index
        %swap3A_266 = arith.constant 144 : index
        %swap3A_267 = tpu.vector_load %arg7[%swap3A_264, %swap3A_265, %swap3A_266] {strides = array<i32>} : memref<2x32x1024xf32, #tpu.memory_space<vmem>>, vector<1x1x16xf32>,
        %swap3A_268 = vector.shape_cast %swap3A_267 : vector<1x1x16xf32> to vector<16xf32>
        %swap3A_269 = vector.shape_cast %mul3A_258 : vector<16xf32> to vector<1x1x16xf32>
        tpu.vector_store %arg7[%swap3A_264, %swap3A_265, %swap3A_266], %swap3A_269 {strides = array<i32>} : memref<2x32x1024xf32, #tpu.memory_space<vmem>>, vector<1x1x16xf32>,
        %get3A_270 = arith.constant 160 : index
        %get3A_271 = tpu.vector_load %arg5[%get3A_270] {strides = array<i32>} : memref<1024xf32, #tpu.memory_space<vmem>>, vector<16xf32>,
        %get3A_272 = vector.shape_cast %get3A_271 : vector<16xf32> to vector<16xf32>
        %mul3A_273 = vector.broadcast %squeeze3A_237 : f32 to vector<16xf32>
        %mul3A_274 = arith.mulf %get3A_272, %mul3A_273 : vector<16xf32>
        %mul3A_275 = arith.constant 2 : i32
        %mul3A_276 = arith.muli %mul3A_275, %scan3A_98 : i32
        %add3A_277 = arith.constant 0 : i32
        %add3A_278 = arith.addi %mul3A_276, %add3A_277 : i32
        %swap3A_279 = arith.constant 0 : i32
        %swap3A_280 = arith.index_cast %swap3A_279 : i32 to index
        %swap3A_281 = arith.index_cast %add3A_278 : i32 to index
        %swap3A_282 = arith.constant 160 : index
        %swap3A_283 = tpu.vector_load %arg7[%swap3A_280, %swap3A_281, %swap3A_282] {strides = array<i32>} : memref<2x32x1024xf32, #tpu.memory_space<vmem>>, vector<1x1x16xf32>,
        %swap3A_284 = vector.shape_cast %swap3A_283 : vector<1x1x16xf32> to vector<16xf32>
        %swap3A_285 = vector.shape_cast %mul3A_274 : vector<16xf32> to vector<1x1x16xf32>
        tpu.vector_store %arg7[%swap3A_280, %swap3A_281, %swap3A_282], %swap3A_285 {strides = array<i32>} : memref<2x32x1024xf32, #tpu.memory_space<vmem>>, vector<1x1x16xf32>,
        %get3A_286 = arith.constant 176 : index
        %get3A_287 = tpu.vector_load %arg5[%get3A_286] {strides = array<i32>} : memref<1024xf32, #tpu.memory_space<vmem>>, vector<16xf32>,
        %get3A_288 = vector.shape_cast %get3A_287 : vector<16xf32> to vector<16xf32>
        %mul3A_289 = vector.broadcast %squeeze3A_237 : f32 to vector<16xf32>
        %mul3A_290 = arith.mulf %get3A_288, %mul3A_289 : vector<16xf32>
        %mul3A_291 = arith.constant 2 : i32
        %mul3A_292 = arith.muli %mul3A_291, %scan3A_98 : i32
        %add3A_293 = arith.constant 0 : i32
        %add3A_294 = arith.addi %mul3A_292, %add3A_293 : i32
        %swap3A_295 = arith.constant 0 : i32
        %swap3A_296 = arith.index_cast %swap3A_295 : i32 to index
        %swap3A_297 = arith.index_cast %add3A_294 : i32 to index
        %swap3A_298 = arith.constant 176 : index
        %swap3A_299 = tpu.vector_load %arg7[%swap3A_296, %swap3A_297, %swap3A_298] {strides = array<i32>} : memref<2x32x1024xf32, #tpu.memory_space<vmem>>, vector<1x1x16xf32>,
        %swap3A_300 = vector.shape_cast %swap3A_299 : vector<1x1x16xf32> to vector<16xf32>
        %swap3A_301 = vector.shape_cast %mul3A_290 : vector<16xf32> to vector<1x1x16xf32>
        tpu.vector_store %arg7[%swap3A_296, %swap3A_297, %swap3A_298], %swap3A_301 {strides = array<i32>} : memref<2x32x1024xf32, #tpu.memory_space<vmem>>, vector<1x1x16xf32>,
        %get3A_302 = arith.constant 192 : index
        %get3A_303 = tpu.vector_load %arg5[%get3A_302] {strides = array<i32>} : memref<1024xf32, #tpu.memory_space<vmem>>, vector<16xf32>,
        %get3A_304 = vector.shape_cast %get3A_303 : vector<16xf32> to vector<16xf32>
        %mul3A_305 = vector.broadcast %squeeze3A_237 : f32 to vector<16xf32>
        %mul3A_306 = arith.mulf %get3A_304, %mul3A_305 : vector<16xf32>
        %mul3A_307 = arith.constant 2 : i32
        %mul3A_308 = arith.muli %mul3A_307, %scan3A_98 : i32
        %add3A_309 = arith.constant 0 : i32
        %add3A_310 = arith.addi %mul3A_308, %add3A_309 : i32
        %swap3A_311 = arith.constant 0 : i32
        %swap3A_312 = arith.index_cast %swap3A_311 : i32 to index
        %swap3A_313 = arith.index_cast %add3A_310 : i32 to index
        %swap3A_314 = arith.constant 192 : index
        %swap3A_315 = tpu.vector_load %arg7[%swap3A_312, %swap3A_313, %swap3A_314] {strides = array<i32>} : memref<2x32x1024xf32, #tpu.memory_space<vmem>>, vector<1x1x16xf32>,
        %swap3A_316 = vector.shape_cast %swap3A_315 : vector<1x1x16xf32> to vector<16xf32>
        %swap3A_317 = vector.shape_cast %mul3A_306 : vector<16xf32> to vector<1x1x16xf32>
        tpu.vector_store %arg7[%swap3A_312, %swap3A_313, %swap3A_314], %swap3A_317 {strides = array<i32>} : memref<2x32x1024xf32, #tpu.memory_space<vmem>>, vector<1x1x16xf32>,
        %get3A_318 = arith.constant 208 : index
        %get3A_319 = tpu.vector_load %arg5[%get3A_318] {strides = array<i32>} : memref<1024xf32, #tpu.memory_space<vmem>>, vector<16xf32>,
        %get3A_320 = vector.shape_cast %get3A_319 : vector<16xf32> to vector<16xf32>
        %mul3A_321 = vector.broadcast %squeeze3A_237 : f32 to vector<16xf32>
        %mul3A_322 = arith.mulf %get3A_320, %mul3A_321 : vector<16xf32>
        %mul3A_323 = arith.constant 2 : i32
        %mul3A_324 = arith.muli %mul3A_323, %scan3A_98 : i32
        %add3A_325 = arith.constant 0 : i32
        %add3A_326 = arith.addi %mul3A_324, %add3A_325 : i32
        %swap3A_327 = arith.constant 0 : i32
        %swap3A_328 = arith.index_cast %swap3A_327 : i32 to index
        %swap3A_329 = arith.index_cast %add3A_326 : i32 to index
        %swap3A_330 = arith.constant 208 : index
        %swap3A_331 = tpu.vector_load %arg7[%swap3A_328, %swap3A_329, %swap3A_330] {strides = array<i32>} : memref<2x32x1024xf32, #tpu.memory_space<vmem>>, vector<1x1x16xf32>,
        %swap3A_332 = vector.shape_cast %swap3A_331 : vector<1x1x16xf32> to vector<16xf32>
        %swap3A_333 = vector.shape_cast %mul3A_322 : vector<16xf32> to vector<1x1x16xf32>
        tpu.vector_store %arg7[%swap3A_328, %swap3A_329, %swap3A_330], %swap3A_333 {strides = array<i32>} : memref<2x32x1024xf32, #tpu.memory_space<vmem>>, vector<1x1x16xf32>,
        %get3A_334 = arith.constant 224 : index
        %get3A_335 = tpu.vector_load %arg5[%get3A_334] {strides = array<i32>} : memref<1024xf32, #tpu.memory_space<vmem>>, vector<16xf32>,
        %get3A_336 = vector.shape_cast %get3A_335 : vector<16xf32> to vector<16xf32>
        %mul3A_337 = vector.broadcast %squeeze3A_237 : f32 to vector<16xf32>
        %mul3A_338 = arith.mulf %get3A_336, %mul3A_337 : vector<16xf32>
        %mul3A_339 = arith.constant 2 : i32
        %mul3A_340 = arith.muli %mul3A_339, %scan3A_98 : i32
        %add3A_341 = arith.constant 0 : i32
        %add3A_342 = arith.addi %mul3A_340, %add3A_341 : i32
        %swap3A_343 = arith.constant 0 : i32
        %swap3A_344 = arith.index_cast %swap3A_343 : i32 to index
        %swap3A_345 = arith.index_cast %add3A_342 : i32 to index
        %swap3A_346 = arith.constant 224 : index
        %swap3A_347 = tpu.vector_load %arg7[%swap3A_344, %swap3A_345, %swap3A_346] {strides = array<i32>} : memref<2x32x1024xf32, #tpu.memory_space<vmem>>, vector<1x1x16xf32>,
        %swap3A_348 = vector.shape_cast %swap3A_347 : vector<1x1x16xf32> to vector<16xf32>
        %swap3A_349 = vector.shape_cast %mul3A_338 : vector<16xf32> to vector<1x1x16xf32>
        tpu.vector_store %arg7[%swap3A_344, %swap3A_345, %swap3A_346], %swap3A_349 {strides = array<i32>} : memref<2x32x1024xf32, #tpu.memory_space<vmem>>, vector<1x1x16xf32>,
        %get3A_350 = arith.constant 240 : index
        %get3A_351 = tpu.vector_load %arg5[%get3A_350] {strides = array<i32>} : memref<1024xf32, #tpu.memory_space<vmem>>, vector<16xf32>,
        %get3A_352 = vector.shape_cast %get3A_351 : vector<16xf32> to vector<16xf32>
        %mul3A_353 = vector.broadcast %squeeze3A_237 : f32 to vector<16xf32>
        %mul3A_354 = arith.mulf %get3A_352, %mul3A_353 : vector<16xf32>
        %mul3A_355 = arith.constant 2 : i32
        %mul3A_356 = arith.muli %mul3A_355, %scan3A_98 : i32
        %add3A_357 = arith.constant 0 : i32
        %add3A_358 = arith.addi %mul3A_356, %add3A_357 : i32
        %swap3A_359 = arith.constant 0 : i32
        %swap3A_360 = arith.index_cast %swap3A_359 : i32 to index
        %swap3A_361 = arith.index_cast %add3A_358 : i32 to index
        %swap3A_362 = arith.constant 240 : index
        %swap3A_363 = tpu.vector_load %arg7[%swap3A_360, %swap3A_361, %swap3A_362] {strides = array<i32>} : memref<2x32x1024xf32, #tpu.memory_space<vmem>>, vector<1x1x16xf32>,
        %swap3A_364 = vector.shape_cast %swap3A_363 : vector<1x1x16xf32> to vector<16xf32>
        %swap3A_365 = vector.shape_cast %mul3A_354 : vector<16xf32> to vector<1x1x16xf32>
        tpu.vector_store %arg7[%swap3A_360, %swap3A_361, %swap3A_362], %swap3A_365 {strides = array<i32>} : memref<2x32x1024xf32, #tpu.memory_space<vmem>>, vector<1x1x16xf32>,
        %slice3A_366 = vector.extract_strided_slice %convert_element_type3A_108 {offsets = [2], sizes = [1], strides = [1]} : vector<16xf32> to vector<1xf32>
        %squeeze3A_367 = vector.extract %slice3A_366[0] : f32 from vector<1xf32>
        %get3A_368 = arith.constant 256 : index
        %get3A_369 = tpu.vector_load %arg5[%get3A_368] {strides = array<i32>} : memref<1024xf32, #tpu.memory_space<vmem>>, vector<16xf32>,
        %get3A_370 = vector.shape_cast %get3A_369 : vector<16xf32> to vector<16xf32>
        %mul3A_371 = vector.broadcast %squeeze3A_367 : f32 to vector<16xf32>
        %mul3A_372 = arith.mulf %get3A_370, %mul3A_371 : vector<16xf32>
        %mul3A_373 = arith.constant 2 : i32
        %mul3A_374 = arith.muli %mul3A_373, %scan3A_98 : i32
        %add3A_375 = arith.constant 0 : i32
        %add3A_376 = arith.addi %mul3A_374, %add3A_375 : i32
        %swap3A_377 = arith.constant 0 : i32
        %swap3A_378 = arith.index_cast %swap3A_377 : i32 to index
        %swap3A_379 = arith.index_cast %add3A_376 : i32 to index
        %swap3A_380 = arith.constant 256 : index
        %swap3A_381 = tpu.vector_load %arg7[%swap3A_378, %swap3A_379, %swap3A_380] {strides = array<i32>} : memref<2x32x1024xf32, #tpu.memory_space<vmem>>, vector<1x1x16xf32>,
        %swap3A_382 = vector.shape_cast %swap3A_381 : vector<1x1x16xf32> to vector<16xf32>
        %swap3A_383 = vector.shape_cast %mul3A_372 : vector<16xf32> to vector<1x1x16xf32>
        tpu.vector_store %arg7[%swap3A_378, %swap3A_379, %swap3A_380], %swap3A_383 {strides = array<i32>} : memref<2x32x1024xf32, #tpu.memory_space<vmem>>, vector<1x1x16xf32>,
        %get3A_384 = arith.constant 272 : index
        %get3A_385 = tpu.vector_load %arg5[%get3A_384] {strides = array<i32>} : memref<1024xf32, #tpu.memory_space<vmem>>, vector<16xf32>,
        %get3A_386 = vector.shape_cast %get3A_385 : vector<16xf32> to vector<16xf32>
        %mul3A_387 = vector.broadcast %squeeze3A_367 : f32 to vector<16xf32>
        %mul3A_388 = arith.mulf %get3A_386, %mul3A_387 : vector<16xf32>
        %mul3A_389 = arith.constant 2 : i32
        %mul3A_390 = arith.muli %mul3A_389, %scan3A_98 : i32
        %add3A_391 = arith.constant 0 : i32
        %add3A_392 = arith.addi %mul3A_390, %add3A_391 : i32
        %swap3A_393 = arith.constant 0 : i32
        %swap3A_394 = arith.index_cast %swap3A_393 : i32 to index
        %swap3A_395 = arith.index_cast %add3A_392 : i32 to index
        %swap3A_396 = arith.constant 272 : index
        %swap3A_397 = tpu.vector_load %arg7[%swap3A_394, %swap3A_395, %swap3A_396] {strides = array<i32>} : memref<2x32x1024xf32, #tpu.memory_space<vmem>>, vector<1x1x16xf32>,
        %swap3A_398 = vector.shape_cast %swap3A_397 : vector<1x1x16xf32> to vector<16xf32>
        %swap3A_399 = vector.shape_cast %mul3A_388 : vector<16xf32> to vector<1x1x16xf32>
        tpu.vector_store %arg7[%swap3A_394, %swap3A_395, %swap3A_396], %swap3A_399 {strides = array<i32>} : memref<2x32x1024xf32, #tpu.memory_space<vmem>>, vector<1x1x16xf32>,
        %get3A_400 = arith.constant 288 : index
        %get3A_401 = tpu.vector_load %arg5[%get3A_400] {strides = array<i32>} : memref<1024xf32, #tpu.memory_space<vmem>>, vector<16xf32>,
        %get3A_402 = vector.shape_cast %get3A_401 : vector<16xf32> to vector<16xf32>
        %mul3A_403 = vector.broadcast %squeeze3A_367 : f32 to vector<16xf32>
        %mul3A_404 = arith.mulf %get3A_402, %mul3A_403 : vector<16xf32>
        %mul3A_405 = arith.constant 2 : i32
        %mul3A_406 = arith.muli %mul3A_405, %scan3A_98 : i32
        %add3A_407 = arith.constant 0 : i32
        %add3A_408 = arith.addi %mul3A_406, %add3A_407 : i32
        %swap3A_409 = arith.constant 0 : i32
        %swap3A_410 = arith.index_cast %swap3A_409 : i32 to index
        %swap3A_411 = arith.index_cast %add3A_408 : i32 to index
        %swap3A_412 = arith.constant 288 : index
        %swap3A_413 = tpu.vector_load %arg7[%swap3A_410, %swap3A_411, %swap3A_412] {strides = array<i32>} : memref<2x32x1024xf32, #tpu.memory_space<vmem>>, vector<1x1x16xf32>,
        %swap3A_414 = vector.shape_cast %swap3A_413 : vector<1x1x16xf32> to vector<16xf32>
        %swap3A_415 = vector.shape_cast %mul3A_404 : vector<16xf32> to vector<1x1x16xf32>
        tpu.vector_store %arg7[%swap3A_410, %swap3A_411, %swap3A_412], %swap3A_415 {strides = array<i32>} : memref<2x32x1024xf32, #tpu.memory_space<vmem>>, vector<1x1x16xf32>,
        %get3A_416 = arith.constant 304 : index
        %get3A_417 = tpu.vector_load %arg5[%get3A_416] {strides = array<i32>} : memref<1024xf32, #tpu.memory_space<vmem>>, vector<16xf32>,
        %get3A_418 = vector.shape_cast %get3A_417 : vector<16xf32> to vector<16xf32>
        %mul3A_419 = vector.broadcast %squeeze3A_367 : f32 to vector<16xf32>
        %mul3A_420 = arith.mulf %get3A_418, %mul3A_419 : vector<16xf32>
        %mul3A_421 = arith.constant 2 : i32
        %mul3A_422 = arith.muli %mul3A_421, %scan3A_98 : i32
        %add3A_423 = arith.constant 0 : i32
        %add3A_424 = arith.addi %mul3A_422, %add3A_423 : i32
        %swap3A_425 = arith.constant 0 : i32
        %swap3A_426 = arith.index_cast %swap3A_425 : i32 to index
        %swap3A_427 = arith.index_cast %add3A_424 : i32 to index
        %swap3A_428 = arith.constant 304 : index
        %swap3A_429 = tpu.vector_load %arg7[%swap3A_426, %swap3A_427, %swap3A_428] {strides = array<i32>} : memref<2x32x1024xf32, #tpu.memory_space<vmem>>, vector<1x1x16xf32>,
        %swap3A_430 = vector.shape_cast %swap3A_429 : vector<1x1x16xf32> to vector<16xf32>
        %swap3A_431 = vector.shape_cast %mul3A_420 : vector<16xf32> to vector<1x1x16xf32>
        tpu.vector_store %arg7[%swap3A_426, %swap3A_427, %swap3A_428], %swap3A_431 {strides = array<i32>} : memref<2x32x1024xf32, #tpu.memory_space<vmem>>, vector<1x1x16xf32>,
        %get3A_432 = arith.constant 320 : index
        %get3A_433 = tpu.vector_load %arg5[%get3A_432] {strides = array<i32>} : memref<1024xf32, #tpu.memory_space<vmem>>, vector<16xf32>,
        %get3A_434 = vector.shape_cast %get3A_433 : vector<16xf32> to vector<16xf32>
        %mul3A_435 = vector.broadcast %squeeze3A_367 : f32 to vector<16xf32>
        %mul3A_436 = arith.mulf %get3A_434, %mul3A_435 : vector<16xf32>
        %mul3A_437 = arith.constant 2 : i32
        %mul3A_438 = arith.muli %mul3A_437, %scan3A_98 : i32
        %add3A_439 = arith.constant 0 : i32
        %add3A_440 = arith.addi %mul3A_438, %add3A_439 : i32
        %swap3A_441 = arith.constant 0 : i32
        %swap3A_442 = arith.index_cast %swap3A_441 : i32 to index
        %swap3A_443 = arith.index_cast %add3A_440 : i32 to index
        %swap3A_444 = arith.constant 320 : index
        %swap3A_445 = tpu.vector_load %arg7[%swap3A_442, %swap3A_443, %swap3A_444] {strides = array<i32>} : memref<2x32x1024xf32, #tpu.memory_space<vmem>>, vector<1x1x16xf32>,
        %swap3A_446 = vector.shape_cast %swap3A_445 : vector<1x1x16xf32> to vector<16xf32>
        %swap3A_447 = vector.shape_cast %mul3A_436 : vector<16xf32> to vector<1x1x16xf32>
        tpu.vector_store %arg7[%swap3A_442, %swap3A_443, %swap3A_444], %swap3A_447 {strides = array<i32>} : memref<2x32x1024xf32, #tpu.memory_space<vmem>>, vector<1x1x16xf32>,
        %get3A_448 = arith.constant 336 : index
        %get3A_449 = tpu.vector_load %arg5[%get3A_448] {strides = array<i32>} : memref<1024xf32, #tpu.memory_space<vmem>>, vector<16xf32>,
        %get3A_450 = vector.shape_cast %get3A_449 : vector<16xf32> to vector<16xf32>
        %mul3A_451 = vector.broadcast %squeeze3A_367 : f32 to vector<16xf32>
        %mul3A_452 = arith.mulf %get3A_450, %mul3A_451 : vector<16xf32>
        %mul3A_453 = arith.constant 2 : i32
        %mul3A_454 = arith.muli %mul3A_453, %scan3A_98 : i32
        %add3A_455 = arith.constant 0 : i32
        %add3A_456 = arith.addi %mul3A_454, %add3A_455 : i32
        %swap3A_457 = arith.constant 0 : i32
        %swap3A_458 = arith.index_cast %swap3A_457 : i32 to index
        %swap3A_459 = arith.index_cast %add3A_456 : i32 to index
        %swap3A_460 = arith.constant 336 : index
        %swap3A_461 = tpu.vector_load %arg7[%swap3A_458, %swap3A_459, %swap3A_460] {strides = array<i32>} : memref<2x32x1024xf32, #tpu.memory_space<vmem>>, vector<1x1x16xf32>,
        %swap3A_462 = vector.shape_cast %swap3A_461 : vector<1x1x16xf32> to vector<16xf32>
        %swap3A_463 = vector.shape_cast %mul3A_452 : vector<16xf32> to vector<1x1x16xf32>
        tpu.vector_store %arg7[%swap3A_458, %swap3A_459, %swap3A_460], %swap3A_463 {strides = array<i32>} : memref<2x32x1024xf32, #tpu.memory_space<vmem>>, vector<1x1x16xf32>,
        %get3A_464 = arith.constant 352 : index
        %get3A_465 = tpu.vector_load %arg5[%get3A_464] {strides = array<i32>} : memref<1024xf32, #tpu.memory_space<vmem>>, vector<16xf32>,
        %get3A_466 = vector.shape_cast %get3A_465 : vector<16xf32> to vector<16xf32>
        %mul3A_467 = vector.broadcast %squeeze3A_367 : f32 to vector<16xf32>
        %mul3A_468 = arith.mulf %get3A_466, %mul3A_467 : vector<16xf32>
        %mul3A_469 = arith.constant 2 : i32
        %mul3A_470 = arith.muli %mul3A_469, %scan3A_98 : i32
        %add3A_471 = arith.constant 0 : i32
        %add3A_472 = arith.addi %mul3A_470, %add3A_471 : i32
        %swap3A_473 = arith.constant 0 : i32
        %swap3A_474 = arith.index_cast %swap3A_473 : i32 to index
        %swap3A_475 = arith.index_cast %add3A_472 : i32 to index
        %swap3A_476 = arith.constant 352 : index
        %swap3A_477 = tpu.vector_load %arg7[%swap3A_474, %swap3A_475, %swap3A_476] {strides = array<i32>} : memref<2x32x1024xf32, #tpu.memory_space<vmem>>, vector<1x1x16xf32>,
        %swap3A_478 = vector.shape_cast %swap3A_477 : vector<1x1x16xf32> to vector<16xf32>
        %swap3A_479 = vector.shape_cast %mul3A_468 : vector<16xf32> to vector<1x1x16xf32>
        tpu.vector_store %arg7[%swap3A_474, %swap3A_475, %swap3A_476], %swap3A_479 {strides = array<i32>} : memref<2x32x1024xf32, #tpu.memory_space<vmem>>, vector<1x1x16xf32>,
        %get3A_480 = arith.constant 368 : index
        %get3A_481 = tpu.vector_load %arg5[%get3A_480] {strides = array<i32>} : memref<1024xf32, #tpu.memory_space<vmem>>, vector<16xf32>,
        %get3A_482 = vector.shape_cast %get3A_481 : vector<16xf32> to vector<16xf32>
        %mul3A_483 = vector.broadcast %squeeze3A_367 : f32 to vector<16xf32>
        %mul3A_484 = arith.mulf %get3A_482, %mul3A_483 : vector<16xf32>
        %mul3A_485 = arith.constant 2 : i32
        %mul3A_486 = arith.muli %mul3A_485, %scan3A_98 : i32
        %add3A_487 = arith.constant 0 : i32
        %add3A_488 = arith.addi %mul3A_486, %add3A_487 : i32
        %swap3A_489 = arith.constant 0 : i32
        %swap3A_490 = arith.index_cast %swap3A_489 : i32 to index
        %swap3A_491 = arith.index_cast %add3A_488 : i32 to index
        %swap3A_492 = arith.constant 368 : index
        %swap3A_493 = tpu.vector_load %arg7[%swap3A_490, %swap3A_491, %swap3A_492] {strides = array<i32>} : memref<2x32x1024xf32, #tpu.memory_space<vmem>>, vector<1x1x16xf32>,
        %swap3A_494 = vector.shape_cast %swap3A_493 : vector<1x1x16xf32> to vector<16xf32>
        %swap3A_495 = vector.shape_cast %mul3A_484 : vector<16xf32> to vector<1x1x16xf32>
        tpu.vector_store %arg7[%swap3A_490, %swap3A_491, %swap3A_492], %swap3A_495 {strides = array<i32>} : memref<2x32x1024xf32, #tpu.memory_space<vmem>>, vector<1x1x16xf32>,
        %slice3A_496 = vector.extract_strided_slice %convert_element_type3A_108 {offsets = [3], sizes = [1], strides = [1]} : vector<16xf32> to vector<1xf32>
        %squeeze3A_497 = vector.extract %slice3A_496[0] : f32 from vector<1xf32>
        %get3A_498 = arith.constant 384 : index
        %get3A_499 = tpu.vector_load %arg5[%get3A_498] {strides = array<i32>} : memref<1024xf32, #tpu.memory_space<vmem>>, vector<16xf32>,
        %get3A_500 = vector.shape_cast %get3A_499 : vector<16xf32> to vector<16xf32>
        %mul3A_501 = vector.broadcast %squeeze3A_497 : f32 to vector<16xf32>
        %mul3A_502 = arith.mulf %get3A_500, %mul3A_501 : vector<16xf32>
        %mul3A_503 = arith.constant 2 : i32
        %mul3A_504 = arith.muli %mul3A_503, %scan3A_98 : i32
        %add3A_505 = arith.constant 0 : i32
        %add3A_506 = arith.addi %mul3A_504, %add3A_505 : i32
        %swap3A_507 = arith.constant 0 : i32
        %swap3A_508 = arith.index_cast %swap3A_507 : i32 to index
        %swap3A_509 = arith.index_cast %add3A_506 : i32 to index
        %swap3A_510 = arith.constant 384 : index
        %swap3A_511 = tpu.vector_load %arg7[%swap3A_508, %swap3A_509, %swap3A_510] {strides = array<i32>} : memref<2x32x1024xf32, #tpu.memory_space<vmem>>, vector<1x1x16xf32>,
        %swap3A_512 = vector.shape_cast %swap3A_511 : vector<1x1x16xf32> to vector<16xf32>
        %swap3A_513 = vector.shape_cast %mul3A_502 : vector<16xf32> to vector<1x1x16xf32>
        tpu.vector_store %arg7[%swap3A_508, %swap3A_509, %swap3A_510], %swap3A_513 {strides = array<i32>} : memref<2x32x1024xf32, #tpu.memory_space<vmem>>, vector<1x1x16xf32>,
        %get3A_514 = arith.constant 400 : index
        %get3A_515 = tpu.vector_load %arg5[%get3A_514] {strides = array<i32>} : memref<1024xf32, #tpu.memory_space<vmem>>, vector<16xf32>,
        %get3A_516 = vector.shape_cast %get3A_515 : vector<16xf32> to vector<16xf32>
        %mul3A_517 = vector.broadcast %squeeze3A_497 : f32 to vector<16xf32>
        %mul3A_518 = arith.mulf %get3A_516, %mul3A_517 : vector<16xf32>
        %mul3A_519 = arith.constant 2 : i32
        %mul3A_520 = arith.muli %mul3A_519, %scan3A_98 : i32
        %add3A_521 = arith.constant 0 : i32
        %add3A_522 = arith.addi %mul3A_520, %add3A_521 : i32
        %swap3A_523 = arith.constant 0 : i32
        %swap3A_524 = arith.index_cast %swap3A_523 : i32 to index
        %swap3A_525 = arith.index_cast %add3A_522 : i32 to index
        %swap3A_526 = arith.constant 400 : index
        %swap3A_527 = tpu.vector_load %arg7[%swap3A_524, %swap3A_525, %swap3A_526] {strides = array<i32>} : memref<2x32x1024xf32, #tpu.memory_space<vmem>>, vector<1x1x16xf32>,
        %swap3A_528 = vector.shape_cast %swap3A_527 : vector<1x1x16xf32> to vector<16xf32>
        %swap3A_529 = vector.shape_cast %mul3A_518 : vector<16xf32> to vector<1x1x16xf32>
        tpu.vector_store %arg7[%swap3A_524, %swap3A_525, %swap3A_526], %swap3A_529 {strides = array<i32>} : memref<2x32x1024xf32, #tpu.memory_space<vmem>>, vector<1x1x16xf32>,
        %get3A_530 = arith.constant 416 : index
        %get3A_531 = tpu.vector_load %arg5[%get3A_530] {strides = array<i32>} : memref<1024xf32, #tpu.memory_space<vmem>>, vector<16xf32>,
        %get3A_532 = vector.shape_cast %get3A_531 : vector<16xf32> to vector<16xf32>
        %mul3A_533 = vector.broadcast %squeeze3A_497 : f32 to vector<16xf32>
        %mul3A_534 = arith.mulf %get3A_532, %mul3A_533 : vector<16xf32>
        %mul3A_535 = arith.constant 2 : i32
        %mul3A_536 = arith.muli %mul3A_535, %scan3A_98 : i32
        %add3A_537 = arith.constant 0 : i32
        %add3A_538 = arith.addi %mul3A_536, %add3A_537 : i32
        %swap3A_539 = arith.constant 0 : i32
        %swap3A_540 = arith.index_cast %swap3A_539 : i32 to index
        %swap3A_541 = arith.index_cast %add3A_538 : i32 to index
        %swap3A_542 = arith.constant 416 : index
        %swap3A_543 = tpu.vector_load %arg7[%swap3A_540, %swap3A_541, %swap3A_542] {strides = array<i32>} : memref<2x32x1024xf32, #tpu.memory_space<vmem>>, vector<1x1x16xf32>,
        %swap3A_544 = vector.shape_cast %swap3A_543 : vector<1x1x16xf32> to vector<16xf32>
        %swap3A_545 = vector.shape_cast %mul3A_534 : vector<16xf32> to vector<1x1x16xf32>
        tpu.vector_store %arg7[%swap3A_540, %swap3A_541, %swap3A_542], %swap3A_545 {strides = array<i32>} : memref<2x32x1024xf32, #tpu.memory_space<vmem>>, vector<1x1x16xf32>,
        %get3A_546 = arith.constant 432 : index
        %get3A_547 = tpu.vector_load %arg5[%get3A_546] {strides = array<i32>} : memref<1024xf32, #tpu.memory_space<vmem>>, vector<16xf32>,
        %get3A_548 = vector.shape_cast %get3A_547 : vector<16xf32> to vector<16xf32>
        %mul3A_549 = vector.broadcast %squeeze3A_497 : f32 to vector<16xf32>
        %mul3A_550 = arith.mulf %get3A_548, %mul3A_549 : vector<16xf32>
        %mul3A_551 = arith.constant 2 : i32
        %mul3A_552 = arith.muli %mul3A_551, %scan3A_98 : i32
        %add3A_553 = arith.constant 0 : i32
        %add3A_554 = arith.addi %mul3A_552, %add3A_553 : i32
        %swap3A_555 = arith.constant 0 : i32
        %swap3A_556 = arith.index_cast %swap3A_555 : i32 to index
        %swap3A_557 = arith.index_cast %add3A_554 : i32 to index
        %swap3A_558 = arith.constant 432 : index
        %swap3A_559 = tpu.vector_load %arg7[%swap3A_556, %swap3A_557, %swap3A_558] {strides = array<i32>} : memref<2x32x1024xf32, #tpu.memory_space<vmem>>, vector<1x1x16xf32>,
        %swap3A_560 = vector.shape_cast %swap3A_559 : vector<1x1x16xf32> to vector<16xf32>
        %swap3A_561 = vector.shape_cast %mul3A_550 : vector<16xf32> to vector<1x1x16xf32>
        tpu.vector_store %arg7[%swap3A_556, %swap3A_557, %swap3A_558], %swap3A_561 {strides = array<i32>} : memref<2x32x1024xf32, #tpu.memory_space<vmem>>, vector<1x1x16xf32>,
        %get3A_562 = arith.constant 448 : index
        %get3A_563 = tpu.vector_load %arg5[%get3A_562] {strides = array<i32>} : memref<1024xf32, #tpu.memory_space<vmem>>, vector<16xf32>,
        %get3A_564 = vector.shape_cast %get3A_563 : vector<16xf32> to vector<16xf32>
        %mul3A_565 = vector.broadcast %squeeze3A_497 : f32 to vector<16xf32>
        %mul3A_566 = arith.mulf %get3A_564, %mul3A_565 : vector<16xf32>
        %mul3A_567 = arith.constant 2 : i32
        %mul3A_568 = arith.muli %mul3A_567, %scan3A_98 : i32
        %add3A_569 = arith.constant 0 : i32
        %add3A_570 = arith.addi %mul3A_568, %add3A_569 : i32
        %swap3A_571 = arith.constant 0 : i32
        %swap3A_572 = arith.index_cast %swap3A_571 : i32 to index
        %swap3A_573 = arith.index_cast %add3A_570 : i32 to index
        %swap3A_574 = arith.constant 448 : index
        %swap3A_575 = tpu.vector_load %arg7[%swap3A_572, %swap3A_573, %swap3A_574] {strides = array<i32>} : memref<2x32x1024xf32, #tpu.memory_space<vmem>>, vector<1x1x16xf32>,
        %swap3A_576 = vector.shape_cast %swap3A_575 : vector<1x1x16xf32> to vector<16xf32>
        %swap3A_577 = vector.shape_cast %mul3A_566 : vector<16xf32> to vector<1x1x16xf32>
        tpu.vector_store %arg7[%swap3A_572, %swap3A_573, %swap3A_574], %swap3A_577 {strides = array<i32>} : memref<2x32x1024xf32, #tpu.memory_space<vmem>>, vector<1x1x16xf32>,
        %get3A_578 = arith.constant 464 : index
        %get3A_579 = tpu.vector_load %arg5[%get3A_578] {strides = array<i32>} : memref<1024xf32, #tpu.memory_space<vmem>>, vector<16xf32>,
        %get3A_580 = vector.shape_cast %get3A_579 : vector<16xf32> to vector<16xf32>
        %mul3A_581 = vector.broadcast %squeeze3A_497 : f32 to vector<16xf32>
        %mul3A_582 = arith.mulf %get3A_580, %mul3A_581 : vector<16xf32>
        %mul3A_583 = arith.constant 2 : i32
        %mul3A_584 = arith.muli %mul3A_583, %scan3A_98 : i32
        %add3A_585 = arith.constant 0 : i32
        %add3A_586 = arith.addi %mul3A_584, %add3A_585 : i32
        %swap3A_587 = arith.constant 0 : i32
        %swap3A_588 = arith.index_cast %swap3A_587 : i32 to index
        %swap3A_589 = arith.index_cast %add3A_586 : i32 to index
        %swap3A_590 = arith.constant 464 : index
        %swap3A_591 = tpu.vector_load %arg7[%swap3A_588, %swap3A_589, %swap3A_590] {strides = array<i32>} : memref<2x32x1024xf32, #tpu.memory_space<vmem>>, vector<1x1x16xf32>,
        %swap3A_592 = vector.shape_cast %swap3A_591 : vector<1x1x16xf32> to vector<16xf32>
        %swap3A_593 = vector.shape_cast %mul3A_582 : vector<16xf32> to vector<1x1x16xf32>
        tpu.vector_store %arg7[%swap3A_588, %swap3A_589, %swap3A_590], %swap3A_593 {strides = array<i32>} : memref<2x32x1024xf32, #tpu.memory_space<vmem>>, vector<1x1x16xf32>,
        %get3A_594 = arith.constant 480 : index
        %get3A_595 = tpu.vector_load %arg5[%get3A_594] {strides = array<i32>} : memref<1024xf32, #tpu.memory_space<vmem>>, vector<16xf32>,
        %get3A_596 = vector.shape_cast %get3A_595 : vector<16xf32> to vector<16xf32>
        %mul3A_597 = vector.broadcast %squeeze3A_497 : f32 to vector<16xf32>
        %mul3A_598 = arith.mulf %get3A_596, %mul3A_597 : vector<16xf32>
        %mul3A_599 = arith.constant 2 : i32
        %mul3A_600 = arith.muli %mul3A_599, %scan3A_98 : i32
        %add3A_601 = arith.constant 0 : i32
        %add3A_602 = arith.addi %mul3A_600, %add3A_601 : i32
        %swap3A_603 = arith.constant 0 : i32
        %swap3A_604 = arith.index_cast %swap3A_603 : i32 to index
        %swap3A_605 = arith.index_cast %add3A_602 : i32 to index
        %swap3A_606 = arith.constant 480 : index
        %swap3A_607 = tpu.vector_load %arg7[%swap3A_604, %swap3A_605, %swap3A_606] {strides = array<i32>} : memref<2x32x1024xf32, #tpu.memory_space<vmem>>, vector<1x1x16xf32>,
        %swap3A_608 = vector.shape_cast %swap3A_607 : vector<1x1x16xf32> to vector<16xf32>
        %swap3A_609 = vector.shape_cast %mul3A_598 : vector<16xf32> to vector<1x1x16xf32>
        tpu.vector_store %arg7[%swap3A_604, %swap3A_605, %swap3A_606], %swap3A_609 {strides = array<i32>} : memref<2x32x1024xf32, #tpu.memory_space<vmem>>, vector<1x1x16xf32>,
        %get3A_610 = arith.constant 496 : index
        %get3A_611 = tpu.vector_load %arg5[%get3A_610] {strides = array<i32>} : memref<1024xf32, #tpu.memory_space<vmem>>, vector<16xf32>,
        %get3A_612 = vector.shape_cast %get3A_611 : vector<16xf32> to vector<16xf32>
        %mul3A_613 = vector.broadcast %squeeze3A_497 : f32 to vector<16xf32>
        %mul3A_614 = arith.mulf %get3A_612, %mul3A_613 : vector<16xf32>
        %mul3A_615 = arith.constant 2 : i32
        %mul3A_616 = arith.muli %mul3A_615, %scan3A_98 : i32
        %add3A_617 = arith.constant 0 : i32
        %add3A_618 = arith.addi %mul3A_616, %add3A_617 : i32
        %swap3A_619 = arith.constant 0 : i32
        %swap3A_620 = arith.index_cast %swap3A_619 : i32 to index
        %swap3A_621 = arith.index_cast %add3A_618 : i32 to index
        %swap3A_622 = arith.constant 496 : index
        %swap3A_623 = tpu.vector_load %arg7[%swap3A_620, %swap3A_621, %swap3A_622] {strides = array<i32>} : memref<2x32x1024xf32, #tpu.memory_space<vmem>>, vector<1x1x16xf32>,
        %swap3A_624 = vector.shape_cast %swap3A_623 : vector<1x1x16xf32> to vector<16xf32>
        %swap3A_625 = vector.shape_cast %mul3A_614 : vector<16xf32> to vector<1x1x16xf32>
        tpu.vector_store %arg7[%swap3A_620, %swap3A_621, %swap3A_622], %swap3A_625 {strides = array<i32>} : memref<2x32x1024xf32, #tpu.memory_space<vmem>>, vector<1x1x16xf32>,
        %slice3A_626 = vector.extract_strided_slice %convert_element_type3A_108 {offsets = [4], sizes = [1], strides = [1]} : vector<16xf32> to vector<1xf32>
        %squeeze3A_627 = vector.extract %slice3A_626[0] : f32 from vector<1xf32>
        %get3A_628 = arith.constant 512 : index
        %get3A_629 = tpu.vector_load %arg5[%get3A_628] {strides = array<i32>} : memref<1024xf32, #tpu.memory_space<vmem>>, vector<16xf32>,
        %get3A_630 = vector.shape_cast %get3A_629 : vector<16xf32> to vector<16xf32>
        %mul3A_631 = vector.broadcast %squeeze3A_627 : f32 to vector<16xf32>
        %mul3A_632 = arith.mulf %get3A_630, %mul3A_631 : vector<16xf32>
        %mul3A_633 = arith.constant 2 : i32
        %mul3A_634 = arith.muli %mul3A_633, %scan3A_98 : i32
        %add3A_635 = arith.constant 0 : i32
        %add3A_636 = arith.addi %mul3A_634, %add3A_635 : i32
        %swap3A_637 = arith.constant 0 : i32
        %swap3A_638 = arith.index_cast %swap3A_637 : i32 to index
        %swap3A_639 = arith.index_cast %add3A_636 : i32 to index
        %swap3A_640 = arith.constant 512 : index
        %swap3A_641 = tpu.vector_load %arg7[%swap3A_638, %swap3A_639, %swap3A_640] {strides = array<i32>} : memref<2x32x1024xf32, #tpu.memory_space<vmem>>, vector<1x1x16xf32>,
        %swap3A_642 = vector.shape_cast %swap3A_641 : vector<1x1x16xf32> to vector<16xf32>
        %swap3A_643 = vector.shape_cast %mul3A_632 : vector<16xf32> to vector<1x1x16xf32>
        tpu.vector_store %arg7[%swap3A_638, %swap3A_639, %swap3A_640], %swap3A_643 {strides = array<i32>} : memref<2x32x1024xf32, #tpu.memory_space<vmem>>, vector<1x1x16xf32>,
        %get3A_644 = arith.constant 528 : index
        %get3A_645 = tpu.vector_load %arg5[%get3A_644] {strides = array<i32>} : memref<1024xf32, #tpu.memory_space<vmem>>, vector<16xf32>,
        %get3A_646 = vector.shape_cast %get3A_645 : vector<16xf32> to vector<16xf32>
        %mul3A_647 = vector.broadcast %squeeze3A_627 : f32 to vector<16xf32>
        %mul3A_648 = arith.mulf %get3A_646, %mul3A_647 : vector<16xf32>
        %mul3A_649 = arith.constant 2 : i32
        %mul3A_650 = arith.muli %mul3A_649, %scan3A_98 : i32
        %add3A_651 = arith.constant 0 : i32
        %add3A_652 = arith.addi %mul3A_650, %add3A_651 : i32
        %swap3A_653 = arith.constant 0 : i32
        %swap3A_654 = arith.index_cast %swap3A_653 : i32 to index
        %swap3A_655 = arith.index_cast %add3A_652 : i32 to index
        %swap3A_656 = arith.constant 528 : index
        %swap3A_657 = tpu.vector_load %arg7[%swap3A_654, %swap3A_655, %swap3A_656] {strides = array<i32>} : memref<2x32x1024xf32, #tpu.memory_space<vmem>>, vector<1x1x16xf32>,
        %swap3A_658 = vector.shape_cast %swap3A_657 : vector<1x1x16xf32> to vector<16xf32>
        %swap3A_659 = vector.shape_cast %mul3A_648 : vector<16xf32> to vector<1x1x16xf32>
        tpu.vector_store %arg7[%swap3A_654, %swap3A_655, %swap3A_656], %swap3A_659 {strides = array<i32>} : memref<2x32x1024xf32, #tpu.memory_space<vmem>>, vector<1x1x16xf32>,
        %get3A_660 = arith.constant 544 : index
        %get3A_661 = tpu.vector_load %arg5[%get3A_660] {strides = array<i32>} : memref<1024xf32, #tpu.memory_space<vmem>>, vector<16xf32>,
        %get3A_662 = vector.shape_cast %get3A_661 : vector<16xf32> to vector<16xf32>
        %mul3A_663 = vector.broadcast %squeeze3A_627 : f32 to vector<16xf32>
        %mul3A_664 = arith.mulf %get3A_662, %mul3A_663 : vector<16xf32>
        %mul3A_665 = arith.constant 2 : i32
        %mul3A_666 = arith.muli %mul3A_665, %scan3A_98 : i32
        %add3A_667 = arith.constant 0 : i32
        %add3A_668 = arith.addi %mul3A_666, %add3A_667 : i32
        %swap3A_669 = arith.constant 0 : i32
        %swap3A_670 = arith.index_cast %swap3A_669 : i32 to index
        %swap3A_671 = arith.index_cast %add3A_668 : i32 to index
        %swap3A_672 = arith.constant 544 : index
        %swap3A_673 = tpu.vector_load %arg7[%swap3A_670, %swap3A_671, %swap3A_672] {strides = array<i32>} : memref<2x32x1024xf32, #tpu.memory_space<vmem>>, vector<1x1x16xf32>,
        %swap3A_674 = vector.shape_cast %swap3A_673 : vector<1x1x16xf32> to vector<16xf32>
        %swap3A_675 = vector.shape_cast %mul3A_664 : vector<16xf32> to vector<1x1x16xf32>
        tpu.vector_store %arg7[%swap3A_670, %swap3A_671, %swap3A_672], %swap3A_675 {strides = array<i32>} : memref<2x32x1024xf32, #tpu.memory_space<vmem>>, vector<1x1x16xf32>,
        %get3A_676 = arith.constant 560 : index
        %get3A_677 = tpu.vector_load %arg5[%get3A_676] {strides = array<i32>} : memref<1024xf32, #tpu.memory_space<vmem>>, vector<16xf32>,
        %get3A_678 = vector.shape_cast %get3A_677 : vector<16xf32> to vector<16xf32>
        %mul3A_679 = vector.broadcast %squeeze3A_627 : f32 to vector<16xf32>
        %mul3A_680 = arith.mulf %get3A_678, %mul3A_679 : vector<16xf32>
        %mul3A_681 = arith.constant 2 : i32
        %mul3A_682 = arith.muli %mul3A_681, %scan3A_98 : i32
        %add3A_683 = arith.constant 0 : i32
        %add3A_684 = arith.addi %mul3A_682, %add3A_683 : i32
        %swap3A_685 = arith.constant 0 : i32
        %swap3A_686 = arith.index_cast %swap3A_685 : i32 to index
        %swap3A_687 = arith.index_cast %add3A_684 : i32 to index
        %swap3A_688 = arith.constant 560 : index
        %swap3A_689 = tpu.vector_load %arg7[%swap3A_686, %swap3A_687, %swap3A_688] {strides = array<i32>} : memref<2x32x1024xf32, #tpu.memory_space<vmem>>, vector<1x1x16xf32>,
        %swap3A_690 = vector.shape_cast %swap3A_689 : vector<1x1x16xf32> to vector<16xf32>
        %swap3A_691 = vector.shape_cast %mul3A_680 : vector<16xf32> to vector<1x1x16xf32>
        tpu.vector_store %arg7[%swap3A_686, %swap3A_687, %swap3A_688], %swap3A_691 {strides = array<i32>} : memref<2x32x1024xf32, #tpu.memory_space<vmem>>, vector<1x1x16xf32>,
        %get3A_692 = arith.constant 576 : index
        %get3A_693 = tpu.vector_load %arg5[%get3A_692] {strides = array<i32>} : memref<1024xf32, #tpu.memory_space<vmem>>, vector<16xf32>,
        %get3A_694 = vector.shape_cast %get3A_693 : vector<16xf32> to vector<16xf32>
        %mul3A_695 = vector.broadcast %squeeze3A_627 : f32 to vector<16xf32>
        %mul3A_696 = arith.mulf %get3A_694, %mul3A_695 : vector<16xf32>
        %mul3A_697 = arith.constant 2 : i32
        %mul3A_698 = arith.muli %mul3A_697, %scan3A_98 : i32
        %add3A_699 = arith.constant 0 : i32
        %add3A_700 = arith.addi %mul3A_698, %add3A_699 : i32
        %swap3A_701 = arith.constant 0 : i32
        %swap3A_702 = arith.index_cast %swap3A_701 : i32 to index
        %swap3A_703 = arith.index_cast %add3A_700 : i32 to index
        %swap3A_704 = arith.constant 576 : index
        %swap3A_705 = tpu.vector_load %arg7[%swap3A_702, %swap3A_703, %swap3A_704] {strides = array<i32>} : memref<2x32x1024xf32, #tpu.memory_space<vmem>>, vector<1x1x16xf32>,
        %swap3A_706 = vector.shape_cast %swap3A_705 : vector<1x1x16xf32> to vector<16xf32>
        %swap3A_707 = vector.shape_cast %mul3A_696 : vector<16xf32> to vector<1x1x16xf32>
        tpu.vector_store %arg7[%swap3A_702, %swap3A_703, %swap3A_704], %swap3A_707 {strides = array<i32>} : memref<2x32x1024xf32, #tpu.memory_space<vmem>>, vector<1x1x16xf32>,
        %get3A_708 = arith.constant 592 : index
        %get3A_709 = tpu.vector_load %arg5[%get3A_708] {strides = array<i32>} : memref<1024xf32, #tpu.memory_space<vmem>>, vector<16xf32>,
        %get3A_710 = vector.shape_cast %get3A_709 : vector<16xf32> to vector<16xf32>
        %mul3A_711 = vector.broadcast %squeeze3A_627 : f32 to vector<16xf32>
        %mul3A_712 = arith.mulf %get3A_710, %mul3A_711 : vector<16xf32>
        %mul3A_713 = arith.constant 2 : i32
        %mul3A_714 = arith.muli %mul3A_713, %scan3A_98 : i32
        %add3A_715 = arith.constant 0 : i32
        %add3A_716 = arith.addi %mul3A_714, %add3A_715 : i32
        %swap3A_717 = arith.constant 0 : i32
        %swap3A_718 = arith.index_cast %swap3A_717 : i32 to index
        %swap3A_719 = arith.index_cast %add3A_716 : i32 to index
        %swap3A_720 = arith.constant 592 : index
        %swap3A_721 = tpu.vector_load %arg7[%swap3A_718, %swap3A_719, %swap3A_720] {strides = array<i32>} : memref<2x32x1024xf32, #tpu.memory_space<vmem>>, vector<1x1x16xf32>,
        %swap3A_722 = vector.shape_cast %swap3A_721 : vector<1x1x16xf32> to vector<16xf32>
        %swap3A_723 = vector.shape_cast %mul3A_712 : vector<16xf32> to vector<1x1x16xf32>
        tpu.vector_store %arg7[%swap3A_718, %swap3A_719, %swap3A_720], %swap3A_723 {strides = array<i32>} : memref<2x32x1024xf32, #tpu.memory_space<vmem>>, vector<1x1x16xf32>,
        %get3A_724 = arith.constant 608 : index
        %get3A_725 = tpu.vector_load %arg5[%get3A_724] {strides = array<i32>} : memref<1024xf32, #tpu.memory_space<vmem>>, vector<16xf32>,
        %get3A_726 = vector.shape_cast %get3A_725 : vector<16xf32> to vector<16xf32>
        %mul3A_727 = vector.broadcast %squeeze3A_627 : f32 to vector<16xf32>
        %mul3A_728 = arith.mulf %get3A_726, %mul3A_727 : vector<16xf32>
        %mul3A_729 = arith.constant 2 : i32
        %mul3A_730 = arith.muli %mul3A_729, %scan3A_98 : i32
        %add3A_731 = arith.constant 0 : i32
        %add3A_732 = arith.addi %mul3A_730, %add3A_731 : i32
        %swap3A_733 = arith.constant 0 : i32
        %swap3A_734 = arith.index_cast %swap3A_733 : i32 to index
        %swap3A_735 = arith.index_cast %add3A_732 : i32 to index
        %swap3A_736 = arith.constant 608 : index
        %swap3A_737 = tpu.vector_load %arg7[%swap3A_734, %swap3A_735, %swap3A_736] {strides = array<i32>} : memref<2x32x1024xf32, #tpu.memory_space<vmem>>, vector<1x1x16xf32>,
        %swap3A_738 = vector.shape_cast %swap3A_737 : vector<1x1x16xf32> to vector<16xf32>
        %swap3A_739 = vector.shape_cast %mul3A_728 : vector<16xf32> to vector<1x1x16xf32>
        tpu.vector_store %arg7[%swap3A_734, %swap3A_735, %swap3A_736], %swap3A_739 {strides = array<i32>} : memref<2x32x1024xf32, #tpu.memory_space<vmem>>, vector<1x1x16xf32>,
        %get3A_740 = arith.constant 624 : index
        %get3A_741 = tpu.vector_load %arg5[%get3A_740] {strides = array<i32>} : memref<1024xf32, #tpu.memory_space<vmem>>, vector<16xf32>,
        %get3A_742 = vector.shape_cast %get3A_741 : vector<16xf32> to vector<16xf32>
        %mul3A_743 = vector.broadcast %squeeze3A_627 : f32 to vector<16xf32>
        %mul3A_744 = arith.mulf %get3A_742, %mul3A_743 : vector<16xf32>
        %mul3A_745 = arith.constant 2 : i32
        %mul3A_746 = arith.muli %mul3A_745, %scan3A_98 : i32
        %add3A_747 = arith.constant 0 : i32
        %add3A_748 = arith.addi %mul3A_746, %add3A_747 : i32
        %swap3A_749 = arith.constant 0 : i32
        %swap3A_750 = arith.index_cast %swap3A_749 : i32 to index
        %swap3A_751 = arith.index_cast %add3A_748 : i32 to index
        %swap3A_752 = arith.constant 624 : index
        %swap3A_753 = tpu.vector_load %arg7[%swap3A_750, %swap3A_751, %swap3A_752] {strides = array<i32>} : memref<2x32x1024xf32, #tpu.memory_space<vmem>>, vector<1x1x16xf32>,
        %swap3A_754 = vector.shape_cast %swap3A_753 : vector<1x1x16xf32> to vector<16xf32>
        %swap3A_755 = vector.shape_cast %mul3A_744 : vector<16xf32> to vector<1x1x16xf32>
        tpu.vector_store %arg7[%swap3A_750, %swap3A_751, %swap3A_752], %swap3A_755 {strides = array<i32>} : memref<2x32x1024xf32, #tpu.memory_space<vmem>>, vector<1x1x16xf32>,
        %slice3A_756 = vector.extract_strided_slice %convert_element_type3A_108 {offsets = [5], sizes = [1], strides = [1]} : vector<16xf32> to vector<1xf32>
        %squeeze3A_757 = vector.extract %slice3A_756[0] : f32 from vector<1xf32>
        %get3A_758 = arith.constant 640 : index
        %get3A_759 = tpu.vector_load %arg5[%get3A_758] {strides = array<i32>} : memref<1024xf32, #tpu.memory_space<vmem>>, vector<16xf32>,
        %get3A_760 = vector.shape_cast %get3A_759 : vector<16xf32> to vector<16xf32>
        %mul3A_761 = vector.broadcast %squeeze3A_757 : f32 to vector<16xf32>
        %mul3A_762 = arith.mulf %get3A_760, %mul3A_761 : vector<16xf32>
        %mul3A_763 = arith.constant 2 : i32
        %mul3A_764 = arith.muli %mul3A_763, %scan3A_98 : i32
        %add3A_765 = arith.constant 0 : i32
        %add3A_766 = arith.addi %mul3A_764, %add3A_765 : i32
        %swap3A_767 = arith.constant 0 : i32
        %swap3A_768 = arith.index_cast %swap3A_767 : i32 to index
        %swap3A_769 = arith.index_cast %add3A_766 : i32 to index
        %swap3A_770 = arith.constant 640 : index
        %swap3A_771 = tpu.vector_load %arg7[%swap3A_768, %swap3A_769, %swap3A_770] {strides = array<i32>} : memref<2x32x1024xf32, #tpu.memory_space<vmem>>, vector<1x1x16xf32>,
        %swap3A_772 = vector.shape_cast %swap3A_771 : vector<1x1x16xf32> to vector<16xf32>
        %swap3A_773 = vector.shape_cast %mul3A_762 : vector<16xf32> to vector<1x1x16xf32>
        tpu.vector_store %arg7[%swap3A_768, %swap3A_769, %swap3A_770], %swap3A_773 {strides = array<i32>} : memref<2x32x1024xf32, #tpu.memory_space<vmem>>, vector<1x1x16xf32>,
        %get3A_774 = arith.constant 656 : index
        %get3A_775 = tpu.vector_load %arg5[%get3A_774] {strides = array<i32>} : memref<1024xf32, #tpu.memory_space<vmem>>, vector<16xf32>,
        %get3A_776 = vector.shape_cast %get3A_775 : vector<16xf32> to vector<16xf32>
        %mul3A_777 = vector.broadcast %squeeze3A_757 : f32 to vector<16xf32>
        %mul3A_778 = arith.mulf %get3A_776, %mul3A_777 : vector<16xf32>
        %mul3A_779 = arith.constant 2 : i32
        %mul3A_780 = arith.muli %mul3A_779, %scan3A_98 : i32
        %add3A_781 = arith.constant 0 : i32
        %add3A_782 = arith.addi %mul3A_780, %add3A_781 : i32
        %swap3A_783 = arith.constant 0 : i32
        %swap3A_784 = arith.index_cast %swap3A_783 : i32 to index
        %swap3A_785 = arith.index_cast %add3A_782 : i32 to index
        %swap3A_786 = arith.constant 656 : index
        %swap3A_787 = tpu.vector_load %arg7[%swap3A_784, %swap3A_785, %swap3A_786] {strides = array<i32>} : memref<2x32x1024xf32, #tpu.memory_space<vmem>>, vector<1x1x16xf32>,
        %swap3A_788 = vector.shape_cast %swap3A_787 : vector<1x1x16xf32> to vector<16xf32>
        %swap3A_789 = vector.shape_cast %mul3A_778 : vector<16xf32> to vector<1x1x16xf32>
        tpu.vector_store %arg7[%swap3A_784, %swap3A_785, %swap3A_786], %swap3A_789 {strides = array<i32>} : memref<2x32x1024xf32, #tpu.memory_space<vmem>>, vector<1x1x16xf32>,
        %get3A_790 = arith.constant 672 : index
        %get3A_791 = tpu.vector_load %arg5[%get3A_790] {strides = array<i32>} : memref<1024xf32, #tpu.memory_space<vmem>>, vector<16xf32>,
        %get3A_792 = vector.shape_cast %get3A_791 : vector<16xf32> to vector<16xf32>
        %mul3A_793 = vector.broadcast %squeeze3A_757 : f32 to vector<16xf32>
        %mul3A_794 = arith.mulf %get3A_792, %mul3A_793 : vector<16xf32>
        %mul3A_795 = arith.constant 2 : i32
        %mul3A_796 = arith.muli %mul3A_795, %scan3A_98 : i32
        %add3A_797 = arith.constant 0 : i32
        %add3A_798 = arith.addi %mul3A_796, %add3A_797 : i32
        %swap3A_799 = arith.constant 0 : i32
        %swap3A_800 = arith.index_cast %swap3A_799 : i32 to index
        %swap3A_801 = arith.index_cast %add3A_798 : i32 to index
        %swap3A_802 = arith.constant 672 : index
        %swap3A_803 = tpu.vector_load %arg7[%swap3A_800, %swap3A_801, %swap3A_802] {strides = array<i32>} : memref<2x32x1024xf32, #tpu.memory_space<vmem>>, vector<1x1x16xf32>,
        %swap3A_804 = vector.shape_cast %swap3A_803 : vector<1x1x16xf32> to vector<16xf32>
        %swap3A_805 = vector.shape_cast %mul3A_794 : vector<16xf32> to vector<1x1x16xf32>
        tpu.vector_store %arg7[%swap3A_800, %swap3A_801, %swap3A_802], %swap3A_805 {strides = array<i32>} : memref<2x32x1024xf32, #tpu.memory_space<vmem>>, vector<1x1x16xf32>,
        %get3A_806 = arith.constant 688 : index
        %get3A_807 = tpu.vector_load %arg5[%get3A_806] {strides = array<i32>} : memref<1024xf32, #tpu.memory_space<vmem>>, vector<16xf32>,
        %get3A_808 = vector.shape_cast %get3A_807 : vector<16xf32> to vector<16xf32>
        %mul3A_809 = vector.broadcast %squeeze3A_757 : f32 to vector<16xf32>
        %mul3A_810 = arith.mulf %get3A_808, %mul3A_809 : vector<16xf32>
        %mul3A_811 = arith.constant 2 : i32
        %mul3A_812 = arith.muli %mul3A_811, %scan3A_98 : i32
        %add3A_813 = arith.constant 0 : i32
        %add3A_814 = arith.addi %mul3A_812, %add3A_813 : i32
        %swap3A_815 = arith.constant 0 : i32
        %swap3A_816 = arith.index_cast %swap3A_815 : i32 to index
        %swap3A_817 = arith.index_cast %add3A_814 : i32 to index
        %swap3A_818 = arith.constant 688 : index
        %swap3A_819 = tpu.vector_load %arg7[%swap3A_816, %swap3A_817, %swap3A_818] {strides = array<i32>} : memref<2x32x1024xf32, #tpu.memory_space<vmem>>, vector<1x1x16xf32>,
        %swap3A_820 = vector.shape_cast %swap3A_819 : vector<1x1x16xf32> to vector<16xf32>
        %swap3A_821 = vector.shape_cast %mul3A_810 : vector<16xf32> to vector<1x1x16xf32>
        tpu.vector_store %arg7[%swap3A_816, %swap3A_817, %swap3A_818], %swap3A_821 {strides = array<i32>} : memref<2x32x1024xf32, #tpu.memory_space<vmem>>, vector<1x1x16xf32>,
        %get3A_822 = arith.constant 704 : index
        %get3A_823 = tpu.vector_load %arg5[%get3A_822] {strides = array<i32>} : memref<1024xf32, #tpu.memory_space<vmem>>, vector<16xf32>,
        %get3A_824 = vector.shape_cast %get3A_823 : vector<16xf32> to vector<16xf32>
        %mul3A_825 = vector.broadcast %squeeze3A_757 : f32 to vector<16xf32>
        %mul3A_826 = arith.mulf %get3A_824, %mul3A_825 : vector<16xf32>
        %mul3A_827 = arith.constant 2 : i32
        %mul3A_828 = arith.muli %mul3A_827, %scan3A_98 : i32
        %add3A_829 = arith.constant 0 : i32
        %add3A_830 = arith.addi %mul3A_828, %add3A_829 : i32
        %swap3A_831 = arith.constant 0 : i32
        %swap3A_832 = arith.index_cast %swap3A_831 : i32 to index
        %swap3A_833 = arith.index_cast %add3A_830 : i32 to index
        %swap3A_834 = arith.constant 704 : index
        %swap3A_835 = tpu.vector_load %arg7[%swap3A_832, %swap3A_833, %swap3A_834] {strides = array<i32>} : memref<2x32x1024xf32, #tpu.memory_space<vmem>>, vector<1x1x16xf32>,
        %swap3A_836 = vector.shape_cast %swap3A_835 : vector<1x1x16xf32> to vector<16xf32>
        %swap3A_837 = vector.shape_cast %mul3A_826 : vector<16xf32> to vector<1x1x16xf32>
        tpu.vector_store %arg7[%swap3A_832, %swap3A_833, %swap3A_834], %swap3A_837 {strides = array<i32>} : memref<2x32x1024xf32, #tpu.memory_space<vmem>>, vector<1x1x16xf32>,
        %get3A_838 = arith.constant 720 : index
        %get3A_839 = tpu.vector_load %arg5[%get3A_838] {strides = array<i32>} : memref<1024xf32, #tpu.memory_space<vmem>>, vector<16xf32>,
        %get3A_840 = vector.shape_cast %get3A_839 : vector<16xf32> to vector<16xf32>
        %mul3A_841 = vector.broadcast %squeeze3A_757 : f32 to vector<16xf32>
        %mul3A_842 = arith.mulf %get3A_840, %mul3A_841 : vector<16xf32>
        %mul3A_843 = arith.constant 2 : i32
        %mul3A_844 = arith.muli %mul3A_843, %scan3A_98 : i32
        %add3A_845 = arith.constant 0 : i32
        %add3A_846 = arith.addi %mul3A_844, %add3A_845 : i32
        %swap3A_847 = arith.constant 0 : i32
        %swap3A_848 = arith.index_cast %swap3A_847 : i32 to index
        %swap3A_849 = arith.index_cast %add3A_846 : i32 to index
        %swap3A_850 = arith.constant 720 : index
        %swap3A_851 = tpu.vector_load %arg7[%swap3A_848, %swap3A_849, %swap3A_850] {strides = array<i32>} : memref<2x32x1024xf32, #tpu.memory_space<vmem>>, vector<1x1x16xf32>,
        %swap3A_852 = vector.shape_cast %swap3A_851 : vector<1x1x16xf32> to vector<16xf32>
        %swap3A_853 = vector.shape_cast %mul3A_842 : vector<16xf32> to vector<1x1x16xf32>
        tpu.vector_store %arg7[%swap3A_848, %swap3A_849, %swap3A_850], %swap3A_853 {strides = array<i32>} : memref<2x32x1024xf32, #tpu.memory_space<vmem>>, vector<1x1x16xf32>,
        %get3A_854 = arith.constant 736 : index
        %get3A_855 = tpu.vector_load %arg5[%get3A_854] {strides = array<i32>} : memref<1024xf32, #tpu.memory_space<vmem>>, vector<16xf32>,
        %get3A_856 = vector.shape_cast %get3A_855 : vector<16xf32> to vector<16xf32>
        %mul3A_857 = vector.broadcast %squeeze3A_757 : f32 to vector<16xf32>
        %mul3A_858 = arith.mulf %get3A_856, %mul3A_857 : vector<16xf32>
        %mul3A_859 = arith.constant 2 : i32
        %mul3A_860 = arith.muli %mul3A_859, %scan3A_98 : i32
        %add3A_861 = arith.constant 0 : i32
        %add3A_862 = arith.addi %mul3A_860, %add3A_861 : i32
        %swap3A_863 = arith.constant 0 : i32
        %swap3A_864 = arith.index_cast %swap3A_863 : i32 to index
        %swap3A_865 = arith.index_cast %add3A_862 : i32 to index
        %swap3A_866 = arith.constant 736 : index
        %swap3A_867 = tpu.vector_load %arg7[%swap3A_864, %swap3A_865, %swap3A_866] {strides = array<i32>} : memref<2x32x1024xf32, #tpu.memory_space<vmem>>, vector<1x1x16xf32>,
        %swap3A_868 = vector.shape_cast %swap3A_867 : vector<1x1x16xf32> to vector<16xf32>
        %swap3A_869 = vector.shape_cast %mul3A_858 : vector<16xf32> to vector<1x1x16xf32>
        tpu.vector_store %arg7[%swap3A_864, %swap3A_865, %swap3A_866], %swap3A_869 {strides = array<i32>} : memref<2x32x1024xf32, #tpu.memory_space<vmem>>, vector<1x1x16xf32>,
        %get3A_870 = arith.constant 752 : index
        %get3A_871 = tpu.vector_load %arg5[%get3A_870] {strides = array<i32>} : memref<1024xf32, #tpu.memory_space<vmem>>, vector<16xf32>,
        %get3A_872 = vector.shape_cast %get3A_871 : vector<16xf32> to vector<16xf32>
        %mul3A_873 = vector.broadcast %squeeze3A_757 : f32 to vector<16xf32>
        %mul3A_874 = arith.mulf %get3A_872, %mul3A_873 : vector<16xf32>
        %mul3A_875 = arith.constant 2 : i32
        %mul3A_876 = arith.muli %mul3A_875, %scan3A_98 : i32
        %add3A_877 = arith.constant 0 : i32
        %add3A_878 = arith.addi %mul3A_876, %add3A_877 : i32
        %swap3A_879 = arith.constant 0 : i32
        %swap3A_880 = arith.index_cast %swap3A_879 : i32 to index
        %swap3A_881 = arith.index_cast %add3A_878 : i32 to index
        %swap3A_882 = arith.constant 752 : index
        %swap3A_883 = tpu.vector_load %arg7[%swap3A_880, %swap3A_881, %swap3A_882] {strides = array<i32>} : memref<2x32x1024xf32, #tpu.memory_space<vmem>>, vector<1x1x16xf32>,
        %swap3A_884 = vector.shape_cast %swap3A_883 : vector<1x1x16xf32> to vector<16xf32>
        %swap3A_885 = vector.shape_cast %mul3A_874 : vector<16xf32> to vector<1x1x16xf32>
        tpu.vector_store %arg7[%swap3A_880, %swap3A_881, %swap3A_882], %swap3A_885 {strides = array<i32>} : memref<2x32x1024xf32, #tpu.memory_space<vmem>>, vector<1x1x16xf32>,
        %slice3A_886 = vector.extract_strided_slice %convert_element_type3A_108 {offsets = [6], sizes = [1], strides = [1]} : vector<16xf32> to vector<1xf32>
        %squeeze3A_887 = vector.extract %slice3A_886[0] : f32 from vector<1xf32>
        %get3A_888 = arith.constant 768 : index
        %get3A_889 = tpu.vector_load %arg5[%get3A_888] {strides = array<i32>} : memref<1024xf32, #tpu.memory_space<vmem>>, vector<16xf32>,
        %get3A_890 = vector.shape_cast %get3A_889 : vector<16xf32> to vector<16xf32>
        %mul3A_891 = vector.broadcast %squeeze3A_887 : f32 to vector<16xf32>
        %mul3A_892 = arith.mulf %get3A_890, %mul3A_891 : vector<16xf32>
        %mul3A_893 = arith.constant 2 : i32
        %mul3A_894 = arith.muli %mul3A_893, %scan3A_98 : i32
        %add3A_895 = arith.constant 0 : i32
        %add3A_896 = arith.addi %mul3A_894, %add3A_895 : i32
        %swap3A_897 = arith.constant 0 : i32
        %swap3A_898 = arith.index_cast %swap3A_897 : i32 to index
        %swap3A_899 = arith.index_cast %add3A_896 : i32 to index
        %swap3A_900 = arith.constant 768 : index
        %swap3A_901 = tpu.vector_load %arg7[%swap3A_898, %swap3A_899, %swap3A_900] {strides = array<i32>} : memref<2x32x1024xf32, #tpu.memory_space<vmem>>, vector<1x1x16xf32>,
        %swap3A_902 = vector.shape_cast %swap3A_901 : vector<1x1x16xf32> to vector<16xf32>
        %swap3A_903 = vector.shape_cast %mul3A_892 : vector<16xf32> to vector<1x1x16xf32>
        tpu.vector_store %arg7[%swap3A_898, %swap3A_899, %swap3A_900], %swap3A_903 {strides = array<i32>} : memref<2x32x1024xf32, #tpu.memory_space<vmem>>, vector<1x1x16xf32>,
        %get3A_904 = arith.constant 784 : index
        %get3A_905 = tpu.vector_load %arg5[%get3A_904] {strides = array<i32>} : memref<1024xf32, #tpu.memory_space<vmem>>, vector<16xf32>,
        %get3A_906 = vector.shape_cast %get3A_905 : vector<16xf32> to vector<16xf32>
        %mul3A_907 = vector.broadcast %squeeze3A_887 : f32 to vector<16xf32>
        %mul3A_908 = arith.mulf %get3A_906, %mul3A_907 : vector<16xf32>
        %mul3A_909 = arith.constant 2 : i32
        %mul3A_910 = arith.muli %mul3A_909, %scan3A_98 : i32
        %add3A_911 = arith.constant 0 : i32
        %add3A_912 = arith.addi %mul3A_910, %add3A_911 : i32
        %swap3A_913 = arith.constant 0 : i32
        %swap3A_914 = arith.index_cast %swap3A_913 : i32 to index
        %swap3A_915 = arith.index_cast %add3A_912 : i32 to index
        %swap3A_916 = arith.constant 784 : index
        %swap3A_917 = tpu.vector_load %arg7[%swap3A_914, %swap3A_915, %swap3A_916] {strides = array<i32>} : memref<2x32x1024xf32, #tpu.memory_space<vmem>>, vector<1x1x16xf32>,
        %swap3A_918 = vector.shape_cast %swap3A_917 : vector<1x1x16xf32> to vector<16xf32>
        %swap3A_919 = vector.shape_cast %mul3A_908 : vector<16xf32> to vector<1x1x16xf32>
        tpu.vector_store %arg7[%swap3A_914, %swap3A_915, %swap3A_916], %swap3A_919 {strides = array<i32>} : memref<2x32x1024xf32, #tpu.memory_space<vmem>>, vector<1x1x16xf32>,
        %get3A_920 = arith.constant 800 : index
        %get3A_921 = tpu.vector_load %arg5[%get3A_920] {strides = array<i32>} : memref<1024xf32, #tpu.memory_space<vmem>>, vector<16xf32>,
        %get3A_922 = vector.shape_cast %get3A_921 : vector<16xf32> to vector<16xf32>
        %mul3A_923 = vector.broadcast %squeeze3A_887 : f32 to vector<16xf32>
        %mul3A_924 = arith.mulf %get3A_922, %mul3A_923 : vector<16xf32>
        %mul3A_925 = arith.constant 2 : i32
        %mul3A_926 = arith.muli %mul3A_925, %scan3A_98 : i32
        %add3A_927 = arith.constant 0 : i32
        %add3A_928 = arith.addi %mul3A_926, %add3A_927 : i32
        %swap3A_929 = arith.constant 0 : i32
        %swap3A_930 = arith.index_cast %swap3A_929 : i32 to index
        %swap3A_931 = arith.index_cast %add3A_928 : i32 to index
        %swap3A_932 = arith.constant 800 : index
        %swap3A_933 = tpu.vector_load %arg7[%swap3A_930, %swap3A_931, %swap3A_932] {strides = array<i32>} : memref<2x32x1024xf32, #tpu.memory_space<vmem>>, vector<1x1x16xf32>,
        %swap3A_934 = vector.shape_cast %swap3A_933 : vector<1x1x16xf32> to vector<16xf32>
        %swap3A_935 = vector.shape_cast %mul3A_924 : vector<16xf32> to vector<1x1x16xf32>
        tpu.vector_store %arg7[%swap3A_930, %swap3A_931, %swap3A_932], %swap3A_935 {strides = array<i32>} : memref<2x32x1024xf32, #tpu.memory_space<vmem>>, vector<1x1x16xf32>,
        %get3A_936 = arith.constant 816 : index
        %get3A_937 = tpu.vector_load %arg5[%get3A_936] {strides = array<i32>} : memref<1024xf32, #tpu.memory_space<vmem>>, vector<16xf32>,
        %get3A_938 = vector.shape_cast %get3A_937 : vector<16xf32> to vector<16xf32>
        %mul3A_939 = vector.broadcast %squeeze3A_887 : f32 to vector<16xf32>
        %mul3A_940 = arith.mulf %get3A_938, %mul3A_939 : vector<16xf32>
        %mul3A_941 = arith.constant 2 : i32
        %mul3A_942 = arith.muli %mul3A_941, %scan3A_98 : i32
        %add3A_943 = arith.constant 0 : i32
        %add3A_944 = arith.addi %mul3A_942, %add3A_943 : i32
        %swap3A_945 = arith.constant 0 : i32
        %swap3A_946 = arith.index_cast %swap3A_945 : i32 to index
        %swap3A_947 = arith.index_cast %add3A_944 : i32 to index
        %swap3A_948 = arith.constant 816 : index
        %swap3A_949 = tpu.vector_load %arg7[%swap3A_946, %swap3A_947, %swap3A_948] {strides = array<i32>} : memref<2x32x1024xf32, #tpu.memory_space<vmem>>, vector<1x1x16xf32>,
        %swap3A_950 = vector.shape_cast %swap3A_949 : vector<1x1x16xf32> to vector<16xf32>
        %swap3A_951 = vector.shape_cast %mul3A_940 : vector<16xf32> to vector<1x1x16xf32>
        tpu.vector_store %arg7[%swap3A_946, %swap3A_947, %swap3A_948], %swap3A_951 {strides = array<i32>} : memref<2x32x1024xf32, #tpu.memory_space<vmem>>, vector<1x1x16xf32>,
        %get3A_952 = arith.constant 832 : index
        %get3A_953 = tpu.vector_load %arg5[%get3A_952] {strides = array<i32>} : memref<1024xf32, #tpu.memory_space<vmem>>, vector<16xf32>,
        %get3A_954 = vector.shape_cast %get3A_953 : vector<16xf32> to vector<16xf32>
        %mul3A_955 = vector.broadcast %squeeze3A_887 : f32 to vector<16xf32>
        %mul3A_956 = arith.mulf %get3A_954, %mul3A_955 : vector<16xf32>
        %mul3A_957 = arith.constant 2 : i32
        %mul3A_958 = arith.muli %mul3A_957, %scan3A_98 : i32
        %add3A_959 = arith.constant 0 : i32
        %add3A_960 = arith.addi %mul3A_958, %add3A_959 : i32
        %swap3A_961 = arith.constant 0 : i32
        %swap3A_962 = arith.index_cast %swap3A_961 : i32 to index
        %swap3A_963 = arith.index_cast %add3A_960 : i32 to index
        %swap3A_964 = arith.constant 832 : index
        %swap3A_965 = tpu.vector_load %arg7[%swap3A_962, %swap3A_963, %swap3A_964] {strides = array<i32>} : memref<2x32x1024xf32, #tpu.memory_space<vmem>>, vector<1x1x16xf32>,
        %swap3A_966 = vector.shape_cast %swap3A_965 : vector<1x1x16xf32> to vector<16xf32>
        %swap3A_967 = vector.shape_cast %mul3A_956 : vector<16xf32> to vector<1x1x16xf32>
        tpu.vector_store %arg7[%swap3A_962, %swap3A_963, %swap3A_964], %swap3A_967 {strides = array<i32>} : memref<2x32x1024xf32, #tpu.memory_space<vmem>>, vector<1x1x16xf32>,
        %get3A_968 = arith.constant 848 : index
        %get3A_969 = tpu.vector_load %arg5[%get3A_968] {strides = array<i32>} : memref<1024xf32, #tpu.memory_space<vmem>>, vector<16xf32>,
        %get3A_970 = vector.shape_cast %get3A_969 : vector<16xf32> to vector<16xf32>
        %mul3A_971 = vector.broadcast %squeeze3A_887 : f32 to vector<16xf32>
        %mul3A_972 = arith.mulf %get3A_970, %mul3A_971 : vector<16xf32>
        %mul3A_973 = arith.constant 2 : i32
        %mul3A_974 = arith.muli %mul3A_973, %scan3A_98 : i32
        %add3A_975 = arith.constant 0 : i32
        %add3A_976 = arith.addi %mul3A_974, %add3A_975 : i32
        %swap3A_977 = arith.constant 0 : i32
        %swap3A_978 = arith.index_cast %swap3A_977 : i32 to index
        %swap3A_979 = arith.index_cast %add3A_976 : i32 to index
        %swap3A_980 = arith.constant 848 : index
        %swap3A_981 = tpu.vector_load %arg7[%swap3A_978, %swap3A_979, %swap3A_980] {strides = array<i32>} : memref<2x32x1024xf32, #tpu.memory_space<vmem>>, vector<1x1x16xf32>,
        %swap3A_982 = vector.shape_cast %swap3A_981 : vector<1x1x16xf32> to vector<16xf32>
        %swap3A_983 = vector.shape_cast %mul3A_972 : vector<16xf32> to vector<1x1x16xf32>
        tpu.vector_store %arg7[%swap3A_978, %swap3A_979, %swap3A_980], %swap3A_983 {strides = array<i32>} : memref<2x32x1024xf32, #tpu.memory_space<vmem>>, vector<1x1x16xf32>,
        %get3A_984 = arith.constant 864 : index
        %get3A_985 = tpu.vector_load %arg5[%get3A_984] {strides = array<i32>} : memref<1024xf32, #tpu.memory_space<vmem>>, vector<16xf32>,
        %get3A_986 = vector.shape_cast %get3A_985 : vector<16xf32> to vector<16xf32>
        %mul3A_987 = vector.broadcast %squeeze3A_887 : f32 to vector<16xf32>
        %mul3A_988 = arith.mulf %get3A_986, %mul3A_987 : vector<16xf32>
        %mul3A_989 = arith.constant 2 : i32
        %mul3A_990 = arith.muli %mul3A_989, %scan3A_98 : i32
        %add3A_991 = arith.constant 0 : i32
        %add3A_992 = arith.addi %mul3A_990, %add3A_991 : i32
        %swap3A_993 = arith.constant 0 : i32
        %swap3A_994 = arith.index_cast %swap3A_993 : i32 to index
        %swap3A_995 = arith.index_cast %add3A_992 : i32 to index
        %swap3A_996 = arith.constant 864 : index
        %swap3A_997 = tpu.vector_load %arg7[%swap3A_994, %swap3A_995, %swap3A_996] {strides = array<i32>} : memref<2x32x1024xf32, #tpu.memory_space<vmem>>, vector<1x1x16xf32>,
        %swap3A_998 = vector.shape_cast %swap3A_997 : vector<1x1x16xf32> to vector<16xf32>
        %swap3A_999 = vector.shape_cast %mul3A_988 : vector<16xf32> to vector<1x1x16xf32>
        tpu.vector_store %arg7[%swap3A_994, %swap3A_995, %swap3A_996], %swap3A_999 {strides = array<i32>} : memref<2x32x1024xf32, #tpu.memory_space<vmem>>, vector<1x1x16xf32>,
        %get3A_1000 = arith.constant 880 : index
        %get3A_1001 = tpu.vector_load %arg5[%get3A_1000] {strides = array<i32>} : memref<1024xf32, #tpu.memory_space<vmem>>, vector<16xf32>,
        %get3A_1002 = vector.shape_cast %get3A_1001 : vector<16xf32> to vector<16xf32>
        %mul3A_1003 = vector.broadcast %squeeze3A_887 : f32 to vector<16xf32>
        %mul3A_1004 = arith.mulf %get3A_1002, %mul3A_1003 : vector<16xf32>
        %mul3A_1005 = arith.constant 2 : i32
        %mul3A_1006 = arith.muli %mul3A_1005, %scan3A_98 : i32
        %add3A_1007 = arith.constant 0 : i32
        %add3A_1008 = arith.addi %mul3A_1006, %add3A_1007 : i32
        %swap3A_1009 = arith.constant 0 : i32
        %swap3A_1010 = arith.index_cast %swap3A_1009 : i32 to index
        %swap3A_1011 = arith.index_cast %add3A_1008 : i32 to index
        %swap3A_1012 = arith.constant 880 : index
        %swap3A_1013 = tpu.vector_load %arg7[%swap3A_1010, %swap3A_1011, %swap3A_1012] {strides = array<i32>} : memref<2x32x1024xf32, #tpu.memory_space<vmem>>, vector<1x1x16xf32>,
        %swap3A_1014 = vector.shape_cast %swap3A_1013 : vector<1x1x16xf32> to vector<16xf32>
        %swap3A_1015 = vector.shape_cast %mul3A_1004 : vector<16xf32> to vector<1x1x16xf32>
        tpu.vector_store %arg7[%swap3A_1010, %swap3A_1011, %swap3A_1012], %swap3A_1015 {strides = array<i32>} : memref<2x32x1024xf32, #tpu.memory_space<vmem>>, vector<1x1x16xf32>,
        %slice3A_1016 = vector.extract_strided_slice %convert_element_type3A_108 {offsets = [7], sizes = [1], strides = [1]} : vector<16xf32> to vector<1xf32>
        %squeeze3A_1017 = vector.extract %slice3A_1016[0] : f32 from vector<1xf32>
        %get3A_1018 = arith.constant 896 : index
        %get3A_1019 = tpu.vector_load %arg5[%get3A_1018] {strides = array<i32>} : memref<1024xf32, #tpu.memory_space<vmem>>, vector<16xf32>,
        %get3A_1020 = vector.shape_cast %get3A_1019 : vector<16xf32> to vector<16xf32>
        %mul3A_1021 = vector.broadcast %squeeze3A_1017 : f32 to vector<16xf32>
        %mul3A_1022 = arith.mulf %get3A_1020, %mul3A_1021 : vector<16xf32>
        %mul3A_1023 = arith.constant 2 : i32
        %mul3A_1024 = arith.muli %mul3A_1023, %scan3A_98 : i32
        %add3A_1025 = arith.constant 0 : i32
        %add3A_1026 = arith.addi %mul3A_1024, %add3A_1025 : i32
        %swap3A_1027 = arith.constant 0 : i32
        %swap3A_1028 = arith.index_cast %swap3A_1027 : i32 to index
        %swap3A_1029 = arith.index_cast %add3A_1026 : i32 to index
        %swap3A_1030 = arith.constant 896 : index
        %swap3A_1031 = tpu.vector_load %arg7[%swap3A_1028, %swap3A_1029, %swap3A_1030] {strides = array<i32>} : memref<2x32x1024xf32, #tpu.memory_space<vmem>>, vector<1x1x16xf32>,
        %swap3A_1032 = vector.shape_cast %swap3A_1031 : vector<1x1x16xf32> to vector<16xf32>
        %swap3A_1033 = vector.shape_cast %mul3A_1022 : vector<16xf32> to vector<1x1x16xf32>
        tpu.vector_store %arg7[%swap3A_1028, %swap3A_1029, %swap3A_1030], %swap3A_1033 {strides = array<i32>} : memref<2x32x1024xf32, #tpu.memory_space<vmem>>, vector<1x1x16xf32>,
        %get3A_1034 = arith.constant 912 : index
        %get3A_1035 = tpu.vector_load %arg5[%get3A_1034] {strides = array<i32>} : memref<1024xf32, #tpu.memory_space<vmem>>, vector<16xf32>,
        %get3A_1036 = vector.shape_cast %get3A_1035 : vector<16xf32> to vector<16xf32>
        %mul3A_1037 = vector.broadcast %squeeze3A_1017 : f32 to vector<16xf32>
        %mul3A_1038 = arith.mulf %get3A_1036, %mul3A_1037 : vector<16xf32>
        %mul3A_1039 = arith.constant 2 : i32
        %mul3A_1040 = arith.muli %mul3A_1039, %scan3A_98 : i32
        %add3A_1041 = arith.constant 0 : i32
        %add3A_1042 = arith.addi %mul3A_1040, %add3A_1041 : i32
        %swap3A_1043 = arith.constant 0 : i32
        %swap3A_1044 = arith.index_cast %swap3A_1043 : i32 to index
        %swap3A_1045 = arith.index_cast %add3A_1042 : i32 to index
        %swap3A_1046 = arith.constant 912 : index
        %swap3A_1047 = tpu.vector_load %arg7[%swap3A_1044, %swap3A_1045, %swap3A_1046] {strides = array<i32>} : memref<2x32x1024xf32, #tpu.memory_space<vmem>>, vector<1x1x16xf32>,
        %swap3A_1048 = vector.shape_cast %swap3A_1047 : vector<1x1x16xf32> to vector<16xf32>
        %swap3A_1049 = vector.shape_cast %mul3A_1038 : vector<16xf32> to vector<1x1x16xf32>
        tpu.vector_store %arg7[%swap3A_1044, %swap3A_1045, %swap3A_1046], %swap3A_1049 {strides = array<i32>} : memref<2x32x1024xf32, #tpu.memory_space<vmem>>, vector<1x1x16xf32>,
        %get3A_1050 = arith.constant 928 : index
        %get3A_1051 = tpu.vector_load %arg5[%get3A_1050] {strides = array<i32>} : memref<1024xf32, #tpu.memory_space<vmem>>, vector<16xf32>,
        %get3A_1052 = vector.shape_cast %get3A_1051 : vector<16xf32> to vector<16xf32>
        %mul3A_1053 = vector.broadcast %squeeze3A_1017 : f32 to vector<16xf32>
        %mul3A_1054 = arith.mulf %get3A_1052, %mul3A_1053 : vector<16xf32>
        %mul3A_1055 = arith.constant 2 : i32
        %mul3A_1056 = arith.muli %mul3A_1055, %scan3A_98 : i32
        %add3A_1057 = arith.constant 0 : i32
        %add3A_1058 = arith.addi %mul3A_1056, %add3A_1057 : i32
        %swap3A_1059 = arith.constant 0 : i32
        %swap3A_1060 = arith.index_cast %swap3A_1059 : i32 to index
        %swap3A_1061 = arith.index_cast %add3A_1058 : i32 to index
        %swap3A_1062 = arith.constant 928 : index
        %swap3A_1063 = tpu.vector_load %arg7[%swap3A_1060, %swap3A_1061, %swap3A_1062] {strides = array<i32>} : memref<2x32x1024xf32, #tpu.memory_space<vmem>>, vector<1x1x16xf32>,
        %swap3A_1064 = vector.shape_cast %swap3A_1063 : vector<1x1x16xf32> to vector<16xf32>
        %swap3A_1065 = vector.shape_cast %mul3A_1054 : vector<16xf32> to vector<1x1x16xf32>
        tpu.vector_store %arg7[%swap3A_1060, %swap3A_1061, %swap3A_1062], %swap3A_1065 {strides = array<i32>} : memref<2x32x1024xf32, #tpu.memory_space<vmem>>, vector<1x1x16xf32>,
        %get3A_1066 = arith.constant 944 : index
        %get3A_1067 = tpu.vector_load %arg5[%get3A_1066] {strides = array<i32>} : memref<1024xf32, #tpu.memory_space<vmem>>, vector<16xf32>,
        %get3A_1068 = vector.shape_cast %get3A_1067 : vector<16xf32> to vector<16xf32>
        %mul3A_1069 = vector.broadcast %squeeze3A_1017 : f32 to vector<16xf32>
        %mul3A_1070 = arith.mulf %get3A_1068, %mul3A_1069 : vector<16xf32>
        %mul3A_1071 = arith.constant 2 : i32
        %mul3A_1072 = arith.muli %mul3A_1071, %scan3A_98 : i32
        %add3A_1073 = arith.constant 0 : i32
        %add3A_1074 = arith.addi %mul3A_1072, %add3A_1073 : i32
        %swap3A_1075 = arith.constant 0 : i32
        %swap3A_1076 = arith.index_cast %swap3A_1075 : i32 to index
        %swap3A_1077 = arith.index_cast %add3A_1074 : i32 to index
        %swap3A_1078 = arith.constant 944 : index
        %swap3A_1079 = tpu.vector_load %arg7[%swap3A_1076, %swap3A_1077, %swap3A_1078] {strides = array<i32>} : memref<2x32x1024xf32, #tpu.memory_space<vmem>>, vector<1x1x16xf32>,
        %swap3A_1080 = vector.shape_cast %swap3A_1079 : vector<1x1x16xf32> to vector<16xf32>
        %swap3A_1081 = vector.shape_cast %mul3A_1070 : vector<16xf32> to vector<1x1x16xf32>
        tpu.vector_store %arg7[%swap3A_1076, %swap3A_1077, %swap3A_1078], %swap3A_1081 {strides = array<i32>} : memref<2x32x1024xf32, #tpu.memory_space<vmem>>, vector<1x1x16xf32>,
        %get3A_1082 = arith.constant 960 : index
        %get3A_1083 = tpu.vector_load %arg5[%get3A_1082] {strides = array<i32>} : memref<1024xf32, #tpu.memory_space<vmem>>, vector<16xf32>,
        %get3A_1084 = vector.shape_cast %get3A_1083 : vector<16xf32> to vector<16xf32>
        %mul3A_1085 = vector.broadcast %squeeze3A_1017 : f32 to vector<16xf32>
        %mul3A_1086 = arith.mulf %get3A_1084, %mul3A_1085 : vector<16xf32>
        %mul3A_1087 = arith.constant 2 : i32
        %mul3A_1088 = arith.muli %mul3A_1087, %scan3A_98 : i32
        %add3A_1089 = arith.constant 0 : i32
        %add3A_1090 = arith.addi %mul3A_1088, %add3A_1089 : i32
        %swap3A_1091 = arith.constant 0 : i32
        %swap3A_1092 = arith.index_cast %swap3A_1091 : i32 to index
        %swap3A_1093 = arith.index_cast %add3A_1090 : i32 to index
        %swap3A_1094 = arith.constant 960 : index
        %swap3A_1095 = tpu.vector_load %arg7[%swap3A_1092, %swap3A_1093, %swap3A_1094] {strides = array<i32>} : memref<2x32x1024xf32, #tpu.memory_space<vmem>>, vector<1x1x16xf32>,
        %swap3A_1096 = vector.shape_cast %swap3A_1095 : vector<1x1x16xf32> to vector<16xf32>
        %swap3A_1097 = vector.shape_cast %mul3A_1086 : vector<16xf32> to vector<1x1x16xf32>
        tpu.vector_store %arg7[%swap3A_1092, %swap3A_1093, %swap3A_1094], %swap3A_1097 {strides = array<i32>} : memref<2x32x1024xf32, #tpu.memory_space<vmem>>, vector<1x1x16xf32>,
        %get3A_1098 = arith.constant 976 : index
        %get3A_1099 = tpu.vector_load %arg5[%get3A_1098] {strides = array<i32>} : memref<1024xf32, #tpu.memory_space<vmem>>, vector<16xf32>,
        %get3A_1100 = vector.shape_cast %get3A_1099 : vector<16xf32> to vector<16xf32>
        %mul3A_1101 = vector.broadcast %squeeze3A_1017 : f32 to vector<16xf32>
        %mul3A_1102 = arith.mulf %get3A_1100, %mul3A_1101 : vector<16xf32>
        %mul3A_1103 = arith.constant 2 : i32
        %mul3A_1104 = arith.muli %mul3A_1103, %scan3A_98 : i32
        %add3A_1105 = arith.constant 0 : i32
        %add3A_1106 = arith.addi %mul3A_1104, %add3A_1105 : i32
        %swap3A_1107 = arith.constant 0 : i32
        %swap3A_1108 = arith.index_cast %swap3A_1107 : i32 to index
        %swap3A_1109 = arith.index_cast %add3A_1106 : i32 to index
        %swap3A_1110 = arith.constant 976 : index
        %swap3A_1111 = tpu.vector_load %arg7[%swap3A_1108, %swap3A_1109, %swap3A_1110] {strides = array<i32>} : memref<2x32x1024xf32, #tpu.memory_space<vmem>>, vector<1x1x16xf32>,
        %swap3A_1112 = vector.shape_cast %swap3A_1111 : vector<1x1x16xf32> to vector<16xf32>
        %swap3A_1113 = vector.shape_cast %mul3A_1102 : vector<16xf32> to vector<1x1x16xf32>
        tpu.vector_store %arg7[%swap3A_1108, %swap3A_1109, %swap3A_1110], %swap3A_1113 {strides = array<i32>} : memref<2x32x1024xf32, #tpu.memory_space<vmem>>, vector<1x1x16xf32>,
        %get3A_1114 = arith.constant 992 : index
        %get3A_1115 = tpu.vector_load %arg5[%get3A_1114] {strides = array<i32>} : memref<1024xf32, #tpu.memory_space<vmem>>, vector<16xf32>,
        %get3A_1116 = vector.shape_cast %get3A_1115 : vector<16xf32> to vector<16xf32>
        %mul3A_1117 = vector.broadcast %squeeze3A_1017 : f32 to vector<16xf32>
        %mul3A_1118 = arith.mulf %get3A_1116, %mul3A_1117 : vector<16xf32>
        %mul3A_1119 = arith.constant 2 : i32
        %mul3A_1120 = arith.muli %mul3A_1119, %scan3A_98 : i32
        %add3A_1121 = arith.constant 0 : i32
        %add3A_1122 = arith.addi %mul3A_1120, %add3A_1121 : i32
        %swap3A_1123 = arith.constant 0 : i32
        %swap3A_1124 = arith.index_cast %swap3A_1123 : i32 to index
        %swap3A_1125 = arith.index_cast %add3A_1122 : i32 to index
        %swap3A_1126 = arith.constant 992 : index
        %swap3A_1127 = tpu.vector_load %arg7[%swap3A_1124, %swap3A_1125, %swap3A_1126] {strides = array<i32>} : memref<2x32x1024xf32, #tpu.memory_space<vmem>>, vector<1x1x16xf32>,
        %swap3A_1128 = vector.shape_cast %swap3A_1127 : vector<1x1x16xf32> to vector<16xf32>
        %swap3A_1129 = vector.shape_cast %mul3A_1118 : vector<16xf32> to vector<1x1x16xf32>
        tpu.vector_store %arg7[%swap3A_1124, %swap3A_1125, %swap3A_1126], %swap3A_1129 {strides = array<i32>} : memref<2x32x1024xf32, #tpu.memory_space<vmem>>, vector<1x1x16xf32>,
        %get3A_1130 = arith.constant 1008 : index
        %get3A_1131 = tpu.vector_load %arg5[%get3A_1130] {strides = array<i32>} : memref<1024xf32, #tpu.memory_space<vmem>>, vector<16xf32>,
        %get3A_1132 = vector.shape_cast %get3A_1131 : vector<16xf32> to vector<16xf32>
        %mul3A_1133 = vector.broadcast %squeeze3A_1017 : f32 to vector<16xf32>
        %mul3A_1134 = arith.mulf %get3A_1132, %mul3A_1133 : vector<16xf32>
        %mul3A_1135 = arith.constant 2 : i32
        %mul3A_1136 = arith.muli %mul3A_1135, %scan3A_98 : i32
        %add3A_1137 = arith.constant 0 : i32
        %add3A_1138 = arith.addi %mul3A_1136, %add3A_1137 : i32
        %swap3A_1139 = arith.constant 0 : i32
        %swap3A_1140 = arith.index_cast %swap3A_1139 : i32 to index
        %swap3A_1141 = arith.index_cast %add3A_1138 : i32 to index
        %swap3A_1142 = arith.constant 1008 : index
        %swap3A_1143 = tpu.vector_load %arg7[%swap3A_1140, %swap3A_1141, %swap3A_1142] {strides = array<i32>} : memref<2x32x1024xf32, #tpu.memory_space<vmem>>, vector<1x1x16xf32>,
        %swap3A_1144 = vector.shape_cast %swap3A_1143 : vector<1x1x16xf32> to vector<16xf32>
        %swap3A_1145 = vector.shape_cast %mul3A_1134 : vector<16xf32> to vector<1x1x16xf32>
        tpu.vector_store %arg7[%swap3A_1140, %swap3A_1141, %swap3A_1142], %swap3A_1145 {strides = array<i32>} : memref<2x32x1024xf32, #tpu.memory_space<vmem>>, vector<1x1x16xf32>,
        %slice3A_1146 = vector.extract_strided_slice %convert_element_type3A_108 {offsets = [8], sizes = [1], strides = [1]} : vector<16xf32> to vector<1xf32>
        %squeeze3A_1147 = vector.extract %slice3A_1146[0] : f32 from vector<1xf32>
        %get3A_1148 = arith.constant 0 : index
        %get3A_1149 = tpu.vector_load %arg5[%get3A_1148] {strides = array<i32>} : memref<1024xf32, #tpu.memory_space<vmem>>, vector<16xf32>,
        %get3A_1150 = vector.shape_cast %get3A_1149 : vector<16xf32> to vector<16xf32>
        %mul3A_1151 = vector.broadcast %squeeze3A_1147 : f32 to vector<16xf32>
        %mul3A_1152 = arith.mulf %get3A_1150, %mul3A_1151 : vector<16xf32>
        %mul3A_1153 = arith.constant 2 : i32
        %mul3A_1154 = arith.muli %mul3A_1153, %scan3A_98 : i32
        %add3A_1155 = arith.constant 1 : i32
        %add3A_1156 = arith.addi %mul3A_1154, %add3A_1155 : i32
        %swap3A_1157 = arith.constant 0 : i32
        %swap3A_1158 = arith.index_cast %swap3A_1157 : i32 to index
        %swap3A_1159 = arith.index_cast %add3A_1156 : i32 to index
        %swap3A_1160 = arith.constant 0 : index
        %swap3A_1161 = tpu.vector_load %arg7[%swap3A_1158, %swap3A_1159, %swap3A_1160] {strides = array<i32>} : memref<2x32x1024xf32, #tpu.memory_space<vmem>>, vector<1x1x16xf32>,
        %swap3A_1162 = vector.shape_cast %swap3A_1161 : vector<1x1x16xf32> to vector<16xf32>
        %swap3A_1163 = vector.shape_cast %mul3A_1152 : vector<16xf32> to vector<1x1x16xf32>
        tpu.vector_store %arg7[%swap3A_1158, %swap3A_1159, %swap3A_1160], %swap3A_1163 {strides = array<i32>} : memref<2x32x1024xf32, #tpu.memory_space<vmem>>, vector<1x1x16xf32>,
        %get3A_1164 = arith.constant 16 : index
        %get3A_1165 = tpu.vector_load %arg5[%get3A_1164] {strides = array<i32>} : memref<1024xf32, #tpu.memory_space<vmem>>, vector<16xf32>,
        %get3A_1166 = vector.shape_cast %get3A_1165 : vector<16xf32> to vector<16xf32>
        %mul3A_1167 = vector.broadcast %squeeze3A_1147 : f32 to vector<16xf32>
        %mul3A_1168 = arith.mulf %get3A_1166, %mul3A_1167 : vector<16xf32>
        %mul3A_1169 = arith.constant 2 : i32
        %mul3A_1170 = arith.muli %mul3A_1169, %scan3A_98 : i32
        %add3A_1171 = arith.constant 1 : i32
        %add3A_1172 = arith.addi %mul3A_1170, %add3A_1171 : i32
        %swap3A_1173 = arith.constant 0 : i32
        %swap3A_1174 = arith.index_cast %swap3A_1173 : i32 to index
        %swap3A_1175 = arith.index_cast %add3A_1172 : i32 to index
        %swap3A_1176 = arith.constant 16 : index
        %swap3A_1177 = tpu.vector_load %arg7[%swap3A_1174, %swap3A_1175, %swap3A_1176] {strides = array<i32>} : memref<2x32x1024xf32, #tpu.memory_space<vmem>>, vector<1x1x16xf32>,
        %swap3A_1178 = vector.shape_cast %swap3A_1177 : vector<1x1x16xf32> to vector<16xf32>
        %swap3A_1179 = vector.shape_cast %mul3A_1168 : vector<16xf32> to vector<1x1x16xf32>
        tpu.vector_store %arg7[%swap3A_1174, %swap3A_1175, %swap3A_1176], %swap3A_1179 {strides = array<i32>} : memref<2x32x1024xf32, #tpu.memory_space<vmem>>, vector<1x1x16xf32>,
        %get3A_1180 = arith.constant 32 : index
        %get3A_1181 = tpu.vector_load %arg5[%get3A_1180] {strides = array<i32>} : memref<1024xf32, #tpu.memory_space<vmem>>, vector<16xf32>,
        %get3A_1182 = vector.shape_cast %get3A_1181 : vector<16xf32> to vector<16xf32>
        %mul3A_1183 = vector.broadcast %squeeze3A_1147 : f32 to vector<16xf32>
        %mul3A_1184 = arith.mulf %get3A_1182, %mul3A_1183 : vector<16xf32>
        %mul3A_1185 = arith.constant 2 : i32
        %mul3A_1186 = arith.muli %mul3A_1185, %scan3A_98 : i32
        %add3A_1187 = arith.constant 1 : i32
        %add3A_1188 = arith.addi %mul3A_1186, %add3A_1187 : i32
        %swap3A_1189 = arith.constant 0 : i32
        %swap3A_1190 = arith.index_cast %swap3A_1189 : i32 to index
        %swap3A_1191 = arith.index_cast %add3A_1188 : i32 to index
        %swap3A_1192 = arith.constant 32 : index
        %swap3A_1193 = tpu.vector_load %arg7[%swap3A_1190, %swap3A_1191, %swap3A_1192] {strides = array<i32>} : memref<2x32x1024xf32, #tpu.memory_space<vmem>>, vector<1x1x16xf32>,
        %swap3A_1194 = vector.shape_cast %swap3A_1193 : vector<1x1x16xf32> to vector<16xf32>
        %swap3A_1195 = vector.shape_cast %mul3A_1184 : vector<16xf32> to vector<1x1x16xf32>
        tpu.vector_store %arg7[%swap3A_1190, %swap3A_1191, %swap3A_1192], %swap3A_1195 {strides = array<i32>} : memref<2x32x1024xf32, #tpu.memory_space<vmem>>, vector<1x1x16xf32>,
        %get3A_1196 = arith.constant 48 : index
        %get3A_1197 = tpu.vector_load %arg5[%get3A_1196] {strides = array<i32>} : memref<1024xf32, #tpu.memory_space<vmem>>, vector<16xf32>,
        %get3A_1198 = vector.shape_cast %get3A_1197 : vector<16xf32> to vector<16xf32>
        %mul3A_1199 = vector.broadcast %squeeze3A_1147 : f32 to vector<16xf32>
        %mul3A_1200 = arith.mulf %get3A_1198, %mul3A_1199 : vector<16xf32>
        %mul3A_1201 = arith.constant 2 : i32
        %mul3A_1202 = arith.muli %mul3A_1201, %scan3A_98 : i32
        %add3A_1203 = arith.constant 1 : i32
        %add3A_1204 = arith.addi %mul3A_1202, %add3A_1203 : i32
        %swap3A_1205 = arith.constant 0 : i32
        %swap3A_1206 = arith.index_cast %swap3A_1205 : i32 to index
        %swap3A_1207 = arith.index_cast %add3A_1204 : i32 to index
        %swap3A_1208 = arith.constant 48 : index
        %swap3A_1209 = tpu.vector_load %arg7[%swap3A_1206, %swap3A_1207, %swap3A_1208] {strides = array<i32>} : memref<2x32x1024xf32, #tpu.memory_space<vmem>>, vector<1x1x16xf32>,
        %swap3A_1210 = vector.shape_cast %swap3A_1209 : vector<1x1x16xf32> to vector<16xf32>
        %swap3A_1211 = vector.shape_cast %mul3A_1200 : vector<16xf32> to vector<1x1x16xf32>
        tpu.vector_store %arg7[%swap3A_1206, %swap3A_1207, %swap3A_1208], %swap3A_1211 {strides = array<i32>} : memref<2x32x1024xf32, #tpu.memory_space<vmem>>, vector<1x1x16xf32>,
        %get3A_1212 = arith.constant 64 : index
        %get3A_1213 = tpu.vector_load %arg5[%get3A_1212] {strides = array<i32>} : memref<1024xf32, #tpu.memory_space<vmem>>, vector<16xf32>,
        %get3A_1214 = vector.shape_cast %get3A_1213 : vector<16xf32> to vector<16xf32>
        %mul3A_1215 = vector.broadcast %squeeze3A_1147 : f32 to vector<16xf32>
        %mul3A_1216 = arith.mulf %get3A_1214, %mul3A_1215 : vector<16xf32>
        %mul3A_1217 = arith.constant 2 : i32
        %mul3A_1218 = arith.muli %mul3A_1217, %scan3A_98 : i32
        %add3A_1219 = arith.constant 1 : i32
        %add3A_1220 = arith.addi %mul3A_1218, %add3A_1219 : i32
        %swap3A_1221 = arith.constant 0 : i32
        %swap3A_1222 = arith.index_cast %swap3A_1221 : i32 to index
        %swap3A_1223 = arith.index_cast %add3A_1220 : i32 to index
        %swap3A_1224 = arith.constant 64 : index
        %swap3A_1225 = tpu.vector_load %arg7[%swap3A_1222, %swap3A_1223, %swap3A_1224] {strides = array<i32>} : memref<2x32x1024xf32, #tpu.memory_space<vmem>>, vector<1x1x16xf32>,
        %swap3A_1226 = vector.shape_cast %swap3A_1225 : vector<1x1x16xf32> to vector<16xf32>
        %swap3A_1227 = vector.shape_cast %mul3A_1216 : vector<16xf32> to vector<1x1x16xf32>
        tpu.vector_store %arg7[%swap3A_1222, %swap3A_1223, %swap3A_1224], %swap3A_1227 {strides = array<i32>} : memref<2x32x1024xf32, #tpu.memory_space<vmem>>, vector<1x1x16xf32>,
        %get3A_1228 = arith.constant 80 : index
        %get3A_1229 = tpu.vector_load %arg5[%get3A_1228] {strides = array<i32>} : memref<1024xf32, #tpu.memory_space<vmem>>, vector<16xf32>,
        %get3A_1230 = vector.shape_cast %get3A_1229 : vector<16xf32> to vector<16xf32>
        %mul3A_1231 = vector.broadcast %squeeze3A_1147 : f32 to vector<16xf32>
        %mul3A_1232 = arith.mulf %get3A_1230, %mul3A_1231 : vector<16xf32>
        %mul3A_1233 = arith.constant 2 : i32
        %mul3A_1234 = arith.muli %mul3A_1233, %scan3A_98 : i32
        %add3A_1235 = arith.constant 1 : i32
        %add3A_1236 = arith.addi %mul3A_1234, %add3A_1235 : i32
        %swap3A_1237 = arith.constant 0 : i32
        %swap3A_1238 = arith.index_cast %swap3A_1237 : i32 to index
        %swap3A_1239 = arith.index_cast %add3A_1236 : i32 to index
        %swap3A_1240 = arith.constant 80 : index
        %swap3A_1241 = tpu.vector_load %arg7[%swap3A_1238, %swap3A_1239, %swap3A_1240] {strides = array<i32>} : memref<2x32x1024xf32, #tpu.memory_space<vmem>>, vector<1x1x16xf32>,
        %swap3A_1242 = vector.shape_cast %swap3A_1241 : vector<1x1x16xf32> to vector<16xf32>
        %swap3A_1243 = vector.shape_cast %mul3A_1232 : vector<16xf32> to vector<1x1x16xf32>
        tpu.vector_store %arg7[%swap3A_1238, %swap3A_1239, %swap3A_1240], %swap3A_1243 {strides = array<i32>} : memref<2x32x1024xf32, #tpu.memory_space<vmem>>, vector<1x1x16xf32>,
        %get3A_1244 = arith.constant 96 : index
        %get3A_1245 = tpu.vector_load %arg5[%get3A_1244] {strides = array<i32>} : memref<1024xf32, #tpu.memory_space<vmem>>, vector<16xf32>,
        %get3A_1246 = vector.shape_cast %get3A_1245 : vector<16xf32> to vector<16xf32>
        %mul3A_1247 = vector.broadcast %squeeze3A_1147 : f32 to vector<16xf32>
        %mul3A_1248 = arith.mulf %get3A_1246, %mul3A_1247 : vector<16xf32>
        %mul3A_1249 = arith.constant 2 : i32
        %mul3A_1250 = arith.muli %mul3A_1249, %scan3A_98 : i32
        %add3A_1251 = arith.constant 1 : i32
        %add3A_1252 = arith.addi %mul3A_1250, %add3A_1251 : i32
        %swap3A_1253 = arith.constant 0 : i32
        %swap3A_1254 = arith.index_cast %swap3A_1253 : i32 to index
        %swap3A_1255 = arith.index_cast %add3A_1252 : i32 to index
        %swap3A_1256 = arith.constant 96 : index
        %swap3A_1257 = tpu.vector_load %arg7[%swap3A_1254, %swap3A_1255, %swap3A_1256] {strides = array<i32>} : memref<2x32x1024xf32, #tpu.memory_space<vmem>>, vector<1x1x16xf32>,
        %swap3A_1258 = vector.shape_cast %swap3A_1257 : vector<1x1x16xf32> to vector<16xf32>
        %swap3A_1259 = vector.shape_cast %mul3A_1248 : vector<16xf32> to vector<1x1x16xf32>
        tpu.vector_store %arg7[%swap3A_1254, %swap3A_1255, %swap3A_1256], %swap3A_1259 {strides = array<i32>} : memref<2x32x1024xf32, #tpu.memory_space<vmem>>, vector<1x1x16xf32>,
        %get3A_1260 = arith.constant 112 : index
        %get3A_1261 = tpu.vector_load %arg5[%get3A_1260] {strides = array<i32>} : memref<1024xf32, #tpu.memory_space<vmem>>, vector<16xf32>,
        %get3A_1262 = vector.shape_cast %get3A_1261 : vector<16xf32> to vector<16xf32>
        %mul3A_1263 = vector.broadcast %squeeze3A_1147 : f32 to vector<16xf32>
        %mul3A_1264 = arith.mulf %get3A_1262, %mul3A_1263 : vector<16xf32>
        %mul3A_1265 = arith.constant 2 : i32
        %mul3A_1266 = arith.muli %mul3A_1265, %scan3A_98 : i32
        %add3A_1267 = arith.constant 1 : i32
        %add3A_1268 = arith.addi %mul3A_1266, %add3A_1267 : i32
        %swap3A_1269 = arith.constant 0 : i32
        %swap3A_1270 = arith.index_cast %swap3A_1269 : i32 to index
        %swap3A_1271 = arith.index_cast %add3A_1268 : i32 to index
        %swap3A_1272 = arith.constant 112 : index
        %swap3A_1273 = tpu.vector_load %arg7[%swap3A_1270, %swap3A_1271, %swap3A_1272] {strides = array<i32>} : memref<2x32x1024xf32, #tpu.memory_space<vmem>>, vector<1x1x16xf32>,
        %swap3A_1274 = vector.shape_cast %swap3A_1273 : vector<1x1x16xf32> to vector<16xf32>
        %swap3A_1275 = vector.shape_cast %mul3A_1264 : vector<16xf32> to vector<1x1x16xf32>
        tpu.vector_store %arg7[%swap3A_1270, %swap3A_1271, %swap3A_1272], %swap3A_1275 {strides = array<i32>} : memref<2x32x1024xf32, #tpu.memory_space<vmem>>, vector<1x1x16xf32>,
        %slice3A_1276 = vector.extract_strided_slice %convert_element_type3A_108 {offsets = [9], sizes = [1], strides = [1]} : vector<16xf32> to vector<1xf32>
        %squeeze3A_1277 = vector.extract %slice3A_1276[0] : f32 from vector<1xf32>
        %get3A_1278 = arith.constant 128 : index
        %get3A_1279 = tpu.vector_load %arg5[%get3A_1278] {strides = array<i32>} : memref<1024xf32, #tpu.memory_space<vmem>>, vector<16xf32>,
        %get3A_1280 = vector.shape_cast %get3A_1279 : vector<16xf32> to vector<16xf32>
        %mul3A_1281 = vector.broadcast %squeeze3A_1277 : f32 to vector<16xf32>
        %mul3A_1282 = arith.mulf %get3A_1280, %mul3A_1281 : vector<16xf32>
        %mul3A_1283 = arith.constant 2 : i32
        %mul3A_1284 = arith.muli %mul3A_1283, %scan3A_98 : i32
        %add3A_1285 = arith.constant 1 : i32
        %add3A_1286 = arith.addi %mul3A_1284, %add3A_1285 : i32
        %swap3A_1287 = arith.constant 0 : i32
        %swap3A_1288 = arith.index_cast %swap3A_1287 : i32 to index
        %swap3A_1289 = arith.index_cast %add3A_1286 : i32 to index
        %swap3A_1290 = arith.constant 128 : index
        %swap3A_1291 = tpu.vector_load %arg7[%swap3A_1288, %swap3A_1289, %swap3A_1290] {strides = array<i32>} : memref<2x32x1024xf32, #tpu.memory_space<vmem>>, vector<1x1x16xf32>,
        %swap3A_1292 = vector.shape_cast %swap3A_1291 : vector<1x1x16xf32> to vector<16xf32>
        %swap3A_1293 = vector.shape_cast %mul3A_1282 : vector<16xf32> to vector<1x1x16xf32>
        tpu.vector_store %arg7[%swap3A_1288, %swap3A_1289, %swap3A_1290], %swap3A_1293 {strides = array<i32>} : memref<2x32x1024xf32, #tpu.memory_space<vmem>>, vector<1x1x16xf32>,
        %get3A_1294 = arith.constant 144 : index
        %get3A_1295 = tpu.vector_load %arg5[%get3A_1294] {strides = array<i32>} : memref<1024xf32, #tpu.memory_space<vmem>>, vector<16xf32>,
        %get3A_1296 = vector.shape_cast %get3A_1295 : vector<16xf32> to vector<16xf32>
        %mul3A_1297 = vector.broadcast %squeeze3A_1277 : f32 to vector<16xf32>
        %mul3A_1298 = arith.mulf %get3A_1296, %mul3A_1297 : vector<16xf32>
        %mul3A_1299 = arith.constant 2 : i32
        %mul3A_1300 = arith.muli %mul3A_1299, %scan3A_98 : i32
        %add3A_1301 = arith.constant 1 : i32
        %add3A_1302 = arith.addi %mul3A_1300, %add3A_1301 : i32
        %swap3A_1303 = arith.constant 0 : i32
        %swap3A_1304 = arith.index_cast %swap3A_1303 : i32 to index
        %swap3A_1305 = arith.index_cast %add3A_1302 : i32 to index
        %swap3A_1306 = arith.constant 144 : index
        %swap3A_1307 = tpu.vector_load %arg7[%swap3A_1304, %swap3A_1305, %swap3A_1306] {strides = array<i32>} : memref<2x32x1024xf32, #tpu.memory_space<vmem>>, vector<1x1x16xf32>,
        %swap3A_1308 = vector.shape_cast %swap3A_1307 : vector<1x1x16xf32> to vector<16xf32>
        %swap3A_1309 = vector.shape_cast %mul3A_1298 : vector<16xf32> to vector<1x1x16xf32>
        tpu.vector_store %arg7[%swap3A_1304, %swap3A_1305, %swap3A_1306], %swap3A_1309 {strides = array<i32>} : memref<2x32x1024xf32, #tpu.memory_space<vmem>>, vector<1x1x16xf32>,
        %get3A_1310 = arith.constant 160 : index
        %get3A_1311 = tpu.vector_load %arg5[%get3A_1310] {strides = array<i32>} : memref<1024xf32, #tpu.memory_space<vmem>>, vector<16xf32>,
        %get3A_1312 = vector.shape_cast %get3A_1311 : vector<16xf32> to vector<16xf32>
        %mul3A_1313 = vector.broadcast %squeeze3A_1277 : f32 to vector<16xf32>
        %mul3A_1314 = arith.mulf %get3A_1312, %mul3A_1313 : vector<16xf32>
        %mul3A_1315 = arith.constant 2 : i32
        %mul3A_1316 = arith.muli %mul3A_1315, %scan3A_98 : i32
        %add3A_1317 = arith.constant 1 : i32
        %add3A_1318 = arith.addi %mul3A_1316, %add3A_1317 : i32
        %swap3A_1319 = arith.constant 0 : i32
        %swap3A_1320 = arith.index_cast %swap3A_1319 : i32 to index
        %swap3A_1321 = arith.index_cast %add3A_1318 : i32 to index
        %swap3A_1322 = arith.constant 160 : index
        %swap3A_1323 = tpu.vector_load %arg7[%swap3A_1320, %swap3A_1321, %swap3A_1322] {strides = array<i32>} : memref<2x32x1024xf32, #tpu.memory_space<vmem>>, vector<1x1x16xf32>,
        %swap3A_1324 = vector.shape_cast %swap3A_1323 : vector<1x1x16xf32> to vector<16xf32>
        %swap3A_1325 = vector.shape_cast %mul3A_1314 : vector<16xf32> to vector<1x1x16xf32>
        tpu.vector_store %arg7[%swap3A_1320, %swap3A_1321, %swap3A_1322], %swap3A_1325 {strides = array<i32>} : memref<2x32x1024xf32, #tpu.memory_space<vmem>>, vector<1x1x16xf32>,
        %get3A_1326 = arith.constant 176 : index
        %get3A_1327 = tpu.vector_load %arg5[%get3A_1326] {strides = array<i32>} : memref<1024xf32, #tpu.memory_space<vmem>>, vector<16xf32>,
        %get3A_1328 = vector.shape_cast %get3A_1327 : vector<16xf32> to vector<16xf32>
        %mul3A_1329 = vector.broadcast %squeeze3A_1277 : f32 to vector<16xf32>
        %mul3A_1330 = arith.mulf %get3A_1328, %mul3A_1329 : vector<16xf32>
        %mul3A_1331 = arith.constant 2 : i32
        %mul3A_1332 = arith.muli %mul3A_1331, %scan3A_98 : i32
        %add3A_1333 = arith.constant 1 : i32
        %add3A_1334 = arith.addi %mul3A_1332, %add3A_1333 : i32
        %swap3A_1335 = arith.constant 0 : i32
        %swap3A_1336 = arith.index_cast %swap3A_1335 : i32 to index
        %swap3A_1337 = arith.index_cast %add3A_1334 : i32 to index
        %swap3A_1338 = arith.constant 176 : index
        %swap3A_1339 = tpu.vector_load %arg7[%swap3A_1336, %swap3A_1337, %swap3A_1338] {strides = array<i32>} : memref<2x32x1024xf32, #tpu.memory_space<vmem>>, vector<1x1x16xf32>,
        %swap3A_1340 = vector.shape_cast %swap3A_1339 : vector<1x1x16xf32> to vector<16xf32>
        %swap3A_1341 = vector.shape_cast %mul3A_1330 : vector<16xf32> to vector<1x1x16xf32>
        tpu.vector_store %arg7[%swap3A_1336, %swap3A_1337, %swap3A_1338], %swap3A_1341 {strides = array<i32>} : memref<2x32x1024xf32, #tpu.memory_space<vmem>>, vector<1x1x16xf32>,
        %get3A_1342 = arith.constant 192 : index
        %get3A_1343 = tpu.vector_load %arg5[%get3A_1342] {strides = array<i32>} : memref<1024xf32, #tpu.memory_space<vmem>>, vector<16xf32>,
        %get3A_1344 = vector.shape_cast %get3A_1343 : vector<16xf32> to vector<16xf32>
        %mul3A_1345 = vector.broadcast %squeeze3A_1277 : f32 to vector<16xf32>
        %mul3A_1346 = arith.mulf %get3A_1344, %mul3A_1345 : vector<16xf32>
        %mul3A_1347 = arith.constant 2 : i32
        %mul3A_1348 = arith.muli %mul3A_1347, %scan3A_98 : i32
        %add3A_1349 = arith.constant 1 : i32
        %add3A_1350 = arith.addi %mul3A_1348, %add3A_1349 : i32
        %swap3A_1351 = arith.constant 0 : i32
        %swap3A_1352 = arith.index_cast %swap3A_1351 : i32 to index
        %swap3A_1353 = arith.index_cast %add3A_1350 : i32 to index
        %swap3A_1354 = arith.constant 192 : index
        %swap3A_1355 = tpu.vector_load %arg7[%swap3A_1352, %swap3A_1353, %swap3A_1354] {strides = array<i32>} : memref<2x32x1024xf32, #tpu.memory_space<vmem>>, vector<1x1x16xf32>,
        %swap3A_1356 = vector.shape_cast %swap3A_1355 : vector<1x1x16xf32> to vector<16xf32>
        %swap3A_1357 = vector.shape_cast %mul3A_1346 : vector<16xf32> to vector<1x1x16xf32>
        tpu.vector_store %arg7[%swap3A_1352, %swap3A_1353, %swap3A_1354], %swap3A_1357 {strides = array<i32>} : memref<2x32x1024xf32, #tpu.memory_space<vmem>>, vector<1x1x16xf32>,
        %get3A_1358 = arith.constant 208 : index
        %get3A_1359 = tpu.vector_load %arg5[%get3A_1358] {strides = array<i32>} : memref<1024xf32, #tpu.memory_space<vmem>>, vector<16xf32>,
        %get3A_1360 = vector.shape_cast %get3A_1359 : vector<16xf32> to vector<16xf32>
        %mul3A_1361 = vector.broadcast %squeeze3A_1277 : f32 to vector<16xf32>
        %mul3A_1362 = arith.mulf %get3A_1360, %mul3A_1361 : vector<16xf32>
        %mul3A_1363 = arith.constant 2 : i32
        %mul3A_1364 = arith.muli %mul3A_1363, %scan3A_98 : i32
        %add3A_1365 = arith.constant 1 : i32
        %add3A_1366 = arith.addi %mul3A_1364, %add3A_1365 : i32
        %swap3A_1367 = arith.constant 0 : i32
        %swap3A_1368 = arith.index_cast %swap3A_1367 : i32 to index
        %swap3A_1369 = arith.index_cast %add3A_1366 : i32 to index
        %swap3A_1370 = arith.constant 208 : index
        %swap3A_1371 = tpu.vector_load %arg7[%swap3A_1368, %swap3A_1369, %swap3A_1370] {strides = array<i32>} : memref<2x32x1024xf32, #tpu.memory_space<vmem>>, vector<1x1x16xf32>,
        %swap3A_1372 = vector.shape_cast %swap3A_1371 : vector<1x1x16xf32> to vector<16xf32>
        %swap3A_1373 = vector.shape_cast %mul3A_1362 : vector<16xf32> to vector<1x1x16xf32>
        tpu.vector_store %arg7[%swap3A_1368, %swap3A_1369, %swap3A_1370], %swap3A_1373 {strides = array<i32>} : memref<2x32x1024xf32, #tpu.memory_space<vmem>>, vector<1x1x16xf32>,
        %get3A_1374 = arith.constant 224 : index
        %get3A_1375 = tpu.vector_load %arg5[%get3A_1374] {strides = array<i32>} : memref<1024xf32, #tpu.memory_space<vmem>>, vector<16xf32>,
        %get3A_1376 = vector.shape_cast %get3A_1375 : vector<16xf32> to vector<16xf32>
        %mul3A_1377 = vector.broadcast %squeeze3A_1277 : f32 to vector<16xf32>
        %mul3A_1378 = arith.mulf %get3A_1376, %mul3A_1377 : vector<16xf32>
        %mul3A_1379 = arith.constant 2 : i32
        %mul3A_1380 = arith.muli %mul3A_1379, %scan3A_98 : i32
        %add3A_1381 = arith.constant 1 : i32
        %add3A_1382 = arith.addi %mul3A_1380, %add3A_1381 : i32
        %swap3A_1383 = arith.constant 0 : i32
        %swap3A_1384 = arith.index_cast %swap3A_1383 : i32 to index
        %swap3A_1385 = arith.index_cast %add3A_1382 : i32 to index
        %swap3A_1386 = arith.constant 224 : index
        %swap3A_1387 = tpu.vector_load %arg7[%swap3A_1384, %swap3A_1385, %swap3A_1386] {strides = array<i32>} : memref<2x32x1024xf32, #tpu.memory_space<vmem>>, vector<1x1x16xf32>,
        %swap3A_1388 = vector.shape_cast %swap3A_1387 : vector<1x1x16xf32> to vector<16xf32>
        %swap3A_1389 = vector.shape_cast %mul3A_1378 : vector<16xf32> to vector<1x1x16xf32>
        tpu.vector_store %arg7[%swap3A_1384, %swap3A_1385, %swap3A_1386], %swap3A_1389 {strides = array<i32>} : memref<2x32x1024xf32, #tpu.memory_space<vmem>>, vector<1x1x16xf32>,
        %get3A_1390 = arith.constant 240 : index
        %get3A_1391 = tpu.vector_load %arg5[%get3A_1390] {strides = array<i32>} : memref<1024xf32, #tpu.memory_space<vmem>>, vector<16xf32>,
        %get3A_1392 = vector.shape_cast %get3A_1391 : vector<16xf32> to vector<16xf32>
        %mul3A_1393 = vector.broadcast %squeeze3A_1277 : f32 to vector<16xf32>
        %mul3A_1394 = arith.mulf %get3A_1392, %mul3A_1393 : vector<16xf32>
        %mul3A_1395 = arith.constant 2 : i32
        %mul3A_1396 = arith.muli %mul3A_1395, %scan3A_98 : i32
        %add3A_1397 = arith.constant 1 : i32
        %add3A_1398 = arith.addi %mul3A_1396, %add3A_1397 : i32
        %swap3A_1399 = arith.constant 0 : i32
        %swap3A_1400 = arith.index_cast %swap3A_1399 : i32 to index
        %swap3A_1401 = arith.index_cast %add3A_1398 : i32 to index
        %swap3A_1402 = arith.constant 240 : index
        %swap3A_1403 = tpu.vector_load %arg7[%swap3A_1400, %swap3A_1401, %swap3A_1402] {strides = array<i32>} : memref<2x32x1024xf32, #tpu.memory_space<vmem>>, vector<1x1x16xf32>,
        %swap3A_1404 = vector.shape_cast %swap3A_1403 : vector<1x1x16xf32> to vector<16xf32>
        %swap3A_1405 = vector.shape_cast %mul3A_1394 : vector<16xf32> to vector<1x1x16xf32>
        tpu.vector_store %arg7[%swap3A_1400, %swap3A_1401, %swap3A_1402], %swap3A_1405 {strides = array<i32>} : memref<2x32x1024xf32, #tpu.memory_space<vmem>>, vector<1x1x16xf32>,
        %slice3A_1406 = vector.extract_strided_slice %convert_element_type3A_108 {offsets = [10], sizes = [1], strides = [1]} : vector<16xf32> to vector<1xf32>
        %squeeze3A_1407 = vector.extract %slice3A_1406[0] : f32 from vector<1xf32>
        %get3A_1408 = arith.constant 256 : index
        %get3A_1409 = tpu.vector_load %arg5[%get3A_1408] {strides = array<i32>} : memref<1024xf32, #tpu.memory_space<vmem>>, vector<16xf32>,
        %get3A_1410 = vector.shape_cast %get3A_1409 : vector<16xf32> to vector<16xf32>
        %mul3A_1411 = vector.broadcast %squeeze3A_1407 : f32 to vector<16xf32>
        %mul3A_1412 = arith.mulf %get3A_1410, %mul3A_1411 : vector<16xf32>
        %mul3A_1413 = arith.constant 2 : i32
        %mul3A_1414 = arith.muli %mul3A_1413, %scan3A_98 : i32
        %add3A_1415 = arith.constant 1 : i32
        %add3A_1416 = arith.addi %mul3A_1414, %add3A_1415 : i32
        %swap3A_1417 = arith.constant 0 : i32
        %swap3A_1418 = arith.index_cast %swap3A_1417 : i32 to index
        %swap3A_1419 = arith.index_cast %add3A_1416 : i32 to index
        %swap3A_1420 = arith.constant 256 : index
        %swap3A_1421 = tpu.vector_load %arg7[%swap3A_1418, %swap3A_1419, %swap3A_1420] {strides = array<i32>} : memref<2x32x1024xf32, #tpu.memory_space<vmem>>, vector<1x1x16xf32>,
        %swap3A_1422 = vector.shape_cast %swap3A_1421 : vector<1x1x16xf32> to vector<16xf32>
        %swap3A_1423 = vector.shape_cast %mul3A_1412 : vector<16xf32> to vector<1x1x16xf32>
        tpu.vector_store %arg7[%swap3A_1418, %swap3A_1419, %swap3A_1420], %swap3A_1423 {strides = array<i32>} : memref<2x32x1024xf32, #tpu.memory_space<vmem>>, vector<1x1x16xf32>,
        %get3A_1424 = arith.constant 272 : index
        %get3A_1425 = tpu.vector_load %arg5[%get3A_1424] {strides = array<i32>} : memref<1024xf32, #tpu.memory_space<vmem>>, vector<16xf32>,
        %get3A_1426 = vector.shape_cast %get3A_1425 : vector<16xf32> to vector<16xf32>
        %mul3A_1427 = vector.broadcast %squeeze3A_1407 : f32 to vector<16xf32>
        %mul3A_1428 = arith.mulf %get3A_1426, %mul3A_1427 : vector<16xf32>
        %mul3A_1429 = arith.constant 2 : i32
        %mul3A_1430 = arith.muli %mul3A_1429, %scan3A_98 : i32
        %add3A_1431 = arith.constant 1 : i32
        %add3A_1432 = arith.addi %mul3A_1430, %add3A_1431 : i32
        %swap3A_1433 = arith.constant 0 : i32
        %swap3A_1434 = arith.index_cast %swap3A_1433 : i32 to index
        %swap3A_1435 = arith.index_cast %add3A_1432 : i32 to index
        %swap3A_1436 = arith.constant 272 : index
        %swap3A_1437 = tpu.vector_load %arg7[%swap3A_1434, %swap3A_1435, %swap3A_1436] {strides = array<i32>} : memref<2x32x1024xf32, #tpu.memory_space<vmem>>, vector<1x1x16xf32>,
        %swap3A_1438 = vector.shape_cast %swap3A_1437 : vector<1x1x16xf32> to vector<16xf32>
        %swap3A_1439 = vector.shape_cast %mul3A_1428 : vector<16xf32> to vector<1x1x16xf32>
        tpu.vector_store %arg7[%swap3A_1434, %swap3A_1435, %swap3A_1436], %swap3A_1439 {strides = array<i32>} : memref<2x32x1024xf32, #tpu.memory_space<vmem>>, vector<1x1x16xf32>,
        %get3A_1440 = arith.constant 288 : index
        %get3A_1441 = tpu.vector_load %arg5[%get3A_1440] {strides = array<i32>} : memref<1024xf32, #tpu.memory_space<vmem>>, vector<16xf32>,
        %get3A_1442 = vector.shape_cast %get3A_1441 : vector<16xf32> to vector<16xf32>
        %mul3A_1443 = vector.broadcast %squeeze3A_1407 : f32 to vector<16xf32>
        %mul3A_1444 = arith.mulf %get3A_1442, %mul3A_1443 : vector<16xf32>
        %mul3A_1445 = arith.constant 2 : i32
        %mul3A_1446 = arith.muli %mul3A_1445, %scan3A_98 : i32
        %add3A_1447 = arith.constant 1 : i32
        %add3A_1448 = arith.addi %mul3A_1446, %add3A_1447 : i32
        %swap3A_1449 = arith.constant 0 : i32
        %swap3A_1450 = arith.index_cast %swap3A_1449 : i32 to index
        %swap3A_1451 = arith.index_cast %add3A_1448 : i32 to index
        %swap3A_1452 = arith.constant 288 : index
        %swap3A_1453 = tpu.vector_load %arg7[%swap3A_1450, %swap3A_1451, %swap3A_1452] {strides = array<i32>} : memref<2x32x1024xf32, #tpu.memory_space<vmem>>, vector<1x1x16xf32>,
        %swap3A_1454 = vector.shape_cast %swap3A_1453 : vector<1x1x16xf32> to vector<16xf32>
        %swap3A_1455 = vector.shape_cast %mul3A_1444 : vector<16xf32> to vector<1x1x16xf32>
        tpu.vector_store %arg7[%swap3A_1450, %swap3A_1451, %swap3A_1452], %swap3A_1455 {strides = array<i32>} : memref<2x32x1024xf32, #tpu.memory_space<vmem>>, vector<1x1x16xf32>,
        %get3A_1456 = arith.constant 304 : index
        %get3A_1457 = tpu.vector_load %arg5[%get3A_1456] {strides = array<i32>} : memref<1024xf32, #tpu.memory_space<vmem>>, vector<16xf32>,
        %get3A_1458 = vector.shape_cast %get3A_1457 : vector<16xf32> to vector<16xf32>
        %mul3A_1459 = vector.broadcast %squeeze3A_1407 : f32 to vector<16xf32>
        %mul3A_1460 = arith.mulf %get3A_1458, %mul3A_1459 : vector<16xf32>
        %mul3A_1461 = arith.constant 2 : i32
        %mul3A_1462 = arith.muli %mul3A_1461, %scan3A_98 : i32
        %add3A_1463 = arith.constant 1 : i32
        %add3A_1464 = arith.addi %mul3A_1462, %add3A_1463 : i32
        %swap3A_1465 = arith.constant 0 : i32
        %swap3A_1466 = arith.index_cast %swap3A_1465 : i32 to index
        %swap3A_1467 = arith.index_cast %add3A_1464 : i32 to index
        %swap3A_1468 = arith.constant 304 : index
        %swap3A_1469 = tpu.vector_load %arg7[%swap3A_1466, %swap3A_1467, %swap3A_1468] {strides = array<i32>} : memref<2x32x1024xf32, #tpu.memory_space<vmem>>, vector<1x1x16xf32>,
        %swap3A_1470 = vector.shape_cast %swap3A_1469 : vector<1x1x16xf32> to vector<16xf32>
        %swap3A_1471 = vector.shape_cast %mul3A_1460 : vector<16xf32> to vector<1x1x16xf32>
        tpu.vector_store %arg7[%swap3A_1466, %swap3A_1467, %swap3A_1468], %swap3A_1471 {strides = array<i32>} : memref<2x32x1024xf32, #tpu.memory_space<vmem>>, vector<1x1x16xf32>,
        %get3A_1472 = arith.constant 320 : index
        %get3A_1473 = tpu.vector_load %arg5[%get3A_1472] {strides = array<i32>} : memref<1024xf32, #tpu.memory_space<vmem>>, vector<16xf32>,
        %get3A_1474 = vector.shape_cast %get3A_1473 : vector<16xf32> to vector<16xf32>
        %mul3A_1475 = vector.broadcast %squeeze3A_1407 : f32 to vector<16xf32>
        %mul3A_1476 = arith.mulf %get3A_1474, %mul3A_1475 : vector<16xf32>
        %mul3A_1477 = arith.constant 2 : i32
        %mul3A_1478 = arith.muli %mul3A_1477, %scan3A_98 : i32
        %add3A_1479 = arith.constant 1 : i32
        %add3A_1480 = arith.addi %mul3A_1478, %add3A_1479 : i32
        %swap3A_1481 = arith.constant 0 : i32
        %swap3A_1482 = arith.index_cast %swap3A_1481 : i32 to index
        %swap3A_1483 = arith.index_cast %add3A_1480 : i32 to index
        %swap3A_1484 = arith.constant 320 : index
        %swap3A_1485 = tpu.vector_load %arg7[%swap3A_1482, %swap3A_1483, %swap3A_1484] {strides = array<i32>} : memref<2x32x1024xf32, #tpu.memory_space<vmem>>, vector<1x1x16xf32>,
        %swap3A_1486 = vector.shape_cast %swap3A_1485 : vector<1x1x16xf32> to vector<16xf32>
        %swap3A_1487 = vector.shape_cast %mul3A_1476 : vector<16xf32> to vector<1x1x16xf32>
        tpu.vector_store %arg7[%swap3A_1482, %swap3A_1483, %swap3A_1484], %swap3A_1487 {strides = array<i32>} : memref<2x32x1024xf32, #tpu.memory_space<vmem>>, vector<1x1x16xf32>,
        %get3A_1488 = arith.constant 336 : index
        %get3A_1489 = tpu.vector_load %arg5[%get3A_1488] {strides = array<i32>} : memref<1024xf32, #tpu.memory_space<vmem>>, vector<16xf32>,
        %get3A_1490 = vector.shape_cast %get3A_1489 : vector<16xf32> to vector<16xf32>
        %mul3A_1491 = vector.broadcast %squeeze3A_1407 : f32 to vector<16xf32>
        %mul3A_1492 = arith.mulf %get3A_1490, %mul3A_1491 : vector<16xf32>
        %mul3A_1493 = arith.constant 2 : i32
        %mul3A_1494 = arith.muli %mul3A_1493, %scan3A_98 : i32
        %add3A_1495 = arith.constant 1 : i32
        %add3A_1496 = arith.addi %mul3A_1494, %add3A_1495 : i32
        %swap3A_1497 = arith.constant 0 : i32
        %swap3A_1498 = arith.index_cast %swap3A_1497 : i32 to index
        %swap3A_1499 = arith.index_cast %add3A_1496 : i32 to index
        %swap3A_1500 = arith.constant 336 : index
        %swap3A_1501 = tpu.vector_load %arg7[%swap3A_1498, %swap3A_1499, %swap3A_1500] {strides = array<i32>} : memref<2x32x1024xf32, #tpu.memory_space<vmem>>, vector<1x1x16xf32>,
        %swap3A_1502 = vector.shape_cast %swap3A_1501 : vector<1x1x16xf32> to vector<16xf32>
        %swap3A_1503 = vector.shape_cast %mul3A_1492 : vector<16xf32> to vector<1x1x16xf32>
        tpu.vector_store %arg7[%swap3A_1498, %swap3A_1499, %swap3A_1500], %swap3A_1503 {strides = array<i32>} : memref<2x32x1024xf32, #tpu.memory_space<vmem>>, vector<1x1x16xf32>,
        %get3A_1504 = arith.constant 352 : index
        %get3A_1505 = tpu.vector_load %arg5[%get3A_1504] {strides = array<i32>} : memref<1024xf32, #tpu.memory_space<vmem>>, vector<16xf32>,
        %get3A_1506 = vector.shape_cast %get3A_1505 : vector<16xf32> to vector<16xf32>
        %mul3A_1507 = vector.broadcast %squeeze3A_1407 : f32 to vector<16xf32>
        %mul3A_1508 = arith.mulf %get3A_1506, %mul3A_1507 : vector<16xf32>
        %mul3A_1509 = arith.constant 2 : i32
        %mul3A_1510 = arith.muli %mul3A_1509, %scan3A_98 : i32
        %add3A_1511 = arith.constant 1 : i32
        %add3A_1512 = arith.addi %mul3A_1510, %add3A_1511 : i32
        %swap3A_1513 = arith.constant 0 : i32
        %swap3A_1514 = arith.index_cast %swap3A_1513 : i32 to index
        %swap3A_1515 = arith.index_cast %add3A_1512 : i32 to index
        %swap3A_1516 = arith.constant 352 : index
        %swap3A_1517 = tpu.vector_load %arg7[%swap3A_1514, %swap3A_1515, %swap3A_1516] {strides = array<i32>} : memref<2x32x1024xf32, #tpu.memory_space<vmem>>, vector<1x1x16xf32>,
        %swap3A_1518 = vector.shape_cast %swap3A_1517 : vector<1x1x16xf32> to vector<16xf32>
        %swap3A_1519 = vector.shape_cast %mul3A_1508 : vector<16xf32> to vector<1x1x16xf32>
        tpu.vector_store %arg7[%swap3A_1514, %swap3A_1515, %swap3A_1516], %swap3A_1519 {strides = array<i32>} : memref<2x32x1024xf32, #tpu.memory_space<vmem>>, vector<1x1x16xf32>,
        %get3A_1520 = arith.constant 368 : index
        %get3A_1521 = tpu.vector_load %arg5[%get3A_1520] {strides = array<i32>} : memref<1024xf32, #tpu.memory_space<vmem>>, vector<16xf32>,
        %get3A_1522 = vector.shape_cast %get3A_1521 : vector<16xf32> to vector<16xf32>
        %mul3A_1523 = vector.broadcast %squeeze3A_1407 : f32 to vector<16xf32>
        %mul3A_1524 = arith.mulf %get3A_1522, %mul3A_1523 : vector<16xf32>
        %mul3A_1525 = arith.constant 2 : i32
        %mul3A_1526 = arith.muli %mul3A_1525, %scan3A_98 : i32
        %add3A_1527 = arith.constant 1 : i32
        %add3A_1528 = arith.addi %mul3A_1526, %add3A_1527 : i32
        %swap3A_1529 = arith.constant 0 : i32
        %swap3A_1530 = arith.index_cast %swap3A_1529 : i32 to index
        %swap3A_1531 = arith.index_cast %add3A_1528 : i32 to index
        %swap3A_1532 = arith.constant 368 : index
        %swap3A_1533 = tpu.vector_load %arg7[%swap3A_1530, %swap3A_1531, %swap3A_1532] {strides = array<i32>} : memref<2x32x1024xf32, #tpu.memory_space<vmem>>, vector<1x1x16xf32>,
        %swap3A_1534 = vector.shape_cast %swap3A_1533 : vector<1x1x16xf32> to vector<16xf32>
        %swap3A_1535 = vector.shape_cast %mul3A_1524 : vector<16xf32> to vector<1x1x16xf32>
        tpu.vector_store %arg7[%swap3A_1530, %swap3A_1531, %swap3A_1532], %swap3A_1535 {strides = array<i32>} : memref<2x32x1024xf32, #tpu.memory_space<vmem>>, vector<1x1x16xf32>,
        %slice3A_1536 = vector.extract_strided_slice %convert_element_type3A_108 {offsets = [11], sizes = [1], strides = [1]} : vector<16xf32> to vector<1xf32>
        %squeeze3A_1537 = vector.extract %slice3A_1536[0] : f32 from vector<1xf32>
        %get3A_1538 = arith.constant 384 : index
        %get3A_1539 = tpu.vector_load %arg5[%get3A_1538] {strides = array<i32>} : memref<1024xf32, #tpu.memory_space<vmem>>, vector<16xf32>,
        %get3A_1540 = vector.shape_cast %get3A_1539 : vector<16xf32> to vector<16xf32>
        %mul3A_1541 = vector.broadcast %squeeze3A_1537 : f32 to vector<16xf32>
        %mul3A_1542 = arith.mulf %get3A_1540, %mul3A_1541 : vector<16xf32>
        %mul3A_1543 = arith.constant 2 : i32
        %mul3A_1544 = arith.muli %mul3A_1543, %scan3A_98 : i32
        %add3A_1545 = arith.constant 1 : i32
        %add3A_1546 = arith.addi %mul3A_1544, %add3A_1545 : i32
        %swap3A_1547 = arith.constant 0 : i32
        %swap3A_1548 = arith.index_cast %swap3A_1547 : i32 to index
        %swap3A_1549 = arith.index_cast %add3A_1546 : i32 to index
        %swap3A_1550 = arith.constant 384 : index
        %swap3A_1551 = tpu.vector_load %arg7[%swap3A_1548, %swap3A_1549, %swap3A_1550] {strides = array<i32>} : memref<2x32x1024xf32, #tpu.memory_space<vmem>>, vector<1x1x16xf32>,
        %swap3A_1552 = vector.shape_cast %swap3A_1551 : vector<1x1x16xf32> to vector<16xf32>
        %swap3A_1553 = vector.shape_cast %mul3A_1542 : vector<16xf32> to vector<1x1x16xf32>
        tpu.vector_store %arg7[%swap3A_1548, %swap3A_1549, %swap3A_1550], %swap3A_1553 {strides = array<i32>} : memref<2x32x1024xf32, #tpu.memory_space<vmem>>, vector<1x1x16xf32>,
        %get3A_1554 = arith.constant 400 : index
        %get3A_1555 = tpu.vector_load %arg5[%get3A_1554] {strides = array<i32>} : memref<1024xf32, #tpu.memory_space<vmem>>, vector<16xf32>,
        %get3A_1556 = vector.shape_cast %get3A_1555 : vector<16xf32> to vector<16xf32>
        %mul3A_1557 = vector.broadcast %squeeze3A_1537 : f32 to vector<16xf32>
        %mul3A_1558 = arith.mulf %get3A_1556, %mul3A_1557 : vector<16xf32>
        %mul3A_1559 = arith.constant 2 : i32
        %mul3A_1560 = arith.muli %mul3A_1559, %scan3A_98 : i32
        %add3A_1561 = arith.constant 1 : i32
        %add3A_1562 = arith.addi %mul3A_1560, %add3A_1561 : i32
        %swap3A_1563 = arith.constant 0 : i32
        %swap3A_1564 = arith.index_cast %swap3A_1563 : i32 to index
        %swap3A_1565 = arith.index_cast %add3A_1562 : i32 to index
        %swap3A_1566 = arith.constant 400 : index
        %swap3A_1567 = tpu.vector_load %arg7[%swap3A_1564, %swap3A_1565, %swap3A_1566] {strides = array<i32>} : memref<2x32x1024xf32, #tpu.memory_space<vmem>>, vector<1x1x16xf32>,
        %swap3A_1568 = vector.shape_cast %swap3A_1567 : vector<1x1x16xf32> to vector<16xf32>
        %swap3A_1569 = vector.shape_cast %mul3A_1558 : vector<16xf32> to vector<1x1x16xf32>
        tpu.vector_store %arg7[%swap3A_1564, %swap3A_1565, %swap3A_1566], %swap3A_1569 {strides = array<i32>} : memref<2x32x1024xf32, #tpu.memory_space<vmem>>, vector<1x1x16xf32>,
        %get3A_1570 = arith.constant 416 : index
        %get3A_1571 = tpu.vector_load %arg5[%get3A_1570] {strides = array<i32>} : memref<1024xf32, #tpu.memory_space<vmem>>, vector<16xf32>,
        %get3A_1572 = vector.shape_cast %get3A_1571 : vector<16xf32> to vector<16xf32>
        %mul3A_1573 = vector.broadcast %squeeze3A_1537 : f32 to vector<16xf32>
        %mul3A_1574 = arith.mulf %get3A_1572, %mul3A_1573 : vector<16xf32>
        %mul3A_1575 = arith.constant 2 : i32
        %mul3A_1576 = arith.muli %mul3A_1575, %scan3A_98 : i32
        %add3A_1577 = arith.constant 1 : i32
        %add3A_1578 = arith.addi %mul3A_1576, %add3A_1577 : i32
        %swap3A_1579 = arith.constant 0 : i32
        %swap3A_1580 = arith.index_cast %swap3A_1579 : i32 to index
        %swap3A_1581 = arith.index_cast %add3A_1578 : i32 to index
        %swap3A_1582 = arith.constant 416 : index
        %swap3A_1583 = tpu.vector_load %arg7[%swap3A_1580, %swap3A_1581, %swap3A_1582] {strides = array<i32>} : memref<2x32x1024xf32, #tpu.memory_space<vmem>>, vector<1x1x16xf32>,
        %swap3A_1584 = vector.shape_cast %swap3A_1583 : vector<1x1x16xf32> to vector<16xf32>
        %swap3A_1585 = vector.shape_cast %mul3A_1574 : vector<16xf32> to vector<1x1x16xf32>
        tpu.vector_store %arg7[%swap3A_1580, %swap3A_1581, %swap3A_1582], %swap3A_1585 {strides = array<i32>} : memref<2x32x1024xf32, #tpu.memory_space<vmem>>, vector<1x1x16xf32>,
        %get3A_1586 = arith.constant 432 : index
        %get3A_1587 = tpu.vector_load %arg5[%get3A_1586] {strides = array<i32>} : memref<1024xf32, #tpu.memory_space<vmem>>, vector<16xf32>,
        %get3A_1588 = vector.shape_cast %get3A_1587 : vector<16xf32> to vector<16xf32>
        %mul3A_1589 = vector.broadcast %squeeze3A_1537 : f32 to vector<16xf32>
        %mul3A_1590 = arith.mulf %get3A_1588, %mul3A_1589 : vector<16xf32>
        %mul3A_1591 = arith.constant 2 : i32
        %mul3A_1592 = arith.muli %mul3A_1591, %scan3A_98 : i32
        %add3A_1593 = arith.constant 1 : i32
        %add3A_1594 = arith.addi %mul3A_1592, %add3A_1593 : i32
        %swap3A_1595 = arith.constant 0 : i32
        %swap3A_1596 = arith.index_cast %swap3A_1595 : i32 to index
        %swap3A_1597 = arith.index_cast %add3A_1594 : i32 to index
        %swap3A_1598 = arith.constant 432 : index
        %swap3A_1599 = tpu.vector_load %arg7[%swap3A_1596, %swap3A_1597, %swap3A_1598] {strides = array<i32>} : memref<2x32x1024xf32, #tpu.memory_space<vmem>>, vector<1x1x16xf32>,
        %swap3A_1600 = vector.shape_cast %swap3A_1599 : vector<1x1x16xf32> to vector<16xf32>
        %swap3A_1601 = vector.shape_cast %mul3A_1590 : vector<16xf32> to vector<1x1x16xf32>
        tpu.vector_store %arg7[%swap3A_1596, %swap3A_1597, %swap3A_1598], %swap3A_1601 {strides = array<i32>} : memref<2x32x1024xf32, #tpu.memory_space<vmem>>, vector<1x1x16xf32>,
        %get3A_1602 = arith.constant 448 : index
        %get3A_1603 = tpu.vector_load %arg5[%get3A_1602] {strides = array<i32>} : memref<1024xf32, #tpu.memory_space<vmem>>, vector<16xf32>,
        %get3A_1604 = vector.shape_cast %get3A_1603 : vector<16xf32> to vector<16xf32>
        %mul3A_1605 = vector.broadcast %squeeze3A_1537 : f32 to vector<16xf32>
        %mul3A_1606 = arith.mulf %get3A_1604, %mul3A_1605 : vector<16xf32>
        %mul3A_1607 = arith.constant 2 : i32
        %mul3A_1608 = arith.muli %mul3A_1607, %scan3A_98 : i32
        %add3A_1609 = arith.constant 1 : i32
        %add3A_1610 = arith.addi %mul3A_1608, %add3A_1609 : i32
        %swap3A_1611 = arith.constant 0 : i32
        %swap3A_1612 = arith.index_cast %swap3A_1611 : i32 to index
        %swap3A_1613 = arith.index_cast %add3A_1610 : i32 to index
        %swap3A_1614 = arith.constant 448 : index
        %swap3A_1615 = tpu.vector_load %arg7[%swap3A_1612, %swap3A_1613, %swap3A_1614] {strides = array<i32>} : memref<2x32x1024xf32, #tpu.memory_space<vmem>>, vector<1x1x16xf32>,
        %swap3A_1616 = vector.shape_cast %swap3A_1615 : vector<1x1x16xf32> to vector<16xf32>
        %swap3A_1617 = vector.shape_cast %mul3A_1606 : vector<16xf32> to vector<1x1x16xf32>
        tpu.vector_store %arg7[%swap3A_1612, %swap3A_1613, %swap3A_1614], %swap3A_1617 {strides = array<i32>} : memref<2x32x1024xf32, #tpu.memory_space<vmem>>, vector<1x1x16xf32>,
        %get3A_1618 = arith.constant 464 : index
        %get3A_1619 = tpu.vector_load %arg5[%get3A_1618] {strides = array<i32>} : memref<1024xf32, #tpu.memory_space<vmem>>, vector<16xf32>,
        %get3A_1620 = vector.shape_cast %get3A_1619 : vector<16xf32> to vector<16xf32>
        %mul3A_1621 = vector.broadcast %squeeze3A_1537 : f32 to vector<16xf32>
        %mul3A_1622 = arith.mulf %get3A_1620, %mul3A_1621 : vector<16xf32>
        %mul3A_1623 = arith.constant 2 : i32
        %mul3A_1624 = arith.muli %mul3A_1623, %scan3A_98 : i32
        %add3A_1625 = arith.constant 1 : i32
        %add3A_1626 = arith.addi %mul3A_1624, %add3A_1625 : i32
        %swap3A_1627 = arith.constant 0 : i32
        %swap3A_1628 = arith.index_cast %swap3A_1627 : i32 to index
        %swap3A_1629 = arith.index_cast %add3A_1626 : i32 to index
        %swap3A_1630 = arith.constant 464 : index
        %swap3A_1631 = tpu.vector_load %arg7[%swap3A_1628, %swap3A_1629, %swap3A_1630] {strides = array<i32>} : memref<2x32x1024xf32, #tpu.memory_space<vmem>>, vector<1x1x16xf32>,
        %swap3A_1632 = vector.shape_cast %swap3A_1631 : vector<1x1x16xf32> to vector<16xf32>
        %swap3A_1633 = vector.shape_cast %mul3A_1622 : vector<16xf32> to vector<1x1x16xf32>
        tpu.vector_store %arg7[%swap3A_1628, %swap3A_1629, %swap3A_1630], %swap3A_1633 {strides = array<i32>} : memref<2x32x1024xf32, #tpu.memory_space<vmem>>, vector<1x1x16xf32>,
        %get3A_1634 = arith.constant 480 : index
        %get3A_1635 = tpu.vector_load %arg5[%get3A_1634] {strides = array<i32>} : memref<1024xf32, #tpu.memory_space<vmem>>, vector<16xf32>,
        %get3A_1636 = vector.shape_cast %get3A_1635 : vector<16xf32> to vector<16xf32>
        %mul3A_1637 = vector.broadcast %squeeze3A_1537 : f32 to vector<16xf32>
        %mul3A_1638 = arith.mulf %get3A_1636, %mul3A_1637 : vector<16xf32>
        %mul3A_1639 = arith.constant 2 : i32
        %mul3A_1640 = arith.muli %mul3A_1639, %scan3A_98 : i32
        %add3A_1641 = arith.constant 1 : i32
        %add3A_1642 = arith.addi %mul3A_1640, %add3A_1641 : i32
        %swap3A_1643 = arith.constant 0 : i32
        %swap3A_1644 = arith.index_cast %swap3A_1643 : i32 to index
        %swap3A_1645 = arith.index_cast %add3A_1642 : i32 to index
        %swap3A_1646 = arith.constant 480 : index
        %swap3A_1647 = tpu.vector_load %arg7[%swap3A_1644, %swap3A_1645, %swap3A_1646] {strides = array<i32>} : memref<2x32x1024xf32, #tpu.memory_space<vmem>>, vector<1x1x16xf32>,
        %swap3A_1648 = vector.shape_cast %swap3A_1647 : vector<1x1x16xf32> to vector<16xf32>
        %swap3A_1649 = vector.shape_cast %mul3A_1638 : vector<16xf32> to vector<1x1x16xf32>
        tpu.vector_store %arg7[%swap3A_1644, %swap3A_1645, %swap3A_1646], %swap3A_1649 {strides = array<i32>} : memref<2x32x1024xf32, #tpu.memory_space<vmem>>, vector<1x1x16xf32>,
        %get3A_1650 = arith.constant 496 : index
        %get3A_1651 = tpu.vector_load %arg5[%get3A_1650] {strides = array<i32>} : memref<1024xf32, #tpu.memory_space<vmem>>, vector<16xf32>,
        %get3A_1652 = vector.shape_cast %get3A_1651 : vector<16xf32> to vector<16xf32>
        %mul3A_1653 = vector.broadcast %squeeze3A_1537 : f32 to vector<16xf32>
        %mul3A_1654 = arith.mulf %get3A_1652, %mul3A_1653 : vector<16xf32>
        %mul3A_1655 = arith.constant 2 : i32
        %mul3A_1656 = arith.muli %mul3A_1655, %scan3A_98 : i32
        %add3A_1657 = arith.constant 1 : i32
        %add3A_1658 = arith.addi %mul3A_1656, %add3A_1657 : i32
        %swap3A_1659 = arith.constant 0 : i32
        %swap3A_1660 = arith.index_cast %swap3A_1659 : i32 to index
        %swap3A_1661 = arith.index_cast %add3A_1658 : i32 to index
        %swap3A_1662 = arith.constant 496 : index
        %swap3A_1663 = tpu.vector_load %arg7[%swap3A_1660, %swap3A_1661, %swap3A_1662] {strides = array<i32>} : memref<2x32x1024xf32, #tpu.memory_space<vmem>>, vector<1x1x16xf32>,
        %swap3A_1664 = vector.shape_cast %swap3A_1663 : vector<1x1x16xf32> to vector<16xf32>
        %swap3A_1665 = vector.shape_cast %mul3A_1654 : vector<16xf32> to vector<1x1x16xf32>
        tpu.vector_store %arg7[%swap3A_1660, %swap3A_1661, %swap3A_1662], %swap3A_1665 {strides = array<i32>} : memref<2x32x1024xf32, #tpu.memory_space<vmem>>, vector<1x1x16xf32>,
        %slice3A_1666 = vector.extract_strided_slice %convert_element_type3A_108 {offsets = [12], sizes = [1], strides = [1]} : vector<16xf32> to vector<1xf32>
        %squeeze3A_1667 = vector.extract %slice3A_1666[0] : f32 from vector<1xf32>
        %get3A_1668 = arith.constant 512 : index
        %get3A_1669 = tpu.vector_load %arg5[%get3A_1668] {strides = array<i32>} : memref<1024xf32, #tpu.memory_space<vmem>>, vector<16xf32>,
        %get3A_1670 = vector.shape_cast %get3A_1669 : vector<16xf32> to vector<16xf32>
        %mul3A_1671 = vector.broadcast %squeeze3A_1667 : f32 to vector<16xf32>
        %mul3A_1672 = arith.mulf %get3A_1670, %mul3A_1671 : vector<16xf32>
        %mul3A_1673 = arith.constant 2 : i32
        %mul3A_1674 = arith.muli %mul3A_1673, %scan3A_98 : i32
        %add3A_1675 = arith.constant 1 : i32
        %add3A_1676 = arith.addi %mul3A_1674, %add3A_1675 : i32
        %swap3A_1677 = arith.constant 0 : i32
        %swap3A_1678 = arith.index_cast %swap3A_1677 : i32 to index
        %swap3A_1679 = arith.index_cast %add3A_1676 : i32 to index
        %swap3A_1680 = arith.constant 512 : index
        %swap3A_1681 = tpu.vector_load %arg7[%swap3A_1678, %swap3A_1679, %swap3A_1680] {strides = array<i32>} : memref<2x32x1024xf32, #tpu.memory_space<vmem>>, vector<1x1x16xf32>,
        %swap3A_1682 = vector.shape_cast %swap3A_1681 : vector<1x1x16xf32> to vector<16xf32>
        %swap3A_1683 = vector.shape_cast %mul3A_1672 : vector<16xf32> to vector<1x1x16xf32>
        tpu.vector_store %arg7[%swap3A_1678, %swap3A_1679, %swap3A_1680], %swap3A_1683 {strides = array<i32>} : memref<2x32x1024xf32, #tpu.memory_space<vmem>>, vector<1x1x16xf32>,
        %get3A_1684 = arith.constant 528 : index
        %get3A_1685 = tpu.vector_load %arg5[%get3A_1684] {strides = array<i32>} : memref<1024xf32, #tpu.memory_space<vmem>>, vector<16xf32>,
        %get3A_1686 = vector.shape_cast %get3A_1685 : vector<16xf32> to vector<16xf32>
        %mul3A_1687 = vector.broadcast %squeeze3A_1667 : f32 to vector<16xf32>
        %mul3A_1688 = arith.mulf %get3A_1686, %mul3A_1687 : vector<16xf32>
        %mul3A_1689 = arith.constant 2 : i32
        %mul3A_1690 = arith.muli %mul3A_1689, %scan3A_98 : i32
        %add3A_1691 = arith.constant 1 : i32
        %add3A_1692 = arith.addi %mul3A_1690, %add3A_1691 : i32
        %swap3A_1693 = arith.constant 0 : i32
        %swap3A_1694 = arith.index_cast %swap3A_1693 : i32 to index
        %swap3A_1695 = arith.index_cast %add3A_1692 : i32 to index
        %swap3A_1696 = arith.constant 528 : index
        %swap3A_1697 = tpu.vector_load %arg7[%swap3A_1694, %swap3A_1695, %swap3A_1696] {strides = array<i32>} : memref<2x32x1024xf32, #tpu.memory_space<vmem>>, vector<1x1x16xf32>,
        %swap3A_1698 = vector.shape_cast %swap3A_1697 : vector<1x1x16xf32> to vector<16xf32>
        %swap3A_1699 = vector.shape_cast %mul3A_1688 : vector<16xf32> to vector<1x1x16xf32>
        tpu.vector_store %arg7[%swap3A_1694, %swap3A_1695, %swap3A_1696], %swap3A_1699 {strides = array<i32>} : memref<2x32x1024xf32, #tpu.memory_space<vmem>>, vector<1x1x16xf32>,
        %get3A_1700 = arith.constant 544 : index
        %get3A_1701 = tpu.vector_load %arg5[%get3A_1700] {strides = array<i32>} : memref<1024xf32, #tpu.memory_space<vmem>>, vector<16xf32>,
        %get3A_1702 = vector.shape_cast %get3A_1701 : vector<16xf32> to vector<16xf32>
        %mul3A_1703 = vector.broadcast %squeeze3A_1667 : f32 to vector<16xf32>
        %mul3A_1704 = arith.mulf %get3A_1702, %mul3A_1703 : vector<16xf32>
        %mul3A_1705 = arith.constant 2 : i32
        %mul3A_1706 = arith.muli %mul3A_1705, %scan3A_98 : i32
        %add3A_1707 = arith.constant 1 : i32
        %add3A_1708 = arith.addi %mul3A_1706, %add3A_1707 : i32
        %swap3A_1709 = arith.constant 0 : i32
        %swap3A_1710 = arith.index_cast %swap3A_1709 : i32 to index
        %swap3A_1711 = arith.index_cast %add3A_1708 : i32 to index
        %swap3A_1712 = arith.constant 544 : index
        %swap3A_1713 = tpu.vector_load %arg7[%swap3A_1710, %swap3A_1711, %swap3A_1712] {strides = array<i32>} : memref<2x32x1024xf32, #tpu.memory_space<vmem>>, vector<1x1x16xf32>,
        %swap3A_1714 = vector.shape_cast %swap3A_1713 : vector<1x1x16xf32> to vector<16xf32>
        %swap3A_1715 = vector.shape_cast %mul3A_1704 : vector<16xf32> to vector<1x1x16xf32>
        tpu.vector_store %arg7[%swap3A_1710, %swap3A_1711, %swap3A_1712], %swap3A_1715 {strides = array<i32>} : memref<2x32x1024xf32, #tpu.memory_space<vmem>>, vector<1x1x16xf32>,
        %get3A_1716 = arith.constant 560 : index
        %get3A_1717 = tpu.vector_load %arg5[%get3A_1716] {strides = array<i32>} : memref<1024xf32, #tpu.memory_space<vmem>>, vector<16xf32>,
        %get3A_1718 = vector.shape_cast %get3A_1717 : vector<16xf32> to vector<16xf32>
        %mul3A_1719 = vector.broadcast %squeeze3A_1667 : f32 to vector<16xf32>
        %mul3A_1720 = arith.mulf %get3A_1718, %mul3A_1719 : vector<16xf32>
        %mul3A_1721 = arith.constant 2 : i32
        %mul3A_1722 = arith.muli %mul3A_1721, %scan3A_98 : i32
        %add3A_1723 = arith.constant 1 : i32
        %add3A_1724 = arith.addi %mul3A_1722, %add3A_1723 : i32
        %swap3A_1725 = arith.constant 0 : i32
        %swap3A_1726 = arith.index_cast %swap3A_1725 : i32 to index
        %swap3A_1727 = arith.index_cast %add3A_1724 : i32 to index
        %swap3A_1728 = arith.constant 560 : index
        %swap3A_1729 = tpu.vector_load %arg7[%swap3A_1726, %swap3A_1727, %swap3A_1728] {strides = array<i32>} : memref<2x32x1024xf32, #tpu.memory_space<vmem>>, vector<1x1x16xf32>,
        %swap3A_1730 = vector.shape_cast %swap3A_1729 : vector<1x1x16xf32> to vector<16xf32>
        %swap3A_1731 = vector.shape_cast %mul3A_1720 : vector<16xf32> to vector<1x1x16xf32>
        tpu.vector_store %arg7[%swap3A_1726, %swap3A_1727, %swap3A_1728], %swap3A_1731 {strides = array<i32>} : memref<2x32x1024xf32, #tpu.memory_space<vmem>>, vector<1x1x16xf32>,
        %get3A_1732 = arith.constant 576 : index
        %get3A_1733 = tpu.vector_load %arg5[%get3A_1732] {strides = array<i32>} : memref<1024xf32, #tpu.memory_space<vmem>>, vector<16xf32>,
        %get3A_1734 = vector.shape_cast %get3A_1733 : vector<16xf32> to vector<16xf32>
        %mul3A_1735 = vector.broadcast %squeeze3A_1667 : f32 to vector<16xf32>
        %mul3A_1736 = arith.mulf %get3A_1734, %mul3A_1735 : vector<16xf32>
        %mul3A_1737 = arith.constant 2 : i32
        %mul3A_1738 = arith.muli %mul3A_1737, %scan3A_98 : i32
        %add3A_1739 = arith.constant 1 : i32
        %add3A_1740 = arith.addi %mul3A_1738, %add3A_1739 : i32
        %swap3A_1741 = arith.constant 0 : i32
        %swap3A_1742 = arith.index_cast %swap3A_1741 : i32 to index
        %swap3A_1743 = arith.index_cast %add3A_1740 : i32 to index
        %swap3A_1744 = arith.constant 576 : index
        %swap3A_1745 = tpu.vector_load %arg7[%swap3A_1742, %swap3A_1743, %swap3A_1744] {strides = array<i32>} : memref<2x32x1024xf32, #tpu.memory_space<vmem>>, vector<1x1x16xf32>,
        %swap3A_1746 = vector.shape_cast %swap3A_1745 : vector<1x1x16xf32> to vector<16xf32>
        %swap3A_1747 = vector.shape_cast %mul3A_1736 : vector<16xf32> to vector<1x1x16xf32>
        tpu.vector_store %arg7[%swap3A_1742, %swap3A_1743, %swap3A_1744], %swap3A_1747 {strides = array<i32>} : memref<2x32x1024xf32, #tpu.memory_space<vmem>>, vector<1x1x16xf32>,
        %get3A_1748 = arith.constant 592 : index
        %get3A_1749 = tpu.vector_load %arg5[%get3A_1748] {strides = array<i32>} : memref<1024xf32, #tpu.memory_space<vmem>>, vector<16xf32>,
        %get3A_1750 = vector.shape_cast %get3A_1749 : vector<16xf32> to vector<16xf32>
        %mul3A_1751 = vector.broadcast %squeeze3A_1667 : f32 to vector<16xf32>
        %mul3A_1752 = arith.mulf %get3A_1750, %mul3A_1751 : vector<16xf32>
        %mul3A_1753 = arith.constant 2 : i32
        %mul3A_1754 = arith.muli %mul3A_1753, %scan3A_98 : i32
        %add3A_1755 = arith.constant 1 : i32
        %add3A_1756 = arith.addi %mul3A_1754, %add3A_1755 : i32
        %swap3A_1757 = arith.constant 0 : i32
        %swap3A_1758 = arith.index_cast %swap3A_1757 : i32 to index
        %swap3A_1759 = arith.index_cast %add3A_1756 : i32 to index
        %swap3A_1760 = arith.constant 592 : index
        %swap3A_1761 = tpu.vector_load %arg7[%swap3A_1758, %swap3A_1759, %swap3A_1760] {strides = array<i32>} : memref<2x32x1024xf32, #tpu.memory_space<vmem>>, vector<1x1x16xf32>,
        %swap3A_1762 = vector.shape_cast %swap3A_1761 : vector<1x1x16xf32> to vector<16xf32>
        %swap3A_1763 = vector.shape_cast %mul3A_1752 : vector<16xf32> to vector<1x1x16xf32>
        tpu.vector_store %arg7[%swap3A_1758, %swap3A_1759, %swap3A_1760], %swap3A_1763 {strides = array<i32>} : memref<2x32x1024xf32, #tpu.memory_space<vmem>>, vector<1x1x16xf32>,
        %get3A_1764 = arith.constant 608 : index
        %get3A_1765 = tpu.vector_load %arg5[%get3A_1764] {strides = array<i32>} : memref<1024xf32, #tpu.memory_space<vmem>>, vector<16xf32>,
        %get3A_1766 = vector.shape_cast %get3A_1765 : vector<16xf32> to vector<16xf32>
        %mul3A_1767 = vector.broadcast %squeeze3A_1667 : f32 to vector<16xf32>
        %mul3A_1768 = arith.mulf %get3A_1766, %mul3A_1767 : vector<16xf32>
        %mul3A_1769 = arith.constant 2 : i32
        %mul3A_1770 = arith.muli %mul3A_1769, %scan3A_98 : i32
        %add3A_1771 = arith.constant 1 : i32
        %add3A_1772 = arith.addi %mul3A_1770, %add3A_1771 : i32
        %swap3A_1773 = arith.constant 0 : i32
        %swap3A_1774 = arith.index_cast %swap3A_1773 : i32 to index
        %swap3A_1775 = arith.index_cast %add3A_1772 : i32 to index
        %swap3A_1776 = arith.constant 608 : index
        %swap3A_1777 = tpu.vector_load %arg7[%swap3A_1774, %swap3A_1775, %swap3A_1776] {strides = array<i32>} : memref<2x32x1024xf32, #tpu.memory_space<vmem>>, vector<1x1x16xf32>,
        %swap3A_1778 = vector.shape_cast %swap3A_1777 : vector<1x1x16xf32> to vector<16xf32>
        %swap3A_1779 = vector.shape_cast %mul3A_1768 : vector<16xf32> to vector<1x1x16xf32>
        tpu.vector_store %arg7[%swap3A_1774, %swap3A_1775, %swap3A_1776], %swap3A_1779 {strides = array<i32>} : memref<2x32x1024xf32, #tpu.memory_space<vmem>>, vector<1x1x16xf32>,
        %get3A_1780 = arith.constant 624 : index
        %get3A_1781 = tpu.vector_load %arg5[%get3A_1780] {strides = array<i32>} : memref<1024xf32, #tpu.memory_space<vmem>>, vector<16xf32>,
        %get3A_1782 = vector.shape_cast %get3A_1781 : vector<16xf32> to vector<16xf32>
        %mul3A_1783 = vector.broadcast %squeeze3A_1667 : f32 to vector<16xf32>
        %mul3A_1784 = arith.mulf %get3A_1782, %mul3A_1783 : vector<16xf32>
        %mul3A_1785 = arith.constant 2 : i32
        %mul3A_1786 = arith.muli %mul3A_1785, %scan3A_98 : i32
        %add3A_1787 = arith.constant 1 : i32
        %add3A_1788 = arith.addi %mul3A_1786, %add3A_1787 : i32
        %swap3A_1789 = arith.constant 0 : i32
        %swap3A_1790 = arith.index_cast %swap3A_1789 : i32 to index
        %swap3A_1791 = arith.index_cast %add3A_1788 : i32 to index
        %swap3A_1792 = arith.constant 624 : index
        %swap3A_1793 = tpu.vector_load %arg7[%swap3A_1790, %swap3A_1791, %swap3A_1792] {strides = array<i32>} : memref<2x32x1024xf32, #tpu.memory_space<vmem>>, vector<1x1x16xf32>,
        %swap3A_1794 = vector.shape_cast %swap3A_1793 : vector<1x1x16xf32> to vector<16xf32>
        %swap3A_1795 = vector.shape_cast %mul3A_1784 : vector<16xf32> to vector<1x1x16xf32>
        tpu.vector_store %arg7[%swap3A_1790, %swap3A_1791, %swap3A_1792], %swap3A_1795 {strides = array<i32>} : memref<2x32x1024xf32, #tpu.memory_space<vmem>>, vector<1x1x16xf32>,
        %slice3A_1796 = vector.extract_strided_slice %convert_element_type3A_108 {offsets = [13], sizes = [1], strides = [1]} : vector<16xf32> to vector<1xf32>
        %squeeze3A_1797 = vector.extract %slice3A_1796[0] : f32 from vector<1xf32>
        %get3A_1798 = arith.constant 640 : index
        %get3A_1799 = tpu.vector_load %arg5[%get3A_1798] {strides = array<i32>} : memref<1024xf32, #tpu.memory_space<vmem>>, vector<16xf32>,
        %get3A_1800 = vector.shape_cast %get3A_1799 : vector<16xf32> to vector<16xf32>
        %mul3A_1801 = vector.broadcast %squeeze3A_1797 : f32 to vector<16xf32>
        %mul3A_1802 = arith.mulf %get3A_1800, %mul3A_1801 : vector<16xf32>
        %mul3A_1803 = arith.constant 2 : i32
        %mul3A_1804 = arith.muli %mul3A_1803, %scan3A_98 : i32
        %add3A_1805 = arith.constant 1 : i32
        %add3A_1806 = arith.addi %mul3A_1804, %add3A_1805 : i32
        %swap3A_1807 = arith.constant 0 : i32
        %swap3A_1808 = arith.index_cast %swap3A_1807 : i32 to index
        %swap3A_1809 = arith.index_cast %add3A_1806 : i32 to index
        %swap3A_1810 = arith.constant 640 : index
        %swap3A_1811 = tpu.vector_load %arg7[%swap3A_1808, %swap3A_1809, %swap3A_1810] {strides = array<i32>} : memref<2x32x1024xf32, #tpu.memory_space<vmem>>, vector<1x1x16xf32>,
        %swap3A_1812 = vector.shape_cast %swap3A_1811 : vector<1x1x16xf32> to vector<16xf32>
        %swap3A_1813 = vector.shape_cast %mul3A_1802 : vector<16xf32> to vector<1x1x16xf32>
        tpu.vector_store %arg7[%swap3A_1808, %swap3A_1809, %swap3A_1810], %swap3A_1813 {strides = array<i32>} : memref<2x32x1024xf32, #tpu.memory_space<vmem>>, vector<1x1x16xf32>,
        %get3A_1814 = arith.constant 656 : index
        %get3A_1815 = tpu.vector_load %arg5[%get3A_1814] {strides = array<i32>} : memref<1024xf32, #tpu.memory_space<vmem>>, vector<16xf32>,
        %get3A_1816 = vector.shape_cast %get3A_1815 : vector<16xf32> to vector<16xf32>
        %mul3A_1817 = vector.broadcast %squeeze3A_1797 : f32 to vector<16xf32>
        %mul3A_1818 = arith.mulf %get3A_1816, %mul3A_1817 : vector<16xf32>
        %mul3A_1819 = arith.constant 2 : i32
        %mul3A_1820 = arith.muli %mul3A_1819, %scan3A_98 : i32
        %add3A_1821 = arith.constant 1 : i32
        %add3A_1822 = arith.addi %mul3A_1820, %add3A_1821 : i32
        %swap3A_1823 = arith.constant 0 : i32
        %swap3A_1824 = arith.index_cast %swap3A_1823 : i32 to index
        %swap3A_1825 = arith.index_cast %add3A_1822 : i32 to index
        %swap3A_1826 = arith.constant 656 : index
        %swap3A_1827 = tpu.vector_load %arg7[%swap3A_1824, %swap3A_1825, %swap3A_1826] {strides = array<i32>} : memref<2x32x1024xf32, #tpu.memory_space<vmem>>, vector<1x1x16xf32>,
        %swap3A_1828 = vector.shape_cast %swap3A_1827 : vector<1x1x16xf32> to vector<16xf32>
        %swap3A_1829 = vector.shape_cast %mul3A_1818 : vector<16xf32> to vector<1x1x16xf32>
        tpu.vector_store %arg7[%swap3A_1824, %swap3A_1825, %swap3A_1826], %swap3A_1829 {strides = array<i32>} : memref<2x32x1024xf32, #tpu.memory_space<vmem>>, vector<1x1x16xf32>,
        %get3A_1830 = arith.constant 672 : index
        %get3A_1831 = tpu.vector_load %arg5[%get3A_1830] {strides = array<i32>} : memref<1024xf32, #tpu.memory_space<vmem>>, vector<16xf32>,
        %get3A_1832 = vector.shape_cast %get3A_1831 : vector<16xf32> to vector<16xf32>
        %mul3A_1833 = vector.broadcast %squeeze3A_1797 : f32 to vector<16xf32>
        %mul3A_1834 = arith.mulf %get3A_1832, %mul3A_1833 : vector<16xf32>
        %mul3A_1835 = arith.constant 2 : i32
        %mul3A_1836 = arith.muli %mul3A_1835, %scan3A_98 : i32
        %add3A_1837 = arith.constant 1 : i32
        %add3A_1838 = arith.addi %mul3A_1836, %add3A_1837 : i32
        %swap3A_1839 = arith.constant 0 : i32
        %swap3A_1840 = arith.index_cast %swap3A_1839 : i32 to index
        %swap3A_1841 = arith.index_cast %add3A_1838 : i32 to index
        %swap3A_1842 = arith.constant 672 : index
        %swap3A_1843 = tpu.vector_load %arg7[%swap3A_1840, %swap3A_1841, %swap3A_1842] {strides = array<i32>} : memref<2x32x1024xf32, #tpu.memory_space<vmem>>, vector<1x1x16xf32>,
        %swap3A_1844 = vector.shape_cast %swap3A_1843 : vector<1x1x16xf32> to vector<16xf32>
        %swap3A_1845 = vector.shape_cast %mul3A_1834 : vector<16xf32> to vector<1x1x16xf32>
        tpu.vector_store %arg7[%swap3A_1840, %swap3A_1841, %swap3A_1842], %swap3A_1845 {strides = array<i32>} : memref<2x32x1024xf32, #tpu.memory_space<vmem>>, vector<1x1x16xf32>,
        %get3A_1846 = arith.constant 688 : index
        %get3A_1847 = tpu.vector_load %arg5[%get3A_1846] {strides = array<i32>} : memref<1024xf32, #tpu.memory_space<vmem>>, vector<16xf32>,
        %get3A_1848 = vector.shape_cast %get3A_1847 : vector<16xf32> to vector<16xf32>
        %mul3A_1849 = vector.broadcast %squeeze3A_1797 : f32 to vector<16xf32>
        %mul3A_1850 = arith.mulf %get3A_1848, %mul3A_1849 : vector<16xf32>
        %mul3A_1851 = arith.constant 2 : i32
        %mul3A_1852 = arith.muli %mul3A_1851, %scan3A_98 : i32
        %add3A_1853 = arith.constant 1 : i32
        %add3A_1854 = arith.addi %mul3A_1852, %add3A_1853 : i32
        %swap3A_1855 = arith.constant 0 : i32
        %swap3A_1856 = arith.index_cast %swap3A_1855 : i32 to index
        %swap3A_1857 = arith.index_cast %add3A_1854 : i32 to index
        %swap3A_1858 = arith.constant 688 : index
        %swap3A_1859 = tpu.vector_load %arg7[%swap3A_1856, %swap3A_1857, %swap3A_1858] {strides = array<i32>} : memref<2x32x1024xf32, #tpu.memory_space<vmem>>, vector<1x1x16xf32>,
        %swap3A_1860 = vector.shape_cast %swap3A_1859 : vector<1x1x16xf32> to vector<16xf32>
        %swap3A_1861 = vector.shape_cast %mul3A_1850 : vector<16xf32> to vector<1x1x16xf32>
        tpu.vector_store %arg7[%swap3A_1856, %swap3A_1857, %swap3A_1858], %swap3A_1861 {strides = array<i32>} : memref<2x32x1024xf32, #tpu.memory_space<vmem>>, vector<1x1x16xf32>,
        %get3A_1862 = arith.constant 704 : index
        %get3A_1863 = tpu.vector_load %arg5[%get3A_1862] {strides = array<i32>} : memref<1024xf32, #tpu.memory_space<vmem>>, vector<16xf32>,
        %get3A_1864 = vector.shape_cast %get3A_1863 : vector<16xf32> to vector<16xf32>
        %mul3A_1865 = vector.broadcast %squeeze3A_1797 : f32 to vector<16xf32>
        %mul3A_1866 = arith.mulf %get3A_1864, %mul3A_1865 : vector<16xf32>
        %mul3A_1867 = arith.constant 2 : i32
        %mul3A_1868 = arith.muli %mul3A_1867, %scan3A_98 : i32
        %add3A_1869 = arith.constant 1 : i32
        %add3A_1870 = arith.addi %mul3A_1868, %add3A_1869 : i32
        %swap3A_1871 = arith.constant 0 : i32
        %swap3A_1872 = arith.index_cast %swap3A_1871 : i32 to index
        %swap3A_1873 = arith.index_cast %add3A_1870 : i32 to index
        %swap3A_1874 = arith.constant 704 : index
        %swap3A_1875 = tpu.vector_load %arg7[%swap3A_1872, %swap3A_1873, %swap3A_1874] {strides = array<i32>} : memref<2x32x1024xf32, #tpu.memory_space<vmem>>, vector<1x1x16xf32>,
        %swap3A_1876 = vector.shape_cast %swap3A_1875 : vector<1x1x16xf32> to vector<16xf32>
        %swap3A_1877 = vector.shape_cast %mul3A_1866 : vector<16xf32> to vector<1x1x16xf32>
        tpu.vector_store %arg7[%swap3A_1872, %swap3A_1873, %swap3A_1874], %swap3A_1877 {strides = array<i32>} : memref<2x32x1024xf32, #tpu.memory_space<vmem>>, vector<1x1x16xf32>,
        %get3A_1878 = arith.constant 720 : index
        %get3A_1879 = tpu.vector_load %arg5[%get3A_1878] {strides = array<i32>} : memref<1024xf32, #tpu.memory_space<vmem>>, vector<16xf32>,
        %get3A_1880 = vector.shape_cast %get3A_1879 : vector<16xf32> to vector<16xf32>
        %mul3A_1881 = vector.broadcast %squeeze3A_1797 : f32 to vector<16xf32>
        %mul3A_1882 = arith.mulf %get3A_1880, %mul3A_1881 : vector<16xf32>
        %mul3A_1883 = arith.constant 2 : i32
        %mul3A_1884 = arith.muli %mul3A_1883, %scan3A_98 : i32
        %add3A_1885 = arith.constant 1 : i32
        %add3A_1886 = arith.addi %mul3A_1884, %add3A_1885 : i32
        %swap3A_1887 = arith.constant 0 : i32
        %swap3A_1888 = arith.index_cast %swap3A_1887 : i32 to index
        %swap3A_1889 = arith.index_cast %add3A_1886 : i32 to index
        %swap3A_1890 = arith.constant 720 : index
        %swap3A_1891 = tpu.vector_load %arg7[%swap3A_1888, %swap3A_1889, %swap3A_1890] {strides = array<i32>} : memref<2x32x1024xf32, #tpu.memory_space<vmem>>, vector<1x1x16xf32>,
        %swap3A_1892 = vector.shape_cast %swap3A_1891 : vector<1x1x16xf32> to vector<16xf32>
        %swap3A_1893 = vector.shape_cast %mul3A_1882 : vector<16xf32> to vector<1x1x16xf32>
        tpu.vector_store %arg7[%swap3A_1888, %swap3A_1889, %swap3A_1890], %swap3A_1893 {strides = array<i32>} : memref<2x32x1024xf32, #tpu.memory_space<vmem>>, vector<1x1x16xf32>,
        %get3A_1894 = arith.constant 736 : index
        %get3A_1895 = tpu.vector_load %arg5[%get3A_1894] {strides = array<i32>} : memref<1024xf32, #tpu.memory_space<vmem>>, vector<16xf32>,
        %get3A_1896 = vector.shape_cast %get3A_1895 : vector<16xf32> to vector<16xf32>
        %mul3A_1897 = vector.broadcast %squeeze3A_1797 : f32 to vector<16xf32>
        %mul3A_1898 = arith.mulf %get3A_1896, %mul3A_1897 : vector<16xf32>
        %mul3A_1899 = arith.constant 2 : i32
        %mul3A_1900 = arith.muli %mul3A_1899, %scan3A_98 : i32
        %add3A_1901 = arith.constant 1 : i32
        %add3A_1902 = arith.addi %mul3A_1900, %add3A_1901 : i32
        %swap3A_1903 = arith.constant 0 : i32
        %swap3A_1904 = arith.index_cast %swap3A_1903 : i32 to index
        %swap3A_1905 = arith.index_cast %add3A_1902 : i32 to index
        %swap3A_1906 = arith.constant 736 : index
        %swap3A_1907 = tpu.vector_load %arg7[%swap3A_1904, %swap3A_1905, %swap3A_1906] {strides = array<i32>} : memref<2x32x1024xf32, #tpu.memory_space<vmem>>, vector<1x1x16xf32>,
        %swap3A_1908 = vector.shape_cast %swap3A_1907 : vector<1x1x16xf32> to vector<16xf32>
        %swap3A_1909 = vector.shape_cast %mul3A_1898 : vector<16xf32> to vector<1x1x16xf32>
        tpu.vector_store %arg7[%swap3A_1904, %swap3A_1905, %swap3A_1906], %swap3A_1909 {strides = array<i32>} : memref<2x32x1024xf32, #tpu.memory_space<vmem>>, vector<1x1x16xf32>,
        %get3A_1910 = arith.constant 752 : index
        %get3A_1911 = tpu.vector_load %arg5[%get3A_1910] {strides = array<i32>} : memref<1024xf32, #tpu.memory_space<vmem>>, vector<16xf32>,
        %get3A_1912 = vector.shape_cast %get3A_1911 : vector<16xf32> to vector<16xf32>
        %mul3A_1913 = vector.broadcast %squeeze3A_1797 : f32 to vector<16xf32>
        %mul3A_1914 = arith.mulf %get3A_1912, %mul3A_1913 : vector<16xf32>
        %mul3A_1915 = arith.constant 2 : i32
        %mul3A_1916 = arith.muli %mul3A_1915, %scan3A_98 : i32
        %add3A_1917 = arith.constant 1 : i32
        %add3A_1918 = arith.addi %mul3A_1916, %add3A_1917 : i32
        %swap3A_1919 = arith.constant 0 : i32
        %swap3A_1920 = arith.index_cast %swap3A_1919 : i32 to index
        %swap3A_1921 = arith.index_cast %add3A_1918 : i32 to index
        %swap3A_1922 = arith.constant 752 : index
        %swap3A_1923 = tpu.vector_load %arg7[%swap3A_1920, %swap3A_1921, %swap3A_1922] {strides = array<i32>} : memref<2x32x1024xf32, #tpu.memory_space<vmem>>, vector<1x1x16xf32>,
        %swap3A_1924 = vector.shape_cast %swap3A_1923 : vector<1x1x16xf32> to vector<16xf32>
        %swap3A_1925 = vector.shape_cast %mul3A_1914 : vector<16xf32> to vector<1x1x16xf32>
        tpu.vector_store %arg7[%swap3A_1920, %swap3A_1921, %swap3A_1922], %swap3A_1925 {strides = array<i32>} : memref<2x32x1024xf32, #tpu.memory_space<vmem>>, vector<1x1x16xf32>,
        %slice3A_1926 = vector.extract_strided_slice %convert_element_type3A_108 {offsets = [14], sizes = [1], strides = [1]} : vector<16xf32> to vector<1xf32>
        %squeeze3A_1927 = vector.extract %slice3A_1926[0] : f32 from vector<1xf32>
        %get3A_1928 = arith.constant 768 : index
        %get3A_1929 = tpu.vector_load %arg5[%get3A_1928] {strides = array<i32>} : memref<1024xf32, #tpu.memory_space<vmem>>, vector<16xf32>,
        %get3A_1930 = vector.shape_cast %get3A_1929 : vector<16xf32> to vector<16xf32>
        %mul3A_1931 = vector.broadcast %squeeze3A_1927 : f32 to vector<16xf32>
        %mul3A_1932 = arith.mulf %get3A_1930, %mul3A_1931 : vector<16xf32>
        %mul3A_1933 = arith.constant 2 : i32
        %mul3A_1934 = arith.muli %mul3A_1933, %scan3A_98 : i32
        %add3A_1935 = arith.constant 1 : i32
        %add3A_1936 = arith.addi %mul3A_1934, %add3A_1935 : i32
        %swap3A_1937 = arith.constant 0 : i32
        %swap3A_1938 = arith.index_cast %swap3A_1937 : i32 to index
        %swap3A_1939 = arith.index_cast %add3A_1936 : i32 to index
        %swap3A_1940 = arith.constant 768 : index
        %swap3A_1941 = tpu.vector_load %arg7[%swap3A_1938, %swap3A_1939, %swap3A_1940] {strides = array<i32>} : memref<2x32x1024xf32, #tpu.memory_space<vmem>>, vector<1x1x16xf32>,
        %swap3A_1942 = vector.shape_cast %swap3A_1941 : vector<1x1x16xf32> to vector<16xf32>
        %swap3A_1943 = vector.shape_cast %mul3A_1932 : vector<16xf32> to vector<1x1x16xf32>
        tpu.vector_store %arg7[%swap3A_1938, %swap3A_1939, %swap3A_1940], %swap3A_1943 {strides = array<i32>} : memref<2x32x1024xf32, #tpu.memory_space<vmem>>, vector<1x1x16xf32>,
        %get3A_1944 = arith.constant 784 : index
        %get3A_1945 = tpu.vector_load %arg5[%get3A_1944] {strides = array<i32>} : memref<1024xf32, #tpu.memory_space<vmem>>, vector<16xf32>,
        %get3A_1946 = vector.shape_cast %get3A_1945 : vector<16xf32> to vector<16xf32>
        %mul3A_1947 = vector.broadcast %squeeze3A_1927 : f32 to vector<16xf32>
        %mul3A_1948 = arith.mulf %get3A_1946, %mul3A_1947 : vector<16xf32>
        %mul3A_1949 = arith.constant 2 : i32
        %mul3A_1950 = arith.muli %mul3A_1949, %scan3A_98 : i32
        %add3A_1951 = arith.constant 1 : i32
        %add3A_1952 = arith.addi %mul3A_1950, %add3A_1951 : i32
        %swap3A_1953 = arith.constant 0 : i32
        %swap3A_1954 = arith.index_cast %swap3A_1953 : i32 to index
        %swap3A_1955 = arith.index_cast %add3A_1952 : i32 to index
        %swap3A_1956 = arith.constant 784 : index
        %swap3A_1957 = tpu.vector_load %arg7[%swap3A_1954, %swap3A_1955, %swap3A_1956] {strides = array<i32>} : memref<2x32x1024xf32, #tpu.memory_space<vmem>>, vector<1x1x16xf32>,
        %swap3A_1958 = vector.shape_cast %swap3A_1957 : vector<1x1x16xf32> to vector<16xf32>
        %swap3A_1959 = vector.shape_cast %mul3A_1948 : vector<16xf32> to vector<1x1x16xf32>
        tpu.vector_store %arg7[%swap3A_1954, %swap3A_1955, %swap3A_1956], %swap3A_1959 {strides = array<i32>} : memref<2x32x1024xf32, #tpu.memory_space<vmem>>, vector<1x1x16xf32>,
        %get3A_1960 = arith.constant 800 : index
        %get3A_1961 = tpu.vector_load %arg5[%get3A_1960] {strides = array<i32>} : memref<1024xf32, #tpu.memory_space<vmem>>, vector<16xf32>,
        %get3A_1962 = vector.shape_cast %get3A_1961 : vector<16xf32> to vector<16xf32>
        %mul3A_1963 = vector.broadcast %squeeze3A_1927 : f32 to vector<16xf32>
        %mul3A_1964 = arith.mulf %get3A_1962, %mul3A_1963 : vector<16xf32>
        %mul3A_1965 = arith.constant 2 : i32
        %mul3A_1966 = arith.muli %mul3A_1965, %scan3A_98 : i32
        %add3A_1967 = arith.constant 1 : i32
        %add3A_1968 = arith.addi %mul3A_1966, %add3A_1967 : i32
        %swap3A_1969 = arith.constant 0 : i32
        %swap3A_1970 = arith.index_cast %swap3A_1969 : i32 to index
        %swap3A_1971 = arith.index_cast %add3A_1968 : i32 to index
        %swap3A_1972 = arith.constant 800 : index
        %swap3A_1973 = tpu.vector_load %arg7[%swap3A_1970, %swap3A_1971, %swap3A_1972] {strides = array<i32>} : memref<2x32x1024xf32, #tpu.memory_space<vmem>>, vector<1x1x16xf32>,
        %swap3A_1974 = vector.shape_cast %swap3A_1973 : vector<1x1x16xf32> to vector<16xf32>
        %swap3A_1975 = vector.shape_cast %mul3A_1964 : vector<16xf32> to vector<1x1x16xf32>
        tpu.vector_store %arg7[%swap3A_1970, %swap3A_1971, %swap3A_1972], %swap3A_1975 {strides = array<i32>} : memref<2x32x1024xf32, #tpu.memory_space<vmem>>, vector<1x1x16xf32>,
        %get3A_1976 = arith.constant 816 : index
        %get3A_1977 = tpu.vector_load %arg5[%get3A_1976] {strides = array<i32>} : memref<1024xf32, #tpu.memory_space<vmem>>, vector<16xf32>,
        %get3A_1978 = vector.shape_cast %get3A_1977 : vector<16xf32> to vector<16xf32>
        %mul3A_1979 = vector.broadcast %squeeze3A_1927 : f32 to vector<16xf32>
        %mul3A_1980 = arith.mulf %get3A_1978, %mul3A_1979 : vector<16xf32>
        %mul3A_1981 = arith.constant 2 : i32
        %mul3A_1982 = arith.muli %mul3A_1981, %scan3A_98 : i32
        %add3A_1983 = arith.constant 1 : i32
        %add3A_1984 = arith.addi %mul3A_1982, %add3A_1983 : i32
        %swap3A_1985 = arith.constant 0 : i32
        %swap3A_1986 = arith.index_cast %swap3A_1985 : i32 to index
        %swap3A_1987 = arith.index_cast %add3A_1984 : i32 to index
        %swap3A_1988 = arith.constant 816 : index
        %swap3A_1989 = tpu.vector_load %arg7[%swap3A_1986, %swap3A_1987, %swap3A_1988] {strides = array<i32>} : memref<2x32x1024xf32, #tpu.memory_space<vmem>>, vector<1x1x16xf32>,
        %swap3A_1990 = vector.shape_cast %swap3A_1989 : vector<1x1x16xf32> to vector<16xf32>
        %swap3A_1991 = vector.shape_cast %mul3A_1980 : vector<16xf32> to vector<1x1x16xf32>
        tpu.vector_store %arg7[%swap3A_1986, %swap3A_1987, %swap3A_1988], %swap3A_1991 {strides = array<i32>} : memref<2x32x1024xf32, #tpu.memory_space<vmem>>, vector<1x1x16xf32>,
        %get3A_1992 = arith.constant 832 : index
        %get3A_1993 = tpu.vector_load %arg5[%get3A_1992] {strides = array<i32>} : memref<1024xf32, #tpu.memory_space<vmem>>, vector<16xf32>,
        %get3A_1994 = vector.shape_cast %get3A_1993 : vector<16xf32> to vector<16xf32>
        %mul3A_1995 = vector.broadcast %squeeze3A_1927 : f32 to vector<16xf32>
        %mul3A_1996 = arith.mulf %get3A_1994, %mul3A_1995 : vector<16xf32>
        %mul3A_1997 = arith.constant 2 : i32
        %mul3A_1998 = arith.muli %mul3A_1997, %scan3A_98 : i32
        %add3A_1999 = arith.constant 1 : i32
        %add3A_2000 = arith.addi %mul3A_1998, %add3A_1999 : i32
        %swap3A_2001 = arith.constant 0 : i32
        %swap3A_2002 = arith.index_cast %swap3A_2001 : i32 to index
        %swap3A_2003 = arith.index_cast %add3A_2000 : i32 to index
        %swap3A_2004 = arith.constant 832 : index
        %swap3A_2005 = tpu.vector_load %arg7[%swap3A_2002, %swap3A_2003, %swap3A_2004] {strides = array<i32>} : memref<2x32x1024xf32, #tpu.memory_space<vmem>>, vector<1x1x16xf32>,
        %swap3A_2006 = vector.shape_cast %swap3A_2005 : vector<1x1x16xf32> to vector<16xf32>
        %swap3A_2007 = vector.shape_cast %mul3A_1996 : vector<16xf32> to vector<1x1x16xf32>
        tpu.vector_store %arg7[%swap3A_2002, %swap3A_2003, %swap3A_2004], %swap3A_2007 {strides = array<i32>} : memref<2x32x1024xf32, #tpu.memory_space<vmem>>, vector<1x1x16xf32>,
        %get3A_2008 = arith.constant 848 : index
        %get3A_2009 = tpu.vector_load %arg5[%get3A_2008] {strides = array<i32>} : memref<1024xf32, #tpu.memory_space<vmem>>, vector<16xf32>,
        %get3A_2010 = vector.shape_cast %get3A_2009 : vector<16xf32> to vector<16xf32>
        %mul3A_2011 = vector.broadcast %squeeze3A_1927 : f32 to vector<16xf32>
        %mul3A_2012 = arith.mulf %get3A_2010, %mul3A_2011 : vector<16xf32>
        %mul3A_2013 = arith.constant 2 : i32
        %mul3A_2014 = arith.muli %mul3A_2013, %scan3A_98 : i32
        %add3A_2015 = arith.constant 1 : i32
        %add3A_2016 = arith.addi %mul3A_2014, %add3A_2015 : i32
        %swap3A_2017 = arith.constant 0 : i32
        %swap3A_2018 = arith.index_cast %swap3A_2017 : i32 to index
        %swap3A_2019 = arith.index_cast %add3A_2016 : i32 to index
        %swap3A_2020 = arith.constant 848 : index
        %swap3A_2021 = tpu.vector_load %arg7[%swap3A_2018, %swap3A_2019, %swap3A_2020] {strides = array<i32>} : memref<2x32x1024xf32, #tpu.memory_space<vmem>>, vector<1x1x16xf32>,
        %swap3A_2022 = vector.shape_cast %swap3A_2021 : vector<1x1x16xf32> to vector<16xf32>
        %swap3A_2023 = vector.shape_cast %mul3A_2012 : vector<16xf32> to vector<1x1x16xf32>
        tpu.vector_store %arg7[%swap3A_2018, %swap3A_2019, %swap3A_2020], %swap3A_2023 {strides = array<i32>} : memref<2x32x1024xf32, #tpu.memory_space<vmem>>, vector<1x1x16xf32>,
        %get3A_2024 = arith.constant 864 : index
        %get3A_2025 = tpu.vector_load %arg5[%get3A_2024] {strides = array<i32>} : memref<1024xf32, #tpu.memory_space<vmem>>, vector<16xf32>,
        %get3A_2026 = vector.shape_cast %get3A_2025 : vector<16xf32> to vector<16xf32>
        %mul3A_2027 = vector.broadcast %squeeze3A_1927 : f32 to vector<16xf32>
        %mul3A_2028 = arith.mulf %get3A_2026, %mul3A_2027 : vector<16xf32>
        %mul3A_2029 = arith.constant 2 : i32
        %mul3A_2030 = arith.muli %mul3A_2029, %scan3A_98 : i32
        %add3A_2031 = arith.constant 1 : i32
        %add3A_2032 = arith.addi %mul3A_2030, %add3A_2031 : i32
        %swap3A_2033 = arith.constant 0 : i32
        %swap3A_2034 = arith.index_cast %swap3A_2033 : i32 to index
        %swap3A_2035 = arith.index_cast %add3A_2032 : i32 to index
        %swap3A_2036 = arith.constant 864 : index
        %swap3A_2037 = tpu.vector_load %arg7[%swap3A_2034, %swap3A_2035, %swap3A_2036] {strides = array<i32>} : memref<2x32x1024xf32, #tpu.memory_space<vmem>>, vector<1x1x16xf32>,
        %swap3A_2038 = vector.shape_cast %swap3A_2037 : vector<1x1x16xf32> to vector<16xf32>
        %swap3A_2039 = vector.shape_cast %mul3A_2028 : vector<16xf32> to vector<1x1x16xf32>
        tpu.vector_store %arg7[%swap3A_2034, %swap3A_2035, %swap3A_2036], %swap3A_2039 {strides = array<i32>} : memref<2x32x1024xf32, #tpu.memory_space<vmem>>, vector<1x1x16xf32>,
        %get3A_2040 = arith.constant 880 : index
        %get3A_2041 = tpu.vector_load %arg5[%get3A_2040] {strides = array<i32>} : memref<1024xf32, #tpu.memory_space<vmem>>, vector<16xf32>,
        %get3A_2042 = vector.shape_cast %get3A_2041 : vector<16xf32> to vector<16xf32>
        %mul3A_2043 = vector.broadcast %squeeze3A_1927 : f32 to vector<16xf32>
        %mul3A_2044 = arith.mulf %get3A_2042, %mul3A_2043 : vector<16xf32>
        %mul3A_2045 = arith.constant 2 : i32
        %mul3A_2046 = arith.muli %mul3A_2045, %scan3A_98 : i32
        %add3A_2047 = arith.constant 1 : i32
        %add3A_2048 = arith.addi %mul3A_2046, %add3A_2047 : i32
        %swap3A_2049 = arith.constant 0 : i32
        %swap3A_2050 = arith.index_cast %swap3A_2049 : i32 to index
        %swap3A_2051 = arith.index_cast %add3A_2048 : i32 to index
        %swap3A_2052 = arith.constant 880 : index
        %swap3A_2053 = tpu.vector_load %arg7[%swap3A_2050, %swap3A_2051, %swap3A_2052] {strides = array<i32>} : memref<2x32x1024xf32, #tpu.memory_space<vmem>>, vector<1x1x16xf32>,
        %swap3A_2054 = vector.shape_cast %swap3A_2053 : vector<1x1x16xf32> to vector<16xf32>
        %swap3A_2055 = vector.shape_cast %mul3A_2044 : vector<16xf32> to vector<1x1x16xf32>
        tpu.vector_store %arg7[%swap3A_2050, %swap3A_2051, %swap3A_2052], %swap3A_2055 {strides = array<i32>} : memref<2x32x1024xf32, #tpu.memory_space<vmem>>, vector<1x1x16xf32>,
        %slice3A_2056 = vector.extract_strided_slice %convert_element_type3A_108 {offsets = [15], sizes = [1], strides = [1]} : vector<16xf32> to vector<1xf32>
        %squeeze3A_2057 = vector.extract %slice3A_2056[0] : f32 from vector<1xf32>
        %get3A_2058 = arith.constant 896 : index
        %get3A_2059 = tpu.vector_load %arg5[%get3A_2058] {strides = array<i32>} : memref<1024xf32, #tpu.memory_space<vmem>>, vector<16xf32>,
        %get3A_2060 = vector.shape_cast %get3A_2059 : vector<16xf32> to vector<16xf32>
        %mul3A_2061 = vector.broadcast %squeeze3A_2057 : f32 to vector<16xf32>
        %mul3A_2062 = arith.mulf %get3A_2060, %mul3A_2061 : vector<16xf32>
        %mul3A_2063 = arith.constant 2 : i32
        %mul3A_2064 = arith.muli %mul3A_2063, %scan3A_98 : i32
        %add3A_2065 = arith.constant 1 : i32
        %add3A_2066 = arith.addi %mul3A_2064, %add3A_2065 : i32
        %swap3A_2067 = arith.constant 0 : i32
        %swap3A_2068 = arith.index_cast %swap3A_2067 : i32 to index
        %swap3A_2069 = arith.index_cast %add3A_2066 : i32 to index
        %swap3A_2070 = arith.constant 896 : index
        %swap3A_2071 = tpu.vector_load %arg7[%swap3A_2068, %swap3A_2069, %swap3A_2070] {strides = array<i32>} : memref<2x32x1024xf32, #tpu.memory_space<vmem>>, vector<1x1x16xf32>,
        %swap3A_2072 = vector.shape_cast %swap3A_2071 : vector<1x1x16xf32> to vector<16xf32>
        %swap3A_2073 = vector.shape_cast %mul3A_2062 : vector<16xf32> to vector<1x1x16xf32>
        tpu.vector_store %arg7[%swap3A_2068, %swap3A_2069, %swap3A_2070], %swap3A_2073 {strides = array<i32>} : memref<2x32x1024xf32, #tpu.memory_space<vmem>>, vector<1x1x16xf32>,
        %get3A_2074 = arith.constant 912 : index
        %get3A_2075 = tpu.vector_load %arg5[%get3A_2074] {strides = array<i32>} : memref<1024xf32, #tpu.memory_space<vmem>>, vector<16xf32>,
        %get3A_2076 = vector.shape_cast %get3A_2075 : vector<16xf32> to vector<16xf32>
        %mul3A_2077 = vector.broadcast %squeeze3A_2057 : f32 to vector<16xf32>
        %mul3A_2078 = arith.mulf %get3A_2076, %mul3A_2077 : vector<16xf32>
        %mul3A_2079 = arith.constant 2 : i32
        %mul3A_2080 = arith.muli %mul3A_2079, %scan3A_98 : i32
        %add3A_2081 = arith.constant 1 : i32
        %add3A_2082 = arith.addi %mul3A_2080, %add3A_2081 : i32
        %swap3A_2083 = arith.constant 0 : i32
        %swap3A_2084 = arith.index_cast %swap3A_2083 : i32 to index
        %swap3A_2085 = arith.index_cast %add3A_2082 : i32 to index
        %swap3A_2086 = arith.constant 912 : index
        %swap3A_2087 = tpu.vector_load %arg7[%swap3A_2084, %swap3A_2085, %swap3A_2086] {strides = array<i32>} : memref<2x32x1024xf32, #tpu.memory_space<vmem>>, vector<1x1x16xf32>,
        %swap3A_2088 = vector.shape_cast %swap3A_2087 : vector<1x1x16xf32> to vector<16xf32>
        %swap3A_2089 = vector.shape_cast %mul3A_2078 : vector<16xf32> to vector<1x1x16xf32>
        tpu.vector_store %arg7[%swap3A_2084, %swap3A_2085, %swap3A_2086], %swap3A_2089 {strides = array<i32>} : memref<2x32x1024xf32, #tpu.memory_space<vmem>>, vector<1x1x16xf32>,
        %get3A_2090 = arith.constant 928 : index
        %get3A_2091 = tpu.vector_load %arg5[%get3A_2090] {strides = array<i32>} : memref<1024xf32, #tpu.memory_space<vmem>>, vector<16xf32>,
        %get3A_2092 = vector.shape_cast %get3A_2091 : vector<16xf32> to vector<16xf32>
        %mul3A_2093 = vector.broadcast %squeeze3A_2057 : f32 to vector<16xf32>
        %mul3A_2094 = arith.mulf %get3A_2092, %mul3A_2093 : vector<16xf32>
        %mul3A_2095 = arith.constant 2 : i32
        %mul3A_2096 = arith.muli %mul3A_2095, %scan3A_98 : i32
        %add3A_2097 = arith.constant 1 : i32
        %add3A_2098 = arith.addi %mul3A_2096, %add3A_2097 : i32
        %swap3A_2099 = arith.constant 0 : i32
        %swap3A_2100 = arith.index_cast %swap3A_2099 : i32 to index
        %swap3A_2101 = arith.index_cast %add3A_2098 : i32 to index
        %swap3A_2102 = arith.constant 928 : index
        %swap3A_2103 = tpu.vector_load %arg7[%swap3A_2100, %swap3A_2101, %swap3A_2102] {strides = array<i32>} : memref<2x32x1024xf32, #tpu.memory_space<vmem>>, vector<1x1x16xf32>,
        %swap3A_2104 = vector.shape_cast %swap3A_2103 : vector<1x1x16xf32> to vector<16xf32>
        %swap3A_2105 = vector.shape_cast %mul3A_2094 : vector<16xf32> to vector<1x1x16xf32>
        tpu.vector_store %arg7[%swap3A_2100, %swap3A_2101, %swap3A_2102], %swap3A_2105 {strides = array<i32>} : memref<2x32x1024xf32, #tpu.memory_space<vmem>>, vector<1x1x16xf32>,
        %get3A_2106 = arith.constant 944 : index
        %get3A_2107 = tpu.vector_load %arg5[%get3A_2106] {strides = array<i32>} : memref<1024xf32, #tpu.memory_space<vmem>>, vector<16xf32>,
        %get3A_2108 = vector.shape_cast %get3A_2107 : vector<16xf32> to vector<16xf32>
        %mul3A_2109 = vector.broadcast %squeeze3A_2057 : f32 to vector<16xf32>
        %mul3A_2110 = arith.mulf %get3A_2108, %mul3A_2109 : vector<16xf32>
        %mul3A_2111 = arith.constant 2 : i32
        %mul3A_2112 = arith.muli %mul3A_2111, %scan3A_98 : i32
        %add3A_2113 = arith.constant 1 : i32
        %add3A_2114 = arith.addi %mul3A_2112, %add3A_2113 : i32
        %swap3A_2115 = arith.constant 0 : i32
        %swap3A_2116 = arith.index_cast %swap3A_2115 : i32 to index
        %swap3A_2117 = arith.index_cast %add3A_2114 : i32 to index
        %swap3A_2118 = arith.constant 944 : index
        %swap3A_2119 = tpu.vector_load %arg7[%swap3A_2116, %swap3A_2117, %swap3A_2118] {strides = array<i32>} : memref<2x32x1024xf32, #tpu.memory_space<vmem>>, vector<1x1x16xf32>,
        %swap3A_2120 = vector.shape_cast %swap3A_2119 : vector<1x1x16xf32> to vector<16xf32>
        %swap3A_2121 = vector.shape_cast %mul3A_2110 : vector<16xf32> to vector<1x1x16xf32>
        tpu.vector_store %arg7[%swap3A_2116, %swap3A_2117, %swap3A_2118], %swap3A_2121 {strides = array<i32>} : memref<2x32x1024xf32, #tpu.memory_space<vmem>>, vector<1x1x16xf32>,
        %get3A_2122 = arith.constant 960 : index
        %get3A_2123 = tpu.vector_load %arg5[%get3A_2122] {strides = array<i32>} : memref<1024xf32, #tpu.memory_space<vmem>>, vector<16xf32>,
        %get3A_2124 = vector.shape_cast %get3A_2123 : vector<16xf32> to vector<16xf32>
        %mul3A_2125 = vector.broadcast %squeeze3A_2057 : f32 to vector<16xf32>
        %mul3A_2126 = arith.mulf %get3A_2124, %mul3A_2125 : vector<16xf32>
        %mul3A_2127 = arith.constant 2 : i32
        %mul3A_2128 = arith.muli %mul3A_2127, %scan3A_98 : i32
        %add3A_2129 = arith.constant 1 : i32
        %add3A_2130 = arith.addi %mul3A_2128, %add3A_2129 : i32
        %swap3A_2131 = arith.constant 0 : i32
        %swap3A_2132 = arith.index_cast %swap3A_2131 : i32 to index
        %swap3A_2133 = arith.index_cast %add3A_2130 : i32 to index
        %swap3A_2134 = arith.constant 960 : index
        %swap3A_2135 = tpu.vector_load %arg7[%swap3A_2132, %swap3A_2133, %swap3A_2134] {strides = array<i32>} : memref<2x32x1024xf32, #tpu.memory_space<vmem>>, vector<1x1x16xf32>,
        %swap3A_2136 = vector.shape_cast %swap3A_2135 : vector<1x1x16xf32> to vector<16xf32>
        %swap3A_2137 = vector.shape_cast %mul3A_2126 : vector<16xf32> to vector<1x1x16xf32>
        tpu.vector_store %arg7[%swap3A_2132, %swap3A_2133, %swap3A_2134], %swap3A_2137 {strides = array<i32>} : memref<2x32x1024xf32, #tpu.memory_space<vmem>>, vector<1x1x16xf32>,
        %get3A_2138 = arith.constant 976 : index
        %get3A_2139 = tpu.vector_load %arg5[%get3A_2138] {strides = array<i32>} : memref<1024xf32, #tpu.memory_space<vmem>>, vector<16xf32>,
        %get3A_2140 = vector.shape_cast %get3A_2139 : vector<16xf32> to vector<16xf32>
        %mul3A_2141 = vector.broadcast %squeeze3A_2057 : f32 to vector<16xf32>
        %mul3A_2142 = arith.mulf %get3A_2140, %mul3A_2141 : vector<16xf32>
        %mul3A_2143 = arith.constant 2 : i32
        %mul3A_2144 = arith.muli %mul3A_2143, %scan3A_98 : i32
        %add3A_2145 = arith.constant 1 : i32
        %add3A_2146 = arith.addi %mul3A_2144, %add3A_2145 : i32
        %swap3A_2147 = arith.constant 0 : i32
        %swap3A_2148 = arith.index_cast %swap3A_2147 : i32 to index
        %swap3A_2149 = arith.index_cast %add3A_2146 : i32 to index
        %swap3A_2150 = arith.constant 976 : index
        %swap3A_2151 = tpu.vector_load %arg7[%swap3A_2148, %swap3A_2149, %swap3A_2150] {strides = array<i32>} : memref<2x32x1024xf32, #tpu.memory_space<vmem>>, vector<1x1x16xf32>,
        %swap3A_2152 = vector.shape_cast %swap3A_2151 : vector<1x1x16xf32> to vector<16xf32>
        %swap3A_2153 = vector.shape_cast %mul3A_2142 : vector<16xf32> to vector<1x1x16xf32>
        tpu.vector_store %arg7[%swap3A_2148, %swap3A_2149, %swap3A_2150], %swap3A_2153 {strides = array<i32>} : memref<2x32x1024xf32, #tpu.memory_space<vmem>>, vector<1x1x16xf32>,
        %get3A_2154 = arith.constant 992 : index
        %get3A_2155 = tpu.vector_load %arg5[%get3A_2154] {strides = array<i32>} : memref<1024xf32, #tpu.memory_space<vmem>>, vector<16xf32>,
        %get3A_2156 = vector.shape_cast %get3A_2155 : vector<16xf32> to vector<16xf32>
        %mul3A_2157 = vector.broadcast %squeeze3A_2057 : f32 to vector<16xf32>
        %mul3A_2158 = arith.mulf %get3A_2156, %mul3A_2157 : vector<16xf32>
        %mul3A_2159 = arith.constant 2 : i32
        %mul3A_2160 = arith.muli %mul3A_2159, %scan3A_98 : i32
        %add3A_2161 = arith.constant 1 : i32
        %add3A_2162 = arith.addi %mul3A_2160, %add3A_2161 : i32
        %swap3A_2163 = arith.constant 0 : i32
        %swap3A_2164 = arith.index_cast %swap3A_2163 : i32 to index
        %swap3A_2165 = arith.index_cast %add3A_2162 : i32 to index
        %swap3A_2166 = arith.constant 992 : index
        %swap3A_2167 = tpu.vector_load %arg7[%swap3A_2164, %swap3A_2165, %swap3A_2166] {strides = array<i32>} : memref<2x32x1024xf32, #tpu.memory_space<vmem>>, vector<1x1x16xf32>,
        %swap3A_2168 = vector.shape_cast %swap3A_2167 : vector<1x1x16xf32> to vector<16xf32>
        %swap3A_2169 = vector.shape_cast %mul3A_2158 : vector<16xf32> to vector<1x1x16xf32>
        tpu.vector_store %arg7[%swap3A_2164, %swap3A_2165, %swap3A_2166], %swap3A_2169 {strides = array<i32>} : memref<2x32x1024xf32, #tpu.memory_space<vmem>>, vector<1x1x16xf32>,
        %get3A_2170 = arith.constant 1008 : index
        %get3A_2171 = tpu.vector_load %arg5[%get3A_2170] {strides = array<i32>} : memref<1024xf32, #tpu.memory_space<vmem>>, vector<16xf32>,
        %get3A_2172 = vector.shape_cast %get3A_2171 : vector<16xf32> to vector<16xf32>
        %mul3A_2173 = vector.broadcast %squeeze3A_2057 : f32 to vector<16xf32>
        %mul3A_2174 = arith.mulf %get3A_2172, %mul3A_2173 : vector<16xf32>
        %mul3A_2175 = arith.constant 2 : i32
        %mul3A_2176 = arith.muli %mul3A_2175, %scan3A_98 : i32
        %add3A_2177 = arith.constant 1 : i32
        %add3A_2178 = arith.addi %mul3A_2176, %add3A_2177 : i32
        %swap3A_2179 = arith.constant 0 : i32
        %swap3A_2180 = arith.index_cast %swap3A_2179 : i32 to index
        %swap3A_2181 = arith.index_cast %add3A_2178 : i32 to index
        %swap3A_2182 = arith.constant 1008 : index
        %swap3A_2183 = tpu.vector_load %arg7[%swap3A_2180, %swap3A_2181, %swap3A_2182] {strides = array<i32>} : memref<2x32x1024xf32, #tpu.memory_space<vmem>>, vector<1x1x16xf32>,
        %swap3A_2184 = vector.shape_cast %swap3A_2183 : vector<1x1x16xf32> to vector<16xf32>
        %swap3A_2185 = vector.shape_cast %mul3A_2174 : vector<16xf32> to vector<1x1x16xf32>
        tpu.vector_store %arg7[%swap3A_2180, %swap3A_2181, %swap3A_2182], %swap3A_2185 {strides = array<i32>} : memref<2x32x1024xf32, #tpu.memory_space<vmem>>, vector<1x1x16xf32>,
      }
      %scan3A_51 = arith.constant 16 : i32
      %mul3A_52 = arith.constant 32 : i32
      %mul3A_53 = arith.muli %add3A_43, %mul3A_52 : i32
      %add3A_54 = arith.addi %mul3A_2, %mul3A_53 : i32
      %dma_start3A = arith.constant 0 : i32
      %dma_start3A_55 = arith.constant 0 : i32
      %dma_start3A_56 = arith.constant 0 : i32
      %dma_start3A_57 = tpu.memref_slice %arg7[%dma_start3A, %dma_start3A_55, %dma_start3A_56] : memref<2x32x1024xf32, #tpu.memory_space<vmem>> -> memref<1x32x1024xf32, #tpu.memory_space<vmem>>
      %dma_start3A_58 = tpu.memref_squeeze %dma_start3A_57 : memref<1x32x1024xf32, #tpu.memory_space<vmem>> -> memref<32x1024xf32, #tpu.memory_space<vmem>>
      %dma_start3A_59 = arith.constant 0 : i32
      %dma_start3A_60 = tpu.memref_slice %arg4[%add3A_54, %dma_start3A_59] : memref<32768x1024xf32, #tpu.memory_space<hbm>> -> memref<32x1024xf32, #tpu.memory_space<hbm>>
      %dma_start3A_61 = arith.constant 0 : i32
      %dma_start3A_62 = tpu.memref_slice %arg4[%add3A_54, %dma_start3A_61] : memref<32768x1024xf32, #tpu.memory_space<hbm>> -> memref<32x1024xf32, #tpu.memory_space<hbm>>
      %dma_start3A_63 = arith.constant 0 : i32
      %dma_start3A_64 = arith.constant 0 : i32
      %dma_start3A_65 = tpu.memref_slice %arg7[%dma_start3A, %dma_start3A_63, %dma_start3A_64] : memref<2x32x1024xf32, #tpu.memory_space<vmem>> -> memref<1x32x1024xf32, #tpu.memory_space<vmem>>
      %dma_start3A_66 = tpu.memref_squeeze %dma_start3A_65 : memref<1x32x1024xf32, #tpu.memory_space<vmem>> -> memref<32x1024xf32, #tpu.memory_space<vmem>>
      tpu.enqueue_dma source(%dma_start3A_66 : memref<32x1024xf32, #tpu.memory_space<vmem>>) target(%dma_start3A_62 : memref<32x1024xf32, #tpu.memory_space<hbm>>) target_semaphore(%arg8 : memref<!tpu.dma_semaphore, #tpu.memory_space<semaphore_mem>>)
      %mul3A_67 = arith.constant 2 : i32
      %mul3A_68 = arith.muli %scan3A_39, %mul3A_67 : i32
      %add3A_69 = arith.constant 1 : i32
      %add3A_70 = arith.addi %mul3A_68, %add3A_69 : i32
      %gt3A_71 = arith.constant 0 : i32
      %gt3A_72 = arith.cmpi sgt, %scan3A_39, %gt3A_71 : i32
      %convert_element_type3A_73 = arith.extui %gt3A_72 : i1 to i32
      %cond3A_74 = arith.constant 0 : i32
      %cond3A_75 = arith.cmpi ne, %convert_element_type3A_73, %cond3A_74 : i32
      scf.if %cond3A_75 {
        %dma_wait3A_98 = arith.constant 1 : i32
        %dma_wait3A_99 = arith.constant 0 : i32
        %dma_wait3A_100 = arith.constant 0 : i32
        %dma_wait3A_101 = tpu.memref_slice %arg7[%dma_wait3A_98, %dma_wait3A_99, %dma_wait3A_100] : memref<2x32x1024xf32, #tpu.memory_space<vmem>> -> memref<1x32x1024xf32, #tpu.memory_space<vmem>>
        %dma_wait3A_102 = tpu.memref_squeeze %dma_wait3A_101 : memref<1x32x1024xf32, #tpu.memory_space<vmem>> -> memref<32x1024xf32, #tpu.memory_space<vmem>>
        %dma_wait3A_103 = arith.constant 0 : i32
        %dma_wait3A_104 = arith.constant 0 : i32
        %dma_wait3A_105 = tpu.memref_slice %arg4[%dma_wait3A_103, %dma_wait3A_104] : memref<32768x1024xf32, #tpu.memory_space<hbm>> -> memref<32x1024xf32, #tpu.memory_space<hbm>>
        %dma_wait3A_106 = arith.constant 0 : i32
        %dma_wait3A_107 = arith.constant 0 : i32
        %dma_wait3A_108 = tpu.memref_slice %arg4[%dma_wait3A_106, %dma_wait3A_107] : memref<32768x1024xf32, #tpu.memory_space<hbm>> -> memref<32x1024xf32, #tpu.memory_space<hbm>>
        %dma_wait3A_109 = arith.constant 0 : i32
        %dma_wait3A_110 = arith.constant 0 : i32
        %dma_wait3A_111 = tpu.memref_slice %arg7[%dma_wait3A_98, %dma_wait3A_109, %dma_wait3A_110] : memref<2x32x1024xf32, #tpu.memory_space<vmem>> -> memref<1x32x1024xf32, #tpu.memory_space<vmem>>
        %dma_wait3A_112 = tpu.memref_squeeze %dma_wait3A_111 : memref<1x32x1024xf32, #tpu.memory_space<vmem>> -> memref<32x1024xf32, #tpu.memory_space<vmem>>
        tpu.wait_dma2 semaphore(%arg9 : memref<!tpu.dma_semaphore, #tpu.memory_space<semaphore_mem>>) src(%dma_wait3A_112 : memref<32x1024xf32, #tpu.memory_space<vmem>>) dst(%dma_wait3A_108 : memref<32x1024xf32, #tpu.memory_space<hbm>>)
      } else {
      }
      %scan3A_76 = arith.constant 0 : i32
      %scan3A_77 = arith.constant 0 : i32
      %scan3A_78 = arith.constant 16 : i32
      %scan3A_79 = arith.addi %scan3A_77, %scan3A_78 : i32
      %scan3A_80 = arith.constant 1 : i32
      scf.for %scan3A_98 = %scan3A_77 to %scan3A_79 step %scan3A_80  : i32 {
        %mul3A_99 = arith.constant 32 : i32
        %mul3A_100 = arith.muli %add3A_70, %mul3A_99 : i32
        %mul3A_101 = arith.constant 2 : i32
        %mul3A_102 = arith.muli %mul3A_101, %scan3A_98 : i32
        %add3A_103 = arith.addi %mul3A_100, %mul3A_102 : i32
        %mul3A_104 = arith.constant 8 : i32
        %mul3A_105 = arith.muli %add3A_103, %mul3A_104 : i32
        %get3A = arith.index_cast %mul3A_105 : i32 to index
        %get3A_106 = tpu.vector_load %arg6[%get3A] {strides = array<i32>} : memref<8192xi32, #tpu.memory_space<vmem>>, vector<16xi32>,
        %get3A_107 = vector.shape_cast %get3A_106 : vector<16xi32> to vector<16xi32>
        %convert_element_type3A_108 = arith.sitofp %get3A_107 : vector<16xi32> to vector<16xf32>
        %slice3A = vector.extract_strided_slice %convert_element_type3A_108 {offsets = [0], sizes = [1], strides = [1]} : vector<16xf32> to vector<1xf32>
        %squeeze3A = vector.extract %slice3A[0] : f32 from vector<1xf32>
        %get3A_109 = arith.constant 0 : index
        %get3A_110 = tpu.vector_load %arg5[%get3A_109] {strides = array<i32>} : memref<1024xf32, #tpu.memory_space<vmem>>, vector<16xf32>,
        %get3A_111 = vector.shape_cast %get3A_110 : vector<16xf32> to vector<16xf32>
        %mul3A_112 = vector.broadcast %squeeze3A : f32 to vector<16xf32>
        %mul3A_113 = arith.mulf %get3A_111, %mul3A_112 : vector<16xf32>
        %mul3A_114 = arith.constant 2 : i32
        %mul3A_115 = arith.muli %mul3A_114, %scan3A_98 : i32
        %add3A_116 = arith.constant 0 : i32
        %add3A_117 = arith.addi %mul3A_115, %add3A_116 : i32
        %swap3A = arith.constant 1 : i32
        %swap3A_118 = arith.index_cast %swap3A : i32 to index
        %swap3A_119 = arith.index_cast %add3A_117 : i32 to index
        %swap3A_120 = arith.constant 0 : index
        %swap3A_121 = tpu.vector_load %arg7[%swap3A_118, %swap3A_119, %swap3A_120] {strides = array<i32>} : memref<2x32x1024xf32, #tpu.memory_space<vmem>>, vector<1x1x16xf32>,
        %swap3A_122 = vector.shape_cast %swap3A_121 : vector<1x1x16xf32> to vector<16xf32>
        %swap3A_123 = vector.shape_cast %mul3A_113 : vector<16xf32> to vector<1x1x16xf32>
        tpu.vector_store %arg7[%swap3A_118, %swap3A_119, %swap3A_120], %swap3A_123 {strides = array<i32>} : memref<2x32x1024xf32, #tpu.memory_space<vmem>>, vector<1x1x16xf32>,
        %get3A_124 = arith.constant 16 : index
        %get3A_125 = tpu.vector_load %arg5[%get3A_124] {strides = array<i32>} : memref<1024xf32, #tpu.memory_space<vmem>>, vector<16xf32>,
        %get3A_126 = vector.shape_cast %get3A_125 : vector<16xf32> to vector<16xf32>
        %mul3A_127 = vector.broadcast %squeeze3A : f32 to vector<16xf32>
        %mul3A_128 = arith.mulf %get3A_126, %mul3A_127 : vector<16xf32>
        %mul3A_129 = arith.constant 2 : i32
        %mul3A_130 = arith.muli %mul3A_129, %scan3A_98 : i32
        %add3A_131 = arith.constant 0 : i32
        %add3A_132 = arith.addi %mul3A_130, %add3A_131 : i32
        %swap3A_133 = arith.constant 1 : i32
        %swap3A_134 = arith.index_cast %swap3A_133 : i32 to index
        %swap3A_135 = arith.index_cast %add3A_132 : i32 to index
        %swap3A_136 = arith.constant 16 : index
        %swap3A_137 = tpu.vector_load %arg7[%swap3A_134, %swap3A_135, %swap3A_136] {strides = array<i32>} : memref<2x32x1024xf32, #tpu.memory_space<vmem>>, vector<1x1x16xf32>,
        %swap3A_138 = vector.shape_cast %swap3A_137 : vector<1x1x16xf32> to vector<16xf32>
        %swap3A_139 = vector.shape_cast %mul3A_128 : vector<16xf32> to vector<1x1x16xf32>
        tpu.vector_store %arg7[%swap3A_134, %swap3A_135, %swap3A_136], %swap3A_139 {strides = array<i32>} : memref<2x32x1024xf32, #tpu.memory_space<vmem>>, vector<1x1x16xf32>,
        %get3A_140 = arith.constant 32 : index
        %get3A_141 = tpu.vector_load %arg5[%get3A_140] {strides = array<i32>} : memref<1024xf32, #tpu.memory_space<vmem>>, vector<16xf32>,
        %get3A_142 = vector.shape_cast %get3A_141 : vector<16xf32> to vector<16xf32>
        %mul3A_143 = vector.broadcast %squeeze3A : f32 to vector<16xf32>
        %mul3A_144 = arith.mulf %get3A_142, %mul3A_143 : vector<16xf32>
        %mul3A_145 = arith.constant 2 : i32
        %mul3A_146 = arith.muli %mul3A_145, %scan3A_98 : i32
        %add3A_147 = arith.constant 0 : i32
        %add3A_148 = arith.addi %mul3A_146, %add3A_147 : i32
        %swap3A_149 = arith.constant 1 : i32
        %swap3A_150 = arith.index_cast %swap3A_149 : i32 to index
        %swap3A_151 = arith.index_cast %add3A_148 : i32 to index
        %swap3A_152 = arith.constant 32 : index
        %swap3A_153 = tpu.vector_load %arg7[%swap3A_150, %swap3A_151, %swap3A_152] {strides = array<i32>} : memref<2x32x1024xf32, #tpu.memory_space<vmem>>, vector<1x1x16xf32>,
        %swap3A_154 = vector.shape_cast %swap3A_153 : vector<1x1x16xf32> to vector<16xf32>
        %swap3A_155 = vector.shape_cast %mul3A_144 : vector<16xf32> to vector<1x1x16xf32>
        tpu.vector_store %arg7[%swap3A_150, %swap3A_151, %swap3A_152], %swap3A_155 {strides = array<i32>} : memref<2x32x1024xf32, #tpu.memory_space<vmem>>, vector<1x1x16xf32>,
        %get3A_156 = arith.constant 48 : index
        %get3A_157 = tpu.vector_load %arg5[%get3A_156] {strides = array<i32>} : memref<1024xf32, #tpu.memory_space<vmem>>, vector<16xf32>,
        %get3A_158 = vector.shape_cast %get3A_157 : vector<16xf32> to vector<16xf32>
        %mul3A_159 = vector.broadcast %squeeze3A : f32 to vector<16xf32>
        %mul3A_160 = arith.mulf %get3A_158, %mul3A_159 : vector<16xf32>
        %mul3A_161 = arith.constant 2 : i32
        %mul3A_162 = arith.muli %mul3A_161, %scan3A_98 : i32
        %add3A_163 = arith.constant 0 : i32
        %add3A_164 = arith.addi %mul3A_162, %add3A_163 : i32
        %swap3A_165 = arith.constant 1 : i32
        %swap3A_166 = arith.index_cast %swap3A_165 : i32 to index
        %swap3A_167 = arith.index_cast %add3A_164 : i32 to index
        %swap3A_168 = arith.constant 48 : index
        %swap3A_169 = tpu.vector_load %arg7[%swap3A_166, %swap3A_167, %swap3A_168] {strides = array<i32>} : memref<2x32x1024xf32, #tpu.memory_space<vmem>>, vector<1x1x16xf32>,
        %swap3A_170 = vector.shape_cast %swap3A_169 : vector<1x1x16xf32> to vector<16xf32>
        %swap3A_171 = vector.shape_cast %mul3A_160 : vector<16xf32> to vector<1x1x16xf32>
        tpu.vector_store %arg7[%swap3A_166, %swap3A_167, %swap3A_168], %swap3A_171 {strides = array<i32>} : memref<2x32x1024xf32, #tpu.memory_space<vmem>>, vector<1x1x16xf32>,
        %get3A_172 = arith.constant 64 : index
        %get3A_173 = tpu.vector_load %arg5[%get3A_172] {strides = array<i32>} : memref<1024xf32, #tpu.memory_space<vmem>>, vector<16xf32>,
        %get3A_174 = vector.shape_cast %get3A_173 : vector<16xf32> to vector<16xf32>
        %mul3A_175 = vector.broadcast %squeeze3A : f32 to vector<16xf32>
        %mul3A_176 = arith.mulf %get3A_174, %mul3A_175 : vector<16xf32>
        %mul3A_177 = arith.constant 2 : i32
        %mul3A_178 = arith.muli %mul3A_177, %scan3A_98 : i32
        %add3A_179 = arith.constant 0 : i32
        %add3A_180 = arith.addi %mul3A_178, %add3A_179 : i32
        %swap3A_181 = arith.constant 1 : i32
        %swap3A_182 = arith.index_cast %swap3A_181 : i32 to index
        %swap3A_183 = arith.index_cast %add3A_180 : i32 to index
        %swap3A_184 = arith.constant 64 : index
        %swap3A_185 = tpu.vector_load %arg7[%swap3A_182, %swap3A_183, %swap3A_184] {strides = array<i32>} : memref<2x32x1024xf32, #tpu.memory_space<vmem>>, vector<1x1x16xf32>,
        %swap3A_186 = vector.shape_cast %swap3A_185 : vector<1x1x16xf32> to vector<16xf32>
        %swap3A_187 = vector.shape_cast %mul3A_176 : vector<16xf32> to vector<1x1x16xf32>
        tpu.vector_store %arg7[%swap3A_182, %swap3A_183, %swap3A_184], %swap3A_187 {strides = array<i32>} : memref<2x32x1024xf32, #tpu.memory_space<vmem>>, vector<1x1x16xf32>,
        %get3A_188 = arith.constant 80 : index
        %get3A_189 = tpu.vector_load %arg5[%get3A_188] {strides = array<i32>} : memref<1024xf32, #tpu.memory_space<vmem>>, vector<16xf32>,
        %get3A_190 = vector.shape_cast %get3A_189 : vector<16xf32> to vector<16xf32>
        %mul3A_191 = vector.broadcast %squeeze3A : f32 to vector<16xf32>
        %mul3A_192 = arith.mulf %get3A_190, %mul3A_191 : vector<16xf32>
        %mul3A_193 = arith.constant 2 : i32
        %mul3A_194 = arith.muli %mul3A_193, %scan3A_98 : i32
        %add3A_195 = arith.constant 0 : i32
        %add3A_196 = arith.addi %mul3A_194, %add3A_195 : i32
        %swap3A_197 = arith.constant 1 : i32
        %swap3A_198 = arith.index_cast %swap3A_197 : i32 to index
        %swap3A_199 = arith.index_cast %add3A_196 : i32 to index
        %swap3A_200 = arith.constant 80 : index
        %swap3A_201 = tpu.vector_load %arg7[%swap3A_198, %swap3A_199, %swap3A_200] {strides = array<i32>} : memref<2x32x1024xf32, #tpu.memory_space<vmem>>, vector<1x1x16xf32>,
        %swap3A_202 = vector.shape_cast %swap3A_201 : vector<1x1x16xf32> to vector<16xf32>
        %swap3A_203 = vector.shape_cast %mul3A_192 : vector<16xf32> to vector<1x1x16xf32>
        tpu.vector_store %arg7[%swap3A_198, %swap3A_199, %swap3A_200], %swap3A_203 {strides = array<i32>} : memref<2x32x1024xf32, #tpu.memory_space<vmem>>, vector<1x1x16xf32>,
        %get3A_204 = arith.constant 96 : index
        %get3A_205 = tpu.vector_load %arg5[%get3A_204] {strides = array<i32>} : memref<1024xf32, #tpu.memory_space<vmem>>, vector<16xf32>,
        %get3A_206 = vector.shape_cast %get3A_205 : vector<16xf32> to vector<16xf32>
        %mul3A_207 = vector.broadcast %squeeze3A : f32 to vector<16xf32>
        %mul3A_208 = arith.mulf %get3A_206, %mul3A_207 : vector<16xf32>
        %mul3A_209 = arith.constant 2 : i32
        %mul3A_210 = arith.muli %mul3A_209, %scan3A_98 : i32
        %add3A_211 = arith.constant 0 : i32
        %add3A_212 = arith.addi %mul3A_210, %add3A_211 : i32
        %swap3A_213 = arith.constant 1 : i32
        %swap3A_214 = arith.index_cast %swap3A_213 : i32 to index
        %swap3A_215 = arith.index_cast %add3A_212 : i32 to index
        %swap3A_216 = arith.constant 96 : index
        %swap3A_217 = tpu.vector_load %arg7[%swap3A_214, %swap3A_215, %swap3A_216] {strides = array<i32>} : memref<2x32x1024xf32, #tpu.memory_space<vmem>>, vector<1x1x16xf32>,
        %swap3A_218 = vector.shape_cast %swap3A_217 : vector<1x1x16xf32> to vector<16xf32>
        %swap3A_219 = vector.shape_cast %mul3A_208 : vector<16xf32> to vector<1x1x16xf32>
        tpu.vector_store %arg7[%swap3A_214, %swap3A_215, %swap3A_216], %swap3A_219 {strides = array<i32>} : memref<2x32x1024xf32, #tpu.memory_space<vmem>>, vector<1x1x16xf32>,
        %get3A_220 = arith.constant 112 : index
        %get3A_221 = tpu.vector_load %arg5[%get3A_220] {strides = array<i32>} : memref<1024xf32, #tpu.memory_space<vmem>>, vector<16xf32>,
        %get3A_222 = vector.shape_cast %get3A_221 : vector<16xf32> to vector<16xf32>
        %mul3A_223 = vector.broadcast %squeeze3A : f32 to vector<16xf32>
        %mul3A_224 = arith.mulf %get3A_222, %mul3A_223 : vector<16xf32>
        %mul3A_225 = arith.constant 2 : i32
        %mul3A_226 = arith.muli %mul3A_225, %scan3A_98 : i32
        %add3A_227 = arith.constant 0 : i32
        %add3A_228 = arith.addi %mul3A_226, %add3A_227 : i32
        %swap3A_229 = arith.constant 1 : i32
        %swap3A_230 = arith.index_cast %swap3A_229 : i32 to index
        %swap3A_231 = arith.index_cast %add3A_228 : i32 to index
        %swap3A_232 = arith.constant 112 : index
        %swap3A_233 = tpu.vector_load %arg7[%swap3A_230, %swap3A_231, %swap3A_232] {strides = array<i32>} : memref<2x32x1024xf32, #tpu.memory_space<vmem>>, vector<1x1x16xf32>,
        %swap3A_234 = vector.shape_cast %swap3A_233 : vector<1x1x16xf32> to vector<16xf32>
        %swap3A_235 = vector.shape_cast %mul3A_224 : vector<16xf32> to vector<1x1x16xf32>
        tpu.vector_store %arg7[%swap3A_230, %swap3A_231, %swap3A_232], %swap3A_235 {strides = array<i32>} : memref<2x32x1024xf32, #tpu.memory_space<vmem>>, vector<1x1x16xf32>,
        %slice3A_236 = vector.extract_strided_slice %convert_element_type3A_108 {offsets = [1], sizes = [1], strides = [1]} : vector<16xf32> to vector<1xf32>
        %squeeze3A_237 = vector.extract %slice3A_236[0] : f32 from vector<1xf32>
        %get3A_238 = arith.constant 128 : index
        %get3A_239 = tpu.vector_load %arg5[%get3A_238] {strides = array<i32>} : memref<1024xf32, #tpu.memory_space<vmem>>, vector<16xf32>,
        %get3A_240 = vector.shape_cast %get3A_239 : vector<16xf32> to vector<16xf32>
        %mul3A_241 = vector.broadcast %squeeze3A_237 : f32 to vector<16xf32>
        %mul3A_242 = arith.mulf %get3A_240, %mul3A_241 : vector<16xf32>
        %mul3A_243 = arith.constant 2 : i32
        %mul3A_244 = arith.muli %mul3A_243, %scan3A_98 : i32
        %add3A_245 = arith.constant 0 : i32
        %add3A_246 = arith.addi %mul3A_244, %add3A_245 : i32
        %swap3A_247 = arith.constant 1 : i32
        %swap3A_248 = arith.index_cast %swap3A_247 : i32 to index
        %swap3A_249 = arith.index_cast %add3A_246 : i32 to index
        %swap3A_250 = arith.constant 128 : index
        %swap3A_251 = tpu.vector_load %arg7[%swap3A_248, %swap3A_249, %swap3A_250] {strides = array<i32>} : memref<2x32x1024xf32, #tpu.memory_space<vmem>>, vector<1x1x16xf32>,
        %swap3A_252 = vector.shape_cast %swap3A_251 : vector<1x1x16xf32> to vector<16xf32>
        %swap3A_253 = vector.shape_cast %mul3A_242 : vector<16xf32> to vector<1x1x16xf32>
        tpu.vector_store %arg7[%swap3A_248, %swap3A_249, %swap3A_250], %swap3A_253 {strides = array<i32>} : memref<2x32x1024xf32, #tpu.memory_space<vmem>>, vector<1x1x16xf32>,
        %get3A_254 = arith.constant 144 : index
        %get3A_255 = tpu.vector_load %arg5[%get3A_254] {strides = array<i32>} : memref<1024xf32, #tpu.memory_space<vmem>>, vector<16xf32>,
        %get3A_256 = vector.shape_cast %get3A_255 : vector<16xf32> to vector<16xf32>
        %mul3A_257 = vector.broadcast %squeeze3A_237 : f32 to vector<16xf32>
        %mul3A_258 = arith.mulf %get3A_256, %mul3A_257 : vector<16xf32>
        %mul3A_259 = arith.constant 2 : i32
        %mul3A_260 = arith.muli %mul3A_259, %scan3A_98 : i32
        %add3A_261 = arith.constant 0 : i32
        %add3A_262 = arith.addi %mul3A_260, %add3A_261 : i32
        %swap3A_263 = arith.constant 1 : i32
        %swap3A_264 = arith.index_cast %swap3A_263 : i32 to index
        %swap3A_265 = arith.index_cast %add3A_262 : i32 to index
        %swap3A_266 = arith.constant 144 : index
        %swap3A_267 = tpu.vector_load %arg7[%swap3A_264, %swap3A_265, %swap3A_266] {strides = array<i32>} : memref<2x32x1024xf32, #tpu.memory_space<vmem>>, vector<1x1x16xf32>,
        %swap3A_268 = vector.shape_cast %swap3A_267 : vector<1x1x16xf32> to vector<16xf32>
        %swap3A_269 = vector.shape_cast %mul3A_258 : vector<16xf32> to vector<1x1x16xf32>
        tpu.vector_store %arg7[%swap3A_264, %swap3A_265, %swap3A_266], %swap3A_269 {strides = array<i32>} : memref<2x32x1024xf32, #tpu.memory_space<vmem>>, vector<1x1x16xf32>,
        %get3A_270 = arith.constant 160 : index
        %get3A_271 = tpu.vector_load %arg5[%get3A_270] {strides = array<i32>} : memref<1024xf32, #tpu.memory_space<vmem>>, vector<16xf32>,
        %get3A_272 = vector.shape_cast %get3A_271 : vector<16xf32> to vector<16xf32>
        %mul3A_273 = vector.broadcast %squeeze3A_237 : f32 to vector<16xf32>
        %mul3A_274 = arith.mulf %get3A_272, %mul3A_273 : vector<16xf32>
        %mul3A_275 = arith.constant 2 : i32
        %mul3A_276 = arith.muli %mul3A_275, %scan3A_98 : i32
        %add3A_277 = arith.constant 0 : i32
        %add3A_278 = arith.addi %mul3A_276, %add3A_277 : i32
        %swap3A_279 = arith.constant 1 : i32
        %swap3A_280 = arith.index_cast %swap3A_279 : i32 to index
        %swap3A_281 = arith.index_cast %add3A_278 : i32 to index
        %swap3A_282 = arith.constant 160 : index
        %swap3A_283 = tpu.vector_load %arg7[%swap3A_280, %swap3A_281, %swap3A_282] {strides = array<i32>} : memref<2x32x1024xf32, #tpu.memory_space<vmem>>, vector<1x1x16xf32>,
        %swap3A_284 = vector.shape_cast %swap3A_283 : vector<1x1x16xf32> to vector<16xf32>
        %swap3A_285 = vector.shape_cast %mul3A_274 : vector<16xf32> to vector<1x1x16xf32>
        tpu.vector_store %arg7[%swap3A_280, %swap3A_281, %swap3A_282], %swap3A_285 {strides = array<i32>} : memref<2x32x1024xf32, #tpu.memory_space<vmem>>, vector<1x1x16xf32>,
        %get3A_286 = arith.constant 176 : index
        %get3A_287 = tpu.vector_load %arg5[%get3A_286] {strides = array<i32>} : memref<1024xf32, #tpu.memory_space<vmem>>, vector<16xf32>,
        %get3A_288 = vector.shape_cast %get3A_287 : vector<16xf32> to vector<16xf32>
        %mul3A_289 = vector.broadcast %squeeze3A_237 : f32 to vector<16xf32>
        %mul3A_290 = arith.mulf %get3A_288, %mul3A_289 : vector<16xf32>
        %mul3A_291 = arith.constant 2 : i32
        %mul3A_292 = arith.muli %mul3A_291, %scan3A_98 : i32
        %add3A_293 = arith.constant 0 : i32
        %add3A_294 = arith.addi %mul3A_292, %add3A_293 : i32
        %swap3A_295 = arith.constant 1 : i32
        %swap3A_296 = arith.index_cast %swap3A_295 : i32 to index
        %swap3A_297 = arith.index_cast %add3A_294 : i32 to index
        %swap3A_298 = arith.constant 176 : index
        %swap3A_299 = tpu.vector_load %arg7[%swap3A_296, %swap3A_297, %swap3A_298] {strides = array<i32>} : memref<2x32x1024xf32, #tpu.memory_space<vmem>>, vector<1x1x16xf32>,
        %swap3A_300 = vector.shape_cast %swap3A_299 : vector<1x1x16xf32> to vector<16xf32>
        %swap3A_301 = vector.shape_cast %mul3A_290 : vector<16xf32> to vector<1x1x16xf32>
        tpu.vector_store %arg7[%swap3A_296, %swap3A_297, %swap3A_298], %swap3A_301 {strides = array<i32>} : memref<2x32x1024xf32, #tpu.memory_space<vmem>>, vector<1x1x16xf32>,
        %get3A_302 = arith.constant 192 : index
        %get3A_303 = tpu.vector_load %arg5[%get3A_302] {strides = array<i32>} : memref<1024xf32, #tpu.memory_space<vmem>>, vector<16xf32>,
        %get3A_304 = vector.shape_cast %get3A_303 : vector<16xf32> to vector<16xf32>
        %mul3A_305 = vector.broadcast %squeeze3A_237 : f32 to vector<16xf32>
        %mul3A_306 = arith.mulf %get3A_304, %mul3A_305 : vector<16xf32>
        %mul3A_307 = arith.constant 2 : i32
        %mul3A_308 = arith.muli %mul3A_307, %scan3A_98 : i32
        %add3A_309 = arith.constant 0 : i32
        %add3A_310 = arith.addi %mul3A_308, %add3A_309 : i32
        %swap3A_311 = arith.constant 1 : i32
        %swap3A_312 = arith.index_cast %swap3A_311 : i32 to index
        %swap3A_313 = arith.index_cast %add3A_310 : i32 to index
        %swap3A_314 = arith.constant 192 : index
        %swap3A_315 = tpu.vector_load %arg7[%swap3A_312, %swap3A_313, %swap3A_314] {strides = array<i32>} : memref<2x32x1024xf32, #tpu.memory_space<vmem>>, vector<1x1x16xf32>,
        %swap3A_316 = vector.shape_cast %swap3A_315 : vector<1x1x16xf32> to vector<16xf32>
        %swap3A_317 = vector.shape_cast %mul3A_306 : vector<16xf32> to vector<1x1x16xf32>
        tpu.vector_store %arg7[%swap3A_312, %swap3A_313, %swap3A_314], %swap3A_317 {strides = array<i32>} : memref<2x32x1024xf32, #tpu.memory_space<vmem>>, vector<1x1x16xf32>,
        %get3A_318 = arith.constant 208 : index
        %get3A_319 = tpu.vector_load %arg5[%get3A_318] {strides = array<i32>} : memref<1024xf32, #tpu.memory_space<vmem>>, vector<16xf32>,
        %get3A_320 = vector.shape_cast %get3A_319 : vector<16xf32> to vector<16xf32>
        %mul3A_321 = vector.broadcast %squeeze3A_237 : f32 to vector<16xf32>
        %mul3A_322 = arith.mulf %get3A_320, %mul3A_321 : vector<16xf32>
        %mul3A_323 = arith.constant 2 : i32
        %mul3A_324 = arith.muli %mul3A_323, %scan3A_98 : i32
        %add3A_325 = arith.constant 0 : i32
        %add3A_326 = arith.addi %mul3A_324, %add3A_325 : i32
        %swap3A_327 = arith.constant 1 : i32
        %swap3A_328 = arith.index_cast %swap3A_327 : i32 to index
        %swap3A_329 = arith.index_cast %add3A_326 : i32 to index
        %swap3A_330 = arith.constant 208 : index
        %swap3A_331 = tpu.vector_load %arg7[%swap3A_328, %swap3A_329, %swap3A_330] {strides = array<i32>} : memref<2x32x1024xf32, #tpu.memory_space<vmem>>, vector<1x1x16xf32>,
        %swap3A_332 = vector.shape_cast %swap3A_331 : vector<1x1x16xf32> to vector<16xf32>
        %swap3A_333 = vector.shape_cast %mul3A_322 : vector<16xf32> to vector<1x1x16xf32>
        tpu.vector_store %arg7[%swap3A_328, %swap3A_329, %swap3A_330], %swap3A_333 {strides = array<i32>} : memref<2x32x1024xf32, #tpu.memory_space<vmem>>, vector<1x1x16xf32>,
        %get3A_334 = arith.constant 224 : index
        %get3A_335 = tpu.vector_load %arg5[%get3A_334] {strides = array<i32>} : memref<1024xf32, #tpu.memory_space<vmem>>, vector<16xf32>,
        %get3A_336 = vector.shape_cast %get3A_335 : vector<16xf32> to vector<16xf32>
        %mul3A_337 = vector.broadcast %squeeze3A_237 : f32 to vector<16xf32>
        %mul3A_338 = arith.mulf %get3A_336, %mul3A_337 : vector<16xf32>
        %mul3A_339 = arith.constant 2 : i32
        %mul3A_340 = arith.muli %mul3A_339, %scan3A_98 : i32
        %add3A_341 = arith.constant 0 : i32
        %add3A_342 = arith.addi %mul3A_340, %add3A_341 : i32
        %swap3A_343 = arith.constant 1 : i32
        %swap3A_344 = arith.index_cast %swap3A_343 : i32 to index
        %swap3A_345 = arith.index_cast %add3A_342 : i32 to index
        %swap3A_346 = arith.constant 224 : index
        %swap3A_347 = tpu.vector_load %arg7[%swap3A_344, %swap3A_345, %swap3A_346] {strides = array<i32>} : memref<2x32x1024xf32, #tpu.memory_space<vmem>>, vector<1x1x16xf32>,
        %swap3A_348 = vector.shape_cast %swap3A_347 : vector<1x1x16xf32> to vector<16xf32>
        %swap3A_349 = vector.shape_cast %mul3A_338 : vector<16xf32> to vector<1x1x16xf32>
        tpu.vector_store %arg7[%swap3A_344, %swap3A_345, %swap3A_346], %swap3A_349 {strides = array<i32>} : memref<2x32x1024xf32, #tpu.memory_space<vmem>>, vector<1x1x16xf32>,
        %get3A_350 = arith.constant 240 : index
        %get3A_351 = tpu.vector_load %arg5[%get3A_350] {strides = array<i32>} : memref<1024xf32, #tpu.memory_space<vmem>>, vector<16xf32>,
        %get3A_352 = vector.shape_cast %get3A_351 : vector<16xf32> to vector<16xf32>
        %mul3A_353 = vector.broadcast %squeeze3A_237 : f32 to vector<16xf32>
        %mul3A_354 = arith.mulf %get3A_352, %mul3A_353 : vector<16xf32>
        %mul3A_355 = arith.constant 2 : i32
        %mul3A_356 = arith.muli %mul3A_355, %scan3A_98 : i32
        %add3A_357 = arith.constant 0 : i32
        %add3A_358 = arith.addi %mul3A_356, %add3A_357 : i32
        %swap3A_359 = arith.constant 1 : i32
        %swap3A_360 = arith.index_cast %swap3A_359 : i32 to index
        %swap3A_361 = arith.index_cast %add3A_358 : i32 to index
        %swap3A_362 = arith.constant 240 : index
        %swap3A_363 = tpu.vector_load %arg7[%swap3A_360, %swap3A_361, %swap3A_362] {strides = array<i32>} : memref<2x32x1024xf32, #tpu.memory_space<vmem>>, vector<1x1x16xf32>,
        %swap3A_364 = vector.shape_cast %swap3A_363 : vector<1x1x16xf32> to vector<16xf32>
        %swap3A_365 = vector.shape_cast %mul3A_354 : vector<16xf32> to vector<1x1x16xf32>
        tpu.vector_store %arg7[%swap3A_360, %swap3A_361, %swap3A_362], %swap3A_365 {strides = array<i32>} : memref<2x32x1024xf32, #tpu.memory_space<vmem>>, vector<1x1x16xf32>,
        %slice3A_366 = vector.extract_strided_slice %convert_element_type3A_108 {offsets = [2], sizes = [1], strides = [1]} : vector<16xf32> to vector<1xf32>
        %squeeze3A_367 = vector.extract %slice3A_366[0] : f32 from vector<1xf32>
        %get3A_368 = arith.constant 256 : index
        %get3A_369 = tpu.vector_load %arg5[%get3A_368] {strides = array<i32>} : memref<1024xf32, #tpu.memory_space<vmem>>, vector<16xf32>,
        %get3A_370 = vector.shape_cast %get3A_369 : vector<16xf32> to vector<16xf32>
        %mul3A_371 = vector.broadcast %squeeze3A_367 : f32 to vector<16xf32>
        %mul3A_372 = arith.mulf %get3A_370, %mul3A_371 : vector<16xf32>
        %mul3A_373 = arith.constant 2 : i32
        %mul3A_374 = arith.muli %mul3A_373, %scan3A_98 : i32
        %add3A_375 = arith.constant 0 : i32
        %add3A_376 = arith.addi %mul3A_374, %add3A_375 : i32
        %swap3A_377 = arith.constant 1 : i32
        %swap3A_378 = arith.index_cast %swap3A_377 : i32 to index
        %swap3A_379 = arith.index_cast %add3A_376 : i32 to index
        %swap3A_380 = arith.constant 256 : index
        %swap3A_381 = tpu.vector_load %arg7[%swap3A_378, %swap3A_379, %swap3A_380] {strides = array<i32>} : memref<2x32x1024xf32, #tpu.memory_space<vmem>>, vector<1x1x16xf32>,
        %swap3A_382 = vector.shape_cast %swap3A_381 : vector<1x1x16xf32> to vector<16xf32>
        %swap3A_383 = vector.shape_cast %mul3A_372 : vector<16xf32> to vector<1x1x16xf32>
        tpu.vector_store %arg7[%swap3A_378, %swap3A_379, %swap3A_380], %swap3A_383 {strides = array<i32>} : memref<2x32x1024xf32, #tpu.memory_space<vmem>>, vector<1x1x16xf32>,
        %get3A_384 = arith.constant 272 : index
        %get3A_385 = tpu.vector_load %arg5[%get3A_384] {strides = array<i32>} : memref<1024xf32, #tpu.memory_space<vmem>>, vector<16xf32>,
        %get3A_386 = vector.shape_cast %get3A_385 : vector<16xf32> to vector<16xf32>
        %mul3A_387 = vector.broadcast %squeeze3A_367 : f32 to vector<16xf32>
        %mul3A_388 = arith.mulf %get3A_386, %mul3A_387 : vector<16xf32>
        %mul3A_389 = arith.constant 2 : i32
        %mul3A_390 = arith.muli %mul3A_389, %scan3A_98 : i32
        %add3A_391 = arith.constant 0 : i32
        %add3A_392 = arith.addi %mul3A_390, %add3A_391 : i32
        %swap3A_393 = arith.constant 1 : i32
        %swap3A_394 = arith.index_cast %swap3A_393 : i32 to index
        %swap3A_395 = arith.index_cast %add3A_392 : i32 to index
        %swap3A_396 = arith.constant 272 : index
        %swap3A_397 = tpu.vector_load %arg7[%swap3A_394, %swap3A_395, %swap3A_396] {strides = array<i32>} : memref<2x32x1024xf32, #tpu.memory_space<vmem>>, vector<1x1x16xf32>,
        %swap3A_398 = vector.shape_cast %swap3A_397 : vector<1x1x16xf32> to vector<16xf32>
        %swap3A_399 = vector.shape_cast %mul3A_388 : vector<16xf32> to vector<1x1x16xf32>
        tpu.vector_store %arg7[%swap3A_394, %swap3A_395, %swap3A_396], %swap3A_399 {strides = array<i32>} : memref<2x32x1024xf32, #tpu.memory_space<vmem>>, vector<1x1x16xf32>,
        %get3A_400 = arith.constant 288 : index
        %get3A_401 = tpu.vector_load %arg5[%get3A_400] {strides = array<i32>} : memref<1024xf32, #tpu.memory_space<vmem>>, vector<16xf32>,
        %get3A_402 = vector.shape_cast %get3A_401 : vector<16xf32> to vector<16xf32>
        %mul3A_403 = vector.broadcast %squeeze3A_367 : f32 to vector<16xf32>
        %mul3A_404 = arith.mulf %get3A_402, %mul3A_403 : vector<16xf32>
        %mul3A_405 = arith.constant 2 : i32
        %mul3A_406 = arith.muli %mul3A_405, %scan3A_98 : i32
        %add3A_407 = arith.constant 0 : i32
        %add3A_408 = arith.addi %mul3A_406, %add3A_407 : i32
        %swap3A_409 = arith.constant 1 : i32
        %swap3A_410 = arith.index_cast %swap3A_409 : i32 to index
        %swap3A_411 = arith.index_cast %add3A_408 : i32 to index
        %swap3A_412 = arith.constant 288 : index
        %swap3A_413 = tpu.vector_load %arg7[%swap3A_410, %swap3A_411, %swap3A_412] {strides = array<i32>} : memref<2x32x1024xf32, #tpu.memory_space<vmem>>, vector<1x1x16xf32>,
        %swap3A_414 = vector.shape_cast %swap3A_413 : vector<1x1x16xf32> to vector<16xf32>
        %swap3A_415 = vector.shape_cast %mul3A_404 : vector<16xf32> to vector<1x1x16xf32>
        tpu.vector_store %arg7[%swap3A_410, %swap3A_411, %swap3A_412], %swap3A_415 {strides = array<i32>} : memref<2x32x1024xf32, #tpu.memory_space<vmem>>, vector<1x1x16xf32>,
        %get3A_416 = arith.constant 304 : index
        %get3A_417 = tpu.vector_load %arg5[%get3A_416] {strides = array<i32>} : memref<1024xf32, #tpu.memory_space<vmem>>, vector<16xf32>,
        %get3A_418 = vector.shape_cast %get3A_417 : vector<16xf32> to vector<16xf32>
        %mul3A_419 = vector.broadcast %squeeze3A_367 : f32 to vector<16xf32>
        %mul3A_420 = arith.mulf %get3A_418, %mul3A_419 : vector<16xf32>
        %mul3A_421 = arith.constant 2 : i32
        %mul3A_422 = arith.muli %mul3A_421, %scan3A_98 : i32
        %add3A_423 = arith.constant 0 : i32
        %add3A_424 = arith.addi %mul3A_422, %add3A_423 : i32
        %swap3A_425 = arith.constant 1 : i32
        %swap3A_426 = arith.index_cast %swap3A_425 : i32 to index
        %swap3A_427 = arith.index_cast %add3A_424 : i32 to index
        %swap3A_428 = arith.constant 304 : index
        %swap3A_429 = tpu.vector_load %arg7[%swap3A_426, %swap3A_427, %swap3A_428] {strides = array<i32>} : memref<2x32x1024xf32, #tpu.memory_space<vmem>>, vector<1x1x16xf32>,
        %swap3A_430 = vector.shape_cast %swap3A_429 : vector<1x1x16xf32> to vector<16xf32>
        %swap3A_431 = vector.shape_cast %mul3A_420 : vector<16xf32> to vector<1x1x16xf32>
        tpu.vector_store %arg7[%swap3A_426, %swap3A_427, %swap3A_428], %swap3A_431 {strides = array<i32>} : memref<2x32x1024xf32, #tpu.memory_space<vmem>>, vector<1x1x16xf32>,
        %get3A_432 = arith.constant 320 : index
        %get3A_433 = tpu.vector_load %arg5[%get3A_432] {strides = array<i32>} : memref<1024xf32, #tpu.memory_space<vmem>>, vector<16xf32>,
        %get3A_434 = vector.shape_cast %get3A_433 : vector<16xf32> to vector<16xf32>
        %mul3A_435 = vector.broadcast %squeeze3A_367 : f32 to vector<16xf32>
        %mul3A_436 = arith.mulf %get3A_434, %mul3A_435 : vector<16xf32>
        %mul3A_437 = arith.constant 2 : i32
        %mul3A_438 = arith.muli %mul3A_437, %scan3A_98 : i32
        %add3A_439 = arith.constant 0 : i32
        %add3A_440 = arith.addi %mul3A_438, %add3A_439 : i32
        %swap3A_441 = arith.constant 1 : i32
        %swap3A_442 = arith.index_cast %swap3A_441 : i32 to index
        %swap3A_443 = arith.index_cast %add3A_440 : i32 to index
        %swap3A_444 = arith.constant 320 : index
        %swap3A_445 = tpu.vector_load %arg7[%swap3A_442, %swap3A_443, %swap3A_444] {strides = array<i32>} : memref<2x32x1024xf32, #tpu.memory_space<vmem>>, vector<1x1x16xf32>,
        %swap3A_446 = vector.shape_cast %swap3A_445 : vector<1x1x16xf32> to vector<16xf32>
        %swap3A_447 = vector.shape_cast %mul3A_436 : vector<16xf32> to vector<1x1x16xf32>
        tpu.vector_store %arg7[%swap3A_442, %swap3A_443, %swap3A_444], %swap3A_447 {strides = array<i32>} : memref<2x32x1024xf32, #tpu.memory_space<vmem>>, vector<1x1x16xf32>,
        %get3A_448 = arith.constant 336 : index
        %get3A_449 = tpu.vector_load %arg5[%get3A_448] {strides = array<i32>} : memref<1024xf32, #tpu.memory_space<vmem>>, vector<16xf32>,
        %get3A_450 = vector.shape_cast %get3A_449 : vector<16xf32> to vector<16xf32>
        %mul3A_451 = vector.broadcast %squeeze3A_367 : f32 to vector<16xf32>
        %mul3A_452 = arith.mulf %get3A_450, %mul3A_451 : vector<16xf32>
        %mul3A_453 = arith.constant 2 : i32
        %mul3A_454 = arith.muli %mul3A_453, %scan3A_98 : i32
        %add3A_455 = arith.constant 0 : i32
        %add3A_456 = arith.addi %mul3A_454, %add3A_455 : i32
        %swap3A_457 = arith.constant 1 : i32
        %swap3A_458 = arith.index_cast %swap3A_457 : i32 to index
        %swap3A_459 = arith.index_cast %add3A_456 : i32 to index
        %swap3A_460 = arith.constant 336 : index
        %swap3A_461 = tpu.vector_load %arg7[%swap3A_458, %swap3A_459, %swap3A_460] {strides = array<i32>} : memref<2x32x1024xf32, #tpu.memory_space<vmem>>, vector<1x1x16xf32>,
        %swap3A_462 = vector.shape_cast %swap3A_461 : vector<1x1x16xf32> to vector<16xf32>
        %swap3A_463 = vector.shape_cast %mul3A_452 : vector<16xf32> to vector<1x1x16xf32>
        tpu.vector_store %arg7[%swap3A_458, %swap3A_459, %swap3A_460], %swap3A_463 {strides = array<i32>} : memref<2x32x1024xf32, #tpu.memory_space<vmem>>, vector<1x1x16xf32>,
        %get3A_464 = arith.constant 352 : index
        %get3A_465 = tpu.vector_load %arg5[%get3A_464] {strides = array<i32>} : memref<1024xf32, #tpu.memory_space<vmem>>, vector<16xf32>,
        %get3A_466 = vector.shape_cast %get3A_465 : vector<16xf32> to vector<16xf32>
        %mul3A_467 = vector.broadcast %squeeze3A_367 : f32 to vector<16xf32>
        %mul3A_468 = arith.mulf %get3A_466, %mul3A_467 : vector<16xf32>
        %mul3A_469 = arith.constant 2 : i32
        %mul3A_470 = arith.muli %mul3A_469, %scan3A_98 : i32
        %add3A_471 = arith.constant 0 : i32
        %add3A_472 = arith.addi %mul3A_470, %add3A_471 : i32
        %swap3A_473 = arith.constant 1 : i32
        %swap3A_474 = arith.index_cast %swap3A_473 : i32 to index
        %swap3A_475 = arith.index_cast %add3A_472 : i32 to index
        %swap3A_476 = arith.constant 352 : index
        %swap3A_477 = tpu.vector_load %arg7[%swap3A_474, %swap3A_475, %swap3A_476] {strides = array<i32>} : memref<2x32x1024xf32, #tpu.memory_space<vmem>>, vector<1x1x16xf32>,
        %swap3A_478 = vector.shape_cast %swap3A_477 : vector<1x1x16xf32> to vector<16xf32>
        %swap3A_479 = vector.shape_cast %mul3A_468 : vector<16xf32> to vector<1x1x16xf32>
        tpu.vector_store %arg7[%swap3A_474, %swap3A_475, %swap3A_476], %swap3A_479 {strides = array<i32>} : memref<2x32x1024xf32, #tpu.memory_space<vmem>>, vector<1x1x16xf32>,
        %get3A_480 = arith.constant 368 : index
        %get3A_481 = tpu.vector_load %arg5[%get3A_480] {strides = array<i32>} : memref<1024xf32, #tpu.memory_space<vmem>>, vector<16xf32>,
        %get3A_482 = vector.shape_cast %get3A_481 : vector<16xf32> to vector<16xf32>
        %mul3A_483 = vector.broadcast %squeeze3A_367 : f32 to vector<16xf32>
        %mul3A_484 = arith.mulf %get3A_482, %mul3A_483 : vector<16xf32>
        %mul3A_485 = arith.constant 2 : i32
        %mul3A_486 = arith.muli %mul3A_485, %scan3A_98 : i32
        %add3A_487 = arith.constant 0 : i32
        %add3A_488 = arith.addi %mul3A_486, %add3A_487 : i32
        %swap3A_489 = arith.constant 1 : i32
        %swap3A_490 = arith.index_cast %swap3A_489 : i32 to index
        %swap3A_491 = arith.index_cast %add3A_488 : i32 to index
        %swap3A_492 = arith.constant 368 : index
        %swap3A_493 = tpu.vector_load %arg7[%swap3A_490, %swap3A_491, %swap3A_492] {strides = array<i32>} : memref<2x32x1024xf32, #tpu.memory_space<vmem>>, vector<1x1x16xf32>,
        %swap3A_494 = vector.shape_cast %swap3A_493 : vector<1x1x16xf32> to vector<16xf32>
        %swap3A_495 = vector.shape_cast %mul3A_484 : vector<16xf32> to vector<1x1x16xf32>
        tpu.vector_store %arg7[%swap3A_490, %swap3A_491, %swap3A_492], %swap3A_495 {strides = array<i32>} : memref<2x32x1024xf32, #tpu.memory_space<vmem>>, vector<1x1x16xf32>,
        %slice3A_496 = vector.extract_strided_slice %convert_element_type3A_108 {offsets = [3], sizes = [1], strides = [1]} : vector<16xf32> to vector<1xf32>
        %squeeze3A_497 = vector.extract %slice3A_496[0] : f32 from vector<1xf32>
        %get3A_498 = arith.constant 384 : index
        %get3A_499 = tpu.vector_load %arg5[%get3A_498] {strides = array<i32>} : memref<1024xf32, #tpu.memory_space<vmem>>, vector<16xf32>,
        %get3A_500 = vector.shape_cast %get3A_499 : vector<16xf32> to vector<16xf32>
        %mul3A_501 = vector.broadcast %squeeze3A_497 : f32 to vector<16xf32>
        %mul3A_502 = arith.mulf %get3A_500, %mul3A_501 : vector<16xf32>
        %mul3A_503 = arith.constant 2 : i32
        %mul3A_504 = arith.muli %mul3A_503, %scan3A_98 : i32
        %add3A_505 = arith.constant 0 : i32
        %add3A_506 = arith.addi %mul3A_504, %add3A_505 : i32
        %swap3A_507 = arith.constant 1 : i32
        %swap3A_508 = arith.index_cast %swap3A_507 : i32 to index
        %swap3A_509 = arith.index_cast %add3A_506 : i32 to index
        %swap3A_510 = arith.constant 384 : index
        %swap3A_511 = tpu.vector_load %arg7[%swap3A_508, %swap3A_509, %swap3A_510] {strides = array<i32>} : memref<2x32x1024xf32, #tpu.memory_space<vmem>>, vector<1x1x16xf32>,
        %swap3A_512 = vector.shape_cast %swap3A_511 : vector<1x1x16xf32> to vector<16xf32>
        %swap3A_513 = vector.shape_cast %mul3A_502 : vector<16xf32> to vector<1x1x16xf32>
        tpu.vector_store %arg7[%swap3A_508, %swap3A_509, %swap3A_510], %swap3A_513 {strides = array<i32>} : memref<2x32x1024xf32, #tpu.memory_space<vmem>>, vector<1x1x16xf32>,
        %get3A_514 = arith.constant 400 : index
        %get3A_515 = tpu.vector_load %arg5[%get3A_514] {strides = array<i32>} : memref<1024xf32, #tpu.memory_space<vmem>>, vector<16xf32>,
        %get3A_516 = vector.shape_cast %get3A_515 : vector<16xf32> to vector<16xf32>
        %mul3A_517 = vector.broadcast %squeeze3A_497 : f32 to vector<16xf32>
        %mul3A_518 = arith.mulf %get3A_516, %mul3A_517 : vector<16xf32>
        %mul3A_519 = arith.constant 2 : i32
        %mul3A_520 = arith.muli %mul3A_519, %scan3A_98 : i32
        %add3A_521 = arith.constant 0 : i32
        %add3A_522 = arith.addi %mul3A_520, %add3A_521 : i32
        %swap3A_523 = arith.constant 1 : i32
        %swap3A_524 = arith.index_cast %swap3A_523 : i32 to index
        %swap3A_525 = arith.index_cast %add3A_522 : i32 to index
        %swap3A_526 = arith.constant 400 : index
        %swap3A_527 = tpu.vector_load %arg7[%swap3A_524, %swap3A_525, %swap3A_526] {strides = array<i32>} : memref<2x32x1024xf32, #tpu.memory_space<vmem>>, vector<1x1x16xf32>,
        %swap3A_528 = vector.shape_cast %swap3A_527 : vector<1x1x16xf32> to vector<16xf32>
        %swap3A_529 = vector.shape_cast %mul3A_518 : vector<16xf32> to vector<1x1x16xf32>
        tpu.vector_store %arg7[%swap3A_524, %swap3A_525, %swap3A_526], %swap3A_529 {strides = array<i32>} : memref<2x32x1024xf32, #tpu.memory_space<vmem>>, vector<1x1x16xf32>,
        %get3A_530 = arith.constant 416 : index
        %get3A_531 = tpu.vector_load %arg5[%get3A_530] {strides = array<i32>} : memref<1024xf32, #tpu.memory_space<vmem>>, vector<16xf32>,
        %get3A_532 = vector.shape_cast %get3A_531 : vector<16xf32> to vector<16xf32>
        %mul3A_533 = vector.broadcast %squeeze3A_497 : f32 to vector<16xf32>
        %mul3A_534 = arith.mulf %get3A_532, %mul3A_533 : vector<16xf32>
        %mul3A_535 = arith.constant 2 : i32
        %mul3A_536 = arith.muli %mul3A_535, %scan3A_98 : i32
        %add3A_537 = arith.constant 0 : i32
        %add3A_538 = arith.addi %mul3A_536, %add3A_537 : i32
        %swap3A_539 = arith.constant 1 : i32
        %swap3A_540 = arith.index_cast %swap3A_539 : i32 to index
        %swap3A_541 = arith.index_cast %add3A_538 : i32 to index
        %swap3A_542 = arith.constant 416 : index
        %swap3A_543 = tpu.vector_load %arg7[%swap3A_540, %swap3A_541, %swap3A_542] {strides = array<i32>} : memref<2x32x1024xf32, #tpu.memory_space<vmem>>, vector<1x1x16xf32>,
        %swap3A_544 = vector.shape_cast %swap3A_543 : vector<1x1x16xf32> to vector<16xf32>
        %swap3A_545 = vector.shape_cast %mul3A_534 : vector<16xf32> to vector<1x1x16xf32>
        tpu.vector_store %arg7[%swap3A_540, %swap3A_541, %swap3A_542], %swap3A_545 {strides = array<i32>} : memref<2x32x1024xf32, #tpu.memory_space<vmem>>, vector<1x1x16xf32>,
        %get3A_546 = arith.constant 432 : index
        %get3A_547 = tpu.vector_load %arg5[%get3A_546] {strides = array<i32>} : memref<1024xf32, #tpu.memory_space<vmem>>, vector<16xf32>,
        %get3A_548 = vector.shape_cast %get3A_547 : vector<16xf32> to vector<16xf32>
        %mul3A_549 = vector.broadcast %squeeze3A_497 : f32 to vector<16xf32>
        %mul3A_550 = arith.mulf %get3A_548, %mul3A_549 : vector<16xf32>
        %mul3A_551 = arith.constant 2 : i32
        %mul3A_552 = arith.muli %mul3A_551, %scan3A_98 : i32
        %add3A_553 = arith.constant 0 : i32
        %add3A_554 = arith.addi %mul3A_552, %add3A_553 : i32
        %swap3A_555 = arith.constant 1 : i32
        %swap3A_556 = arith.index_cast %swap3A_555 : i32 to index
        %swap3A_557 = arith.index_cast %add3A_554 : i32 to index
        %swap3A_558 = arith.constant 432 : index
        %swap3A_559 = tpu.vector_load %arg7[%swap3A_556, %swap3A_557, %swap3A_558] {strides = array<i32>} : memref<2x32x1024xf32, #tpu.memory_space<vmem>>, vector<1x1x16xf32>,
        %swap3A_560 = vector.shape_cast %swap3A_559 : vector<1x1x16xf32> to vector<16xf32>
        %swap3A_561 = vector.shape_cast %mul3A_550 : vector<16xf32> to vector<1x1x16xf32>
        tpu.vector_store %arg7[%swap3A_556, %swap3A_557, %swap3A_558], %swap3A_561 {strides = array<i32>} : memref<2x32x1024xf32, #tpu.memory_space<vmem>>, vector<1x1x16xf32>,
        %get3A_562 = arith.constant 448 : index
        %get3A_563 = tpu.vector_load %arg5[%get3A_562] {strides = array<i32>} : memref<1024xf32, #tpu.memory_space<vmem>>, vector<16xf32>,
        %get3A_564 = vector.shape_cast %get3A_563 : vector<16xf32> to vector<16xf32>
        %mul3A_565 = vector.broadcast %squeeze3A_497 : f32 to vector<16xf32>
        %mul3A_566 = arith.mulf %get3A_564, %mul3A_565 : vector<16xf32>
        %mul3A_567 = arith.constant 2 : i32
        %mul3A_568 = arith.muli %mul3A_567, %scan3A_98 : i32
        %add3A_569 = arith.constant 0 : i32
        %add3A_570 = arith.addi %mul3A_568, %add3A_569 : i32
        %swap3A_571 = arith.constant 1 : i32
        %swap3A_572 = arith.index_cast %swap3A_571 : i32 to index
        %swap3A_573 = arith.index_cast %add3A_570 : i32 to index
        %swap3A_574 = arith.constant 448 : index
        %swap3A_575 = tpu.vector_load %arg7[%swap3A_572, %swap3A_573, %swap3A_574] {strides = array<i32>} : memref<2x32x1024xf32, #tpu.memory_space<vmem>>, vector<1x1x16xf32>,
        %swap3A_576 = vector.shape_cast %swap3A_575 : vector<1x1x16xf32> to vector<16xf32>
        %swap3A_577 = vector.shape_cast %mul3A_566 : vector<16xf32> to vector<1x1x16xf32>
        tpu.vector_store %arg7[%swap3A_572, %swap3A_573, %swap3A_574], %swap3A_577 {strides = array<i32>} : memref<2x32x1024xf32, #tpu.memory_space<vmem>>, vector<1x1x16xf32>,
        %get3A_578 = arith.constant 464 : index
        %get3A_579 = tpu.vector_load %arg5[%get3A_578] {strides = array<i32>} : memref<1024xf32, #tpu.memory_space<vmem>>, vector<16xf32>,
        %get3A_580 = vector.shape_cast %get3A_579 : vector<16xf32> to vector<16xf32>
        %mul3A_581 = vector.broadcast %squeeze3A_497 : f32 to vector<16xf32>
        %mul3A_582 = arith.mulf %get3A_580, %mul3A_581 : vector<16xf32>
        %mul3A_583 = arith.constant 2 : i32
        %mul3A_584 = arith.muli %mul3A_583, %scan3A_98 : i32
        %add3A_585 = arith.constant 0 : i32
        %add3A_586 = arith.addi %mul3A_584, %add3A_585 : i32
        %swap3A_587 = arith.constant 1 : i32
        %swap3A_588 = arith.index_cast %swap3A_587 : i32 to index
        %swap3A_589 = arith.index_cast %add3A_586 : i32 to index
        %swap3A_590 = arith.constant 464 : index
        %swap3A_591 = tpu.vector_load %arg7[%swap3A_588, %swap3A_589, %swap3A_590] {strides = array<i32>} : memref<2x32x1024xf32, #tpu.memory_space<vmem>>, vector<1x1x16xf32>,
        %swap3A_592 = vector.shape_cast %swap3A_591 : vector<1x1x16xf32> to vector<16xf32>
        %swap3A_593 = vector.shape_cast %mul3A_582 : vector<16xf32> to vector<1x1x16xf32>
        tpu.vector_store %arg7[%swap3A_588, %swap3A_589, %swap3A_590], %swap3A_593 {strides = array<i32>} : memref<2x32x1024xf32, #tpu.memory_space<vmem>>, vector<1x1x16xf32>,
        %get3A_594 = arith.constant 480 : index
        %get3A_595 = tpu.vector_load %arg5[%get3A_594] {strides = array<i32>} : memref<1024xf32, #tpu.memory_space<vmem>>, vector<16xf32>,
        %get3A_596 = vector.shape_cast %get3A_595 : vector<16xf32> to vector<16xf32>
        %mul3A_597 = vector.broadcast %squeeze3A_497 : f32 to vector<16xf32>
        %mul3A_598 = arith.mulf %get3A_596, %mul3A_597 : vector<16xf32>
        %mul3A_599 = arith.constant 2 : i32
        %mul3A_600 = arith.muli %mul3A_599, %scan3A_98 : i32
        %add3A_601 = arith.constant 0 : i32
        %add3A_602 = arith.addi %mul3A_600, %add3A_601 : i32
        %swap3A_603 = arith.constant 1 : i32
        %swap3A_604 = arith.index_cast %swap3A_603 : i32 to index
        %swap3A_605 = arith.index_cast %add3A_602 : i32 to index
        %swap3A_606 = arith.constant 480 : index
        %swap3A_607 = tpu.vector_load %arg7[%swap3A_604, %swap3A_605, %swap3A_606] {strides = array<i32>} : memref<2x32x1024xf32, #tpu.memory_space<vmem>>, vector<1x1x16xf32>,
        %swap3A_608 = vector.shape_cast %swap3A_607 : vector<1x1x16xf32> to vector<16xf32>
        %swap3A_609 = vector.shape_cast %mul3A_598 : vector<16xf32> to vector<1x1x16xf32>
        tpu.vector_store %arg7[%swap3A_604, %swap3A_605, %swap3A_606], %swap3A_609 {strides = array<i32>} : memref<2x32x1024xf32, #tpu.memory_space<vmem>>, vector<1x1x16xf32>,
        %get3A_610 = arith.constant 496 : index
        %get3A_611 = tpu.vector_load %arg5[%get3A_610] {strides = array<i32>} : memref<1024xf32, #tpu.memory_space<vmem>>, vector<16xf32>,
        %get3A_612 = vector.shape_cast %get3A_611 : vector<16xf32> to vector<16xf32>
        %mul3A_613 = vector.broadcast %squeeze3A_497 : f32 to vector<16xf32>
        %mul3A_614 = arith.mulf %get3A_612, %mul3A_613 : vector<16xf32>
        %mul3A_615 = arith.constant 2 : i32
        %mul3A_616 = arith.muli %mul3A_615, %scan3A_98 : i32
        %add3A_617 = arith.constant 0 : i32
        %add3A_618 = arith.addi %mul3A_616, %add3A_617 : i32
        %swap3A_619 = arith.constant 1 : i32
        %swap3A_620 = arith.index_cast %swap3A_619 : i32 to index
        %swap3A_621 = arith.index_cast %add3A_618 : i32 to index
        %swap3A_622 = arith.constant 496 : index
        %swap3A_623 = tpu.vector_load %arg7[%swap3A_620, %swap3A_621, %swap3A_622] {strides = array<i32>} : memref<2x32x1024xf32, #tpu.memory_space<vmem>>, vector<1x1x16xf32>,
        %swap3A_624 = vector.shape_cast %swap3A_623 : vector<1x1x16xf32> to vector<16xf32>
        %swap3A_625 = vector.shape_cast %mul3A_614 : vector<16xf32> to vector<1x1x16xf32>
        tpu.vector_store %arg7[%swap3A_620, %swap3A_621, %swap3A_622], %swap3A_625 {strides = array<i32>} : memref<2x32x1024xf32, #tpu.memory_space<vmem>>, vector<1x1x16xf32>,
        %slice3A_626 = vector.extract_strided_slice %convert_element_type3A_108 {offsets = [4], sizes = [1], strides = [1]} : vector<16xf32> to vector<1xf32>
        %squeeze3A_627 = vector.extract %slice3A_626[0] : f32 from vector<1xf32>
        %get3A_628 = arith.constant 512 : index
        %get3A_629 = tpu.vector_load %arg5[%get3A_628] {strides = array<i32>} : memref<1024xf32, #tpu.memory_space<vmem>>, vector<16xf32>,
        %get3A_630 = vector.shape_cast %get3A_629 : vector<16xf32> to vector<16xf32>
        %mul3A_631 = vector.broadcast %squeeze3A_627 : f32 to vector<16xf32>
        %mul3A_632 = arith.mulf %get3A_630, %mul3A_631 : vector<16xf32>
        %mul3A_633 = arith.constant 2 : i32
        %mul3A_634 = arith.muli %mul3A_633, %scan3A_98 : i32
        %add3A_635 = arith.constant 0 : i32
        %add3A_636 = arith.addi %mul3A_634, %add3A_635 : i32
        %swap3A_637 = arith.constant 1 : i32
        %swap3A_638 = arith.index_cast %swap3A_637 : i32 to index
        %swap3A_639 = arith.index_cast %add3A_636 : i32 to index
        %swap3A_640 = arith.constant 512 : index
        %swap3A_641 = tpu.vector_load %arg7[%swap3A_638, %swap3A_639, %swap3A_640] {strides = array<i32>} : memref<2x32x1024xf32, #tpu.memory_space<vmem>>, vector<1x1x16xf32>,
        %swap3A_642 = vector.shape_cast %swap3A_641 : vector<1x1x16xf32> to vector<16xf32>
        %swap3A_643 = vector.shape_cast %mul3A_632 : vector<16xf32> to vector<1x1x16xf32>
        tpu.vector_store %arg7[%swap3A_638, %swap3A_639, %swap3A_640], %swap3A_643 {strides = array<i32>} : memref<2x32x1024xf32, #tpu.memory_space<vmem>>, vector<1x1x16xf32>,
        %get3A_644 = arith.constant 528 : index
        %get3A_645 = tpu.vector_load %arg5[%get3A_644] {strides = array<i32>} : memref<1024xf32, #tpu.memory_space<vmem>>, vector<16xf32>,
        %get3A_646 = vector.shape_cast %get3A_645 : vector<16xf32> to vector<16xf32>
        %mul3A_647 = vector.broadcast %squeeze3A_627 : f32 to vector<16xf32>
        %mul3A_648 = arith.mulf %get3A_646, %mul3A_647 : vector<16xf32>
        %mul3A_649 = arith.constant 2 : i32
        %mul3A_650 = arith.muli %mul3A_649, %scan3A_98 : i32
        %add3A_651 = arith.constant 0 : i32
        %add3A_652 = arith.addi %mul3A_650, %add3A_651 : i32
        %swap3A_653 = arith.constant 1 : i32
        %swap3A_654 = arith.index_cast %swap3A_653 : i32 to index
        %swap3A_655 = arith.index_cast %add3A_652 : i32 to index
        %swap3A_656 = arith.constant 528 : index
        %swap3A_657 = tpu.vector_load %arg7[%swap3A_654, %swap3A_655, %swap3A_656] {strides = array<i32>} : memref<2x32x1024xf32, #tpu.memory_space<vmem>>, vector<1x1x16xf32>,
        %swap3A_658 = vector.shape_cast %swap3A_657 : vector<1x1x16xf32> to vector<16xf32>
        %swap3A_659 = vector.shape_cast %mul3A_648 : vector<16xf32> to vector<1x1x16xf32>
        tpu.vector_store %arg7[%swap3A_654, %swap3A_655, %swap3A_656], %swap3A_659 {strides = array<i32>} : memref<2x32x1024xf32, #tpu.memory_space<vmem>>, vector<1x1x16xf32>,
        %get3A_660 = arith.constant 544 : index
        %get3A_661 = tpu.vector_load %arg5[%get3A_660] {strides = array<i32>} : memref<1024xf32, #tpu.memory_space<vmem>>, vector<16xf32>,
        %get3A_662 = vector.shape_cast %get3A_661 : vector<16xf32> to vector<16xf32>
        %mul3A_663 = vector.broadcast %squeeze3A_627 : f32 to vector<16xf32>
        %mul3A_664 = arith.mulf %get3A_662, %mul3A_663 : vector<16xf32>
        %mul3A_665 = arith.constant 2 : i32
        %mul3A_666 = arith.muli %mul3A_665, %scan3A_98 : i32
        %add3A_667 = arith.constant 0 : i32
        %add3A_668 = arith.addi %mul3A_666, %add3A_667 : i32
        %swap3A_669 = arith.constant 1 : i32
        %swap3A_670 = arith.index_cast %swap3A_669 : i32 to index
        %swap3A_671 = arith.index_cast %add3A_668 : i32 to index
        %swap3A_672 = arith.constant 544 : index
        %swap3A_673 = tpu.vector_load %arg7[%swap3A_670, %swap3A_671, %swap3A_672] {strides = array<i32>} : memref<2x32x1024xf32, #tpu.memory_space<vmem>>, vector<1x1x16xf32>,
        %swap3A_674 = vector.shape_cast %swap3A_673 : vector<1x1x16xf32> to vector<16xf32>
        %swap3A_675 = vector.shape_cast %mul3A_664 : vector<16xf32> to vector<1x1x16xf32>
        tpu.vector_store %arg7[%swap3A_670, %swap3A_671, %swap3A_672], %swap3A_675 {strides = array<i32>} : memref<2x32x1024xf32, #tpu.memory_space<vmem>>, vector<1x1x16xf32>,
        %get3A_676 = arith.constant 560 : index
        %get3A_677 = tpu.vector_load %arg5[%get3A_676] {strides = array<i32>} : memref<1024xf32, #tpu.memory_space<vmem>>, vector<16xf32>,
        %get3A_678 = vector.shape_cast %get3A_677 : vector<16xf32> to vector<16xf32>
        %mul3A_679 = vector.broadcast %squeeze3A_627 : f32 to vector<16xf32>
        %mul3A_680 = arith.mulf %get3A_678, %mul3A_679 : vector<16xf32>
        %mul3A_681 = arith.constant 2 : i32
        %mul3A_682 = arith.muli %mul3A_681, %scan3A_98 : i32
        %add3A_683 = arith.constant 0 : i32
        %add3A_684 = arith.addi %mul3A_682, %add3A_683 : i32
        %swap3A_685 = arith.constant 1 : i32
        %swap3A_686 = arith.index_cast %swap3A_685 : i32 to index
        %swap3A_687 = arith.index_cast %add3A_684 : i32 to index
        %swap3A_688 = arith.constant 560 : index
        %swap3A_689 = tpu.vector_load %arg7[%swap3A_686, %swap3A_687, %swap3A_688] {strides = array<i32>} : memref<2x32x1024xf32, #tpu.memory_space<vmem>>, vector<1x1x16xf32>,
        %swap3A_690 = vector.shape_cast %swap3A_689 : vector<1x1x16xf32> to vector<16xf32>
        %swap3A_691 = vector.shape_cast %mul3A_680 : vector<16xf32> to vector<1x1x16xf32>
        tpu.vector_store %arg7[%swap3A_686, %swap3A_687, %swap3A_688], %swap3A_691 {strides = array<i32>} : memref<2x32x1024xf32, #tpu.memory_space<vmem>>, vector<1x1x16xf32>,
        %get3A_692 = arith.constant 576 : index
        %get3A_693 = tpu.vector_load %arg5[%get3A_692] {strides = array<i32>} : memref<1024xf32, #tpu.memory_space<vmem>>, vector<16xf32>,
        %get3A_694 = vector.shape_cast %get3A_693 : vector<16xf32> to vector<16xf32>
        %mul3A_695 = vector.broadcast %squeeze3A_627 : f32 to vector<16xf32>
        %mul3A_696 = arith.mulf %get3A_694, %mul3A_695 : vector<16xf32>
        %mul3A_697 = arith.constant 2 : i32
        %mul3A_698 = arith.muli %mul3A_697, %scan3A_98 : i32
        %add3A_699 = arith.constant 0 : i32
        %add3A_700 = arith.addi %mul3A_698, %add3A_699 : i32
        %swap3A_701 = arith.constant 1 : i32
        %swap3A_702 = arith.index_cast %swap3A_701 : i32 to index
        %swap3A_703 = arith.index_cast %add3A_700 : i32 to index
        %swap3A_704 = arith.constant 576 : index
        %swap3A_705 = tpu.vector_load %arg7[%swap3A_702, %swap3A_703, %swap3A_704] {strides = array<i32>} : memref<2x32x1024xf32, #tpu.memory_space<vmem>>, vector<1x1x16xf32>,
        %swap3A_706 = vector.shape_cast %swap3A_705 : vector<1x1x16xf32> to vector<16xf32>
        %swap3A_707 = vector.shape_cast %mul3A_696 : vector<16xf32> to vector<1x1x16xf32>
        tpu.vector_store %arg7[%swap3A_702, %swap3A_703, %swap3A_704], %swap3A_707 {strides = array<i32>} : memref<2x32x1024xf32, #tpu.memory_space<vmem>>, vector<1x1x16xf32>,
        %get3A_708 = arith.constant 592 : index
        %get3A_709 = tpu.vector_load %arg5[%get3A_708] {strides = array<i32>} : memref<1024xf32, #tpu.memory_space<vmem>>, vector<16xf32>,
        %get3A_710 = vector.shape_cast %get3A_709 : vector<16xf32> to vector<16xf32>
        %mul3A_711 = vector.broadcast %squeeze3A_627 : f32 to vector<16xf32>
        %mul3A_712 = arith.mulf %get3A_710, %mul3A_711 : vector<16xf32>
        %mul3A_713 = arith.constant 2 : i32
        %mul3A_714 = arith.muli %mul3A_713, %scan3A_98 : i32
        %add3A_715 = arith.constant 0 : i32
        %add3A_716 = arith.addi %mul3A_714, %add3A_715 : i32
        %swap3A_717 = arith.constant 1 : i32
        %swap3A_718 = arith.index_cast %swap3A_717 : i32 to index
        %swap3A_719 = arith.index_cast %add3A_716 : i32 to index
        %swap3A_720 = arith.constant 592 : index
        %swap3A_721 = tpu.vector_load %arg7[%swap3A_718, %swap3A_719, %swap3A_720] {strides = array<i32>} : memref<2x32x1024xf32, #tpu.memory_space<vmem>>, vector<1x1x16xf32>,
        %swap3A_722 = vector.shape_cast %swap3A_721 : vector<1x1x16xf32> to vector<16xf32>
        %swap3A_723 = vector.shape_cast %mul3A_712 : vector<16xf32> to vector<1x1x16xf32>
        tpu.vector_store %arg7[%swap3A_718, %swap3A_719, %swap3A_720], %swap3A_723 {strides = array<i32>} : memref<2x32x1024xf32, #tpu.memory_space<vmem>>, vector<1x1x16xf32>,
        %get3A_724 = arith.constant 608 : index
        %get3A_725 = tpu.vector_load %arg5[%get3A_724] {strides = array<i32>} : memref<1024xf32, #tpu.memory_space<vmem>>, vector<16xf32>,
        %get3A_726 = vector.shape_cast %get3A_725 : vector<16xf32> to vector<16xf32>
        %mul3A_727 = vector.broadcast %squeeze3A_627 : f32 to vector<16xf32>
        %mul3A_728 = arith.mulf %get3A_726, %mul3A_727 : vector<16xf32>
        %mul3A_729 = arith.constant 2 : i32
        %mul3A_730 = arith.muli %mul3A_729, %scan3A_98 : i32
        %add3A_731 = arith.constant 0 : i32
        %add3A_732 = arith.addi %mul3A_730, %add3A_731 : i32
        %swap3A_733 = arith.constant 1 : i32
        %swap3A_734 = arith.index_cast %swap3A_733 : i32 to index
        %swap3A_735 = arith.index_cast %add3A_732 : i32 to index
        %swap3A_736 = arith.constant 608 : index
        %swap3A_737 = tpu.vector_load %arg7[%swap3A_734, %swap3A_735, %swap3A_736] {strides = array<i32>} : memref<2x32x1024xf32, #tpu.memory_space<vmem>>, vector<1x1x16xf32>,
        %swap3A_738 = vector.shape_cast %swap3A_737 : vector<1x1x16xf32> to vector<16xf32>
        %swap3A_739 = vector.shape_cast %mul3A_728 : vector<16xf32> to vector<1x1x16xf32>
        tpu.vector_store %arg7[%swap3A_734, %swap3A_735, %swap3A_736], %swap3A_739 {strides = array<i32>} : memref<2x32x1024xf32, #tpu.memory_space<vmem>>, vector<1x1x16xf32>,
        %get3A_740 = arith.constant 624 : index
        %get3A_741 = tpu.vector_load %arg5[%get3A_740] {strides = array<i32>} : memref<1024xf32, #tpu.memory_space<vmem>>, vector<16xf32>,
        %get3A_742 = vector.shape_cast %get3A_741 : vector<16xf32> to vector<16xf32>
        %mul3A_743 = vector.broadcast %squeeze3A_627 : f32 to vector<16xf32>
        %mul3A_744 = arith.mulf %get3A_742, %mul3A_743 : vector<16xf32>
        %mul3A_745 = arith.constant 2 : i32
        %mul3A_746 = arith.muli %mul3A_745, %scan3A_98 : i32
        %add3A_747 = arith.constant 0 : i32
        %add3A_748 = arith.addi %mul3A_746, %add3A_747 : i32
        %swap3A_749 = arith.constant 1 : i32
        %swap3A_750 = arith.index_cast %swap3A_749 : i32 to index
        %swap3A_751 = arith.index_cast %add3A_748 : i32 to index
        %swap3A_752 = arith.constant 624 : index
        %swap3A_753 = tpu.vector_load %arg7[%swap3A_750, %swap3A_751, %swap3A_752] {strides = array<i32>} : memref<2x32x1024xf32, #tpu.memory_space<vmem>>, vector<1x1x16xf32>,
        %swap3A_754 = vector.shape_cast %swap3A_753 : vector<1x1x16xf32> to vector<16xf32>
        %swap3A_755 = vector.shape_cast %mul3A_744 : vector<16xf32> to vector<1x1x16xf32>
        tpu.vector_store %arg7[%swap3A_750, %swap3A_751, %swap3A_752], %swap3A_755 {strides = array<i32>} : memref<2x32x1024xf32, #tpu.memory_space<vmem>>, vector<1x1x16xf32>,
        %slice3A_756 = vector.extract_strided_slice %convert_element_type3A_108 {offsets = [5], sizes = [1], strides = [1]} : vector<16xf32> to vector<1xf32>
        %squeeze3A_757 = vector.extract %slice3A_756[0] : f32 from vector<1xf32>
        %get3A_758 = arith.constant 640 : index
        %get3A_759 = tpu.vector_load %arg5[%get3A_758] {strides = array<i32>} : memref<1024xf32, #tpu.memory_space<vmem>>, vector<16xf32>,
        %get3A_760 = vector.shape_cast %get3A_759 : vector<16xf32> to vector<16xf32>
        %mul3A_761 = vector.broadcast %squeeze3A_757 : f32 to vector<16xf32>
        %mul3A_762 = arith.mulf %get3A_760, %mul3A_761 : vector<16xf32>
        %mul3A_763 = arith.constant 2 : i32
        %mul3A_764 = arith.muli %mul3A_763, %scan3A_98 : i32
        %add3A_765 = arith.constant 0 : i32
        %add3A_766 = arith.addi %mul3A_764, %add3A_765 : i32
        %swap3A_767 = arith.constant 1 : i32
        %swap3A_768 = arith.index_cast %swap3A_767 : i32 to index
        %swap3A_769 = arith.index_cast %add3A_766 : i32 to index
        %swap3A_770 = arith.constant 640 : index
        %swap3A_771 = tpu.vector_load %arg7[%swap3A_768, %swap3A_769, %swap3A_770] {strides = array<i32>} : memref<2x32x1024xf32, #tpu.memory_space<vmem>>, vector<1x1x16xf32>,
        %swap3A_772 = vector.shape_cast %swap3A_771 : vector<1x1x16xf32> to vector<16xf32>
        %swap3A_773 = vector.shape_cast %mul3A_762 : vector<16xf32> to vector<1x1x16xf32>
        tpu.vector_store %arg7[%swap3A_768, %swap3A_769, %swap3A_770], %swap3A_773 {strides = array<i32>} : memref<2x32x1024xf32, #tpu.memory_space<vmem>>, vector<1x1x16xf32>,
        %get3A_774 = arith.constant 656 : index
        %get3A_775 = tpu.vector_load %arg5[%get3A_774] {strides = array<i32>} : memref<1024xf32, #tpu.memory_space<vmem>>, vector<16xf32>,
        %get3A_776 = vector.shape_cast %get3A_775 : vector<16xf32> to vector<16xf32>
        %mul3A_777 = vector.broadcast %squeeze3A_757 : f32 to vector<16xf32>
        %mul3A_778 = arith.mulf %get3A_776, %mul3A_777 : vector<16xf32>
        %mul3A_779 = arith.constant 2 : i32
        %mul3A_780 = arith.muli %mul3A_779, %scan3A_98 : i32
        %add3A_781 = arith.constant 0 : i32
        %add3A_782 = arith.addi %mul3A_780, %add3A_781 : i32
        %swap3A_783 = arith.constant 1 : i32
        %swap3A_784 = arith.index_cast %swap3A_783 : i32 to index
        %swap3A_785 = arith.index_cast %add3A_782 : i32 to index
        %swap3A_786 = arith.constant 656 : index
        %swap3A_787 = tpu.vector_load %arg7[%swap3A_784, %swap3A_785, %swap3A_786] {strides = array<i32>} : memref<2x32x1024xf32, #tpu.memory_space<vmem>>, vector<1x1x16xf32>,
        %swap3A_788 = vector.shape_cast %swap3A_787 : vector<1x1x16xf32> to vector<16xf32>
        %swap3A_789 = vector.shape_cast %mul3A_778 : vector<16xf32> to vector<1x1x16xf32>
        tpu.vector_store %arg7[%swap3A_784, %swap3A_785, %swap3A_786], %swap3A_789 {strides = array<i32>} : memref<2x32x1024xf32, #tpu.memory_space<vmem>>, vector<1x1x16xf32>,
        %get3A_790 = arith.constant 672 : index
        %get3A_791 = tpu.vector_load %arg5[%get3A_790] {strides = array<i32>} : memref<1024xf32, #tpu.memory_space<vmem>>, vector<16xf32>,
        %get3A_792 = vector.shape_cast %get3A_791 : vector<16xf32> to vector<16xf32>
        %mul3A_793 = vector.broadcast %squeeze3A_757 : f32 to vector<16xf32>
        %mul3A_794 = arith.mulf %get3A_792, %mul3A_793 : vector<16xf32>
        %mul3A_795 = arith.constant 2 : i32
        %mul3A_796 = arith.muli %mul3A_795, %scan3A_98 : i32
        %add3A_797 = arith.constant 0 : i32
        %add3A_798 = arith.addi %mul3A_796, %add3A_797 : i32
        %swap3A_799 = arith.constant 1 : i32
        %swap3A_800 = arith.index_cast %swap3A_799 : i32 to index
        %swap3A_801 = arith.index_cast %add3A_798 : i32 to index
        %swap3A_802 = arith.constant 672 : index
        %swap3A_803 = tpu.vector_load %arg7[%swap3A_800, %swap3A_801, %swap3A_802] {strides = array<i32>} : memref<2x32x1024xf32, #tpu.memory_space<vmem>>, vector<1x1x16xf32>,
        %swap3A_804 = vector.shape_cast %swap3A_803 : vector<1x1x16xf32> to vector<16xf32>
        %swap3A_805 = vector.shape_cast %mul3A_794 : vector<16xf32> to vector<1x1x16xf32>
        tpu.vector_store %arg7[%swap3A_800, %swap3A_801, %swap3A_802], %swap3A_805 {strides = array<i32>} : memref<2x32x1024xf32, #tpu.memory_space<vmem>>, vector<1x1x16xf32>,
        %get3A_806 = arith.constant 688 : index
        %get3A_807 = tpu.vector_load %arg5[%get3A_806] {strides = array<i32>} : memref<1024xf32, #tpu.memory_space<vmem>>, vector<16xf32>,
        %get3A_808 = vector.shape_cast %get3A_807 : vector<16xf32> to vector<16xf32>
        %mul3A_809 = vector.broadcast %squeeze3A_757 : f32 to vector<16xf32>
        %mul3A_810 = arith.mulf %get3A_808, %mul3A_809 : vector<16xf32>
        %mul3A_811 = arith.constant 2 : i32
        %mul3A_812 = arith.muli %mul3A_811, %scan3A_98 : i32
        %add3A_813 = arith.constant 0 : i32
        %add3A_814 = arith.addi %mul3A_812, %add3A_813 : i32
        %swap3A_815 = arith.constant 1 : i32
        %swap3A_816 = arith.index_cast %swap3A_815 : i32 to index
        %swap3A_817 = arith.index_cast %add3A_814 : i32 to index
        %swap3A_818 = arith.constant 688 : index
        %swap3A_819 = tpu.vector_load %arg7[%swap3A_816, %swap3A_817, %swap3A_818] {strides = array<i32>} : memref<2x32x1024xf32, #tpu.memory_space<vmem>>, vector<1x1x16xf32>,
        %swap3A_820 = vector.shape_cast %swap3A_819 : vector<1x1x16xf32> to vector<16xf32>
        %swap3A_821 = vector.shape_cast %mul3A_810 : vector<16xf32> to vector<1x1x16xf32>
        tpu.vector_store %arg7[%swap3A_816, %swap3A_817, %swap3A_818], %swap3A_821 {strides = array<i32>} : memref<2x32x1024xf32, #tpu.memory_space<vmem>>, vector<1x1x16xf32>,
        %get3A_822 = arith.constant 704 : index
        %get3A_823 = tpu.vector_load %arg5[%get3A_822] {strides = array<i32>} : memref<1024xf32, #tpu.memory_space<vmem>>, vector<16xf32>,
        %get3A_824 = vector.shape_cast %get3A_823 : vector<16xf32> to vector<16xf32>
        %mul3A_825 = vector.broadcast %squeeze3A_757 : f32 to vector<16xf32>
        %mul3A_826 = arith.mulf %get3A_824, %mul3A_825 : vector<16xf32>
        %mul3A_827 = arith.constant 2 : i32
        %mul3A_828 = arith.muli %mul3A_827, %scan3A_98 : i32
        %add3A_829 = arith.constant 0 : i32
        %add3A_830 = arith.addi %mul3A_828, %add3A_829 : i32
        %swap3A_831 = arith.constant 1 : i32
        %swap3A_832 = arith.index_cast %swap3A_831 : i32 to index
        %swap3A_833 = arith.index_cast %add3A_830 : i32 to index
        %swap3A_834 = arith.constant 704 : index
        %swap3A_835 = tpu.vector_load %arg7[%swap3A_832, %swap3A_833, %swap3A_834] {strides = array<i32>} : memref<2x32x1024xf32, #tpu.memory_space<vmem>>, vector<1x1x16xf32>,
        %swap3A_836 = vector.shape_cast %swap3A_835 : vector<1x1x16xf32> to vector<16xf32>
        %swap3A_837 = vector.shape_cast %mul3A_826 : vector<16xf32> to vector<1x1x16xf32>
        tpu.vector_store %arg7[%swap3A_832, %swap3A_833, %swap3A_834], %swap3A_837 {strides = array<i32>} : memref<2x32x1024xf32, #tpu.memory_space<vmem>>, vector<1x1x16xf32>,
        %get3A_838 = arith.constant 720 : index
        %get3A_839 = tpu.vector_load %arg5[%get3A_838] {strides = array<i32>} : memref<1024xf32, #tpu.memory_space<vmem>>, vector<16xf32>,
        %get3A_840 = vector.shape_cast %get3A_839 : vector<16xf32> to vector<16xf32>
        %mul3A_841 = vector.broadcast %squeeze3A_757 : f32 to vector<16xf32>
        %mul3A_842 = arith.mulf %get3A_840, %mul3A_841 : vector<16xf32>
        %mul3A_843 = arith.constant 2 : i32
        %mul3A_844 = arith.muli %mul3A_843, %scan3A_98 : i32
        %add3A_845 = arith.constant 0 : i32
        %add3A_846 = arith.addi %mul3A_844, %add3A_845 : i32
        %swap3A_847 = arith.constant 1 : i32
        %swap3A_848 = arith.index_cast %swap3A_847 : i32 to index
        %swap3A_849 = arith.index_cast %add3A_846 : i32 to index
        %swap3A_850 = arith.constant 720 : index
        %swap3A_851 = tpu.vector_load %arg7[%swap3A_848, %swap3A_849, %swap3A_850] {strides = array<i32>} : memref<2x32x1024xf32, #tpu.memory_space<vmem>>, vector<1x1x16xf32>,
        %swap3A_852 = vector.shape_cast %swap3A_851 : vector<1x1x16xf32> to vector<16xf32>
        %swap3A_853 = vector.shape_cast %mul3A_842 : vector<16xf32> to vector<1x1x16xf32>
        tpu.vector_store %arg7[%swap3A_848, %swap3A_849, %swap3A_850], %swap3A_853 {strides = array<i32>} : memref<2x32x1024xf32, #tpu.memory_space<vmem>>, vector<1x1x16xf32>,
        %get3A_854 = arith.constant 736 : index
        %get3A_855 = tpu.vector_load %arg5[%get3A_854] {strides = array<i32>} : memref<1024xf32, #tpu.memory_space<vmem>>, vector<16xf32>,
        %get3A_856 = vector.shape_cast %get3A_855 : vector<16xf32> to vector<16xf32>
        %mul3A_857 = vector.broadcast %squeeze3A_757 : f32 to vector<16xf32>
        %mul3A_858 = arith.mulf %get3A_856, %mul3A_857 : vector<16xf32>
        %mul3A_859 = arith.constant 2 : i32
        %mul3A_860 = arith.muli %mul3A_859, %scan3A_98 : i32
        %add3A_861 = arith.constant 0 : i32
        %add3A_862 = arith.addi %mul3A_860, %add3A_861 : i32
        %swap3A_863 = arith.constant 1 : i32
        %swap3A_864 = arith.index_cast %swap3A_863 : i32 to index
        %swap3A_865 = arith.index_cast %add3A_862 : i32 to index
        %swap3A_866 = arith.constant 736 : index
        %swap3A_867 = tpu.vector_load %arg7[%swap3A_864, %swap3A_865, %swap3A_866] {strides = array<i32>} : memref<2x32x1024xf32, #tpu.memory_space<vmem>>, vector<1x1x16xf32>,
        %swap3A_868 = vector.shape_cast %swap3A_867 : vector<1x1x16xf32> to vector<16xf32>
        %swap3A_869 = vector.shape_cast %mul3A_858 : vector<16xf32> to vector<1x1x16xf32>
        tpu.vector_store %arg7[%swap3A_864, %swap3A_865, %swap3A_866], %swap3A_869 {strides = array<i32>} : memref<2x32x1024xf32, #tpu.memory_space<vmem>>, vector<1x1x16xf32>,
        %get3A_870 = arith.constant 752 : index
        %get3A_871 = tpu.vector_load %arg5[%get3A_870] {strides = array<i32>} : memref<1024xf32, #tpu.memory_space<vmem>>, vector<16xf32>,
        %get3A_872 = vector.shape_cast %get3A_871 : vector<16xf32> to vector<16xf32>
        %mul3A_873 = vector.broadcast %squeeze3A_757 : f32 to vector<16xf32>
        %mul3A_874 = arith.mulf %get3A_872, %mul3A_873 : vector<16xf32>
        %mul3A_875 = arith.constant 2 : i32
        %mul3A_876 = arith.muli %mul3A_875, %scan3A_98 : i32
        %add3A_877 = arith.constant 0 : i32
        %add3A_878 = arith.addi %mul3A_876, %add3A_877 : i32
        %swap3A_879 = arith.constant 1 : i32
        %swap3A_880 = arith.index_cast %swap3A_879 : i32 to index
        %swap3A_881 = arith.index_cast %add3A_878 : i32 to index
        %swap3A_882 = arith.constant 752 : index
        %swap3A_883 = tpu.vector_load %arg7[%swap3A_880, %swap3A_881, %swap3A_882] {strides = array<i32>} : memref<2x32x1024xf32, #tpu.memory_space<vmem>>, vector<1x1x16xf32>,
        %swap3A_884 = vector.shape_cast %swap3A_883 : vector<1x1x16xf32> to vector<16xf32>
        %swap3A_885 = vector.shape_cast %mul3A_874 : vector<16xf32> to vector<1x1x16xf32>
        tpu.vector_store %arg7[%swap3A_880, %swap3A_881, %swap3A_882], %swap3A_885 {strides = array<i32>} : memref<2x32x1024xf32, #tpu.memory_space<vmem>>, vector<1x1x16xf32>,
        %slice3A_886 = vector.extract_strided_slice %convert_element_type3A_108 {offsets = [6], sizes = [1], strides = [1]} : vector<16xf32> to vector<1xf32>
        %squeeze3A_887 = vector.extract %slice3A_886[0] : f32 from vector<1xf32>
        %get3A_888 = arith.constant 768 : index
        %get3A_889 = tpu.vector_load %arg5[%get3A_888] {strides = array<i32>} : memref<1024xf32, #tpu.memory_space<vmem>>, vector<16xf32>,
        %get3A_890 = vector.shape_cast %get3A_889 : vector<16xf32> to vector<16xf32>
        %mul3A_891 = vector.broadcast %squeeze3A_887 : f32 to vector<16xf32>
        %mul3A_892 = arith.mulf %get3A_890, %mul3A_891 : vector<16xf32>
        %mul3A_893 = arith.constant 2 : i32
        %mul3A_894 = arith.muli %mul3A_893, %scan3A_98 : i32
        %add3A_895 = arith.constant 0 : i32
        %add3A_896 = arith.addi %mul3A_894, %add3A_895 : i32
        %swap3A_897 = arith.constant 1 : i32
        %swap3A_898 = arith.index_cast %swap3A_897 : i32 to index
        %swap3A_899 = arith.index_cast %add3A_896 : i32 to index
        %swap3A_900 = arith.constant 768 : index
        %swap3A_901 = tpu.vector_load %arg7[%swap3A_898, %swap3A_899, %swap3A_900] {strides = array<i32>} : memref<2x32x1024xf32, #tpu.memory_space<vmem>>, vector<1x1x16xf32>,
        %swap3A_902 = vector.shape_cast %swap3A_901 : vector<1x1x16xf32> to vector<16xf32>
        %swap3A_903 = vector.shape_cast %mul3A_892 : vector<16xf32> to vector<1x1x16xf32>
        tpu.vector_store %arg7[%swap3A_898, %swap3A_899, %swap3A_900], %swap3A_903 {strides = array<i32>} : memref<2x32x1024xf32, #tpu.memory_space<vmem>>, vector<1x1x16xf32>,
        %get3A_904 = arith.constant 784 : index
        %get3A_905 = tpu.vector_load %arg5[%get3A_904] {strides = array<i32>} : memref<1024xf32, #tpu.memory_space<vmem>>, vector<16xf32>,
        %get3A_906 = vector.shape_cast %get3A_905 : vector<16xf32> to vector<16xf32>
        %mul3A_907 = vector.broadcast %squeeze3A_887 : f32 to vector<16xf32>
        %mul3A_908 = arith.mulf %get3A_906, %mul3A_907 : vector<16xf32>
        %mul3A_909 = arith.constant 2 : i32
        %mul3A_910 = arith.muli %mul3A_909, %scan3A_98 : i32
        %add3A_911 = arith.constant 0 : i32
        %add3A_912 = arith.addi %mul3A_910, %add3A_911 : i32
        %swap3A_913 = arith.constant 1 : i32
        %swap3A_914 = arith.index_cast %swap3A_913 : i32 to index
        %swap3A_915 = arith.index_cast %add3A_912 : i32 to index
        %swap3A_916 = arith.constant 784 : index
        %swap3A_917 = tpu.vector_load %arg7[%swap3A_914, %swap3A_915, %swap3A_916] {strides = array<i32>} : memref<2x32x1024xf32, #tpu.memory_space<vmem>>, vector<1x1x16xf32>,
        %swap3A_918 = vector.shape_cast %swap3A_917 : vector<1x1x16xf32> to vector<16xf32>
        %swap3A_919 = vector.shape_cast %mul3A_908 : vector<16xf32> to vector<1x1x16xf32>
        tpu.vector_store %arg7[%swap3A_914, %swap3A_915, %swap3A_916], %swap3A_919 {strides = array<i32>} : memref<2x32x1024xf32, #tpu.memory_space<vmem>>, vector<1x1x16xf32>,
        %get3A_920 = arith.constant 800 : index
        %get3A_921 = tpu.vector_load %arg5[%get3A_920] {strides = array<i32>} : memref<1024xf32, #tpu.memory_space<vmem>>, vector<16xf32>,
        %get3A_922 = vector.shape_cast %get3A_921 : vector<16xf32> to vector<16xf32>
        %mul3A_923 = vector.broadcast %squeeze3A_887 : f32 to vector<16xf32>
        %mul3A_924 = arith.mulf %get3A_922, %mul3A_923 : vector<16xf32>
        %mul3A_925 = arith.constant 2 : i32
        %mul3A_926 = arith.muli %mul3A_925, %scan3A_98 : i32
        %add3A_927 = arith.constant 0 : i32
        %add3A_928 = arith.addi %mul3A_926, %add3A_927 : i32
        %swap3A_929 = arith.constant 1 : i32
        %swap3A_930 = arith.index_cast %swap3A_929 : i32 to index
        %swap3A_931 = arith.index_cast %add3A_928 : i32 to index
        %swap3A_932 = arith.constant 800 : index
        %swap3A_933 = tpu.vector_load %arg7[%swap3A_930, %swap3A_931, %swap3A_932] {strides = array<i32>} : memref<2x32x1024xf32, #tpu.memory_space<vmem>>, vector<1x1x16xf32>,
        %swap3A_934 = vector.shape_cast %swap3A_933 : vector<1x1x16xf32> to vector<16xf32>
        %swap3A_935 = vector.shape_cast %mul3A_924 : vector<16xf32> to vector<1x1x16xf32>
        tpu.vector_store %arg7[%swap3A_930, %swap3A_931, %swap3A_932], %swap3A_935 {strides = array<i32>} : memref<2x32x1024xf32, #tpu.memory_space<vmem>>, vector<1x1x16xf32>,
        %get3A_936 = arith.constant 816 : index
        %get3A_937 = tpu.vector_load %arg5[%get3A_936] {strides = array<i32>} : memref<1024xf32, #tpu.memory_space<vmem>>, vector<16xf32>,
        %get3A_938 = vector.shape_cast %get3A_937 : vector<16xf32> to vector<16xf32>
        %mul3A_939 = vector.broadcast %squeeze3A_887 : f32 to vector<16xf32>
        %mul3A_940 = arith.mulf %get3A_938, %mul3A_939 : vector<16xf32>
        %mul3A_941 = arith.constant 2 : i32
        %mul3A_942 = arith.muli %mul3A_941, %scan3A_98 : i32
        %add3A_943 = arith.constant 0 : i32
        %add3A_944 = arith.addi %mul3A_942, %add3A_943 : i32
        %swap3A_945 = arith.constant 1 : i32
        %swap3A_946 = arith.index_cast %swap3A_945 : i32 to index
        %swap3A_947 = arith.index_cast %add3A_944 : i32 to index
        %swap3A_948 = arith.constant 816 : index
        %swap3A_949 = tpu.vector_load %arg7[%swap3A_946, %swap3A_947, %swap3A_948] {strides = array<i32>} : memref<2x32x1024xf32, #tpu.memory_space<vmem>>, vector<1x1x16xf32>,
        %swap3A_950 = vector.shape_cast %swap3A_949 : vector<1x1x16xf32> to vector<16xf32>
        %swap3A_951 = vector.shape_cast %mul3A_940 : vector<16xf32> to vector<1x1x16xf32>
        tpu.vector_store %arg7[%swap3A_946, %swap3A_947, %swap3A_948], %swap3A_951 {strides = array<i32>} : memref<2x32x1024xf32, #tpu.memory_space<vmem>>, vector<1x1x16xf32>,
        %get3A_952 = arith.constant 832 : index
        %get3A_953 = tpu.vector_load %arg5[%get3A_952] {strides = array<i32>} : memref<1024xf32, #tpu.memory_space<vmem>>, vector<16xf32>,
        %get3A_954 = vector.shape_cast %get3A_953 : vector<16xf32> to vector<16xf32>
        %mul3A_955 = vector.broadcast %squeeze3A_887 : f32 to vector<16xf32>
        %mul3A_956 = arith.mulf %get3A_954, %mul3A_955 : vector<16xf32>
        %mul3A_957 = arith.constant 2 : i32
        %mul3A_958 = arith.muli %mul3A_957, %scan3A_98 : i32
        %add3A_959 = arith.constant 0 : i32
        %add3A_960 = arith.addi %mul3A_958, %add3A_959 : i32
        %swap3A_961 = arith.constant 1 : i32
        %swap3A_962 = arith.index_cast %swap3A_961 : i32 to index
        %swap3A_963 = arith.index_cast %add3A_960 : i32 to index
        %swap3A_964 = arith.constant 832 : index
        %swap3A_965 = tpu.vector_load %arg7[%swap3A_962, %swap3A_963, %swap3A_964] {strides = array<i32>} : memref<2x32x1024xf32, #tpu.memory_space<vmem>>, vector<1x1x16xf32>,
        %swap3A_966 = vector.shape_cast %swap3A_965 : vector<1x1x16xf32> to vector<16xf32>
        %swap3A_967 = vector.shape_cast %mul3A_956 : vector<16xf32> to vector<1x1x16xf32>
        tpu.vector_store %arg7[%swap3A_962, %swap3A_963, %swap3A_964], %swap3A_967 {strides = array<i32>} : memref<2x32x1024xf32, #tpu.memory_space<vmem>>, vector<1x1x16xf32>,
        %get3A_968 = arith.constant 848 : index
        %get3A_969 = tpu.vector_load %arg5[%get3A_968] {strides = array<i32>} : memref<1024xf32, #tpu.memory_space<vmem>>, vector<16xf32>,
        %get3A_970 = vector.shape_cast %get3A_969 : vector<16xf32> to vector<16xf32>
        %mul3A_971 = vector.broadcast %squeeze3A_887 : f32 to vector<16xf32>
        %mul3A_972 = arith.mulf %get3A_970, %mul3A_971 : vector<16xf32>
        %mul3A_973 = arith.constant 2 : i32
        %mul3A_974 = arith.muli %mul3A_973, %scan3A_98 : i32
        %add3A_975 = arith.constant 0 : i32
        %add3A_976 = arith.addi %mul3A_974, %add3A_975 : i32
        %swap3A_977 = arith.constant 1 : i32
        %swap3A_978 = arith.index_cast %swap3A_977 : i32 to index
        %swap3A_979 = arith.index_cast %add3A_976 : i32 to index
        %swap3A_980 = arith.constant 848 : index
        %swap3A_981 = tpu.vector_load %arg7[%swap3A_978, %swap3A_979, %swap3A_980] {strides = array<i32>} : memref<2x32x1024xf32, #tpu.memory_space<vmem>>, vector<1x1x16xf32>,
        %swap3A_982 = vector.shape_cast %swap3A_981 : vector<1x1x16xf32> to vector<16xf32>
        %swap3A_983 = vector.shape_cast %mul3A_972 : vector<16xf32> to vector<1x1x16xf32>
        tpu.vector_store %arg7[%swap3A_978, %swap3A_979, %swap3A_980], %swap3A_983 {strides = array<i32>} : memref<2x32x1024xf32, #tpu.memory_space<vmem>>, vector<1x1x16xf32>,
        %get3A_984 = arith.constant 864 : index
        %get3A_985 = tpu.vector_load %arg5[%get3A_984] {strides = array<i32>} : memref<1024xf32, #tpu.memory_space<vmem>>, vector<16xf32>,
        %get3A_986 = vector.shape_cast %get3A_985 : vector<16xf32> to vector<16xf32>
        %mul3A_987 = vector.broadcast %squeeze3A_887 : f32 to vector<16xf32>
        %mul3A_988 = arith.mulf %get3A_986, %mul3A_987 : vector<16xf32>
        %mul3A_989 = arith.constant 2 : i32
        %mul3A_990 = arith.muli %mul3A_989, %scan3A_98 : i32
        %add3A_991 = arith.constant 0 : i32
        %add3A_992 = arith.addi %mul3A_990, %add3A_991 : i32
        %swap3A_993 = arith.constant 1 : i32
        %swap3A_994 = arith.index_cast %swap3A_993 : i32 to index
        %swap3A_995 = arith.index_cast %add3A_992 : i32 to index
        %swap3A_996 = arith.constant 864 : index
        %swap3A_997 = tpu.vector_load %arg7[%swap3A_994, %swap3A_995, %swap3A_996] {strides = array<i32>} : memref<2x32x1024xf32, #tpu.memory_space<vmem>>, vector<1x1x16xf32>,
        %swap3A_998 = vector.shape_cast %swap3A_997 : vector<1x1x16xf32> to vector<16xf32>
        %swap3A_999 = vector.shape_cast %mul3A_988 : vector<16xf32> to vector<1x1x16xf32>
        tpu.vector_store %arg7[%swap3A_994, %swap3A_995, %swap3A_996], %swap3A_999 {strides = array<i32>} : memref<2x32x1024xf32, #tpu.memory_space<vmem>>, vector<1x1x16xf32>,
        %get3A_1000 = arith.constant 880 : index
        %get3A_1001 = tpu.vector_load %arg5[%get3A_1000] {strides = array<i32>} : memref<1024xf32, #tpu.memory_space<vmem>>, vector<16xf32>,
        %get3A_1002 = vector.shape_cast %get3A_1001 : vector<16xf32> to vector<16xf32>
        %mul3A_1003 = vector.broadcast %squeeze3A_887 : f32 to vector<16xf32>
        %mul3A_1004 = arith.mulf %get3A_1002, %mul3A_1003 : vector<16xf32>
        %mul3A_1005 = arith.constant 2 : i32
        %mul3A_1006 = arith.muli %mul3A_1005, %scan3A_98 : i32
        %add3A_1007 = arith.constant 0 : i32
        %add3A_1008 = arith.addi %mul3A_1006, %add3A_1007 : i32
        %swap3A_1009 = arith.constant 1 : i32
        %swap3A_1010 = arith.index_cast %swap3A_1009 : i32 to index
        %swap3A_1011 = arith.index_cast %add3A_1008 : i32 to index
        %swap3A_1012 = arith.constant 880 : index
        %swap3A_1013 = tpu.vector_load %arg7[%swap3A_1010, %swap3A_1011, %swap3A_1012] {strides = array<i32>} : memref<2x32x1024xf32, #tpu.memory_space<vmem>>, vector<1x1x16xf32>,
        %swap3A_1014 = vector.shape_cast %swap3A_1013 : vector<1x1x16xf32> to vector<16xf32>
        %swap3A_1015 = vector.shape_cast %mul3A_1004 : vector<16xf32> to vector<1x1x16xf32>
        tpu.vector_store %arg7[%swap3A_1010, %swap3A_1011, %swap3A_1012], %swap3A_1015 {strides = array<i32>} : memref<2x32x1024xf32, #tpu.memory_space<vmem>>, vector<1x1x16xf32>,
        %slice3A_1016 = vector.extract_strided_slice %convert_element_type3A_108 {offsets = [7], sizes = [1], strides = [1]} : vector<16xf32> to vector<1xf32>
        %squeeze3A_1017 = vector.extract %slice3A_1016[0] : f32 from vector<1xf32>
        %get3A_1018 = arith.constant 896 : index
        %get3A_1019 = tpu.vector_load %arg5[%get3A_1018] {strides = array<i32>} : memref<1024xf32, #tpu.memory_space<vmem>>, vector<16xf32>,
        %get3A_1020 = vector.shape_cast %get3A_1019 : vector<16xf32> to vector<16xf32>
        %mul3A_1021 = vector.broadcast %squeeze3A_1017 : f32 to vector<16xf32>
        %mul3A_1022 = arith.mulf %get3A_1020, %mul3A_1021 : vector<16xf32>
        %mul3A_1023 = arith.constant 2 : i32
        %mul3A_1024 = arith.muli %mul3A_1023, %scan3A_98 : i32
        %add3A_1025 = arith.constant 0 : i32
        %add3A_1026 = arith.addi %mul3A_1024, %add3A_1025 : i32
        %swap3A_1027 = arith.constant 1 : i32
        %swap3A_1028 = arith.index_cast %swap3A_1027 : i32 to index
        %swap3A_1029 = arith.index_cast %add3A_1026 : i32 to index
        %swap3A_1030 = arith.constant 896 : index
        %swap3A_1031 = tpu.vector_load %arg7[%swap3A_1028, %swap3A_1029, %swap3A_1030] {strides = array<i32>} : memref<2x32x1024xf32, #tpu.memory_space<vmem>>, vector<1x1x16xf32>,
        %swap3A_1032 = vector.shape_cast %swap3A_1031 : vector<1x1x16xf32> to vector<16xf32>
        %swap3A_1033 = vector.shape_cast %mul3A_1022 : vector<16xf32> to vector<1x1x16xf32>
        tpu.vector_store %arg7[%swap3A_1028, %swap3A_1029, %swap3A_1030], %swap3A_1033 {strides = array<i32>} : memref<2x32x1024xf32, #tpu.memory_space<vmem>>, vector<1x1x16xf32>,
        %get3A_1034 = arith.constant 912 : index
        %get3A_1035 = tpu.vector_load %arg5[%get3A_1034] {strides = array<i32>} : memref<1024xf32, #tpu.memory_space<vmem>>, vector<16xf32>,
        %get3A_1036 = vector.shape_cast %get3A_1035 : vector<16xf32> to vector<16xf32>
        %mul3A_1037 = vector.broadcast %squeeze3A_1017 : f32 to vector<16xf32>
        %mul3A_1038 = arith.mulf %get3A_1036, %mul3A_1037 : vector<16xf32>
        %mul3A_1039 = arith.constant 2 : i32
        %mul3A_1040 = arith.muli %mul3A_1039, %scan3A_98 : i32
        %add3A_1041 = arith.constant 0 : i32
        %add3A_1042 = arith.addi %mul3A_1040, %add3A_1041 : i32
        %swap3A_1043 = arith.constant 1 : i32
        %swap3A_1044 = arith.index_cast %swap3A_1043 : i32 to index
        %swap3A_1045 = arith.index_cast %add3A_1042 : i32 to index
        %swap3A_1046 = arith.constant 912 : index
        %swap3A_1047 = tpu.vector_load %arg7[%swap3A_1044, %swap3A_1045, %swap3A_1046] {strides = array<i32>} : memref<2x32x1024xf32, #tpu.memory_space<vmem>>, vector<1x1x16xf32>,
        %swap3A_1048 = vector.shape_cast %swap3A_1047 : vector<1x1x16xf32> to vector<16xf32>
        %swap3A_1049 = vector.shape_cast %mul3A_1038 : vector<16xf32> to vector<1x1x16xf32>
        tpu.vector_store %arg7[%swap3A_1044, %swap3A_1045, %swap3A_1046], %swap3A_1049 {strides = array<i32>} : memref<2x32x1024xf32, #tpu.memory_space<vmem>>, vector<1x1x16xf32>,
        %get3A_1050 = arith.constant 928 : index
        %get3A_1051 = tpu.vector_load %arg5[%get3A_1050] {strides = array<i32>} : memref<1024xf32, #tpu.memory_space<vmem>>, vector<16xf32>,
        %get3A_1052 = vector.shape_cast %get3A_1051 : vector<16xf32> to vector<16xf32>
        %mul3A_1053 = vector.broadcast %squeeze3A_1017 : f32 to vector<16xf32>
        %mul3A_1054 = arith.mulf %get3A_1052, %mul3A_1053 : vector<16xf32>
        %mul3A_1055 = arith.constant 2 : i32
        %mul3A_1056 = arith.muli %mul3A_1055, %scan3A_98 : i32
        %add3A_1057 = arith.constant 0 : i32
        %add3A_1058 = arith.addi %mul3A_1056, %add3A_1057 : i32
        %swap3A_1059 = arith.constant 1 : i32
        %swap3A_1060 = arith.index_cast %swap3A_1059 : i32 to index
        %swap3A_1061 = arith.index_cast %add3A_1058 : i32 to index
        %swap3A_1062 = arith.constant 928 : index
        %swap3A_1063 = tpu.vector_load %arg7[%swap3A_1060, %swap3A_1061, %swap3A_1062] {strides = array<i32>} : memref<2x32x1024xf32, #tpu.memory_space<vmem>>, vector<1x1x16xf32>,
        %swap3A_1064 = vector.shape_cast %swap3A_1063 : vector<1x1x16xf32> to vector<16xf32>
        %swap3A_1065 = vector.shape_cast %mul3A_1054 : vector<16xf32> to vector<1x1x16xf32>
        tpu.vector_store %arg7[%swap3A_1060, %swap3A_1061, %swap3A_1062], %swap3A_1065 {strides = array<i32>} : memref<2x32x1024xf32, #tpu.memory_space<vmem>>, vector<1x1x16xf32>,
        %get3A_1066 = arith.constant 944 : index
        %get3A_1067 = tpu.vector_load %arg5[%get3A_1066] {strides = array<i32>} : memref<1024xf32, #tpu.memory_space<vmem>>, vector<16xf32>,
        %get3A_1068 = vector.shape_cast %get3A_1067 : vector<16xf32> to vector<16xf32>
        %mul3A_1069 = vector.broadcast %squeeze3A_1017 : f32 to vector<16xf32>
        %mul3A_1070 = arith.mulf %get3A_1068, %mul3A_1069 : vector<16xf32>
        %mul3A_1071 = arith.constant 2 : i32
        %mul3A_1072 = arith.muli %mul3A_1071, %scan3A_98 : i32
        %add3A_1073 = arith.constant 0 : i32
        %add3A_1074 = arith.addi %mul3A_1072, %add3A_1073 : i32
        %swap3A_1075 = arith.constant 1 : i32
        %swap3A_1076 = arith.index_cast %swap3A_1075 : i32 to index
        %swap3A_1077 = arith.index_cast %add3A_1074 : i32 to index
        %swap3A_1078 = arith.constant 944 : index
        %swap3A_1079 = tpu.vector_load %arg7[%swap3A_1076, %swap3A_1077, %swap3A_1078] {strides = array<i32>} : memref<2x32x1024xf32, #tpu.memory_space<vmem>>, vector<1x1x16xf32>,
        %swap3A_1080 = vector.shape_cast %swap3A_1079 : vector<1x1x16xf32> to vector<16xf32>
        %swap3A_1081 = vector.shape_cast %mul3A_1070 : vector<16xf32> to vector<1x1x16xf32>
        tpu.vector_store %arg7[%swap3A_1076, %swap3A_1077, %swap3A_1078], %swap3A_1081 {strides = array<i32>} : memref<2x32x1024xf32, #tpu.memory_space<vmem>>, vector<1x1x16xf32>,
        %get3A_1082 = arith.constant 960 : index
        %get3A_1083 = tpu.vector_load %arg5[%get3A_1082] {strides = array<i32>} : memref<1024xf32, #tpu.memory_space<vmem>>, vector<16xf32>,
        %get3A_1084 = vector.shape_cast %get3A_1083 : vector<16xf32> to vector<16xf32>
        %mul3A_1085 = vector.broadcast %squeeze3A_1017 : f32 to vector<16xf32>
        %mul3A_1086 = arith.mulf %get3A_1084, %mul3A_1085 : vector<16xf32>
        %mul3A_1087 = arith.constant 2 : i32
        %mul3A_1088 = arith.muli %mul3A_1087, %scan3A_98 : i32
        %add3A_1089 = arith.constant 0 : i32
        %add3A_1090 = arith.addi %mul3A_1088, %add3A_1089 : i32
        %swap3A_1091 = arith.constant 1 : i32
        %swap3A_1092 = arith.index_cast %swap3A_1091 : i32 to index
        %swap3A_1093 = arith.index_cast %add3A_1090 : i32 to index
        %swap3A_1094 = arith.constant 960 : index
        %swap3A_1095 = tpu.vector_load %arg7[%swap3A_1092, %swap3A_1093, %swap3A_1094] {strides = array<i32>} : memref<2x32x1024xf32, #tpu.memory_space<vmem>>, vector<1x1x16xf32>,
        %swap3A_1096 = vector.shape_cast %swap3A_1095 : vector<1x1x16xf32> to vector<16xf32>
        %swap3A_1097 = vector.shape_cast %mul3A_1086 : vector<16xf32> to vector<1x1x16xf32>
        tpu.vector_store %arg7[%swap3A_1092, %swap3A_1093, %swap3A_1094], %swap3A_1097 {strides = array<i32>} : memref<2x32x1024xf32, #tpu.memory_space<vmem>>, vector<1x1x16xf32>,
        %get3A_1098 = arith.constant 976 : index
        %get3A_1099 = tpu.vector_load %arg5[%get3A_1098] {strides = array<i32>} : memref<1024xf32, #tpu.memory_space<vmem>>, vector<16xf32>,
        %get3A_1100 = vector.shape_cast %get3A_1099 : vector<16xf32> to vector<16xf32>
        %mul3A_1101 = vector.broadcast %squeeze3A_1017 : f32 to vector<16xf32>
        %mul3A_1102 = arith.mulf %get3A_1100, %mul3A_1101 : vector<16xf32>
        %mul3A_1103 = arith.constant 2 : i32
        %mul3A_1104 = arith.muli %mul3A_1103, %scan3A_98 : i32
        %add3A_1105 = arith.constant 0 : i32
        %add3A_1106 = arith.addi %mul3A_1104, %add3A_1105 : i32
        %swap3A_1107 = arith.constant 1 : i32
        %swap3A_1108 = arith.index_cast %swap3A_1107 : i32 to index
        %swap3A_1109 = arith.index_cast %add3A_1106 : i32 to index
        %swap3A_1110 = arith.constant 976 : index
        %swap3A_1111 = tpu.vector_load %arg7[%swap3A_1108, %swap3A_1109, %swap3A_1110] {strides = array<i32>} : memref<2x32x1024xf32, #tpu.memory_space<vmem>>, vector<1x1x16xf32>,
        %swap3A_1112 = vector.shape_cast %swap3A_1111 : vector<1x1x16xf32> to vector<16xf32>
        %swap3A_1113 = vector.shape_cast %mul3A_1102 : vector<16xf32> to vector<1x1x16xf32>
        tpu.vector_store %arg7[%swap3A_1108, %swap3A_1109, %swap3A_1110], %swap3A_1113 {strides = array<i32>} : memref<2x32x1024xf32, #tpu.memory_space<vmem>>, vector<1x1x16xf32>,
        %get3A_1114 = arith.constant 992 : index
        %get3A_1115 = tpu.vector_load %arg5[%get3A_1114] {strides = array<i32>} : memref<1024xf32, #tpu.memory_space<vmem>>, vector<16xf32>,
        %get3A_1116 = vector.shape_cast %get3A_1115 : vector<16xf32> to vector<16xf32>
        %mul3A_1117 = vector.broadcast %squeeze3A_1017 : f32 to vector<16xf32>
        %mul3A_1118 = arith.mulf %get3A_1116, %mul3A_1117 : vector<16xf32>
        %mul3A_1119 = arith.constant 2 : i32
        %mul3A_1120 = arith.muli %mul3A_1119, %scan3A_98 : i32
        %add3A_1121 = arith.constant 0 : i32
        %add3A_1122 = arith.addi %mul3A_1120, %add3A_1121 : i32
        %swap3A_1123 = arith.constant 1 : i32
        %swap3A_1124 = arith.index_cast %swap3A_1123 : i32 to index
        %swap3A_1125 = arith.index_cast %add3A_1122 : i32 to index
        %swap3A_1126 = arith.constant 992 : index
        %swap3A_1127 = tpu.vector_load %arg7[%swap3A_1124, %swap3A_1125, %swap3A_1126] {strides = array<i32>} : memref<2x32x1024xf32, #tpu.memory_space<vmem>>, vector<1x1x16xf32>,
        %swap3A_1128 = vector.shape_cast %swap3A_1127 : vector<1x1x16xf32> to vector<16xf32>
        %swap3A_1129 = vector.shape_cast %mul3A_1118 : vector<16xf32> to vector<1x1x16xf32>
        tpu.vector_store %arg7[%swap3A_1124, %swap3A_1125, %swap3A_1126], %swap3A_1129 {strides = array<i32>} : memref<2x32x1024xf32, #tpu.memory_space<vmem>>, vector<1x1x16xf32>,
        %get3A_1130 = arith.constant 1008 : index
        %get3A_1131 = tpu.vector_load %arg5[%get3A_1130] {strides = array<i32>} : memref<1024xf32, #tpu.memory_space<vmem>>, vector<16xf32>,
        %get3A_1132 = vector.shape_cast %get3A_1131 : vector<16xf32> to vector<16xf32>
        %mul3A_1133 = vector.broadcast %squeeze3A_1017 : f32 to vector<16xf32>
        %mul3A_1134 = arith.mulf %get3A_1132, %mul3A_1133 : vector<16xf32>
        %mul3A_1135 = arith.constant 2 : i32
        %mul3A_1136 = arith.muli %mul3A_1135, %scan3A_98 : i32
        %add3A_1137 = arith.constant 0 : i32
        %add3A_1138 = arith.addi %mul3A_1136, %add3A_1137 : i32
        %swap3A_1139 = arith.constant 1 : i32
        %swap3A_1140 = arith.index_cast %swap3A_1139 : i32 to index
        %swap3A_1141 = arith.index_cast %add3A_1138 : i32 to index
        %swap3A_1142 = arith.constant 1008 : index
        %swap3A_1143 = tpu.vector_load %arg7[%swap3A_1140, %swap3A_1141, %swap3A_1142] {strides = array<i32>} : memref<2x32x1024xf32, #tpu.memory_space<vmem>>, vector<1x1x16xf32>,
        %swap3A_1144 = vector.shape_cast %swap3A_1143 : vector<1x1x16xf32> to vector<16xf32>
        %swap3A_1145 = vector.shape_cast %mul3A_1134 : vector<16xf32> to vector<1x1x16xf32>
        tpu.vector_store %arg7[%swap3A_1140, %swap3A_1141, %swap3A_1142], %swap3A_1145 {strides = array<i32>} : memref<2x32x1024xf32, #tpu.memory_space<vmem>>, vector<1x1x16xf32>,
        %slice3A_1146 = vector.extract_strided_slice %convert_element_type3A_108 {offsets = [8], sizes = [1], strides = [1]} : vector<16xf32> to vector<1xf32>
        %squeeze3A_1147 = vector.extract %slice3A_1146[0] : f32 from vector<1xf32>
        %get3A_1148 = arith.constant 0 : index
        %get3A_1149 = tpu.vector_load %arg5[%get3A_1148] {strides = array<i32>} : memref<1024xf32, #tpu.memory_space<vmem>>, vector<16xf32>,
        %get3A_1150 = vector.shape_cast %get3A_1149 : vector<16xf32> to vector<16xf32>
        %mul3A_1151 = vector.broadcast %squeeze3A_1147 : f32 to vector<16xf32>
        %mul3A_1152 = arith.mulf %get3A_1150, %mul3A_1151 : vector<16xf32>
        %mul3A_1153 = arith.constant 2 : i32
        %mul3A_1154 = arith.muli %mul3A_1153, %scan3A_98 : i32
        %add3A_1155 = arith.constant 1 : i32
        %add3A_1156 = arith.addi %mul3A_1154, %add3A_1155 : i32
        %swap3A_1157 = arith.constant 1 : i32
        %swap3A_1158 = arith.index_cast %swap3A_1157 : i32 to index
        %swap3A_1159 = arith.index_cast %add3A_1156 : i32 to index
        %swap3A_1160 = arith.constant 0 : index
        %swap3A_1161 = tpu.vector_load %arg7[%swap3A_1158, %swap3A_1159, %swap3A_1160] {strides = array<i32>} : memref<2x32x1024xf32, #tpu.memory_space<vmem>>, vector<1x1x16xf32>,
        %swap3A_1162 = vector.shape_cast %swap3A_1161 : vector<1x1x16xf32> to vector<16xf32>
        %swap3A_1163 = vector.shape_cast %mul3A_1152 : vector<16xf32> to vector<1x1x16xf32>
        tpu.vector_store %arg7[%swap3A_1158, %swap3A_1159, %swap3A_1160], %swap3A_1163 {strides = array<i32>} : memref<2x32x1024xf32, #tpu.memory_space<vmem>>, vector<1x1x16xf32>,
        %get3A_1164 = arith.constant 16 : index
        %get3A_1165 = tpu.vector_load %arg5[%get3A_1164] {strides = array<i32>} : memref<1024xf32, #tpu.memory_space<vmem>>, vector<16xf32>,
        %get3A_1166 = vector.shape_cast %get3A_1165 : vector<16xf32> to vector<16xf32>
        %mul3A_1167 = vector.broadcast %squeeze3A_1147 : f32 to vector<16xf32>
        %mul3A_1168 = arith.mulf %get3A_1166, %mul3A_1167 : vector<16xf32>
        %mul3A_1169 = arith.constant 2 : i32
        %mul3A_1170 = arith.muli %mul3A_1169, %scan3A_98 : i32
        %add3A_1171 = arith.constant 1 : i32
        %add3A_1172 = arith.addi %mul3A_1170, %add3A_1171 : i32
        %swap3A_1173 = arith.constant 1 : i32
        %swap3A_1174 = arith.index_cast %swap3A_1173 : i32 to index
        %swap3A_1175 = arith.index_cast %add3A_1172 : i32 to index
        %swap3A_1176 = arith.constant 16 : index
        %swap3A_1177 = tpu.vector_load %arg7[%swap3A_1174, %swap3A_1175, %swap3A_1176] {strides = array<i32>} : memref<2x32x1024xf32, #tpu.memory_space<vmem>>, vector<1x1x16xf32>,
        %swap3A_1178 = vector.shape_cast %swap3A_1177 : vector<1x1x16xf32> to vector<16xf32>
        %swap3A_1179 = vector.shape_cast %mul3A_1168 : vector<16xf32> to vector<1x1x16xf32>
        tpu.vector_store %arg7[%swap3A_1174, %swap3A_1175, %swap3A_1176], %swap3A_1179 {strides = array<i32>} : memref<2x32x1024xf32, #tpu.memory_space<vmem>>, vector<1x1x16xf32>,
        %get3A_1180 = arith.constant 32 : index
        %get3A_1181 = tpu.vector_load %arg5[%get3A_1180] {strides = array<i32>} : memref<1024xf32, #tpu.memory_space<vmem>>, vector<16xf32>,
        %get3A_1182 = vector.shape_cast %get3A_1181 : vector<16xf32> to vector<16xf32>
        %mul3A_1183 = vector.broadcast %squeeze3A_1147 : f32 to vector<16xf32>
        %mul3A_1184 = arith.mulf %get3A_1182, %mul3A_1183 : vector<16xf32>
        %mul3A_1185 = arith.constant 2 : i32
        %mul3A_1186 = arith.muli %mul3A_1185, %scan3A_98 : i32
        %add3A_1187 = arith.constant 1 : i32
        %add3A_1188 = arith.addi %mul3A_1186, %add3A_1187 : i32
        %swap3A_1189 = arith.constant 1 : i32
        %swap3A_1190 = arith.index_cast %swap3A_1189 : i32 to index
        %swap3A_1191 = arith.index_cast %add3A_1188 : i32 to index
        %swap3A_1192 = arith.constant 32 : index
        %swap3A_1193 = tpu.vector_load %arg7[%swap3A_1190, %swap3A_1191, %swap3A_1192] {strides = array<i32>} : memref<2x32x1024xf32, #tpu.memory_space<vmem>>, vector<1x1x16xf32>,
        %swap3A_1194 = vector.shape_cast %swap3A_1193 : vector<1x1x16xf32> to vector<16xf32>
        %swap3A_1195 = vector.shape_cast %mul3A_1184 : vector<16xf32> to vector<1x1x16xf32>
        tpu.vector_store %arg7[%swap3A_1190, %swap3A_1191, %swap3A_1192], %swap3A_1195 {strides = array<i32>} : memref<2x32x1024xf32, #tpu.memory_space<vmem>>, vector<1x1x16xf32>,
        %get3A_1196 = arith.constant 48 : index
        %get3A_1197 = tpu.vector_load %arg5[%get3A_1196] {strides = array<i32>} : memref<1024xf32, #tpu.memory_space<vmem>>, vector<16xf32>,
        %get3A_1198 = vector.shape_cast %get3A_1197 : vector<16xf32> to vector<16xf32>
        %mul3A_1199 = vector.broadcast %squeeze3A_1147 : f32 to vector<16xf32>
        %mul3A_1200 = arith.mulf %get3A_1198, %mul3A_1199 : vector<16xf32>
        %mul3A_1201 = arith.constant 2 : i32
        %mul3A_1202 = arith.muli %mul3A_1201, %scan3A_98 : i32
        %add3A_1203 = arith.constant 1 : i32
        %add3A_1204 = arith.addi %mul3A_1202, %add3A_1203 : i32
        %swap3A_1205 = arith.constant 1 : i32
        %swap3A_1206 = arith.index_cast %swap3A_1205 : i32 to index
        %swap3A_1207 = arith.index_cast %add3A_1204 : i32 to index
        %swap3A_1208 = arith.constant 48 : index
        %swap3A_1209 = tpu.vector_load %arg7[%swap3A_1206, %swap3A_1207, %swap3A_1208] {strides = array<i32>} : memref<2x32x1024xf32, #tpu.memory_space<vmem>>, vector<1x1x16xf32>,
        %swap3A_1210 = vector.shape_cast %swap3A_1209 : vector<1x1x16xf32> to vector<16xf32>
        %swap3A_1211 = vector.shape_cast %mul3A_1200 : vector<16xf32> to vector<1x1x16xf32>
        tpu.vector_store %arg7[%swap3A_1206, %swap3A_1207, %swap3A_1208], %swap3A_1211 {strides = array<i32>} : memref<2x32x1024xf32, #tpu.memory_space<vmem>>, vector<1x1x16xf32>,
        %get3A_1212 = arith.constant 64 : index
        %get3A_1213 = tpu.vector_load %arg5[%get3A_1212] {strides = array<i32>} : memref<1024xf32, #tpu.memory_space<vmem>>, vector<16xf32>,
        %get3A_1214 = vector.shape_cast %get3A_1213 : vector<16xf32> to vector<16xf32>
        %mul3A_1215 = vector.broadcast %squeeze3A_1147 : f32 to vector<16xf32>
        %mul3A_1216 = arith.mulf %get3A_1214, %mul3A_1215 : vector<16xf32>
        %mul3A_1217 = arith.constant 2 : i32
        %mul3A_1218 = arith.muli %mul3A_1217, %scan3A_98 : i32
        %add3A_1219 = arith.constant 1 : i32
        %add3A_1220 = arith.addi %mul3A_1218, %add3A_1219 : i32
        %swap3A_1221 = arith.constant 1 : i32
        %swap3A_1222 = arith.index_cast %swap3A_1221 : i32 to index
        %swap3A_1223 = arith.index_cast %add3A_1220 : i32 to index
        %swap3A_1224 = arith.constant 64 : index
        %swap3A_1225 = tpu.vector_load %arg7[%swap3A_1222, %swap3A_1223, %swap3A_1224] {strides = array<i32>} : memref<2x32x1024xf32, #tpu.memory_space<vmem>>, vector<1x1x16xf32>,
        %swap3A_1226 = vector.shape_cast %swap3A_1225 : vector<1x1x16xf32> to vector<16xf32>
        %swap3A_1227 = vector.shape_cast %mul3A_1216 : vector<16xf32> to vector<1x1x16xf32>
        tpu.vector_store %arg7[%swap3A_1222, %swap3A_1223, %swap3A_1224], %swap3A_1227 {strides = array<i32>} : memref<2x32x1024xf32, #tpu.memory_space<vmem>>, vector<1x1x16xf32>,
        %get3A_1228 = arith.constant 80 : index
        %get3A_1229 = tpu.vector_load %arg5[%get3A_1228] {strides = array<i32>} : memref<1024xf32, #tpu.memory_space<vmem>>, vector<16xf32>,
        %get3A_1230 = vector.shape_cast %get3A_1229 : vector<16xf32> to vector<16xf32>
        %mul3A_1231 = vector.broadcast %squeeze3A_1147 : f32 to vector<16xf32>
        %mul3A_1232 = arith.mulf %get3A_1230, %mul3A_1231 : vector<16xf32>
        %mul3A_1233 = arith.constant 2 : i32
        %mul3A_1234 = arith.muli %mul3A_1233, %scan3A_98 : i32
        %add3A_1235 = arith.constant 1 : i32
        %add3A_1236 = arith.addi %mul3A_1234, %add3A_1235 : i32
        %swap3A_1237 = arith.constant 1 : i32
        %swap3A_1238 = arith.index_cast %swap3A_1237 : i32 to index
        %swap3A_1239 = arith.index_cast %add3A_1236 : i32 to index
        %swap3A_1240 = arith.constant 80 : index
        %swap3A_1241 = tpu.vector_load %arg7[%swap3A_1238, %swap3A_1239, %swap3A_1240] {strides = array<i32>} : memref<2x32x1024xf32, #tpu.memory_space<vmem>>, vector<1x1x16xf32>,
        %swap3A_1242 = vector.shape_cast %swap3A_1241 : vector<1x1x16xf32> to vector<16xf32>
        %swap3A_1243 = vector.shape_cast %mul3A_1232 : vector<16xf32> to vector<1x1x16xf32>
        tpu.vector_store %arg7[%swap3A_1238, %swap3A_1239, %swap3A_1240], %swap3A_1243 {strides = array<i32>} : memref<2x32x1024xf32, #tpu.memory_space<vmem>>, vector<1x1x16xf32>,
        %get3A_1244 = arith.constant 96 : index
        %get3A_1245 = tpu.vector_load %arg5[%get3A_1244] {strides = array<i32>} : memref<1024xf32, #tpu.memory_space<vmem>>, vector<16xf32>,
        %get3A_1246 = vector.shape_cast %get3A_1245 : vector<16xf32> to vector<16xf32>
        %mul3A_1247 = vector.broadcast %squeeze3A_1147 : f32 to vector<16xf32>
        %mul3A_1248 = arith.mulf %get3A_1246, %mul3A_1247 : vector<16xf32>
        %mul3A_1249 = arith.constant 2 : i32
        %mul3A_1250 = arith.muli %mul3A_1249, %scan3A_98 : i32
        %add3A_1251 = arith.constant 1 : i32
        %add3A_1252 = arith.addi %mul3A_1250, %add3A_1251 : i32
        %swap3A_1253 = arith.constant 1 : i32
        %swap3A_1254 = arith.index_cast %swap3A_1253 : i32 to index
        %swap3A_1255 = arith.index_cast %add3A_1252 : i32 to index
        %swap3A_1256 = arith.constant 96 : index
        %swap3A_1257 = tpu.vector_load %arg7[%swap3A_1254, %swap3A_1255, %swap3A_1256] {strides = array<i32>} : memref<2x32x1024xf32, #tpu.memory_space<vmem>>, vector<1x1x16xf32>,
        %swap3A_1258 = vector.shape_cast %swap3A_1257 : vector<1x1x16xf32> to vector<16xf32>
        %swap3A_1259 = vector.shape_cast %mul3A_1248 : vector<16xf32> to vector<1x1x16xf32>
        tpu.vector_store %arg7[%swap3A_1254, %swap3A_1255, %swap3A_1256], %swap3A_1259 {strides = array<i32>} : memref<2x32x1024xf32, #tpu.memory_space<vmem>>, vector<1x1x16xf32>,
        %get3A_1260 = arith.constant 112 : index
        %get3A_1261 = tpu.vector_load %arg5[%get3A_1260] {strides = array<i32>} : memref<1024xf32, #tpu.memory_space<vmem>>, vector<16xf32>,
        %get3A_1262 = vector.shape_cast %get3A_1261 : vector<16xf32> to vector<16xf32>
        %mul3A_1263 = vector.broadcast %squeeze3A_1147 : f32 to vector<16xf32>
        %mul3A_1264 = arith.mulf %get3A_1262, %mul3A_1263 : vector<16xf32>
        %mul3A_1265 = arith.constant 2 : i32
        %mul3A_1266 = arith.muli %mul3A_1265, %scan3A_98 : i32
        %add3A_1267 = arith.constant 1 : i32
        %add3A_1268 = arith.addi %mul3A_1266, %add3A_1267 : i32
        %swap3A_1269 = arith.constant 1 : i32
        %swap3A_1270 = arith.index_cast %swap3A_1269 : i32 to index
        %swap3A_1271 = arith.index_cast %add3A_1268 : i32 to index
        %swap3A_1272 = arith.constant 112 : index
        %swap3A_1273 = tpu.vector_load %arg7[%swap3A_1270, %swap3A_1271, %swap3A_1272] {strides = array<i32>} : memref<2x32x1024xf32, #tpu.memory_space<vmem>>, vector<1x1x16xf32>,
        %swap3A_1274 = vector.shape_cast %swap3A_1273 : vector<1x1x16xf32> to vector<16xf32>
        %swap3A_1275 = vector.shape_cast %mul3A_1264 : vector<16xf32> to vector<1x1x16xf32>
        tpu.vector_store %arg7[%swap3A_1270, %swap3A_1271, %swap3A_1272], %swap3A_1275 {strides = array<i32>} : memref<2x32x1024xf32, #tpu.memory_space<vmem>>, vector<1x1x16xf32>,
        %slice3A_1276 = vector.extract_strided_slice %convert_element_type3A_108 {offsets = [9], sizes = [1], strides = [1]} : vector<16xf32> to vector<1xf32>
        %squeeze3A_1277 = vector.extract %slice3A_1276[0] : f32 from vector<1xf32>
        %get3A_1278 = arith.constant 128 : index
        %get3A_1279 = tpu.vector_load %arg5[%get3A_1278] {strides = array<i32>} : memref<1024xf32, #tpu.memory_space<vmem>>, vector<16xf32>,
        %get3A_1280 = vector.shape_cast %get3A_1279 : vector<16xf32> to vector<16xf32>
        %mul3A_1281 = vector.broadcast %squeeze3A_1277 : f32 to vector<16xf32>
        %mul3A_1282 = arith.mulf %get3A_1280, %mul3A_1281 : vector<16xf32>
        %mul3A_1283 = arith.constant 2 : i32
        %mul3A_1284 = arith.muli %mul3A_1283, %scan3A_98 : i32
        %add3A_1285 = arith.constant 1 : i32
        %add3A_1286 = arith.addi %mul3A_1284, %add3A_1285 : i32
        %swap3A_1287 = arith.constant 1 : i32
        %swap3A_1288 = arith.index_cast %swap3A_1287 : i32 to index
        %swap3A_1289 = arith.index_cast %add3A_1286 : i32 to index
        %swap3A_1290 = arith.constant 128 : index
        %swap3A_1291 = tpu.vector_load %arg7[%swap3A_1288, %swap3A_1289, %swap3A_1290] {strides = array<i32>} : memref<2x32x1024xf32, #tpu.memory_space<vmem>>, vector<1x1x16xf32>,
        %swap3A_1292 = vector.shape_cast %swap3A_1291 : vector<1x1x16xf32> to vector<16xf32>
        %swap3A_1293 = vector.shape_cast %mul3A_1282 : vector<16xf32> to vector<1x1x16xf32>
        tpu.vector_store %arg7[%swap3A_1288, %swap3A_1289, %swap3A_1290], %swap3A_1293 {strides = array<i32>} : memref<2x32x1024xf32, #tpu.memory_space<vmem>>, vector<1x1x16xf32>,
        %get3A_1294 = arith.constant 144 : index
        %get3A_1295 = tpu.vector_load %arg5[%get3A_1294] {strides = array<i32>} : memref<1024xf32, #tpu.memory_space<vmem>>, vector<16xf32>,
        %get3A_1296 = vector.shape_cast %get3A_1295 : vector<16xf32> to vector<16xf32>
        %mul3A_1297 = vector.broadcast %squeeze3A_1277 : f32 to vector<16xf32>
        %mul3A_1298 = arith.mulf %get3A_1296, %mul3A_1297 : vector<16xf32>
        %mul3A_1299 = arith.constant 2 : i32
        %mul3A_1300 = arith.muli %mul3A_1299, %scan3A_98 : i32
        %add3A_1301 = arith.constant 1 : i32
        %add3A_1302 = arith.addi %mul3A_1300, %add3A_1301 : i32
        %swap3A_1303 = arith.constant 1 : i32
        %swap3A_1304 = arith.index_cast %swap3A_1303 : i32 to index
        %swap3A_1305 = arith.index_cast %add3A_1302 : i32 to index
        %swap3A_1306 = arith.constant 144 : index
        %swap3A_1307 = tpu.vector_load %arg7[%swap3A_1304, %swap3A_1305, %swap3A_1306] {strides = array<i32>} : memref<2x32x1024xf32, #tpu.memory_space<vmem>>, vector<1x1x16xf32>,
        %swap3A_1308 = vector.shape_cast %swap3A_1307 : vector<1x1x16xf32> to vector<16xf32>
        %swap3A_1309 = vector.shape_cast %mul3A_1298 : vector<16xf32> to vector<1x1x16xf32>
        tpu.vector_store %arg7[%swap3A_1304, %swap3A_1305, %swap3A_1306], %swap3A_1309 {strides = array<i32>} : memref<2x32x1024xf32, #tpu.memory_space<vmem>>, vector<1x1x16xf32>,
        %get3A_1310 = arith.constant 160 : index
        %get3A_1311 = tpu.vector_load %arg5[%get3A_1310] {strides = array<i32>} : memref<1024xf32, #tpu.memory_space<vmem>>, vector<16xf32>,
        %get3A_1312 = vector.shape_cast %get3A_1311 : vector<16xf32> to vector<16xf32>
        %mul3A_1313 = vector.broadcast %squeeze3A_1277 : f32 to vector<16xf32>
        %mul3A_1314 = arith.mulf %get3A_1312, %mul3A_1313 : vector<16xf32>
        %mul3A_1315 = arith.constant 2 : i32
        %mul3A_1316 = arith.muli %mul3A_1315, %scan3A_98 : i32
        %add3A_1317 = arith.constant 1 : i32
        %add3A_1318 = arith.addi %mul3A_1316, %add3A_1317 : i32
        %swap3A_1319 = arith.constant 1 : i32
        %swap3A_1320 = arith.index_cast %swap3A_1319 : i32 to index
        %swap3A_1321 = arith.index_cast %add3A_1318 : i32 to index
        %swap3A_1322 = arith.constant 160 : index
        %swap3A_1323 = tpu.vector_load %arg7[%swap3A_1320, %swap3A_1321, %swap3A_1322] {strides = array<i32>} : memref<2x32x1024xf32, #tpu.memory_space<vmem>>, vector<1x1x16xf32>,
        %swap3A_1324 = vector.shape_cast %swap3A_1323 : vector<1x1x16xf32> to vector<16xf32>
        %swap3A_1325 = vector.shape_cast %mul3A_1314 : vector<16xf32> to vector<1x1x16xf32>
        tpu.vector_store %arg7[%swap3A_1320, %swap3A_1321, %swap3A_1322], %swap3A_1325 {strides = array<i32>} : memref<2x32x1024xf32, #tpu.memory_space<vmem>>, vector<1x1x16xf32>,
        %get3A_1326 = arith.constant 176 : index
        %get3A_1327 = tpu.vector_load %arg5[%get3A_1326] {strides = array<i32>} : memref<1024xf32, #tpu.memory_space<vmem>>, vector<16xf32>,
        %get3A_1328 = vector.shape_cast %get3A_1327 : vector<16xf32> to vector<16xf32>
        %mul3A_1329 = vector.broadcast %squeeze3A_1277 : f32 to vector<16xf32>
        %mul3A_1330 = arith.mulf %get3A_1328, %mul3A_1329 : vector<16xf32>
        %mul3A_1331 = arith.constant 2 : i32
        %mul3A_1332 = arith.muli %mul3A_1331, %scan3A_98 : i32
        %add3A_1333 = arith.constant 1 : i32
        %add3A_1334 = arith.addi %mul3A_1332, %add3A_1333 : i32
        %swap3A_1335 = arith.constant 1 : i32
        %swap3A_1336 = arith.index_cast %swap3A_1335 : i32 to index
        %swap3A_1337 = arith.index_cast %add3A_1334 : i32 to index
        %swap3A_1338 = arith.constant 176 : index
        %swap3A_1339 = tpu.vector_load %arg7[%swap3A_1336, %swap3A_1337, %swap3A_1338] {strides = array<i32>} : memref<2x32x1024xf32, #tpu.memory_space<vmem>>, vector<1x1x16xf32>,
        %swap3A_1340 = vector.shape_cast %swap3A_1339 : vector<1x1x16xf32> to vector<16xf32>
        %swap3A_1341 = vector.shape_cast %mul3A_1330 : vector<16xf32> to vector<1x1x16xf32>
        tpu.vector_store %arg7[%swap3A_1336, %swap3A_1337, %swap3A_1338], %swap3A_1341 {strides = array<i32>} : memref<2x32x1024xf32, #tpu.memory_space<vmem>>, vector<1x1x16xf32>,
        %get3A_1342 = arith.constant 192 : index
        %get3A_1343 = tpu.vector_load %arg5[%get3A_1342] {strides = array<i32>} : memref<1024xf32, #tpu.memory_space<vmem>>, vector<16xf32>,
        %get3A_1344 = vector.shape_cast %get3A_1343 : vector<16xf32> to vector<16xf32>
        %mul3A_1345 = vector.broadcast %squeeze3A_1277 : f32 to vector<16xf32>
        %mul3A_1346 = arith.mulf %get3A_1344, %mul3A_1345 : vector<16xf32>
        %mul3A_1347 = arith.constant 2 : i32
        %mul3A_1348 = arith.muli %mul3A_1347, %scan3A_98 : i32
        %add3A_1349 = arith.constant 1 : i32
        %add3A_1350 = arith.addi %mul3A_1348, %add3A_1349 : i32
        %swap3A_1351 = arith.constant 1 : i32
        %swap3A_1352 = arith.index_cast %swap3A_1351 : i32 to index
        %swap3A_1353 = arith.index_cast %add3A_1350 : i32 to index
        %swap3A_1354 = arith.constant 192 : index
        %swap3A_1355 = tpu.vector_load %arg7[%swap3A_1352, %swap3A_1353, %swap3A_1354] {strides = array<i32>} : memref<2x32x1024xf32, #tpu.memory_space<vmem>>, vector<1x1x16xf32>,
        %swap3A_1356 = vector.shape_cast %swap3A_1355 : vector<1x1x16xf32> to vector<16xf32>
        %swap3A_1357 = vector.shape_cast %mul3A_1346 : vector<16xf32> to vector<1x1x16xf32>
        tpu.vector_store %arg7[%swap3A_1352, %swap3A_1353, %swap3A_1354], %swap3A_1357 {strides = array<i32>} : memref<2x32x1024xf32, #tpu.memory_space<vmem>>, vector<1x1x16xf32>,
        %get3A_1358 = arith.constant 208 : index
        %get3A_1359 = tpu.vector_load %arg5[%get3A_1358] {strides = array<i32>} : memref<1024xf32, #tpu.memory_space<vmem>>, vector<16xf32>,
        %get3A_1360 = vector.shape_cast %get3A_1359 : vector<16xf32> to vector<16xf32>
        %mul3A_1361 = vector.broadcast %squeeze3A_1277 : f32 to vector<16xf32>
        %mul3A_1362 = arith.mulf %get3A_1360, %mul3A_1361 : vector<16xf32>
        %mul3A_1363 = arith.constant 2 : i32
        %mul3A_1364 = arith.muli %mul3A_1363, %scan3A_98 : i32
        %add3A_1365 = arith.constant 1 : i32
        %add3A_1366 = arith.addi %mul3A_1364, %add3A_1365 : i32
        %swap3A_1367 = arith.constant 1 : i32
        %swap3A_1368 = arith.index_cast %swap3A_1367 : i32 to index
        %swap3A_1369 = arith.index_cast %add3A_1366 : i32 to index
        %swap3A_1370 = arith.constant 208 : index
        %swap3A_1371 = tpu.vector_load %arg7[%swap3A_1368, %swap3A_1369, %swap3A_1370] {strides = array<i32>} : memref<2x32x1024xf32, #tpu.memory_space<vmem>>, vector<1x1x16xf32>,
        %swap3A_1372 = vector.shape_cast %swap3A_1371 : vector<1x1x16xf32> to vector<16xf32>
        %swap3A_1373 = vector.shape_cast %mul3A_1362 : vector<16xf32> to vector<1x1x16xf32>
        tpu.vector_store %arg7[%swap3A_1368, %swap3A_1369, %swap3A_1370], %swap3A_1373 {strides = array<i32>} : memref<2x32x1024xf32, #tpu.memory_space<vmem>>, vector<1x1x16xf32>,
        %get3A_1374 = arith.constant 224 : index
        %get3A_1375 = tpu.vector_load %arg5[%get3A_1374] {strides = array<i32>} : memref<1024xf32, #tpu.memory_space<vmem>>, vector<16xf32>,
        %get3A_1376 = vector.shape_cast %get3A_1375 : vector<16xf32> to vector<16xf32>
        %mul3A_1377 = vector.broadcast %squeeze3A_1277 : f32 to vector<16xf32>
        %mul3A_1378 = arith.mulf %get3A_1376, %mul3A_1377 : vector<16xf32>
        %mul3A_1379 = arith.constant 2 : i32
        %mul3A_1380 = arith.muli %mul3A_1379, %scan3A_98 : i32
        %add3A_1381 = arith.constant 1 : i32
        %add3A_1382 = arith.addi %mul3A_1380, %add3A_1381 : i32
        %swap3A_1383 = arith.constant 1 : i32
        %swap3A_1384 = arith.index_cast %swap3A_1383 : i32 to index
        %swap3A_1385 = arith.index_cast %add3A_1382 : i32 to index
        %swap3A_1386 = arith.constant 224 : index
        %swap3A_1387 = tpu.vector_load %arg7[%swap3A_1384, %swap3A_1385, %swap3A_1386] {strides = array<i32>} : memref<2x32x1024xf32, #tpu.memory_space<vmem>>, vector<1x1x16xf32>,
        %swap3A_1388 = vector.shape_cast %swap3A_1387 : vector<1x1x16xf32> to vector<16xf32>
        %swap3A_1389 = vector.shape_cast %mul3A_1378 : vector<16xf32> to vector<1x1x16xf32>
        tpu.vector_store %arg7[%swap3A_1384, %swap3A_1385, %swap3A_1386], %swap3A_1389 {strides = array<i32>} : memref<2x32x1024xf32, #tpu.memory_space<vmem>>, vector<1x1x16xf32>,
        %get3A_1390 = arith.constant 240 : index
        %get3A_1391 = tpu.vector_load %arg5[%get3A_1390] {strides = array<i32>} : memref<1024xf32, #tpu.memory_space<vmem>>, vector<16xf32>,
        %get3A_1392 = vector.shape_cast %get3A_1391 : vector<16xf32> to vector<16xf32>
        %mul3A_1393 = vector.broadcast %squeeze3A_1277 : f32 to vector<16xf32>
        %mul3A_1394 = arith.mulf %get3A_1392, %mul3A_1393 : vector<16xf32>
        %mul3A_1395 = arith.constant 2 : i32
        %mul3A_1396 = arith.muli %mul3A_1395, %scan3A_98 : i32
        %add3A_1397 = arith.constant 1 : i32
        %add3A_1398 = arith.addi %mul3A_1396, %add3A_1397 : i32
        %swap3A_1399 = arith.constant 1 : i32
        %swap3A_1400 = arith.index_cast %swap3A_1399 : i32 to index
        %swap3A_1401 = arith.index_cast %add3A_1398 : i32 to index
        %swap3A_1402 = arith.constant 240 : index
        %swap3A_1403 = tpu.vector_load %arg7[%swap3A_1400, %swap3A_1401, %swap3A_1402] {strides = array<i32>} : memref<2x32x1024xf32, #tpu.memory_space<vmem>>, vector<1x1x16xf32>,
        %swap3A_1404 = vector.shape_cast %swap3A_1403 : vector<1x1x16xf32> to vector<16xf32>
        %swap3A_1405 = vector.shape_cast %mul3A_1394 : vector<16xf32> to vector<1x1x16xf32>
        tpu.vector_store %arg7[%swap3A_1400, %swap3A_1401, %swap3A_1402], %swap3A_1405 {strides = array<i32>} : memref<2x32x1024xf32, #tpu.memory_space<vmem>>, vector<1x1x16xf32>,
        %slice3A_1406 = vector.extract_strided_slice %convert_element_type3A_108 {offsets = [10], sizes = [1], strides = [1]} : vector<16xf32> to vector<1xf32>
        %squeeze3A_1407 = vector.extract %slice3A_1406[0] : f32 from vector<1xf32>
        %get3A_1408 = arith.constant 256 : index
        %get3A_1409 = tpu.vector_load %arg5[%get3A_1408] {strides = array<i32>} : memref<1024xf32, #tpu.memory_space<vmem>>, vector<16xf32>,
        %get3A_1410 = vector.shape_cast %get3A_1409 : vector<16xf32> to vector<16xf32>
        %mul3A_1411 = vector.broadcast %squeeze3A_1407 : f32 to vector<16xf32>
        %mul3A_1412 = arith.mulf %get3A_1410, %mul3A_1411 : vector<16xf32>
        %mul3A_1413 = arith.constant 2 : i32
        %mul3A_1414 = arith.muli %mul3A_1413, %scan3A_98 : i32
        %add3A_1415 = arith.constant 1 : i32
        %add3A_1416 = arith.addi %mul3A_1414, %add3A_1415 : i32
        %swap3A_1417 = arith.constant 1 : i32
        %swap3A_1418 = arith.index_cast %swap3A_1417 : i32 to index
        %swap3A_1419 = arith.index_cast %add3A_1416 : i32 to index
        %swap3A_1420 = arith.constant 256 : index
        %swap3A_1421 = tpu.vector_load %arg7[%swap3A_1418, %swap3A_1419, %swap3A_1420] {strides = array<i32>} : memref<2x32x1024xf32, #tpu.memory_space<vmem>>, vector<1x1x16xf32>,
        %swap3A_1422 = vector.shape_cast %swap3A_1421 : vector<1x1x16xf32> to vector<16xf32>
        %swap3A_1423 = vector.shape_cast %mul3A_1412 : vector<16xf32> to vector<1x1x16xf32>
        tpu.vector_store %arg7[%swap3A_1418, %swap3A_1419, %swap3A_1420], %swap3A_1423 {strides = array<i32>} : memref<2x32x1024xf32, #tpu.memory_space<vmem>>, vector<1x1x16xf32>,
        %get3A_1424 = arith.constant 272 : index
        %get3A_1425 = tpu.vector_load %arg5[%get3A_1424] {strides = array<i32>} : memref<1024xf32, #tpu.memory_space<vmem>>, vector<16xf32>,
        %get3A_1426 = vector.shape_cast %get3A_1425 : vector<16xf32> to vector<16xf32>
        %mul3A_1427 = vector.broadcast %squeeze3A_1407 : f32 to vector<16xf32>
        %mul3A_1428 = arith.mulf %get3A_1426, %mul3A_1427 : vector<16xf32>
        %mul3A_1429 = arith.constant 2 : i32
        %mul3A_1430 = arith.muli %mul3A_1429, %scan3A_98 : i32
        %add3A_1431 = arith.constant 1 : i32
        %add3A_1432 = arith.addi %mul3A_1430, %add3A_1431 : i32
        %swap3A_1433 = arith.constant 1 : i32
        %swap3A_1434 = arith.index_cast %swap3A_1433 : i32 to index
        %swap3A_1435 = arith.index_cast %add3A_1432 : i32 to index
        %swap3A_1436 = arith.constant 272 : index
        %swap3A_1437 = tpu.vector_load %arg7[%swap3A_1434, %swap3A_1435, %swap3A_1436] {strides = array<i32>} : memref<2x32x1024xf32, #tpu.memory_space<vmem>>, vector<1x1x16xf32>,
        %swap3A_1438 = vector.shape_cast %swap3A_1437 : vector<1x1x16xf32> to vector<16xf32>
        %swap3A_1439 = vector.shape_cast %mul3A_1428 : vector<16xf32> to vector<1x1x16xf32>
        tpu.vector_store %arg7[%swap3A_1434, %swap3A_1435, %swap3A_1436], %swap3A_1439 {strides = array<i32>} : memref<2x32x1024xf32, #tpu.memory_space<vmem>>, vector<1x1x16xf32>,
        %get3A_1440 = arith.constant 288 : index
        %get3A_1441 = tpu.vector_load %arg5[%get3A_1440] {strides = array<i32>} : memref<1024xf32, #tpu.memory_space<vmem>>, vector<16xf32>,
        %get3A_1442 = vector.shape_cast %get3A_1441 : vector<16xf32> to vector<16xf32>
        %mul3A_1443 = vector.broadcast %squeeze3A_1407 : f32 to vector<16xf32>
        %mul3A_1444 = arith.mulf %get3A_1442, %mul3A_1443 : vector<16xf32>
        %mul3A_1445 = arith.constant 2 : i32
        %mul3A_1446 = arith.muli %mul3A_1445, %scan3A_98 : i32
        %add3A_1447 = arith.constant 1 : i32
        %add3A_1448 = arith.addi %mul3A_1446, %add3A_1447 : i32
        %swap3A_1449 = arith.constant 1 : i32
        %swap3A_1450 = arith.index_cast %swap3A_1449 : i32 to index
        %swap3A_1451 = arith.index_cast %add3A_1448 : i32 to index
        %swap3A_1452 = arith.constant 288 : index
        %swap3A_1453 = tpu.vector_load %arg7[%swap3A_1450, %swap3A_1451, %swap3A_1452] {strides = array<i32>} : memref<2x32x1024xf32, #tpu.memory_space<vmem>>, vector<1x1x16xf32>,
        %swap3A_1454 = vector.shape_cast %swap3A_1453 : vector<1x1x16xf32> to vector<16xf32>
        %swap3A_1455 = vector.shape_cast %mul3A_1444 : vector<16xf32> to vector<1x1x16xf32>
        tpu.vector_store %arg7[%swap3A_1450, %swap3A_1451, %swap3A_1452], %swap3A_1455 {strides = array<i32>} : memref<2x32x1024xf32, #tpu.memory_space<vmem>>, vector<1x1x16xf32>,
        %get3A_1456 = arith.constant 304 : index
        %get3A_1457 = tpu.vector_load %arg5[%get3A_1456] {strides = array<i32>} : memref<1024xf32, #tpu.memory_space<vmem>>, vector<16xf32>,
        %get3A_1458 = vector.shape_cast %get3A_1457 : vector<16xf32> to vector<16xf32>
        %mul3A_1459 = vector.broadcast %squeeze3A_1407 : f32 to vector<16xf32>
        %mul3A_1460 = arith.mulf %get3A_1458, %mul3A_1459 : vector<16xf32>
        %mul3A_1461 = arith.constant 2 : i32
        %mul3A_1462 = arith.muli %mul3A_1461, %scan3A_98 : i32
        %add3A_1463 = arith.constant 1 : i32
        %add3A_1464 = arith.addi %mul3A_1462, %add3A_1463 : i32
        %swap3A_1465 = arith.constant 1 : i32
        %swap3A_1466 = arith.index_cast %swap3A_1465 : i32 to index
        %swap3A_1467 = arith.index_cast %add3A_1464 : i32 to index
        %swap3A_1468 = arith.constant 304 : index
        %swap3A_1469 = tpu.vector_load %arg7[%swap3A_1466, %swap3A_1467, %swap3A_1468] {strides = array<i32>} : memref<2x32x1024xf32, #tpu.memory_space<vmem>>, vector<1x1x16xf32>,
        %swap3A_1470 = vector.shape_cast %swap3A_1469 : vector<1x1x16xf32> to vector<16xf32>
        %swap3A_1471 = vector.shape_cast %mul3A_1460 : vector<16xf32> to vector<1x1x16xf32>
        tpu.vector_store %arg7[%swap3A_1466, %swap3A_1467, %swap3A_1468], %swap3A_1471 {strides = array<i32>} : memref<2x32x1024xf32, #tpu.memory_space<vmem>>, vector<1x1x16xf32>,
        %get3A_1472 = arith.constant 320 : index
        %get3A_1473 = tpu.vector_load %arg5[%get3A_1472] {strides = array<i32>} : memref<1024xf32, #tpu.memory_space<vmem>>, vector<16xf32>,
        %get3A_1474 = vector.shape_cast %get3A_1473 : vector<16xf32> to vector<16xf32>
        %mul3A_1475 = vector.broadcast %squeeze3A_1407 : f32 to vector<16xf32>
        %mul3A_1476 = arith.mulf %get3A_1474, %mul3A_1475 : vector<16xf32>
        %mul3A_1477 = arith.constant 2 : i32
        %mul3A_1478 = arith.muli %mul3A_1477, %scan3A_98 : i32
        %add3A_1479 = arith.constant 1 : i32
        %add3A_1480 = arith.addi %mul3A_1478, %add3A_1479 : i32
        %swap3A_1481 = arith.constant 1 : i32
        %swap3A_1482 = arith.index_cast %swap3A_1481 : i32 to index
        %swap3A_1483 = arith.index_cast %add3A_1480 : i32 to index
        %swap3A_1484 = arith.constant 320 : index
        %swap3A_1485 = tpu.vector_load %arg7[%swap3A_1482, %swap3A_1483, %swap3A_1484] {strides = array<i32>} : memref<2x32x1024xf32, #tpu.memory_space<vmem>>, vector<1x1x16xf32>,
        %swap3A_1486 = vector.shape_cast %swap3A_1485 : vector<1x1x16xf32> to vector<16xf32>
        %swap3A_1487 = vector.shape_cast %mul3A_1476 : vector<16xf32> to vector<1x1x16xf32>
        tpu.vector_store %arg7[%swap3A_1482, %swap3A_1483, %swap3A_1484], %swap3A_1487 {strides = array<i32>} : memref<2x32x1024xf32, #tpu.memory_space<vmem>>, vector<1x1x16xf32>,
        %get3A_1488 = arith.constant 336 : index
        %get3A_1489 = tpu.vector_load %arg5[%get3A_1488] {strides = array<i32>} : memref<1024xf32, #tpu.memory_space<vmem>>, vector<16xf32>,
        %get3A_1490 = vector.shape_cast %get3A_1489 : vector<16xf32> to vector<16xf32>
        %mul3A_1491 = vector.broadcast %squeeze3A_1407 : f32 to vector<16xf32>
        %mul3A_1492 = arith.mulf %get3A_1490, %mul3A_1491 : vector<16xf32>
        %mul3A_1493 = arith.constant 2 : i32
        %mul3A_1494 = arith.muli %mul3A_1493, %scan3A_98 : i32
        %add3A_1495 = arith.constant 1 : i32
        %add3A_1496 = arith.addi %mul3A_1494, %add3A_1495 : i32
        %swap3A_1497 = arith.constant 1 : i32
        %swap3A_1498 = arith.index_cast %swap3A_1497 : i32 to index
        %swap3A_1499 = arith.index_cast %add3A_1496 : i32 to index
        %swap3A_1500 = arith.constant 336 : index
        %swap3A_1501 = tpu.vector_load %arg7[%swap3A_1498, %swap3A_1499, %swap3A_1500] {strides = array<i32>} : memref<2x32x1024xf32, #tpu.memory_space<vmem>>, vector<1x1x16xf32>,
        %swap3A_1502 = vector.shape_cast %swap3A_1501 : vector<1x1x16xf32> to vector<16xf32>
        %swap3A_1503 = vector.shape_cast %mul3A_1492 : vector<16xf32> to vector<1x1x16xf32>
        tpu.vector_store %arg7[%swap3A_1498, %swap3A_1499, %swap3A_1500], %swap3A_1503 {strides = array<i32>} : memref<2x32x1024xf32, #tpu.memory_space<vmem>>, vector<1x1x16xf32>,
        %get3A_1504 = arith.constant 352 : index
        %get3A_1505 = tpu.vector_load %arg5[%get3A_1504] {strides = array<i32>} : memref<1024xf32, #tpu.memory_space<vmem>>, vector<16xf32>,
        %get3A_1506 = vector.shape_cast %get3A_1505 : vector<16xf32> to vector<16xf32>
        %mul3A_1507 = vector.broadcast %squeeze3A_1407 : f32 to vector<16xf32>
        %mul3A_1508 = arith.mulf %get3A_1506, %mul3A_1507 : vector<16xf32>
        %mul3A_1509 = arith.constant 2 : i32
        %mul3A_1510 = arith.muli %mul3A_1509, %scan3A_98 : i32
        %add3A_1511 = arith.constant 1 : i32
        %add3A_1512 = arith.addi %mul3A_1510, %add3A_1511 : i32
        %swap3A_1513 = arith.constant 1 : i32
        %swap3A_1514 = arith.index_cast %swap3A_1513 : i32 to index
        %swap3A_1515 = arith.index_cast %add3A_1512 : i32 to index
        %swap3A_1516 = arith.constant 352 : index
        %swap3A_1517 = tpu.vector_load %arg7[%swap3A_1514, %swap3A_1515, %swap3A_1516] {strides = array<i32>} : memref<2x32x1024xf32, #tpu.memory_space<vmem>>, vector<1x1x16xf32>,
        %swap3A_1518 = vector.shape_cast %swap3A_1517 : vector<1x1x16xf32> to vector<16xf32>
        %swap3A_1519 = vector.shape_cast %mul3A_1508 : vector<16xf32> to vector<1x1x16xf32>
        tpu.vector_store %arg7[%swap3A_1514, %swap3A_1515, %swap3A_1516], %swap3A_1519 {strides = array<i32>} : memref<2x32x1024xf32, #tpu.memory_space<vmem>>, vector<1x1x16xf32>,
        %get3A_1520 = arith.constant 368 : index
        %get3A_1521 = tpu.vector_load %arg5[%get3A_1520] {strides = array<i32>} : memref<1024xf32, #tpu.memory_space<vmem>>, vector<16xf32>,
        %get3A_1522 = vector.shape_cast %get3A_1521 : vector<16xf32> to vector<16xf32>
        %mul3A_1523 = vector.broadcast %squeeze3A_1407 : f32 to vector<16xf32>
        %mul3A_1524 = arith.mulf %get3A_1522, %mul3A_1523 : vector<16xf32>
        %mul3A_1525 = arith.constant 2 : i32
        %mul3A_1526 = arith.muli %mul3A_1525, %scan3A_98 : i32
        %add3A_1527 = arith.constant 1 : i32
        %add3A_1528 = arith.addi %mul3A_1526, %add3A_1527 : i32
        %swap3A_1529 = arith.constant 1 : i32
        %swap3A_1530 = arith.index_cast %swap3A_1529 : i32 to index
        %swap3A_1531 = arith.index_cast %add3A_1528 : i32 to index
        %swap3A_1532 = arith.constant 368 : index
        %swap3A_1533 = tpu.vector_load %arg7[%swap3A_1530, %swap3A_1531, %swap3A_1532] {strides = array<i32>} : memref<2x32x1024xf32, #tpu.memory_space<vmem>>, vector<1x1x16xf32>,
        %swap3A_1534 = vector.shape_cast %swap3A_1533 : vector<1x1x16xf32> to vector<16xf32>
        %swap3A_1535 = vector.shape_cast %mul3A_1524 : vector<16xf32> to vector<1x1x16xf32>
        tpu.vector_store %arg7[%swap3A_1530, %swap3A_1531, %swap3A_1532], %swap3A_1535 {strides = array<i32>} : memref<2x32x1024xf32, #tpu.memory_space<vmem>>, vector<1x1x16xf32>,
        %slice3A_1536 = vector.extract_strided_slice %convert_element_type3A_108 {offsets = [11], sizes = [1], strides = [1]} : vector<16xf32> to vector<1xf32>
        %squeeze3A_1537 = vector.extract %slice3A_1536[0] : f32 from vector<1xf32>
        %get3A_1538 = arith.constant 384 : index
        %get3A_1539 = tpu.vector_load %arg5[%get3A_1538] {strides = array<i32>} : memref<1024xf32, #tpu.memory_space<vmem>>, vector<16xf32>,
        %get3A_1540 = vector.shape_cast %get3A_1539 : vector<16xf32> to vector<16xf32>
        %mul3A_1541 = vector.broadcast %squeeze3A_1537 : f32 to vector<16xf32>
        %mul3A_1542 = arith.mulf %get3A_1540, %mul3A_1541 : vector<16xf32>
        %mul3A_1543 = arith.constant 2 : i32
        %mul3A_1544 = arith.muli %mul3A_1543, %scan3A_98 : i32
        %add3A_1545 = arith.constant 1 : i32
        %add3A_1546 = arith.addi %mul3A_1544, %add3A_1545 : i32
        %swap3A_1547 = arith.constant 1 : i32
        %swap3A_1548 = arith.index_cast %swap3A_1547 : i32 to index
        %swap3A_1549 = arith.index_cast %add3A_1546 : i32 to index
        %swap3A_1550 = arith.constant 384 : index
        %swap3A_1551 = tpu.vector_load %arg7[%swap3A_1548, %swap3A_1549, %swap3A_1550] {strides = array<i32>} : memref<2x32x1024xf32, #tpu.memory_space<vmem>>, vector<1x1x16xf32>,
        %swap3A_1552 = vector.shape_cast %swap3A_1551 : vector<1x1x16xf32> to vector<16xf32>
        %swap3A_1553 = vector.shape_cast %mul3A_1542 : vector<16xf32> to vector<1x1x16xf32>
        tpu.vector_store %arg7[%swap3A_1548, %swap3A_1549, %swap3A_1550], %swap3A_1553 {strides = array<i32>} : memref<2x32x1024xf32, #tpu.memory_space<vmem>>, vector<1x1x16xf32>,
        %get3A_1554 = arith.constant 400 : index
        %get3A_1555 = tpu.vector_load %arg5[%get3A_1554] {strides = array<i32>} : memref<1024xf32, #tpu.memory_space<vmem>>, vector<16xf32>,
        %get3A_1556 = vector.shape_cast %get3A_1555 : vector<16xf32> to vector<16xf32>
        %mul3A_1557 = vector.broadcast %squeeze3A_1537 : f32 to vector<16xf32>
        %mul3A_1558 = arith.mulf %get3A_1556, %mul3A_1557 : vector<16xf32>
        %mul3A_1559 = arith.constant 2 : i32
        %mul3A_1560 = arith.muli %mul3A_1559, %scan3A_98 : i32
        %add3A_1561 = arith.constant 1 : i32
        %add3A_1562 = arith.addi %mul3A_1560, %add3A_1561 : i32
        %swap3A_1563 = arith.constant 1 : i32
        %swap3A_1564 = arith.index_cast %swap3A_1563 : i32 to index
        %swap3A_1565 = arith.index_cast %add3A_1562 : i32 to index
        %swap3A_1566 = arith.constant 400 : index
        %swap3A_1567 = tpu.vector_load %arg7[%swap3A_1564, %swap3A_1565, %swap3A_1566] {strides = array<i32>} : memref<2x32x1024xf32, #tpu.memory_space<vmem>>, vector<1x1x16xf32>,
        %swap3A_1568 = vector.shape_cast %swap3A_1567 : vector<1x1x16xf32> to vector<16xf32>
        %swap3A_1569 = vector.shape_cast %mul3A_1558 : vector<16xf32> to vector<1x1x16xf32>
        tpu.vector_store %arg7[%swap3A_1564, %swap3A_1565, %swap3A_1566], %swap3A_1569 {strides = array<i32>} : memref<2x32x1024xf32, #tpu.memory_space<vmem>>, vector<1x1x16xf32>,
        %get3A_1570 = arith.constant 416 : index
        %get3A_1571 = tpu.vector_load %arg5[%get3A_1570] {strides = array<i32>} : memref<1024xf32, #tpu.memory_space<vmem>>, vector<16xf32>,
        %get3A_1572 = vector.shape_cast %get3A_1571 : vector<16xf32> to vector<16xf32>
        %mul3A_1573 = vector.broadcast %squeeze3A_1537 : f32 to vector<16xf32>
        %mul3A_1574 = arith.mulf %get3A_1572, %mul3A_1573 : vector<16xf32>
        %mul3A_1575 = arith.constant 2 : i32
        %mul3A_1576 = arith.muli %mul3A_1575, %scan3A_98 : i32
        %add3A_1577 = arith.constant 1 : i32
        %add3A_1578 = arith.addi %mul3A_1576, %add3A_1577 : i32
        %swap3A_1579 = arith.constant 1 : i32
        %swap3A_1580 = arith.index_cast %swap3A_1579 : i32 to index
        %swap3A_1581 = arith.index_cast %add3A_1578 : i32 to index
        %swap3A_1582 = arith.constant 416 : index
        %swap3A_1583 = tpu.vector_load %arg7[%swap3A_1580, %swap3A_1581, %swap3A_1582] {strides = array<i32>} : memref<2x32x1024xf32, #tpu.memory_space<vmem>>, vector<1x1x16xf32>,
        %swap3A_1584 = vector.shape_cast %swap3A_1583 : vector<1x1x16xf32> to vector<16xf32>
        %swap3A_1585 = vector.shape_cast %mul3A_1574 : vector<16xf32> to vector<1x1x16xf32>
        tpu.vector_store %arg7[%swap3A_1580, %swap3A_1581, %swap3A_1582], %swap3A_1585 {strides = array<i32>} : memref<2x32x1024xf32, #tpu.memory_space<vmem>>, vector<1x1x16xf32>,
        %get3A_1586 = arith.constant 432 : index
        %get3A_1587 = tpu.vector_load %arg5[%get3A_1586] {strides = array<i32>} : memref<1024xf32, #tpu.memory_space<vmem>>, vector<16xf32>,
        %get3A_1588 = vector.shape_cast %get3A_1587 : vector<16xf32> to vector<16xf32>
        %mul3A_1589 = vector.broadcast %squeeze3A_1537 : f32 to vector<16xf32>
        %mul3A_1590 = arith.mulf %get3A_1588, %mul3A_1589 : vector<16xf32>
        %mul3A_1591 = arith.constant 2 : i32
        %mul3A_1592 = arith.muli %mul3A_1591, %scan3A_98 : i32
        %add3A_1593 = arith.constant 1 : i32
        %add3A_1594 = arith.addi %mul3A_1592, %add3A_1593 : i32
        %swap3A_1595 = arith.constant 1 : i32
        %swap3A_1596 = arith.index_cast %swap3A_1595 : i32 to index
        %swap3A_1597 = arith.index_cast %add3A_1594 : i32 to index
        %swap3A_1598 = arith.constant 432 : index
        %swap3A_1599 = tpu.vector_load %arg7[%swap3A_1596, %swap3A_1597, %swap3A_1598] {strides = array<i32>} : memref<2x32x1024xf32, #tpu.memory_space<vmem>>, vector<1x1x16xf32>,
        %swap3A_1600 = vector.shape_cast %swap3A_1599 : vector<1x1x16xf32> to vector<16xf32>
        %swap3A_1601 = vector.shape_cast %mul3A_1590 : vector<16xf32> to vector<1x1x16xf32>
        tpu.vector_store %arg7[%swap3A_1596, %swap3A_1597, %swap3A_1598], %swap3A_1601 {strides = array<i32>} : memref<2x32x1024xf32, #tpu.memory_space<vmem>>, vector<1x1x16xf32>,
        %get3A_1602 = arith.constant 448 : index
        %get3A_1603 = tpu.vector_load %arg5[%get3A_1602] {strides = array<i32>} : memref<1024xf32, #tpu.memory_space<vmem>>, vector<16xf32>,
        %get3A_1604 = vector.shape_cast %get3A_1603 : vector<16xf32> to vector<16xf32>
        %mul3A_1605 = vector.broadcast %squeeze3A_1537 : f32 to vector<16xf32>
        %mul3A_1606 = arith.mulf %get3A_1604, %mul3A_1605 : vector<16xf32>
        %mul3A_1607 = arith.constant 2 : i32
        %mul3A_1608 = arith.muli %mul3A_1607, %scan3A_98 : i32
        %add3A_1609 = arith.constant 1 : i32
        %add3A_1610 = arith.addi %mul3A_1608, %add3A_1609 : i32
        %swap3A_1611 = arith.constant 1 : i32
        %swap3A_1612 = arith.index_cast %swap3A_1611 : i32 to index
        %swap3A_1613 = arith.index_cast %add3A_1610 : i32 to index
        %swap3A_1614 = arith.constant 448 : index
        %swap3A_1615 = tpu.vector_load %arg7[%swap3A_1612, %swap3A_1613, %swap3A_1614] {strides = array<i32>} : memref<2x32x1024xf32, #tpu.memory_space<vmem>>, vector<1x1x16xf32>,
        %swap3A_1616 = vector.shape_cast %swap3A_1615 : vector<1x1x16xf32> to vector<16xf32>
        %swap3A_1617 = vector.shape_cast %mul3A_1606 : vector<16xf32> to vector<1x1x16xf32>
        tpu.vector_store %arg7[%swap3A_1612, %swap3A_1613, %swap3A_1614], %swap3A_1617 {strides = array<i32>} : memref<2x32x1024xf32, #tpu.memory_space<vmem>>, vector<1x1x16xf32>,
        %get3A_1618 = arith.constant 464 : index
        %get3A_1619 = tpu.vector_load %arg5[%get3A_1618] {strides = array<i32>} : memref<1024xf32, #tpu.memory_space<vmem>>, vector<16xf32>,
        %get3A_1620 = vector.shape_cast %get3A_1619 : vector<16xf32> to vector<16xf32>
        %mul3A_1621 = vector.broadcast %squeeze3A_1537 : f32 to vector<16xf32>
        %mul3A_1622 = arith.mulf %get3A_1620, %mul3A_1621 : vector<16xf32>
        %mul3A_1623 = arith.constant 2 : i32
        %mul3A_1624 = arith.muli %mul3A_1623, %scan3A_98 : i32
        %add3A_1625 = arith.constant 1 : i32
        %add3A_1626 = arith.addi %mul3A_1624, %add3A_1625 : i32
        %swap3A_1627 = arith.constant 1 : i32
        %swap3A_1628 = arith.index_cast %swap3A_1627 : i32 to index
        %swap3A_1629 = arith.index_cast %add3A_1626 : i32 to index
        %swap3A_1630 = arith.constant 464 : index
        %swap3A_1631 = tpu.vector_load %arg7[%swap3A_1628, %swap3A_1629, %swap3A_1630] {strides = array<i32>} : memref<2x32x1024xf32, #tpu.memory_space<vmem>>, vector<1x1x16xf32>,
        %swap3A_1632 = vector.shape_cast %swap3A_1631 : vector<1x1x16xf32> to vector<16xf32>
        %swap3A_1633 = vector.shape_cast %mul3A_1622 : vector<16xf32> to vector<1x1x16xf32>
        tpu.vector_store %arg7[%swap3A_1628, %swap3A_1629, %swap3A_1630], %swap3A_1633 {strides = array<i32>} : memref<2x32x1024xf32, #tpu.memory_space<vmem>>, vector<1x1x16xf32>,
        %get3A_1634 = arith.constant 480 : index
        %get3A_1635 = tpu.vector_load %arg5[%get3A_1634] {strides = array<i32>} : memref<1024xf32, #tpu.memory_space<vmem>>, vector<16xf32>,
        %get3A_1636 = vector.shape_cast %get3A_1635 : vector<16xf32> to vector<16xf32>
        %mul3A_1637 = vector.broadcast %squeeze3A_1537 : f32 to vector<16xf32>
        %mul3A_1638 = arith.mulf %get3A_1636, %mul3A_1637 : vector<16xf32>
        %mul3A_1639 = arith.constant 2 : i32
        %mul3A_1640 = arith.muli %mul3A_1639, %scan3A_98 : i32
        %add3A_1641 = arith.constant 1 : i32
        %add3A_1642 = arith.addi %mul3A_1640, %add3A_1641 : i32
        %swap3A_1643 = arith.constant 1 : i32
        %swap3A_1644 = arith.index_cast %swap3A_1643 : i32 to index
        %swap3A_1645 = arith.index_cast %add3A_1642 : i32 to index
        %swap3A_1646 = arith.constant 480 : index
        %swap3A_1647 = tpu.vector_load %arg7[%swap3A_1644, %swap3A_1645, %swap3A_1646] {strides = array<i32>} : memref<2x32x1024xf32, #tpu.memory_space<vmem>>, vector<1x1x16xf32>,
        %swap3A_1648 = vector.shape_cast %swap3A_1647 : vector<1x1x16xf32> to vector<16xf32>
        %swap3A_1649 = vector.shape_cast %mul3A_1638 : vector<16xf32> to vector<1x1x16xf32>
        tpu.vector_store %arg7[%swap3A_1644, %swap3A_1645, %swap3A_1646], %swap3A_1649 {strides = array<i32>} : memref<2x32x1024xf32, #tpu.memory_space<vmem>>, vector<1x1x16xf32>,
        %get3A_1650 = arith.constant 496 : index
        %get3A_1651 = tpu.vector_load %arg5[%get3A_1650] {strides = array<i32>} : memref<1024xf32, #tpu.memory_space<vmem>>, vector<16xf32>,
        %get3A_1652 = vector.shape_cast %get3A_1651 : vector<16xf32> to vector<16xf32>
        %mul3A_1653 = vector.broadcast %squeeze3A_1537 : f32 to vector<16xf32>
        %mul3A_1654 = arith.mulf %get3A_1652, %mul3A_1653 : vector<16xf32>
        %mul3A_1655 = arith.constant 2 : i32
        %mul3A_1656 = arith.muli %mul3A_1655, %scan3A_98 : i32
        %add3A_1657 = arith.constant 1 : i32
        %add3A_1658 = arith.addi %mul3A_1656, %add3A_1657 : i32
        %swap3A_1659 = arith.constant 1 : i32
        %swap3A_1660 = arith.index_cast %swap3A_1659 : i32 to index
        %swap3A_1661 = arith.index_cast %add3A_1658 : i32 to index
        %swap3A_1662 = arith.constant 496 : index
        %swap3A_1663 = tpu.vector_load %arg7[%swap3A_1660, %swap3A_1661, %swap3A_1662] {strides = array<i32>} : memref<2x32x1024xf32, #tpu.memory_space<vmem>>, vector<1x1x16xf32>,
        %swap3A_1664 = vector.shape_cast %swap3A_1663 : vector<1x1x16xf32> to vector<16xf32>
        %swap3A_1665 = vector.shape_cast %mul3A_1654 : vector<16xf32> to vector<1x1x16xf32>
        tpu.vector_store %arg7[%swap3A_1660, %swap3A_1661, %swap3A_1662], %swap3A_1665 {strides = array<i32>} : memref<2x32x1024xf32, #tpu.memory_space<vmem>>, vector<1x1x16xf32>,
        %slice3A_1666 = vector.extract_strided_slice %convert_element_type3A_108 {offsets = [12], sizes = [1], strides = [1]} : vector<16xf32> to vector<1xf32>
        %squeeze3A_1667 = vector.extract %slice3A_1666[0] : f32 from vector<1xf32>
        %get3A_1668 = arith.constant 512 : index
        %get3A_1669 = tpu.vector_load %arg5[%get3A_1668] {strides = array<i32>} : memref<1024xf32, #tpu.memory_space<vmem>>, vector<16xf32>,
        %get3A_1670 = vector.shape_cast %get3A_1669 : vector<16xf32> to vector<16xf32>
        %mul3A_1671 = vector.broadcast %squeeze3A_1667 : f32 to vector<16xf32>
        %mul3A_1672 = arith.mulf %get3A_1670, %mul3A_1671 : vector<16xf32>
        %mul3A_1673 = arith.constant 2 : i32
        %mul3A_1674 = arith.muli %mul3A_1673, %scan3A_98 : i32
        %add3A_1675 = arith.constant 1 : i32
        %add3A_1676 = arith.addi %mul3A_1674, %add3A_1675 : i32
        %swap3A_1677 = arith.constant 1 : i32
        %swap3A_1678 = arith.index_cast %swap3A_1677 : i32 to index
        %swap3A_1679 = arith.index_cast %add3A_1676 : i32 to index
        %swap3A_1680 = arith.constant 512 : index
        %swap3A_1681 = tpu.vector_load %arg7[%swap3A_1678, %swap3A_1679, %swap3A_1680] {strides = array<i32>} : memref<2x32x1024xf32, #tpu.memory_space<vmem>>, vector<1x1x16xf32>,
        %swap3A_1682 = vector.shape_cast %swap3A_1681 : vector<1x1x16xf32> to vector<16xf32>
        %swap3A_1683 = vector.shape_cast %mul3A_1672 : vector<16xf32> to vector<1x1x16xf32>
        tpu.vector_store %arg7[%swap3A_1678, %swap3A_1679, %swap3A_1680], %swap3A_1683 {strides = array<i32>} : memref<2x32x1024xf32, #tpu.memory_space<vmem>>, vector<1x1x16xf32>,
        %get3A_1684 = arith.constant 528 : index
        %get3A_1685 = tpu.vector_load %arg5[%get3A_1684] {strides = array<i32>} : memref<1024xf32, #tpu.memory_space<vmem>>, vector<16xf32>,
        %get3A_1686 = vector.shape_cast %get3A_1685 : vector<16xf32> to vector<16xf32>
        %mul3A_1687 = vector.broadcast %squeeze3A_1667 : f32 to vector<16xf32>
        %mul3A_1688 = arith.mulf %get3A_1686, %mul3A_1687 : vector<16xf32>
        %mul3A_1689 = arith.constant 2 : i32
        %mul3A_1690 = arith.muli %mul3A_1689, %scan3A_98 : i32
        %add3A_1691 = arith.constant 1 : i32
        %add3A_1692 = arith.addi %mul3A_1690, %add3A_1691 : i32
        %swap3A_1693 = arith.constant 1 : i32
        %swap3A_1694 = arith.index_cast %swap3A_1693 : i32 to index
        %swap3A_1695 = arith.index_cast %add3A_1692 : i32 to index
        %swap3A_1696 = arith.constant 528 : index
        %swap3A_1697 = tpu.vector_load %arg7[%swap3A_1694, %swap3A_1695, %swap3A_1696] {strides = array<i32>} : memref<2x32x1024xf32, #tpu.memory_space<vmem>>, vector<1x1x16xf32>,
        %swap3A_1698 = vector.shape_cast %swap3A_1697 : vector<1x1x16xf32> to vector<16xf32>
        %swap3A_1699 = vector.shape_cast %mul3A_1688 : vector<16xf32> to vector<1x1x16xf32>
        tpu.vector_store %arg7[%swap3A_1694, %swap3A_1695, %swap3A_1696], %swap3A_1699 {strides = array<i32>} : memref<2x32x1024xf32, #tpu.memory_space<vmem>>, vector<1x1x16xf32>,
        %get3A_1700 = arith.constant 544 : index
        %get3A_1701 = tpu.vector_load %arg5[%get3A_1700] {strides = array<i32>} : memref<1024xf32, #tpu.memory_space<vmem>>, vector<16xf32>,
        %get3A_1702 = vector.shape_cast %get3A_1701 : vector<16xf32> to vector<16xf32>
        %mul3A_1703 = vector.broadcast %squeeze3A_1667 : f32 to vector<16xf32>
        %mul3A_1704 = arith.mulf %get3A_1702, %mul3A_1703 : vector<16xf32>
        %mul3A_1705 = arith.constant 2 : i32
        %mul3A_1706 = arith.muli %mul3A_1705, %scan3A_98 : i32
        %add3A_1707 = arith.constant 1 : i32
        %add3A_1708 = arith.addi %mul3A_1706, %add3A_1707 : i32
        %swap3A_1709 = arith.constant 1 : i32
        %swap3A_1710 = arith.index_cast %swap3A_1709 : i32 to index
        %swap3A_1711 = arith.index_cast %add3A_1708 : i32 to index
        %swap3A_1712 = arith.constant 544 : index
        %swap3A_1713 = tpu.vector_load %arg7[%swap3A_1710, %swap3A_1711, %swap3A_1712] {strides = array<i32>} : memref<2x32x1024xf32, #tpu.memory_space<vmem>>, vector<1x1x16xf32>,
        %swap3A_1714 = vector.shape_cast %swap3A_1713 : vector<1x1x16xf32> to vector<16xf32>
        %swap3A_1715 = vector.shape_cast %mul3A_1704 : vector<16xf32> to vector<1x1x16xf32>
        tpu.vector_store %arg7[%swap3A_1710, %swap3A_1711, %swap3A_1712], %swap3A_1715 {strides = array<i32>} : memref<2x32x1024xf32, #tpu.memory_space<vmem>>, vector<1x1x16xf32>,
        %get3A_1716 = arith.constant 560 : index
        %get3A_1717 = tpu.vector_load %arg5[%get3A_1716] {strides = array<i32>} : memref<1024xf32, #tpu.memory_space<vmem>>, vector<16xf32>,
        %get3A_1718 = vector.shape_cast %get3A_1717 : vector<16xf32> to vector<16xf32>
        %mul3A_1719 = vector.broadcast %squeeze3A_1667 : f32 to vector<16xf32>
        %mul3A_1720 = arith.mulf %get3A_1718, %mul3A_1719 : vector<16xf32>
        %mul3A_1721 = arith.constant 2 : i32
        %mul3A_1722 = arith.muli %mul3A_1721, %scan3A_98 : i32
        %add3A_1723 = arith.constant 1 : i32
        %add3A_1724 = arith.addi %mul3A_1722, %add3A_1723 : i32
        %swap3A_1725 = arith.constant 1 : i32
        %swap3A_1726 = arith.index_cast %swap3A_1725 : i32 to index
        %swap3A_1727 = arith.index_cast %add3A_1724 : i32 to index
        %swap3A_1728 = arith.constant 560 : index
        %swap3A_1729 = tpu.vector_load %arg7[%swap3A_1726, %swap3A_1727, %swap3A_1728] {strides = array<i32>} : memref<2x32x1024xf32, #tpu.memory_space<vmem>>, vector<1x1x16xf32>,
        %swap3A_1730 = vector.shape_cast %swap3A_1729 : vector<1x1x16xf32> to vector<16xf32>
        %swap3A_1731 = vector.shape_cast %mul3A_1720 : vector<16xf32> to vector<1x1x16xf32>
        tpu.vector_store %arg7[%swap3A_1726, %swap3A_1727, %swap3A_1728], %swap3A_1731 {strides = array<i32>} : memref<2x32x1024xf32, #tpu.memory_space<vmem>>, vector<1x1x16xf32>,
        %get3A_1732 = arith.constant 576 : index
        %get3A_1733 = tpu.vector_load %arg5[%get3A_1732] {strides = array<i32>} : memref<1024xf32, #tpu.memory_space<vmem>>, vector<16xf32>,
        %get3A_1734 = vector.shape_cast %get3A_1733 : vector<16xf32> to vector<16xf32>
        %mul3A_1735 = vector.broadcast %squeeze3A_1667 : f32 to vector<16xf32>
        %mul3A_1736 = arith.mulf %get3A_1734, %mul3A_1735 : vector<16xf32>
        %mul3A_1737 = arith.constant 2 : i32
        %mul3A_1738 = arith.muli %mul3A_1737, %scan3A_98 : i32
        %add3A_1739 = arith.constant 1 : i32
        %add3A_1740 = arith.addi %mul3A_1738, %add3A_1739 : i32
        %swap3A_1741 = arith.constant 1 : i32
        %swap3A_1742 = arith.index_cast %swap3A_1741 : i32 to index
        %swap3A_1743 = arith.index_cast %add3A_1740 : i32 to index
        %swap3A_1744 = arith.constant 576 : index
        %swap3A_1745 = tpu.vector_load %arg7[%swap3A_1742, %swap3A_1743, %swap3A_1744] {strides = array<i32>} : memref<2x32x1024xf32, #tpu.memory_space<vmem>>, vector<1x1x16xf32>,
        %swap3A_1746 = vector.shape_cast %swap3A_1745 : vector<1x1x16xf32> to vector<16xf32>
        %swap3A_1747 = vector.shape_cast %mul3A_1736 : vector<16xf32> to vector<1x1x16xf32>
        tpu.vector_store %arg7[%swap3A_1742, %swap3A_1743, %swap3A_1744], %swap3A_1747 {strides = array<i32>} : memref<2x32x1024xf32, #tpu.memory_space<vmem>>, vector<1x1x16xf32>,
        %get3A_1748 = arith.constant 592 : index
        %get3A_1749 = tpu.vector_load %arg5[%get3A_1748] {strides = array<i32>} : memref<1024xf32, #tpu.memory_space<vmem>>, vector<16xf32>,
        %get3A_1750 = vector.shape_cast %get3A_1749 : vector<16xf32> to vector<16xf32>
        %mul3A_1751 = vector.broadcast %squeeze3A_1667 : f32 to vector<16xf32>
        %mul3A_1752 = arith.mulf %get3A_1750, %mul3A_1751 : vector<16xf32>
        %mul3A_1753 = arith.constant 2 : i32
        %mul3A_1754 = arith.muli %mul3A_1753, %scan3A_98 : i32
        %add3A_1755 = arith.constant 1 : i32
        %add3A_1756 = arith.addi %mul3A_1754, %add3A_1755 : i32
        %swap3A_1757 = arith.constant 1 : i32
        %swap3A_1758 = arith.index_cast %swap3A_1757 : i32 to index
        %swap3A_1759 = arith.index_cast %add3A_1756 : i32 to index
        %swap3A_1760 = arith.constant 592 : index
        %swap3A_1761 = tpu.vector_load %arg7[%swap3A_1758, %swap3A_1759, %swap3A_1760] {strides = array<i32>} : memref<2x32x1024xf32, #tpu.memory_space<vmem>>, vector<1x1x16xf32>,
        %swap3A_1762 = vector.shape_cast %swap3A_1761 : vector<1x1x16xf32> to vector<16xf32>
        %swap3A_1763 = vector.shape_cast %mul3A_1752 : vector<16xf32> to vector<1x1x16xf32>
        tpu.vector_store %arg7[%swap3A_1758, %swap3A_1759, %swap3A_1760], %swap3A_1763 {strides = array<i32>} : memref<2x32x1024xf32, #tpu.memory_space<vmem>>, vector<1x1x16xf32>,
        %get3A_1764 = arith.constant 608 : index
        %get3A_1765 = tpu.vector_load %arg5[%get3A_1764] {strides = array<i32>} : memref<1024xf32, #tpu.memory_space<vmem>>, vector<16xf32>,
        %get3A_1766 = vector.shape_cast %get3A_1765 : vector<16xf32> to vector<16xf32>
        %mul3A_1767 = vector.broadcast %squeeze3A_1667 : f32 to vector<16xf32>
        %mul3A_1768 = arith.mulf %get3A_1766, %mul3A_1767 : vector<16xf32>
        %mul3A_1769 = arith.constant 2 : i32
        %mul3A_1770 = arith.muli %mul3A_1769, %scan3A_98 : i32
        %add3A_1771 = arith.constant 1 : i32
        %add3A_1772 = arith.addi %mul3A_1770, %add3A_1771 : i32
        %swap3A_1773 = arith.constant 1 : i32
        %swap3A_1774 = arith.index_cast %swap3A_1773 : i32 to index
        %swap3A_1775 = arith.index_cast %add3A_1772 : i32 to index
        %swap3A_1776 = arith.constant 608 : index
        %swap3A_1777 = tpu.vector_load %arg7[%swap3A_1774, %swap3A_1775, %swap3A_1776] {strides = array<i32>} : memref<2x32x1024xf32, #tpu.memory_space<vmem>>, vector<1x1x16xf32>,
        %swap3A_1778 = vector.shape_cast %swap3A_1777 : vector<1x1x16xf32> to vector<16xf32>
        %swap3A_1779 = vector.shape_cast %mul3A_1768 : vector<16xf32> to vector<1x1x16xf32>
        tpu.vector_store %arg7[%swap3A_1774, %swap3A_1775, %swap3A_1776], %swap3A_1779 {strides = array<i32>} : memref<2x32x1024xf32, #tpu.memory_space<vmem>>, vector<1x1x16xf32>,
        %get3A_1780 = arith.constant 624 : index
        %get3A_1781 = tpu.vector_load %arg5[%get3A_1780] {strides = array<i32>} : memref<1024xf32, #tpu.memory_space<vmem>>, vector<16xf32>,
        %get3A_1782 = vector.shape_cast %get3A_1781 : vector<16xf32> to vector<16xf32>
        %mul3A_1783 = vector.broadcast %squeeze3A_1667 : f32 to vector<16xf32>
        %mul3A_1784 = arith.mulf %get3A_1782, %mul3A_1783 : vector<16xf32>
        %mul3A_1785 = arith.constant 2 : i32
        %mul3A_1786 = arith.muli %mul3A_1785, %scan3A_98 : i32
        %add3A_1787 = arith.constant 1 : i32
        %add3A_1788 = arith.addi %mul3A_1786, %add3A_1787 : i32
        %swap3A_1789 = arith.constant 1 : i32
        %swap3A_1790 = arith.index_cast %swap3A_1789 : i32 to index
        %swap3A_1791 = arith.index_cast %add3A_1788 : i32 to index
        %swap3A_1792 = arith.constant 624 : index
        %swap3A_1793 = tpu.vector_load %arg7[%swap3A_1790, %swap3A_1791, %swap3A_1792] {strides = array<i32>} : memref<2x32x1024xf32, #tpu.memory_space<vmem>>, vector<1x1x16xf32>,
        %swap3A_1794 = vector.shape_cast %swap3A_1793 : vector<1x1x16xf32> to vector<16xf32>
        %swap3A_1795 = vector.shape_cast %mul3A_1784 : vector<16xf32> to vector<1x1x16xf32>
        tpu.vector_store %arg7[%swap3A_1790, %swap3A_1791, %swap3A_1792], %swap3A_1795 {strides = array<i32>} : memref<2x32x1024xf32, #tpu.memory_space<vmem>>, vector<1x1x16xf32>,
        %slice3A_1796 = vector.extract_strided_slice %convert_element_type3A_108 {offsets = [13], sizes = [1], strides = [1]} : vector<16xf32> to vector<1xf32>
        %squeeze3A_1797 = vector.extract %slice3A_1796[0] : f32 from vector<1xf32>
        %get3A_1798 = arith.constant 640 : index
        %get3A_1799 = tpu.vector_load %arg5[%get3A_1798] {strides = array<i32>} : memref<1024xf32, #tpu.memory_space<vmem>>, vector<16xf32>,
        %get3A_1800 = vector.shape_cast %get3A_1799 : vector<16xf32> to vector<16xf32>
        %mul3A_1801 = vector.broadcast %squeeze3A_1797 : f32 to vector<16xf32>
        %mul3A_1802 = arith.mulf %get3A_1800, %mul3A_1801 : vector<16xf32>
        %mul3A_1803 = arith.constant 2 : i32
        %mul3A_1804 = arith.muli %mul3A_1803, %scan3A_98 : i32
        %add3A_1805 = arith.constant 1 : i32
        %add3A_1806 = arith.addi %mul3A_1804, %add3A_1805 : i32
        %swap3A_1807 = arith.constant 1 : i32
        %swap3A_1808 = arith.index_cast %swap3A_1807 : i32 to index
        %swap3A_1809 = arith.index_cast %add3A_1806 : i32 to index
        %swap3A_1810 = arith.constant 640 : index
        %swap3A_1811 = tpu.vector_load %arg7[%swap3A_1808, %swap3A_1809, %swap3A_1810] {strides = array<i32>} : memref<2x32x1024xf32, #tpu.memory_space<vmem>>, vector<1x1x16xf32>,
        %swap3A_1812 = vector.shape_cast %swap3A_1811 : vector<1x1x16xf32> to vector<16xf32>
        %swap3A_1813 = vector.shape_cast %mul3A_1802 : vector<16xf32> to vector<1x1x16xf32>
        tpu.vector_store %arg7[%swap3A_1808, %swap3A_1809, %swap3A_1810], %swap3A_1813 {strides = array<i32>} : memref<2x32x1024xf32, #tpu.memory_space<vmem>>, vector<1x1x16xf32>,
        %get3A_1814 = arith.constant 656 : index
        %get3A_1815 = tpu.vector_load %arg5[%get3A_1814] {strides = array<i32>} : memref<1024xf32, #tpu.memory_space<vmem>>, vector<16xf32>,
        %get3A_1816 = vector.shape_cast %get3A_1815 : vector<16xf32> to vector<16xf32>
        %mul3A_1817 = vector.broadcast %squeeze3A_1797 : f32 to vector<16xf32>
        %mul3A_1818 = arith.mulf %get3A_1816, %mul3A_1817 : vector<16xf32>
        %mul3A_1819 = arith.constant 2 : i32
        %mul3A_1820 = arith.muli %mul3A_1819, %scan3A_98 : i32
        %add3A_1821 = arith.constant 1 : i32
        %add3A_1822 = arith.addi %mul3A_1820, %add3A_1821 : i32
        %swap3A_1823 = arith.constant 1 : i32
        %swap3A_1824 = arith.index_cast %swap3A_1823 : i32 to index
        %swap3A_1825 = arith.index_cast %add3A_1822 : i32 to index
        %swap3A_1826 = arith.constant 656 : index
        %swap3A_1827 = tpu.vector_load %arg7[%swap3A_1824, %swap3A_1825, %swap3A_1826] {strides = array<i32>} : memref<2x32x1024xf32, #tpu.memory_space<vmem>>, vector<1x1x16xf32>,
        %swap3A_1828 = vector.shape_cast %swap3A_1827 : vector<1x1x16xf32> to vector<16xf32>
        %swap3A_1829 = vector.shape_cast %mul3A_1818 : vector<16xf32> to vector<1x1x16xf32>
        tpu.vector_store %arg7[%swap3A_1824, %swap3A_1825, %swap3A_1826], %swap3A_1829 {strides = array<i32>} : memref<2x32x1024xf32, #tpu.memory_space<vmem>>, vector<1x1x16xf32>,
        %get3A_1830 = arith.constant 672 : index
        %get3A_1831 = tpu.vector_load %arg5[%get3A_1830] {strides = array<i32>} : memref<1024xf32, #tpu.memory_space<vmem>>, vector<16xf32>,
        %get3A_1832 = vector.shape_cast %get3A_1831 : vector<16xf32> to vector<16xf32>
        %mul3A_1833 = vector.broadcast %squeeze3A_1797 : f32 to vector<16xf32>
        %mul3A_1834 = arith.mulf %get3A_1832, %mul3A_1833 : vector<16xf32>
        %mul3A_1835 = arith.constant 2 : i32
        %mul3A_1836 = arith.muli %mul3A_1835, %scan3A_98 : i32
        %add3A_1837 = arith.constant 1 : i32
        %add3A_1838 = arith.addi %mul3A_1836, %add3A_1837 : i32
        %swap3A_1839 = arith.constant 1 : i32
        %swap3A_1840 = arith.index_cast %swap3A_1839 : i32 to index
        %swap3A_1841 = arith.index_cast %add3A_1838 : i32 to index
        %swap3A_1842 = arith.constant 672 : index
        %swap3A_1843 = tpu.vector_load %arg7[%swap3A_1840, %swap3A_1841, %swap3A_1842] {strides = array<i32>} : memref<2x32x1024xf32, #tpu.memory_space<vmem>>, vector<1x1x16xf32>,
        %swap3A_1844 = vector.shape_cast %swap3A_1843 : vector<1x1x16xf32> to vector<16xf32>
        %swap3A_1845 = vector.shape_cast %mul3A_1834 : vector<16xf32> to vector<1x1x16xf32>
        tpu.vector_store %arg7[%swap3A_1840, %swap3A_1841, %swap3A_1842], %swap3A_1845 {strides = array<i32>} : memref<2x32x1024xf32, #tpu.memory_space<vmem>>, vector<1x1x16xf32>,
        %get3A_1846 = arith.constant 688 : index
        %get3A_1847 = tpu.vector_load %arg5[%get3A_1846] {strides = array<i32>} : memref<1024xf32, #tpu.memory_space<vmem>>, vector<16xf32>,
        %get3A_1848 = vector.shape_cast %get3A_1847 : vector<16xf32> to vector<16xf32>
        %mul3A_1849 = vector.broadcast %squeeze3A_1797 : f32 to vector<16xf32>
        %mul3A_1850 = arith.mulf %get3A_1848, %mul3A_1849 : vector<16xf32>
        %mul3A_1851 = arith.constant 2 : i32
        %mul3A_1852 = arith.muli %mul3A_1851, %scan3A_98 : i32
        %add3A_1853 = arith.constant 1 : i32
        %add3A_1854 = arith.addi %mul3A_1852, %add3A_1853 : i32
        %swap3A_1855 = arith.constant 1 : i32
        %swap3A_1856 = arith.index_cast %swap3A_1855 : i32 to index
        %swap3A_1857 = arith.index_cast %add3A_1854 : i32 to index
        %swap3A_1858 = arith.constant 688 : index
        %swap3A_1859 = tpu.vector_load %arg7[%swap3A_1856, %swap3A_1857, %swap3A_1858] {strides = array<i32>} : memref<2x32x1024xf32, #tpu.memory_space<vmem>>, vector<1x1x16xf32>,
        %swap3A_1860 = vector.shape_cast %swap3A_1859 : vector<1x1x16xf32> to vector<16xf32>
        %swap3A_1861 = vector.shape_cast %mul3A_1850 : vector<16xf32> to vector<1x1x16xf32>
        tpu.vector_store %arg7[%swap3A_1856, %swap3A_1857, %swap3A_1858], %swap3A_1861 {strides = array<i32>} : memref<2x32x1024xf32, #tpu.memory_space<vmem>>, vector<1x1x16xf32>,
        %get3A_1862 = arith.constant 704 : index
        %get3A_1863 = tpu.vector_load %arg5[%get3A_1862] {strides = array<i32>} : memref<1024xf32, #tpu.memory_space<vmem>>, vector<16xf32>,
        %get3A_1864 = vector.shape_cast %get3A_1863 : vector<16xf32> to vector<16xf32>
        %mul3A_1865 = vector.broadcast %squeeze3A_1797 : f32 to vector<16xf32>
        %mul3A_1866 = arith.mulf %get3A_1864, %mul3A_1865 : vector<16xf32>
        %mul3A_1867 = arith.constant 2 : i32
        %mul3A_1868 = arith.muli %mul3A_1867, %scan3A_98 : i32
        %add3A_1869 = arith.constant 1 : i32
        %add3A_1870 = arith.addi %mul3A_1868, %add3A_1869 : i32
        %swap3A_1871 = arith.constant 1 : i32
        %swap3A_1872 = arith.index_cast %swap3A_1871 : i32 to index
        %swap3A_1873 = arith.index_cast %add3A_1870 : i32 to index
        %swap3A_1874 = arith.constant 704 : index
        %swap3A_1875 = tpu.vector_load %arg7[%swap3A_1872, %swap3A_1873, %swap3A_1874] {strides = array<i32>} : memref<2x32x1024xf32, #tpu.memory_space<vmem>>, vector<1x1x16xf32>,
        %swap3A_1876 = vector.shape_cast %swap3A_1875 : vector<1x1x16xf32> to vector<16xf32>
        %swap3A_1877 = vector.shape_cast %mul3A_1866 : vector<16xf32> to vector<1x1x16xf32>
        tpu.vector_store %arg7[%swap3A_1872, %swap3A_1873, %swap3A_1874], %swap3A_1877 {strides = array<i32>} : memref<2x32x1024xf32, #tpu.memory_space<vmem>>, vector<1x1x16xf32>,
        %get3A_1878 = arith.constant 720 : index
        %get3A_1879 = tpu.vector_load %arg5[%get3A_1878] {strides = array<i32>} : memref<1024xf32, #tpu.memory_space<vmem>>, vector<16xf32>,
        %get3A_1880 = vector.shape_cast %get3A_1879 : vector<16xf32> to vector<16xf32>
        %mul3A_1881 = vector.broadcast %squeeze3A_1797 : f32 to vector<16xf32>
        %mul3A_1882 = arith.mulf %get3A_1880, %mul3A_1881 : vector<16xf32>
        %mul3A_1883 = arith.constant 2 : i32
        %mul3A_1884 = arith.muli %mul3A_1883, %scan3A_98 : i32
        %add3A_1885 = arith.constant 1 : i32
        %add3A_1886 = arith.addi %mul3A_1884, %add3A_1885 : i32
        %swap3A_1887 = arith.constant 1 : i32
        %swap3A_1888 = arith.index_cast %swap3A_1887 : i32 to index
        %swap3A_1889 = arith.index_cast %add3A_1886 : i32 to index
        %swap3A_1890 = arith.constant 720 : index
        %swap3A_1891 = tpu.vector_load %arg7[%swap3A_1888, %swap3A_1889, %swap3A_1890] {strides = array<i32>} : memref<2x32x1024xf32, #tpu.memory_space<vmem>>, vector<1x1x16xf32>,
        %swap3A_1892 = vector.shape_cast %swap3A_1891 : vector<1x1x16xf32> to vector<16xf32>
        %swap3A_1893 = vector.shape_cast %mul3A_1882 : vector<16xf32> to vector<1x1x16xf32>
        tpu.vector_store %arg7[%swap3A_1888, %swap3A_1889, %swap3A_1890], %swap3A_1893 {strides = array<i32>} : memref<2x32x1024xf32, #tpu.memory_space<vmem>>, vector<1x1x16xf32>,
        %get3A_1894 = arith.constant 736 : index
        %get3A_1895 = tpu.vector_load %arg5[%get3A_1894] {strides = array<i32>} : memref<1024xf32, #tpu.memory_space<vmem>>, vector<16xf32>,
        %get3A_1896 = vector.shape_cast %get3A_1895 : vector<16xf32> to vector<16xf32>
        %mul3A_1897 = vector.broadcast %squeeze3A_1797 : f32 to vector<16xf32>
        %mul3A_1898 = arith.mulf %get3A_1896, %mul3A_1897 : vector<16xf32>
        %mul3A_1899 = arith.constant 2 : i32
        %mul3A_1900 = arith.muli %mul3A_1899, %scan3A_98 : i32
        %add3A_1901 = arith.constant 1 : i32
        %add3A_1902 = arith.addi %mul3A_1900, %add3A_1901 : i32
        %swap3A_1903 = arith.constant 1 : i32
        %swap3A_1904 = arith.index_cast %swap3A_1903 : i32 to index
        %swap3A_1905 = arith.index_cast %add3A_1902 : i32 to index
        %swap3A_1906 = arith.constant 736 : index
        %swap3A_1907 = tpu.vector_load %arg7[%swap3A_1904, %swap3A_1905, %swap3A_1906] {strides = array<i32>} : memref<2x32x1024xf32, #tpu.memory_space<vmem>>, vector<1x1x16xf32>,
        %swap3A_1908 = vector.shape_cast %swap3A_1907 : vector<1x1x16xf32> to vector<16xf32>
        %swap3A_1909 = vector.shape_cast %mul3A_1898 : vector<16xf32> to vector<1x1x16xf32>
        tpu.vector_store %arg7[%swap3A_1904, %swap3A_1905, %swap3A_1906], %swap3A_1909 {strides = array<i32>} : memref<2x32x1024xf32, #tpu.memory_space<vmem>>, vector<1x1x16xf32>,
        %get3A_1910 = arith.constant 752 : index
        %get3A_1911 = tpu.vector_load %arg5[%get3A_1910] {strides = array<i32>} : memref<1024xf32, #tpu.memory_space<vmem>>, vector<16xf32>,
        %get3A_1912 = vector.shape_cast %get3A_1911 : vector<16xf32> to vector<16xf32>
        %mul3A_1913 = vector.broadcast %squeeze3A_1797 : f32 to vector<16xf32>
        %mul3A_1914 = arith.mulf %get3A_1912, %mul3A_1913 : vector<16xf32>
        %mul3A_1915 = arith.constant 2 : i32
        %mul3A_1916 = arith.muli %mul3A_1915, %scan3A_98 : i32
        %add3A_1917 = arith.constant 1 : i32
        %add3A_1918 = arith.addi %mul3A_1916, %add3A_1917 : i32
        %swap3A_1919 = arith.constant 1 : i32
        %swap3A_1920 = arith.index_cast %swap3A_1919 : i32 to index
        %swap3A_1921 = arith.index_cast %add3A_1918 : i32 to index
        %swap3A_1922 = arith.constant 752 : index
        %swap3A_1923 = tpu.vector_load %arg7[%swap3A_1920, %swap3A_1921, %swap3A_1922] {strides = array<i32>} : memref<2x32x1024xf32, #tpu.memory_space<vmem>>, vector<1x1x16xf32>,
        %swap3A_1924 = vector.shape_cast %swap3A_1923 : vector<1x1x16xf32> to vector<16xf32>
        %swap3A_1925 = vector.shape_cast %mul3A_1914 : vector<16xf32> to vector<1x1x16xf32>
        tpu.vector_store %arg7[%swap3A_1920, %swap3A_1921, %swap3A_1922], %swap3A_1925 {strides = array<i32>} : memref<2x32x1024xf32, #tpu.memory_space<vmem>>, vector<1x1x16xf32>,
        %slice3A_1926 = vector.extract_strided_slice %convert_element_type3A_108 {offsets = [14], sizes = [1], strides = [1]} : vector<16xf32> to vector<1xf32>
        %squeeze3A_1927 = vector.extract %slice3A_1926[0] : f32 from vector<1xf32>
        %get3A_1928 = arith.constant 768 : index
        %get3A_1929 = tpu.vector_load %arg5[%get3A_1928] {strides = array<i32>} : memref<1024xf32, #tpu.memory_space<vmem>>, vector<16xf32>,
        %get3A_1930 = vector.shape_cast %get3A_1929 : vector<16xf32> to vector<16xf32>
        %mul3A_1931 = vector.broadcast %squeeze3A_1927 : f32 to vector<16xf32>
        %mul3A_1932 = arith.mulf %get3A_1930, %mul3A_1931 : vector<16xf32>
        %mul3A_1933 = arith.constant 2 : i32
        %mul3A_1934 = arith.muli %mul3A_1933, %scan3A_98 : i32
        %add3A_1935 = arith.constant 1 : i32
        %add3A_1936 = arith.addi %mul3A_1934, %add3A_1935 : i32
        %swap3A_1937 = arith.constant 1 : i32
        %swap3A_1938 = arith.index_cast %swap3A_1937 : i32 to index
        %swap3A_1939 = arith.index_cast %add3A_1936 : i32 to index
        %swap3A_1940 = arith.constant 768 : index
        %swap3A_1941 = tpu.vector_load %arg7[%swap3A_1938, %swap3A_1939, %swap3A_1940] {strides = array<i32>} : memref<2x32x1024xf32, #tpu.memory_space<vmem>>, vector<1x1x16xf32>,
        %swap3A_1942 = vector.shape_cast %swap3A_1941 : vector<1x1x16xf32> to vector<16xf32>
        %swap3A_1943 = vector.shape_cast %mul3A_1932 : vector<16xf32> to vector<1x1x16xf32>
        tpu.vector_store %arg7[%swap3A_1938, %swap3A_1939, %swap3A_1940], %swap3A_1943 {strides = array<i32>} : memref<2x32x1024xf32, #tpu.memory_space<vmem>>, vector<1x1x16xf32>,
        %get3A_1944 = arith.constant 784 : index
        %get3A_1945 = tpu.vector_load %arg5[%get3A_1944] {strides = array<i32>} : memref<1024xf32, #tpu.memory_space<vmem>>, vector<16xf32>,
        %get3A_1946 = vector.shape_cast %get3A_1945 : vector<16xf32> to vector<16xf32>
        %mul3A_1947 = vector.broadcast %squeeze3A_1927 : f32 to vector<16xf32>
        %mul3A_1948 = arith.mulf %get3A_1946, %mul3A_1947 : vector<16xf32>
        %mul3A_1949 = arith.constant 2 : i32
        %mul3A_1950 = arith.muli %mul3A_1949, %scan3A_98 : i32
        %add3A_1951 = arith.constant 1 : i32
        %add3A_1952 = arith.addi %mul3A_1950, %add3A_1951 : i32
        %swap3A_1953 = arith.constant 1 : i32
        %swap3A_1954 = arith.index_cast %swap3A_1953 : i32 to index
        %swap3A_1955 = arith.index_cast %add3A_1952 : i32 to index
        %swap3A_1956 = arith.constant 784 : index
        %swap3A_1957 = tpu.vector_load %arg7[%swap3A_1954, %swap3A_1955, %swap3A_1956] {strides = array<i32>} : memref<2x32x1024xf32, #tpu.memory_space<vmem>>, vector<1x1x16xf32>,
        %swap3A_1958 = vector.shape_cast %swap3A_1957 : vector<1x1x16xf32> to vector<16xf32>
        %swap3A_1959 = vector.shape_cast %mul3A_1948 : vector<16xf32> to vector<1x1x16xf32>
        tpu.vector_store %arg7[%swap3A_1954, %swap3A_1955, %swap3A_1956], %swap3A_1959 {strides = array<i32>} : memref<2x32x1024xf32, #tpu.memory_space<vmem>>, vector<1x1x16xf32>,
        %get3A_1960 = arith.constant 800 : index
        %get3A_1961 = tpu.vector_load %arg5[%get3A_1960] {strides = array<i32>} : memref<1024xf32, #tpu.memory_space<vmem>>, vector<16xf32>,
        %get3A_1962 = vector.shape_cast %get3A_1961 : vector<16xf32> to vector<16xf32>
        %mul3A_1963 = vector.broadcast %squeeze3A_1927 : f32 to vector<16xf32>
        %mul3A_1964 = arith.mulf %get3A_1962, %mul3A_1963 : vector<16xf32>
        %mul3A_1965 = arith.constant 2 : i32
        %mul3A_1966 = arith.muli %mul3A_1965, %scan3A_98 : i32
        %add3A_1967 = arith.constant 1 : i32
        %add3A_1968 = arith.addi %mul3A_1966, %add3A_1967 : i32
        %swap3A_1969 = arith.constant 1 : i32
        %swap3A_1970 = arith.index_cast %swap3A_1969 : i32 to index
        %swap3A_1971 = arith.index_cast %add3A_1968 : i32 to index
        %swap3A_1972 = arith.constant 800 : index
        %swap3A_1973 = tpu.vector_load %arg7[%swap3A_1970, %swap3A_1971, %swap3A_1972] {strides = array<i32>} : memref<2x32x1024xf32, #tpu.memory_space<vmem>>, vector<1x1x16xf32>,
        %swap3A_1974 = vector.shape_cast %swap3A_1973 : vector<1x1x16xf32> to vector<16xf32>
        %swap3A_1975 = vector.shape_cast %mul3A_1964 : vector<16xf32> to vector<1x1x16xf32>
        tpu.vector_store %arg7[%swap3A_1970, %swap3A_1971, %swap3A_1972], %swap3A_1975 {strides = array<i32>} : memref<2x32x1024xf32, #tpu.memory_space<vmem>>, vector<1x1x16xf32>,
        %get3A_1976 = arith.constant 816 : index
        %get3A_1977 = tpu.vector_load %arg5[%get3A_1976] {strides = array<i32>} : memref<1024xf32, #tpu.memory_space<vmem>>, vector<16xf32>,
        %get3A_1978 = vector.shape_cast %get3A_1977 : vector<16xf32> to vector<16xf32>
        %mul3A_1979 = vector.broadcast %squeeze3A_1927 : f32 to vector<16xf32>
        %mul3A_1980 = arith.mulf %get3A_1978, %mul3A_1979 : vector<16xf32>
        %mul3A_1981 = arith.constant 2 : i32
        %mul3A_1982 = arith.muli %mul3A_1981, %scan3A_98 : i32
        %add3A_1983 = arith.constant 1 : i32
        %add3A_1984 = arith.addi %mul3A_1982, %add3A_1983 : i32
        %swap3A_1985 = arith.constant 1 : i32
        %swap3A_1986 = arith.index_cast %swap3A_1985 : i32 to index
        %swap3A_1987 = arith.index_cast %add3A_1984 : i32 to index
        %swap3A_1988 = arith.constant 816 : index
        %swap3A_1989 = tpu.vector_load %arg7[%swap3A_1986, %swap3A_1987, %swap3A_1988] {strides = array<i32>} : memref<2x32x1024xf32, #tpu.memory_space<vmem>>, vector<1x1x16xf32>,
        %swap3A_1990 = vector.shape_cast %swap3A_1989 : vector<1x1x16xf32> to vector<16xf32>
        %swap3A_1991 = vector.shape_cast %mul3A_1980 : vector<16xf32> to vector<1x1x16xf32>
        tpu.vector_store %arg7[%swap3A_1986, %swap3A_1987, %swap3A_1988], %swap3A_1991 {strides = array<i32>} : memref<2x32x1024xf32, #tpu.memory_space<vmem>>, vector<1x1x16xf32>,
        %get3A_1992 = arith.constant 832 : index
        %get3A_1993 = tpu.vector_load %arg5[%get3A_1992] {strides = array<i32>} : memref<1024xf32, #tpu.memory_space<vmem>>, vector<16xf32>,
        %get3A_1994 = vector.shape_cast %get3A_1993 : vector<16xf32> to vector<16xf32>
        %mul3A_1995 = vector.broadcast %squeeze3A_1927 : f32 to vector<16xf32>
        %mul3A_1996 = arith.mulf %get3A_1994, %mul3A_1995 : vector<16xf32>
        %mul3A_1997 = arith.constant 2 : i32
        %mul3A_1998 = arith.muli %mul3A_1997, %scan3A_98 : i32
        %add3A_1999 = arith.constant 1 : i32
        %add3A_2000 = arith.addi %mul3A_1998, %add3A_1999 : i32
        %swap3A_2001 = arith.constant 1 : i32
        %swap3A_2002 = arith.index_cast %swap3A_2001 : i32 to index
        %swap3A_2003 = arith.index_cast %add3A_2000 : i32 to index
        %swap3A_2004 = arith.constant 832 : index
        %swap3A_2005 = tpu.vector_load %arg7[%swap3A_2002, %swap3A_2003, %swap3A_2004] {strides = array<i32>} : memref<2x32x1024xf32, #tpu.memory_space<vmem>>, vector<1x1x16xf32>,
        %swap3A_2006 = vector.shape_cast %swap3A_2005 : vector<1x1x16xf32> to vector<16xf32>
        %swap3A_2007 = vector.shape_cast %mul3A_1996 : vector<16xf32> to vector<1x1x16xf32>
        tpu.vector_store %arg7[%swap3A_2002, %swap3A_2003, %swap3A_2004], %swap3A_2007 {strides = array<i32>} : memref<2x32x1024xf32, #tpu.memory_space<vmem>>, vector<1x1x16xf32>,
        %get3A_2008 = arith.constant 848 : index
        %get3A_2009 = tpu.vector_load %arg5[%get3A_2008] {strides = array<i32>} : memref<1024xf32, #tpu.memory_space<vmem>>, vector<16xf32>,
        %get3A_2010 = vector.shape_cast %get3A_2009 : vector<16xf32> to vector<16xf32>
        %mul3A_2011 = vector.broadcast %squeeze3A_1927 : f32 to vector<16xf32>
        %mul3A_2012 = arith.mulf %get3A_2010, %mul3A_2011 : vector<16xf32>
        %mul3A_2013 = arith.constant 2 : i32
        %mul3A_2014 = arith.muli %mul3A_2013, %scan3A_98 : i32
        %add3A_2015 = arith.constant 1 : i32
        %add3A_2016 = arith.addi %mul3A_2014, %add3A_2015 : i32
        %swap3A_2017 = arith.constant 1 : i32
        %swap3A_2018 = arith.index_cast %swap3A_2017 : i32 to index
        %swap3A_2019 = arith.index_cast %add3A_2016 : i32 to index
        %swap3A_2020 = arith.constant 848 : index
        %swap3A_2021 = tpu.vector_load %arg7[%swap3A_2018, %swap3A_2019, %swap3A_2020] {strides = array<i32>} : memref<2x32x1024xf32, #tpu.memory_space<vmem>>, vector<1x1x16xf32>,
        %swap3A_2022 = vector.shape_cast %swap3A_2021 : vector<1x1x16xf32> to vector<16xf32>
        %swap3A_2023 = vector.shape_cast %mul3A_2012 : vector<16xf32> to vector<1x1x16xf32>
        tpu.vector_store %arg7[%swap3A_2018, %swap3A_2019, %swap3A_2020], %swap3A_2023 {strides = array<i32>} : memref<2x32x1024xf32, #tpu.memory_space<vmem>>, vector<1x1x16xf32>,
        %get3A_2024 = arith.constant 864 : index
        %get3A_2025 = tpu.vector_load %arg5[%get3A_2024] {strides = array<i32>} : memref<1024xf32, #tpu.memory_space<vmem>>, vector<16xf32>,
        %get3A_2026 = vector.shape_cast %get3A_2025 : vector<16xf32> to vector<16xf32>
        %mul3A_2027 = vector.broadcast %squeeze3A_1927 : f32 to vector<16xf32>
        %mul3A_2028 = arith.mulf %get3A_2026, %mul3A_2027 : vector<16xf32>
        %mul3A_2029 = arith.constant 2 : i32
        %mul3A_2030 = arith.muli %mul3A_2029, %scan3A_98 : i32
        %add3A_2031 = arith.constant 1 : i32
        %add3A_2032 = arith.addi %mul3A_2030, %add3A_2031 : i32
        %swap3A_2033 = arith.constant 1 : i32
        %swap3A_2034 = arith.index_cast %swap3A_2033 : i32 to index
        %swap3A_2035 = arith.index_cast %add3A_2032 : i32 to index
        %swap3A_2036 = arith.constant 864 : index
        %swap3A_2037 = tpu.vector_load %arg7[%swap3A_2034, %swap3A_2035, %swap3A_2036] {strides = array<i32>} : memref<2x32x1024xf32, #tpu.memory_space<vmem>>, vector<1x1x16xf32>,
        %swap3A_2038 = vector.shape_cast %swap3A_2037 : vector<1x1x16xf32> to vector<16xf32>
        %swap3A_2039 = vector.shape_cast %mul3A_2028 : vector<16xf32> to vector<1x1x16xf32>
        tpu.vector_store %arg7[%swap3A_2034, %swap3A_2035, %swap3A_2036], %swap3A_2039 {strides = array<i32>} : memref<2x32x1024xf32, #tpu.memory_space<vmem>>, vector<1x1x16xf32>,
        %get3A_2040 = arith.constant 880 : index
        %get3A_2041 = tpu.vector_load %arg5[%get3A_2040] {strides = array<i32>} : memref<1024xf32, #tpu.memory_space<vmem>>, vector<16xf32>,
        %get3A_2042 = vector.shape_cast %get3A_2041 : vector<16xf32> to vector<16xf32>
        %mul3A_2043 = vector.broadcast %squeeze3A_1927 : f32 to vector<16xf32>
        %mul3A_2044 = arith.mulf %get3A_2042, %mul3A_2043 : vector<16xf32>
        %mul3A_2045 = arith.constant 2 : i32
        %mul3A_2046 = arith.muli %mul3A_2045, %scan3A_98 : i32
        %add3A_2047 = arith.constant 1 : i32
        %add3A_2048 = arith.addi %mul3A_2046, %add3A_2047 : i32
        %swap3A_2049 = arith.constant 1 : i32
        %swap3A_2050 = arith.index_cast %swap3A_2049 : i32 to index
        %swap3A_2051 = arith.index_cast %add3A_2048 : i32 to index
        %swap3A_2052 = arith.constant 880 : index
        %swap3A_2053 = tpu.vector_load %arg7[%swap3A_2050, %swap3A_2051, %swap3A_2052] {strides = array<i32>} : memref<2x32x1024xf32, #tpu.memory_space<vmem>>, vector<1x1x16xf32>,
        %swap3A_2054 = vector.shape_cast %swap3A_2053 : vector<1x1x16xf32> to vector<16xf32>
        %swap3A_2055 = vector.shape_cast %mul3A_2044 : vector<16xf32> to vector<1x1x16xf32>
        tpu.vector_store %arg7[%swap3A_2050, %swap3A_2051, %swap3A_2052], %swap3A_2055 {strides = array<i32>} : memref<2x32x1024xf32, #tpu.memory_space<vmem>>, vector<1x1x16xf32>,
        %slice3A_2056 = vector.extract_strided_slice %convert_element_type3A_108 {offsets = [15], sizes = [1], strides = [1]} : vector<16xf32> to vector<1xf32>
        %squeeze3A_2057 = vector.extract %slice3A_2056[0] : f32 from vector<1xf32>
        %get3A_2058 = arith.constant 896 : index
        %get3A_2059 = tpu.vector_load %arg5[%get3A_2058] {strides = array<i32>} : memref<1024xf32, #tpu.memory_space<vmem>>, vector<16xf32>,
        %get3A_2060 = vector.shape_cast %get3A_2059 : vector<16xf32> to vector<16xf32>
        %mul3A_2061 = vector.broadcast %squeeze3A_2057 : f32 to vector<16xf32>
        %mul3A_2062 = arith.mulf %get3A_2060, %mul3A_2061 : vector<16xf32>
        %mul3A_2063 = arith.constant 2 : i32
        %mul3A_2064 = arith.muli %mul3A_2063, %scan3A_98 : i32
        %add3A_2065 = arith.constant 1 : i32
        %add3A_2066 = arith.addi %mul3A_2064, %add3A_2065 : i32
        %swap3A_2067 = arith.constant 1 : i32
        %swap3A_2068 = arith.index_cast %swap3A_2067 : i32 to index
        %swap3A_2069 = arith.index_cast %add3A_2066 : i32 to index
        %swap3A_2070 = arith.constant 896 : index
        %swap3A_2071 = tpu.vector_load %arg7[%swap3A_2068, %swap3A_2069, %swap3A_2070] {strides = array<i32>} : memref<2x32x1024xf32, #tpu.memory_space<vmem>>, vector<1x1x16xf32>,
        %swap3A_2072 = vector.shape_cast %swap3A_2071 : vector<1x1x16xf32> to vector<16xf32>
        %swap3A_2073 = vector.shape_cast %mul3A_2062 : vector<16xf32> to vector<1x1x16xf32>
        tpu.vector_store %arg7[%swap3A_2068, %swap3A_2069, %swap3A_2070], %swap3A_2073 {strides = array<i32>} : memref<2x32x1024xf32, #tpu.memory_space<vmem>>, vector<1x1x16xf32>,
        %get3A_2074 = arith.constant 912 : index
        %get3A_2075 = tpu.vector_load %arg5[%get3A_2074] {strides = array<i32>} : memref<1024xf32, #tpu.memory_space<vmem>>, vector<16xf32>,
        %get3A_2076 = vector.shape_cast %get3A_2075 : vector<16xf32> to vector<16xf32>
        %mul3A_2077 = vector.broadcast %squeeze3A_2057 : f32 to vector<16xf32>
        %mul3A_2078 = arith.mulf %get3A_2076, %mul3A_2077 : vector<16xf32>
        %mul3A_2079 = arith.constant 2 : i32
        %mul3A_2080 = arith.muli %mul3A_2079, %scan3A_98 : i32
        %add3A_2081 = arith.constant 1 : i32
        %add3A_2082 = arith.addi %mul3A_2080, %add3A_2081 : i32
        %swap3A_2083 = arith.constant 1 : i32
        %swap3A_2084 = arith.index_cast %swap3A_2083 : i32 to index
        %swap3A_2085 = arith.index_cast %add3A_2082 : i32 to index
        %swap3A_2086 = arith.constant 912 : index
        %swap3A_2087 = tpu.vector_load %arg7[%swap3A_2084, %swap3A_2085, %swap3A_2086] {strides = array<i32>} : memref<2x32x1024xf32, #tpu.memory_space<vmem>>, vector<1x1x16xf32>,
        %swap3A_2088 = vector.shape_cast %swap3A_2087 : vector<1x1x16xf32> to vector<16xf32>
        %swap3A_2089 = vector.shape_cast %mul3A_2078 : vector<16xf32> to vector<1x1x16xf32>
        tpu.vector_store %arg7[%swap3A_2084, %swap3A_2085, %swap3A_2086], %swap3A_2089 {strides = array<i32>} : memref<2x32x1024xf32, #tpu.memory_space<vmem>>, vector<1x1x16xf32>,
        %get3A_2090 = arith.constant 928 : index
        %get3A_2091 = tpu.vector_load %arg5[%get3A_2090] {strides = array<i32>} : memref<1024xf32, #tpu.memory_space<vmem>>, vector<16xf32>,
        %get3A_2092 = vector.shape_cast %get3A_2091 : vector<16xf32> to vector<16xf32>
        %mul3A_2093 = vector.broadcast %squeeze3A_2057 : f32 to vector<16xf32>
        %mul3A_2094 = arith.mulf %get3A_2092, %mul3A_2093 : vector<16xf32>
        %mul3A_2095 = arith.constant 2 : i32
        %mul3A_2096 = arith.muli %mul3A_2095, %scan3A_98 : i32
        %add3A_2097 = arith.constant 1 : i32
        %add3A_2098 = arith.addi %mul3A_2096, %add3A_2097 : i32
        %swap3A_2099 = arith.constant 1 : i32
        %swap3A_2100 = arith.index_cast %swap3A_2099 : i32 to index
        %swap3A_2101 = arith.index_cast %add3A_2098 : i32 to index
        %swap3A_2102 = arith.constant 928 : index
        %swap3A_2103 = tpu.vector_load %arg7[%swap3A_2100, %swap3A_2101, %swap3A_2102] {strides = array<i32>} : memref<2x32x1024xf32, #tpu.memory_space<vmem>>, vector<1x1x16xf32>,
        %swap3A_2104 = vector.shape_cast %swap3A_2103 : vector<1x1x16xf32> to vector<16xf32>
        %swap3A_2105 = vector.shape_cast %mul3A_2094 : vector<16xf32> to vector<1x1x16xf32>
        tpu.vector_store %arg7[%swap3A_2100, %swap3A_2101, %swap3A_2102], %swap3A_2105 {strides = array<i32>} : memref<2x32x1024xf32, #tpu.memory_space<vmem>>, vector<1x1x16xf32>,
        %get3A_2106 = arith.constant 944 : index
        %get3A_2107 = tpu.vector_load %arg5[%get3A_2106] {strides = array<i32>} : memref<1024xf32, #tpu.memory_space<vmem>>, vector<16xf32>,
        %get3A_2108 = vector.shape_cast %get3A_2107 : vector<16xf32> to vector<16xf32>
        %mul3A_2109 = vector.broadcast %squeeze3A_2057 : f32 to vector<16xf32>
        %mul3A_2110 = arith.mulf %get3A_2108, %mul3A_2109 : vector<16xf32>
        %mul3A_2111 = arith.constant 2 : i32
        %mul3A_2112 = arith.muli %mul3A_2111, %scan3A_98 : i32
        %add3A_2113 = arith.constant 1 : i32
        %add3A_2114 = arith.addi %mul3A_2112, %add3A_2113 : i32
        %swap3A_2115 = arith.constant 1 : i32
        %swap3A_2116 = arith.index_cast %swap3A_2115 : i32 to index
        %swap3A_2117 = arith.index_cast %add3A_2114 : i32 to index
        %swap3A_2118 = arith.constant 944 : index
        %swap3A_2119 = tpu.vector_load %arg7[%swap3A_2116, %swap3A_2117, %swap3A_2118] {strides = array<i32>} : memref<2x32x1024xf32, #tpu.memory_space<vmem>>, vector<1x1x16xf32>,
        %swap3A_2120 = vector.shape_cast %swap3A_2119 : vector<1x1x16xf32> to vector<16xf32>
        %swap3A_2121 = vector.shape_cast %mul3A_2110 : vector<16xf32> to vector<1x1x16xf32>
        tpu.vector_store %arg7[%swap3A_2116, %swap3A_2117, %swap3A_2118], %swap3A_2121 {strides = array<i32>} : memref<2x32x1024xf32, #tpu.memory_space<vmem>>, vector<1x1x16xf32>,
        %get3A_2122 = arith.constant 960 : index
        %get3A_2123 = tpu.vector_load %arg5[%get3A_2122] {strides = array<i32>} : memref<1024xf32, #tpu.memory_space<vmem>>, vector<16xf32>,
        %get3A_2124 = vector.shape_cast %get3A_2123 : vector<16xf32> to vector<16xf32>
        %mul3A_2125 = vector.broadcast %squeeze3A_2057 : f32 to vector<16xf32>
        %mul3A_2126 = arith.mulf %get3A_2124, %mul3A_2125 : vector<16xf32>
        %mul3A_2127 = arith.constant 2 : i32
        %mul3A_2128 = arith.muli %mul3A_2127, %scan3A_98 : i32
        %add3A_2129 = arith.constant 1 : i32
        %add3A_2130 = arith.addi %mul3A_2128, %add3A_2129 : i32
        %swap3A_2131 = arith.constant 1 : i32
        %swap3A_2132 = arith.index_cast %swap3A_2131 : i32 to index
        %swap3A_2133 = arith.index_cast %add3A_2130 : i32 to index
        %swap3A_2134 = arith.constant 960 : index
        %swap3A_2135 = tpu.vector_load %arg7[%swap3A_2132, %swap3A_2133, %swap3A_2134] {strides = array<i32>} : memref<2x32x1024xf32, #tpu.memory_space<vmem>>, vector<1x1x16xf32>,
        %swap3A_2136 = vector.shape_cast %swap3A_2135 : vector<1x1x16xf32> to vector<16xf32>
        %swap3A_2137 = vector.shape_cast %mul3A_2126 : vector<16xf32> to vector<1x1x16xf32>
        tpu.vector_store %arg7[%swap3A_2132, %swap3A_2133, %swap3A_2134], %swap3A_2137 {strides = array<i32>} : memref<2x32x1024xf32, #tpu.memory_space<vmem>>, vector<1x1x16xf32>,
        %get3A_2138 = arith.constant 976 : index
        %get3A_2139 = tpu.vector_load %arg5[%get3A_2138] {strides = array<i32>} : memref<1024xf32, #tpu.memory_space<vmem>>, vector<16xf32>,
        %get3A_2140 = vector.shape_cast %get3A_2139 : vector<16xf32> to vector<16xf32>
        %mul3A_2141 = vector.broadcast %squeeze3A_2057 : f32 to vector<16xf32>
        %mul3A_2142 = arith.mulf %get3A_2140, %mul3A_2141 : vector<16xf32>
        %mul3A_2143 = arith.constant 2 : i32
        %mul3A_2144 = arith.muli %mul3A_2143, %scan3A_98 : i32
        %add3A_2145 = arith.constant 1 : i32
        %add3A_2146 = arith.addi %mul3A_2144, %add3A_2145 : i32
        %swap3A_2147 = arith.constant 1 : i32
        %swap3A_2148 = arith.index_cast %swap3A_2147 : i32 to index
        %swap3A_2149 = arith.index_cast %add3A_2146 : i32 to index
        %swap3A_2150 = arith.constant 976 : index
        %swap3A_2151 = tpu.vector_load %arg7[%swap3A_2148, %swap3A_2149, %swap3A_2150] {strides = array<i32>} : memref<2x32x1024xf32, #tpu.memory_space<vmem>>, vector<1x1x16xf32>,
        %swap3A_2152 = vector.shape_cast %swap3A_2151 : vector<1x1x16xf32> to vector<16xf32>
        %swap3A_2153 = vector.shape_cast %mul3A_2142 : vector<16xf32> to vector<1x1x16xf32>
        tpu.vector_store %arg7[%swap3A_2148, %swap3A_2149, %swap3A_2150], %swap3A_2153 {strides = array<i32>} : memref<2x32x1024xf32, #tpu.memory_space<vmem>>, vector<1x1x16xf32>,
        %get3A_2154 = arith.constant 992 : index
        %get3A_2155 = tpu.vector_load %arg5[%get3A_2154] {strides = array<i32>} : memref<1024xf32, #tpu.memory_space<vmem>>, vector<16xf32>,
        %get3A_2156 = vector.shape_cast %get3A_2155 : vector<16xf32> to vector<16xf32>
        %mul3A_2157 = vector.broadcast %squeeze3A_2057 : f32 to vector<16xf32>
        %mul3A_2158 = arith.mulf %get3A_2156, %mul3A_2157 : vector<16xf32>
        %mul3A_2159 = arith.constant 2 : i32
        %mul3A_2160 = arith.muli %mul3A_2159, %scan3A_98 : i32
        %add3A_2161 = arith.constant 1 : i32
        %add3A_2162 = arith.addi %mul3A_2160, %add3A_2161 : i32
        %swap3A_2163 = arith.constant 1 : i32
        %swap3A_2164 = arith.index_cast %swap3A_2163 : i32 to index
        %swap3A_2165 = arith.index_cast %add3A_2162 : i32 to index
        %swap3A_2166 = arith.constant 992 : index
        %swap3A_2167 = tpu.vector_load %arg7[%swap3A_2164, %swap3A_2165, %swap3A_2166] {strides = array<i32>} : memref<2x32x1024xf32, #tpu.memory_space<vmem>>, vector<1x1x16xf32>,
        %swap3A_2168 = vector.shape_cast %swap3A_2167 : vector<1x1x16xf32> to vector<16xf32>
        %swap3A_2169 = vector.shape_cast %mul3A_2158 : vector<16xf32> to vector<1x1x16xf32>
        tpu.vector_store %arg7[%swap3A_2164, %swap3A_2165, %swap3A_2166], %swap3A_2169 {strides = array<i32>} : memref<2x32x1024xf32, #tpu.memory_space<vmem>>, vector<1x1x16xf32>,
        %get3A_2170 = arith.constant 1008 : index
        %get3A_2171 = tpu.vector_load %arg5[%get3A_2170] {strides = array<i32>} : memref<1024xf32, #tpu.memory_space<vmem>>, vector<16xf32>,
        %get3A_2172 = vector.shape_cast %get3A_2171 : vector<16xf32> to vector<16xf32>
        %mul3A_2173 = vector.broadcast %squeeze3A_2057 : f32 to vector<16xf32>
        %mul3A_2174 = arith.mulf %get3A_2172, %mul3A_2173 : vector<16xf32>
        %mul3A_2175 = arith.constant 2 : i32
        %mul3A_2176 = arith.muli %mul3A_2175, %scan3A_98 : i32
        %add3A_2177 = arith.constant 1 : i32
        %add3A_2178 = arith.addi %mul3A_2176, %add3A_2177 : i32
        %swap3A_2179 = arith.constant 1 : i32
        %swap3A_2180 = arith.index_cast %swap3A_2179 : i32 to index
        %swap3A_2181 = arith.index_cast %add3A_2178 : i32 to index
        %swap3A_2182 = arith.constant 1008 : index
        %swap3A_2183 = tpu.vector_load %arg7[%swap3A_2180, %swap3A_2181, %swap3A_2182] {strides = array<i32>} : memref<2x32x1024xf32, #tpu.memory_space<vmem>>, vector<1x1x16xf32>,
        %swap3A_2184 = vector.shape_cast %swap3A_2183 : vector<1x1x16xf32> to vector<16xf32>
        %swap3A_2185 = vector.shape_cast %mul3A_2174 : vector<16xf32> to vector<1x1x16xf32>
        tpu.vector_store %arg7[%swap3A_2180, %swap3A_2181, %swap3A_2182], %swap3A_2185 {strides = array<i32>} : memref<2x32x1024xf32, #tpu.memory_space<vmem>>, vector<1x1x16xf32>,
      }
      %scan3A_81 = arith.constant 16 : i32
      %mul3A_82 = arith.constant 32 : i32
      %mul3A_83 = arith.muli %add3A_70, %mul3A_82 : i32
      %add3A_84 = arith.addi %mul3A_2, %mul3A_83 : i32
      %dma_start3A_85 = arith.constant 1 : i32
      %dma_start3A_86 = arith.constant 0 : i32
      %dma_start3A_87 = arith.constant 0 : i32
      %dma_start3A_88 = tpu.memref_slice %arg7[%dma_start3A_85, %dma_start3A_86, %dma_start3A_87] : memref<2x32x1024xf32, #tpu.memory_space<vmem>> -> memref<1x32x1024xf32, #tpu.memory_space<vmem>>
      %dma_start3A_89 = tpu.memref_squeeze %dma_start3A_88 : memref<1x32x1024xf32, #tpu.memory_space<vmem>> -> memref<32x1024xf32, #tpu.memory_space<vmem>>
      %dma_start3A_90 = arith.constant 0 : i32
      %dma_start3A_91 = tpu.memref_slice %arg4[%add3A_84, %dma_start3A_90] : memref<32768x1024xf32, #tpu.memory_space<hbm>> -> memref<32x1024xf32, #tpu.memory_space<hbm>>
      %dma_start3A_92 = arith.constant 0 : i32
      %dma_start3A_93 = tpu.memref_slice %arg4[%add3A_84, %dma_start3A_92] : memref<32768x1024xf32, #tpu.memory_space<hbm>> -> memref<32x1024xf32, #tpu.memory_space<hbm>>
      %dma_start3A_94 = arith.constant 0 : i32
      %dma_start3A_95 = arith.constant 0 : i32
      %dma_start3A_96 = tpu.memref_slice %arg7[%dma_start3A_85, %dma_start3A_94, %dma_start3A_95] : memref<2x32x1024xf32, #tpu.memory_space<vmem>> -> memref<1x32x1024xf32, #tpu.memory_space<vmem>>
      %dma_start3A_97 = tpu.memref_squeeze %dma_start3A_96 : memref<1x32x1024xf32, #tpu.memory_space<vmem>> -> memref<32x1024xf32, #tpu.memory_space<vmem>>
      tpu.enqueue_dma source(%dma_start3A_97 : memref<32x1024xf32, #tpu.memory_space<vmem>>) target(%dma_start3A_93 : memref<32x1024xf32, #tpu.memory_space<hbm>>) target_semaphore(%arg9 : memref<!tpu.dma_semaphore, #tpu.memory_space<semaphore_mem>>)
    }
    %scan3A_9 = arith.constant 16 : i32
    %dma_wait3A = arith.constant 0 : i32
    %dma_wait3A_10 = arith.constant 0 : i32
    %dma_wait3A_11 = arith.constant 0 : i32
    %dma_wait3A_12 = tpu.memref_slice %arg7[%dma_wait3A, %dma_wait3A_10, %dma_wait3A_11] : memref<2x32x1024xf32, #tpu.memory_space<vmem>> -> memref<1x32x1024xf32, #tpu.memory_space<vmem>>
    %dma_wait3A_13 = tpu.memref_squeeze %dma_wait3A_12 : memref<1x32x1024xf32, #tpu.memory_space<vmem>> -> memref<32x1024xf32, #tpu.memory_space<vmem>>
    %dma_wait3A_14 = arith.constant 0 : i32
    %dma_wait3A_15 = arith.constant 0 : i32
    %dma_wait3A_16 = tpu.memref_slice %arg4[%dma_wait3A_14, %dma_wait3A_15] : memref<32768x1024xf32, #tpu.memory_space<hbm>> -> memref<32x1024xf32, #tpu.memory_space<hbm>>
    %dma_wait3A_17 = arith.constant 0 : i32
    %dma_wait3A_18 = arith.constant 0 : i32
    %dma_wait3A_19 = tpu.memref_slice %arg4[%dma_wait3A_17, %dma_wait3A_18] : memref<32768x1024xf32, #tpu.memory_space<hbm>> -> memref<32x1024xf32, #tpu.memory_space<hbm>>
    %dma_wait3A_20 = arith.constant 0 : i32
    %dma_wait3A_21 = arith.constant 0 : i32
    %dma_wait3A_22 = tpu.memref_slice %arg7[%dma_wait3A, %dma_wait3A_20, %dma_wait3A_21] : memref<2x32x1024xf32, #tpu.memory_space<vmem>> -> memref<1x32x1024xf32, #tpu.memory_space<vmem>>
    %dma_wait3A_23 = tpu.memref_squeeze %dma_wait3A_22 : memref<1x32x1024xf32, #tpu.memory_space<vmem>> -> memref<32x1024xf32, #tpu.memory_space<vmem>>
    tpu.wait_dma2 semaphore(%arg8 : memref<!tpu.dma_semaphore, #tpu.memory_space<semaphore_mem>>) src(%dma_wait3A_23 : memref<32x1024xf32, #tpu.memory_space<vmem>>) dst(%dma_wait3A_19 : memref<32x1024xf32, #tpu.memory_space<hbm>>)
    %dma_wait3A_24 = arith.constant 1 : i32
    %dma_wait3A_25 = arith.constant 0 : i32
    %dma_wait3A_26 = arith.constant 0 : i32
    %dma_wait3A_27 = tpu.memref_slice %arg7[%dma_wait3A_24, %dma_wait3A_25, %dma_wait3A_26] : memref<2x32x1024xf32, #tpu.memory_space<vmem>> -> memref<1x32x1024xf32, #tpu.memory_space<vmem>>
    %dma_wait3A_28 = tpu.memref_squeeze %dma_wait3A_27 : memref<1x32x1024xf32, #tpu.memory_space<vmem>> -> memref<32x1024xf32, #tpu.memory_space<vmem>>
    %dma_wait3A_29 = arith.constant 0 : i32
    %dma_wait3A_30 = arith.constant 0 : i32
    %dma_wait3A_31 = tpu.memref_slice %arg4[%dma_wait3A_29, %dma_wait3A_30] : memref<32768x1024xf32, #tpu.memory_space<hbm>> -> memref<32x1024xf32, #tpu.memory_space<hbm>>
    %dma_wait3A_32 = arith.constant 0 : i32
    %dma_wait3A_33 = arith.constant 0 : i32
    %dma_wait3A_34 = tpu.memref_slice %arg4[%dma_wait3A_32, %dma_wait3A_33] : memref<32768x1024xf32, #tpu.memory_space<hbm>> -> memref<32x1024xf32, #tpu.memory_space<hbm>>
    %dma_wait3A_35 = arith.constant 0 : i32
    %dma_wait3A_36 = arith.constant 0 : i32
    %dma_wait3A_37 = tpu.memref_slice %arg7[%dma_wait3A_24, %dma_wait3A_35, %dma_wait3A_36] : memref<2x32x1024xf32, #tpu.memory_space<vmem>> -> memref<1x32x1024xf32, #tpu.memory_space<vmem>>
    %dma_wait3A_38 = tpu.memref_squeeze %dma_wait3A_37 : memref<1x32x1024xf32, #tpu.memory_space<vmem>> -> memref<32x1024xf32, #tpu.memory_space<vmem>>
    tpu.wait_dma2 semaphore(%arg9 : memref<!tpu.dma_semaphore, #tpu.memory_space<semaphore_mem>>) src(%dma_wait3A_38 : memref<32x1024xf32, #tpu.memory_space<vmem>>) dst(%dma_wait3A_34 : memref<32x1024xf32, #tpu.memory_space<hbm>>)
    return
  }
}

</mosaic_0001>

<sc_bundles>
// kernel: kernel.3.cloned.1.call-start
scs
__scs_entry_jumppad:
0x0: {  	(pc) =	sbr.rel $0x88, $3  }
0x1: {  	(tag) =	ssettag $0x0;
	lr =	simm.s32 $0x1  }
0x2: {  	[smem:$0x3F9F] =	sst lr;
	_ =	strace $0xD0000000  }
0x3: {  	_ = 	snop  }
0x4: {  	_ = 	snop  }
0x5: {  	_ = 	snop  }
0x6: {  	_ = 	snop  }
0x7: {  	_ = 	snop  }
__scs_overlays_trampoline_lowered:
0x8: {  	[smem:$0x3FAE] =	sst s0  }
0x9: {  	[smem:$0x3FAF] =	sst s1  }
0xa: {  	[smem:$0x3FB0] =	sst s2  }
0xb: {  	[smem:$0x3FB1] =	sst s3  }
0xc: {  	[smem:$0x3FB2] =	sst s4  }
0xd: {  	[smem:$0x3FB3] =	sst s5  }
0xe: {  	[smem:$0x3FB4] =	sst s6  }
0xf: {  	[smem:$0x3FB5] =	sst s7  }
0x10: {  	[smem:$0x3FB6] =	sst s8  }
0x11: {  	[smem:$0x3FB7] =	sst s9;
	s0 =	simm.s32 @!p0 $0x0  }
0x12: {  	s1 =	sld [smem:$0x3F9D];
	s0 =	simm.s32 @p0 $0x1  }
0x13: {  	[smem:$0x3FB8] =	sst s0;
	s0 =	simm.s32 @!p1 $0x0  }
0x14: {  	s2 =	sld [smem:$0x3F9C];
	s0 =	simm.s32 @p1 $0x1  }
0x15: {  	[smem:$0x3FB9] =	sst s0;
	s0 =	simm.s32 @!p2 $0x0  }
0x16: {  	s3 =	sld [smem:$0x3FDB];
	s0 =	simm.s32 @p2 $0x1  }
0x17: {  	s4 =	simm.s32 $0x1BF5;
	[smem:$0x3FBB] =	sst s0  }
0x18: {  	s0 =	sld [smem:$0x3F9E];
	_ =	swait.ge [sflag:s4], $0x0  }
0x19: {  	s7 =	sld [smem:$0x3F9F]  }
0x1a: {  	s8 =	sadd.s32 $0xFFFFE003, lr  }
0x1b: {  	s9 =	sadd.s32 $0xFFFFFEF7, lr;
	s5 =	simm.s32 $0xFFFFFFFF;
	p2 =	slt.u32 s8, $0xFFFFF086  }
0x1c: {  	p1 =	slt.u32 s9, $0xF7A;
	s5 =	simm.s32 @!p2 $0x0  }
0x1d: {  	s5 =	simm.s32 @p1 $0x1;
	p0 =	seq.s32 s7, s2  }
0x1e: {  	s7 =	smul.u32 @!p0 $0xF7A, s2;
	p2 =	seq.s32 @!p0 s5, $0x0  }
0x1f: {  	s9 =	smul.u32 $0xF7A, s1;
	s8 =	simm.s32 @!p0 $0x1BF5;
	p2 =	por !p2, p0  }
0x20: {  	[sflag:s8] =	ssyncset.s32 @!p0 $0xFFFFF086;
	s6 =	sadd.s32 @!p0 s3, s7;
	s7 =	simm.s32 @!p0 $0x108  }
0x21: {  	s3 =	sadd.s32 s3, s9;
	s6 =	sadd.s32 @!p0 $0x88, s6;
	s7 =	simm.s32 @p2 $0x1082  }
0x22: {  	[simem:s7], [sflag:s8] =	dma.local @!p0 [hbm:s6], $0xF7A  }
0x23: {  	s9 =	sor.u32 $0xD0000000, s2;
	s6 =	simm.s32 $0x108;
	_ =	swait.ge @!p0 [sflag:s8], $0x0  }
0x24: {  	s3 =	sadd.s32 $0x88, s3;
	s6 =	simm.s32 @!p1 $0x1082;
	[sflag:s4] =	ssyncset.s32 $0xFFFFF086  }
0x25: {  	[simem:s6], [sflag:s4] =	dma.local [hbm:s3], $0xF7A  }
0x26: {  	[smem:$0x3F9F] =	sst s1;
	(tag) =	ssettag s2;
	_ =	strace s9  }
0x27: {  	s1 =	sld [smem:$0x3FAF]  }
0x28: {  	s2 =	sld [smem:$0x3FB0]  }
0x29: {  	s4 =	sld [smem:$0x3FB2]  }
0x2a: {  	p0 =	seq.s32 s5, $0x0;
	s5 =	sld [smem:$0x3FB3]  }
0x2b: {  	s6 =	sld [smem:$0x3FB4]  }
0x2c: {  	s7 =	sld [smem:$0x3FB5]  }
0x2d: {  	s3 =	simm.s32 $0x108;
	s8 =	sld [smem:$0x3FB6]  }
0x2e: {  	s3 =	simm.s32 @!p0 $0x1082;
	s9 =	sld [smem:$0x3FB7]  }
0x2f: {  	lr =	sadd.s32 s0, s3;
	s0 =	sld [smem:$0x3FAE]  }
0x30: {  	s3 =	sld [smem:$0x3FB1]  }
0x31: {  	[smem:$0x3FBA] =	sst s10  }
0x32: {  	s10 =	sld [smem:$0x3FB8];
	_ =	sdelay $0x3  }
0x33: {  	p0 =	seq.s32 s10, $0x1;
	s10 =	sld [smem:$0x3FBA];
	_ =	sdelay $0x3  }
0x34: {  	[smem:$0x3FBA] =	sst s10  }
0x35: {  	s10 =	sld [smem:$0x3FB9];
	_ =	sdelay $0x3  }
0x36: {  	p1 =	seq.s32 s10, $0x1;
	s10 =	sld [smem:$0x3FBA];
	_ =	sdelay $0x3  }
0x37: {  	[smem:$0x3FBA] =	sst s10  }
0x38: {  	s10 =	sld [smem:$0x3FBB]  }
0x39: {  	_ = 	snop;
	(pc) =	sbr.ind lr, $3  }
0x3a: {  	_ = 	snop  }
0x3b: {  	_ = 	snop  }
0x3c: {  	p2 =	seq.s32 s10, $0x1;
	s10 =	sld [smem:$0x3FBA]  }
0x3d: {  	_ =	shalt  }
0x3e: {  	_ =	shalt  }
0x3f: {  	_ =	shalt  }
0x40: {  	_ =	shalt  }
0x41: {  	_ =	shalt  }
0x42: {  	_ =	shalt  }
0x43: {  	_ =	shalt  }
0x44: {  	_ =	shalt  }
0x45: {  	_ =	shalt  }
0x46: {  	_ =	shalt  }
0x47: {  	_ =	shalt  }
0x48: {  	_ =	shalt  }
0x49: {  	_ =	shalt  }
0x4a: {  	_ =	shalt  }
0x4b: {  	_ =	shalt  }
0x4c: {  	_ =	shalt  }
0x4d: {  	_ =	shalt  }
0x4e: {  	_ =	shalt  }
0x4f: {  	_ =	shalt  }
0x50: {  	_ =	shalt  }
0x51: {  	_ =	shalt  }
0x52: {  	_ =	shalt  }
0x53: {  	_ =	shalt  }
0x54: {  	_ =	shalt  }
0x55: {  	_ =	shalt  }
0x56: {  	_ =	shalt  }
0x57: {  	_ =	shalt  }
0x58: {  	_ =	shalt  }
0x59: {  	_ =	shalt  }
0x5a: {  	_ =	shalt  }
0x5b: {  	_ =	shalt  }
0x5c: {  	_ =	shalt  }
0x5d: {  	_ =	shalt  }
0x5e: {  	_ =	shalt  }
0x5f: {  	_ =	shalt  }
0x60: {  	_ =	shalt  }
0x61: {  	_ =	shalt  }
0x62: {  	_ =	shalt  }
0x63: {  	_ =	shalt  }
0x64: {  	_ =	shalt  }
0x65: {  	_ =	shalt  }
0x66: {  	_ =	shalt  }
0x67: {  	_ =	shalt  }
0x68: {  	_ =	shalt  }
0x69: {  	_ =	shalt  }
0x6a: {  	_ =	shalt  }
0x6b: {  	_ =	shalt  }
0x6c: {  	_ =	shalt  }
0x6d: {  	_ =	shalt  }
0x6e: {  	_ =	shalt  }
0x6f: {  	_ =	shalt  }
0x70: {  	_ =	shalt  }
0x71: {  	_ =	shalt  }
0x72: {  	_ =	shalt  }
0x73: {  	_ =	shalt  }
0x74: {  	_ =	shalt  }
0x75: {  	_ =	shalt  }
0x76: {  	_ =	shalt  }
0x77: {  	_ =	shalt  }
0x78: {  	_ =	shalt  }
0x79: {  	_ =	shalt  }
0x7a: {  	_ =	shalt  }
0x7b: {  	_ =	shalt  }
0x7c: {  	_ =	shalt  }
0x7d: {  	_ =	shalt  }
0x7e: {  	_ =	shalt  }
0x7f: {  	_ =	shalt  }
0x80: {  	_ =	shalt  }
0x81: {  	_ =	shalt  }
0x82: {  	_ =	shalt  }
0x83: {  	_ =	shalt  }
0x84: {  	_ =	shalt  }
0x85: {  	_ =	shalt  }
0x86: {  	_ =	shalt  }
0x87: {  	_ =	shalt  }
.Lfunc_end0:
.L_simem_size_0:
called_computation.1_lowered:
.L_overlay_start_0:
0x88: {  	s2 =	sld [smem:$0x3FD9]  }
0x89: {  	s3 =	sld [smem:$0x3FFE];
	_ =	sdelay $0x1  }
0x8a: {  	s1 =	srdreg.scid  }
0x8b: {  	s0 =	sand.u32 $0x1, s1  }
0x8c: {  	s17 =	sshll.u32 s0, $0xA;
	s2 =	sadd.s32 s3, s2  }
0x8d: {  	s2 =	sadd.s32 s2, s17  }
0x8e: {  	[smem:$0x3FC6] =	sst s2  }
0x8f: {  	_ = 	snop  }
0x90: {  	s2 =	sld [smem:$0x3FC8]  }
0x91: {  	s18 =	sld [smem:$0x3FD0];
	(tm) =	ssettm $0x1  }
0x92: {  	s4 =	sld [smem:$0x3FFB];
	_ =	sdelay $0x3  }
0x93: {  	_ =	strace s4  }
0x94: {  	s4 =	sld [smem:$0x3FFC];
	_ =	sdelay $0x3  }
0x95: {  	_ =	strace s4  }
0x96: {  	s4 =	sld [smem:$0x3FFD];
	_ =	sdelay $0x3  }
0x97: {  	_ =	strace s4  }
0x98: {  	_ =	strace $0x8FFFFFFF  }
0x99: {  	s19 =	sld [smem:$0x3FDB];
	_ =	sdelay $0x1  }
0x9a: {  	s5 =	simm.s32 $_scs_section_size  }
0x9b: {  	s6 =	simm.s32 $_size__tile_overlayer_lowered;
	s7 =	simm.s32 $_tile_overlayer_lowered  }
0x9c: {  	s22 =	simm.s32 $0x1BFF;
	s21 =	sshll.u32 s7, $0x1;
	s4 =	sadd.s32 s5, s19  }
0x9d: {  	s8 =	simm.s32 $0x0;
	s20 =	sshll.u32 s6, $0x1;
	s6 =	sadd.s32 s21, s4  }
0x9e: {  	[timem:s8], [sflag:s22] =	dma.local [hbm:s6], s20  }
0x9f: {  	_ =	swait.ge [sflag:s22], s20  }
0xa0: {  	s5 =	ssub.s32 $0x0, s20;
	[sflag:s22] =	ssyncset.done $0x0  }
0xa1: {  	[sflag:s22] =	ssyncadd.s32 s5;
	_ =	sdelay $0x1  }
0xa2: {  	s23 =	simm.s32 $0x1B8B  }
0xa3: {  	_ =	swait.ge [sflag:s23], $0x1  }
0xa4: {  	[sflag:s23] =	ssyncset.done $0x0  }
0xa5: {  	s25 =	simm.s32 $0x1B8E;
	s24 =	sld [smem:$0x3FFE];
	[sflag:s23] =	ssyncadd.s32 $0xFFFFFFFF  }
0xa6: {  	s26 =	simm.s32 $execute0_lowered;
	[smem:$0x3FD2] =	sst s25  }
0xa7: {  	s6 =	sshll.u32 s26, $0x1;
	_ =	strace $0x80000046;
	[dreg:$0x1] =	wrdreg $0xFFFFFFFF  }
0xa8: {  	s28 =	simm.s32 $_size_execute0_lowered;
	s4 =	sadd.s32 s4, s6;
	[dreg:$0x0] =	wrdreg $0x0  }
0xa9: {  	s6 =	sshll.u32 s28, $0x1;
	[dreg:$0x2] =	wrdreg s4  }
0xaa: {  	[dreg:$0x3] =	wrdreg s6  }
0xab: {  	[dreg:$0x4] =	wrdreg $0xC0  }
0xac: {  	_ =	task [dreg:s8], $0x5FFFF  }
0xad: {  	[dreg:$0x1] =	wrdreg $0xFFFFFFFF  }
0xae: {  	[dreg:$0x0] =	wrdreg $0x60  }
0xaf: {  	[dreg:$0x2] =	wrdreg s18  }
0xb0: {  	[dreg:$0x3] =	wrdreg s2  }
0xb1: {  	[dreg:$0x4] =	wrdreg s24  }
0xb2: {  	[dreg:$0x5] =	wrdreg $0x9  }
0xb3: {  	_ =	task.clear_ibuf [dreg:s8], $0x6FFFF;
	_ =	strace $0x90000046  }
0xb4: {  	s29 =	simm.s32 $0x9;
	_ =	strace $0x80000048  }
0xb5: {  	_ =	swait.ge [sflag:s29], $0x1  }
0xb6: {  	[sflag:s29] =	ssyncadd.s32 $0xFFFFFFFF  }
0xb7: {  	_ =	strace $0x90000048  }
0xb8: {  	_ =	sfence  }
0xb9: {  	s30 =	sld [smem:$0x0];
	_ =	sdelay $0x2  }
0xba: {  	s31 =	sshll.u32 s1, $0xD;
	s1 =	sshrl.u32 s1, $0x2  }
0xbb: {  	s3 =	sand.u32 $0x4000, s31;
	s1 =	sadd.s32 s1, s30  }
0xbc: {  	s0 =	sor.u32 s3, s0;
	s1 =	sshll.u32 s1, $0x11  }
0xbd: {  	s0 =	sor.u32 s1, s0  }
0xbe: {  	s0 =	sadd.s32 $0x8F2B, s0  }
0xbf: {  	[sflag:s0] =	ssyncadd.remote.s32 $0x1  }
0xc0: {  	_ =	sfence.sel $0xFFFF  }
0xc1: {  	[dreg:$0x0] =	wrdreg $0xFFFFFFFF;
	(pc) =	sbr.abs _section_cstart, $3  }
0xc2: {  	[dreg:$0x1] =	wrdreg $0xFFFFFFFF  }
0xc3: {  	_ =	task.clear_ibuf [dreg:s8], $0x2FFFF;
	_ =	strace $0x9FFFFFFF  }
0xc4: {  	(tm) =	ssettm $0x7FFFFFFF  }
0xc5: {  	_ =	shalt  }
tec
execute0_lowered:
.L_overlay_start_1:
0x0: {  	(tag) =	ssettag $0x1  }
0x1: {  	s4 =	rddreg [dreg:$0x0]  }
0x2: {  	s1 =	rddreg [dreg:$0x1]  }
0x3: {  	s5 =	rddreg [dreg:$0x2]  }
0x4: {  	s0 =	rddreg [dreg:$0x3]  }
0x5: {  	s3 =	simm.s32 $0x0;
	s6 =	srdreg.scid;
	s2 =	stileid.u32  }
0x6: {  	s10 =	simm.s32 $0xA400;
	s11 =	simm.s32 $0x1;
	s12 =	simm.s32 $0x2  }
0x7: {  	s13 =	simm.s32 $0x0;
	s6 =	sand.u32 $0x1, s6;
	s7 =	sshll.u32 s2, $0x1  }
0x8: {  	[smem:$0x7FF] =	sst s3;
	s7 =	sor.u32 s6, s7;
	s6 =	ssub.s32 $0x2, s6  }
0x9: {  	_ =	strace $0x80000047;
	s8 =	sshll.u32 s7, $0x11;
	s9 =	sshrl.u32 s6, $0x1  }
0xa: {  	s7 =	sshll.u32 s7, $0xA;
	s5 =	sadd.s32 s8, s5;
	s6 =	ssub.s32 s6, s9  }
0xb: {  	s4 =	sadd.s32 s4, s7;
	s7 =	simm.s32 $0x3;
	s8 =	simm.s32 $0x400  }
0xc: {  	s9 =	simm.s32 $0x2400;
	s5 =	sadd.s32 $0x800, s5;
	s6 =	smax.u32 s6, $0x1  }
.LBB2_1:
0xd: {  	[tilespmem:s3], [sflag:$0x3] =	stream.linear.gather [hbm4b:s1+s3], $0x400, $0x38;
	[tilespmem:$0x12400] =	vst v63  }
0xe: {  	_ =	swait.ge [sflag:s7], $0x400  }
0xf: {  	[sflag:s7] =	ssyncset.done $0x0  }
0x10: {  	[sflag:s7] =	ssyncadd.s32 $0xFFFFFC00  }
0x11: {  	[tilespmem:s8], [sflag:$0x3] =	stream.linear.gather [hbm4b:s4+s3], $0x2000, $0x38;
	[tilespmem:$0x12400] =	vst v63  }
0x12: {  	_ =	swait.ge [sflag:s7], $0x2000  }
0x13: {  	[sflag:s7] =	ssyncset.done $0x0  }
0x14: {  	s14 =	simm.s32 $0x0;
	[sflag:s7] =	ssyncadd.s32 $0xFFFFE000  }
.LBB2_2:
0x15: {  	p0 =	seq.s32 s14, $0x0;
	s16 =	sshll.u32 s14, $0x9  }
0x16: {  	s15 =	simm.s32 @!p0 $0x1;
	s16 =	sand.u32 $0x3FFFFE00, s16  }
0x17: {  	s17 =	simm.s32 $0x0;
	_ =	swait.ge @!p0 [sflag:s15], $0x8000;
	s16 =	sadd.s32 $0x400, s16  }
0x18: {  	s18 =	simm.s32 $0x0;
	[sflag:s15] =	ssyncset.done @!p0 $0x0;
	[dreg:$0x4] =	wrdreg s16  }
0x19: {  	s16 =	simm.s32 $0x0;
	[sflag:s15] =	ssyncadd.s32 @!p0 $0xFFFF8000;
	s15 =	simm.s32 $0x0  }
.LBB2_3:
0x1a: {  	s19 =	rddreg [dreg:$0x4];
	s20 =	sand.u32 $0x80, s15  }
0x1b: {  	s21 =	sand.u32 $0x70, s15;
	s19 =	sadd.s32 s20, s19  }
0x1c: {  	s19 =	sadd.s32 s21, s19  }
0x1d: {  	v0 =	vld [tilespmem:s19+$0x0];
	_ =	sdelay $0x3  }
0x1e: {  	v1 =	vld [tilespmem:$0x0]  }
0x1f: {  	v0 =	vcvt.s32.f32 v0;
	_ =	sdelay $0x1  }
0x20: {  	v2 =	vbroadcast v0, $0x0;
	_ =	sdelay $0x1  }
0x21: {  	s26 =	sand.u32 $0x6000, s17;
	s28 =	sand.u32 $0x300, s18;
	v1 =	vmul.f32 v2, v1  }
0x22: {  	s19 =	sor.u32 s28, s26  }
0x23: {  	[tilespmem:s19+$0x2400] =	vst v1  }
0x24: {  	v1 =	vld [tilespmem:$0x10];
	_ =	sdelay $0x4  }
0x25: {  	v1 =	vmul.f32 v1, v2;
	_ =	sdelay $0x1  }
0x26: {  	[tilespmem:s19+$0x2410] =	vst v1  }
0x27: {  	v1 =	vld [tilespmem:$0x20];
	_ =	sdelay $0x4  }
0x28: {  	v1 =	vmul.f32 v1, v2;
	_ =	sdelay $0x1  }
0x29: {  	[tilespmem:s19+$0x2420] =	vst v1  }
0x2a: {  	v1 =	vld [tilespmem:$0x30];
	_ =	sdelay $0x4  }
0x2b: {  	v1 =	vmul.f32 v1, v2;
	_ =	sdelay $0x1  }
0x2c: {  	[tilespmem:s19+$0x2430] =	vst v1  }
0x2d: {  	v1 =	vld [tilespmem:$0x40];
	_ =	sdelay $0x4  }
0x2e: {  	v1 =	vmul.f32 v1, v2;
	_ =	sdelay $0x1  }
0x2f: {  	[tilespmem:s19+$0x2440] =	vst v1  }
0x30: {  	v1 =	vld [tilespmem:$0x50];
	_ =	sdelay $0x4  }
0x31: {  	v1 =	vmul.f32 v1, v2;
	_ =	sdelay $0x1  }
0x32: {  	[tilespmem:s19+$0x2450] =	vst v1  }
0x33: {  	v1 =	vld [tilespmem:$0x60];
	_ =	sdelay $0x4  }
0x34: {  	v1 =	vmul.f32 v1, v2;
	_ =	sdelay $0x1  }
0x35: {  	[tilespmem:s19+$0x2460] =	vst v1  }
0x36: {  	v1 =	vld [tilespmem:$0x70];
	_ =	sdelay $0x4  }
0x37: {  	v1 =	vmul.f32 v1, v2;
	_ =	sdelay $0x1  }
0x38: {  	[tilespmem:s19+$0x2470] =	vst v1  }
0x39: {  	v1 =	vld [tilespmem:$0x80];
	_ =	sdelay $0x2  }
0x3a: {  	v50 =	vbroadcast v0, $0x1;
	_ =	sdelay $0x1  }
0x3b: {  	v1 =	vmul.f32 v1, v50;
	_ =	sdelay $0x1  }
0x3c: {  	[tilespmem:s19+$0x2800] =	vst v1  }
0x3d: {  	v1 =	vld [tilespmem:$0x90];
	_ =	sdelay $0x4  }
0x3e: {  	v1 =	vmul.f32 v1, v50;
	_ =	sdelay $0x1  }
0x3f: {  	[tilespmem:s19+$0x2810] =	vst v1  }
0x40: {  	v1 =	vld [tilespmem:$0xA0];
	_ =	sdelay $0x4  }
0x41: {  	v1 =	vmul.f32 v1, v50;
	_ =	sdelay $0x1  }
0x42: {  	[tilespmem:s19+$0x2820] =	vst v1  }
0x43: {  	v1 =	vld [tilespmem:$0xB0];
	_ =	sdelay $0x4  }
0x44: {  	v1 =	vmul.f32 v1, v50;
	_ =	sdelay $0x1  }
0x45: {  	[tilespmem:s19+$0x2830] =	vst v1  }
0x46: {  	v1 =	vld [tilespmem:$0xC0];
	_ =	sdelay $0x4  }
0x47: {  	v1 =	vmul.f32 v1, v50;
	_ =	sdelay $0x1  }
0x48: {  	[tilespmem:s19+$0x2840] =	vst v1  }
0x49: {  	v1 =	vld [tilespmem:$0xD0];
	_ =	sdelay $0x4  }
0x4a: {  	v1 =	vmul.f32 v1, v50;
	_ =	sdelay $0x1  }
0x4b: {  	[tilespmem:s19+$0x2850] =	vst v1  }
0x4c: {  	v1 =	vld [tilespmem:$0xE0];
	_ =	sdelay $0x4  }
0x4d: {  	v1 =	vmul.f32 v1, v50;
	_ =	sdelay $0x1  }
0x4e: {  	[tilespmem:s19+$0x2860] =	vst v1  }
0x4f: {  	v1 =	vld [tilespmem:$0xF0];
	_ =	sdelay $0x4  }
0x50: {  	v1 =	vmul.f32 v1, v50;
	_ =	sdelay $0x1  }
0x51: {  	[tilespmem:s19+$0x2870] =	vst v1  }
0x52: {  	v1 =	vld [tilespmem:$0x100];
	_ =	sdelay $0x2  }
0x53: {  	v51 =	vbroadcast v0, $0x2;
	_ =	sdelay $0x1  }
0x54: {  	v1 =	vmul.f32 v1, v51;
	_ =	sdelay $0x1  }
0x55: {  	[tilespmem:s19+$0x2C00] =	vst v1  }
0x56: {  	v1 =	vld [tilespmem:$0x110];
	_ =	sdelay $0x4  }
0x57: {  	v1 =	vmul.f32 v1, v51;
	_ =	sdelay $0x1  }
0x58: {  	[tilespmem:s19+$0x2C10] =	vst v1  }
0x59: {  	v1 =	vld [tilespmem:$0x120];
	_ =	sdelay $0x4  }
0x5a: {  	v1 =	vmul.f32 v1, v51;
	_ =	sdelay $0x1  }
0x5b: {  	[tilespmem:s19+$0x2C20] =	vst v1  }
0x5c: {  	v1 =	vld [tilespmem:$0x130];
	_ =	sdelay $0x4  }
0x5d: {  	v1 =	vmul.f32 v1, v51;
	_ =	sdelay $0x1  }
0x5e: {  	[tilespmem:s19+$0x2C30] =	vst v1  }
0x5f: {  	v1 =	vld [tilespmem:$0x140];
	_ =	sdelay $0x4  }
0x60: {  	v1 =	vmul.f32 v1, v51;
	_ =	sdelay $0x1  }
0x61: {  	[tilespmem:s19+$0x2C40] =	vst v1  }
0x62: {  	v1 =	vld [tilespmem:$0x150];
	_ =	sdelay $0x4  }
0x63: {  	v1 =	vmul.f32 v1, v51;
	_ =	sdelay $0x1  }
0x64: {  	[tilespmem:s19+$0x2C50] =	vst v1  }
0x65: {  	v1 =	vld [tilespmem:$0x160];
	_ =	sdelay $0x4  }
0x66: {  	v1 =	vmul.f32 v1, v51;
	_ =	sdelay $0x1  }
0x67: {  	[tilespmem:s19+$0x2C60] =	vst v1  }
0x68: {  	v1 =	vld [tilespmem:$0x170];
	_ =	sdelay $0x4  }
0x69: {  	v1 =	vmul.f32 v1, v51;
	_ =	sdelay $0x1  }
0x6a: {  	[tilespmem:s19+$0x2C70] =	vst v1  }
0x6b: {  	v1 =	vld [tilespmem:$0x180];
	_ =	sdelay $0x2  }
0x6c: {  	v52 =	vbroadcast v0, $0x3;
	_ =	sdelay $0x1  }
0x6d: {  	v1 =	vmul.f32 v1, v52;
	_ =	sdelay $0x1  }
0x6e: {  	[tilespmem:s19+$0x3000] =	vst v1  }
0x6f: {  	v1 =	vld [tilespmem:$0x190];
	_ =	sdelay $0x4  }
0x70: {  	v1 =	vmul.f32 v1, v52;
	_ =	sdelay $0x1  }
0x71: {  	[tilespmem:s19+$0x3010] =	vst v1  }
0x72: {  	v1 =	vld [tilespmem:$0x1A0];
	_ =	sdelay $0x4  }
0x73: {  	v1 =	vmul.f32 v1, v52;
	_ =	sdelay $0x1  }
0x74: {  	[tilespmem:s19+$0x3020] =	vst v1  }
0x75: {  	v1 =	vld [tilespmem:$0x1B0];
	_ =	sdelay $0x4  }
0x76: {  	v1 =	vmul.f32 v1, v52;
	_ =	sdelay $0x1  }
0x77: {  	[tilespmem:s19+$0x3030] =	vst v1  }
0x78: {  	v1 =	vld [tilespmem:$0x1C0];
	_ =	sdelay $0x4  }
0x79: {  	v1 =	vmul.f32 v1, v52;
	_ =	sdelay $0x1  }
0x7a: {  	[tilespmem:s19+$0x3040] =	vst v1  }
0x7b: {  	v1 =	vld [tilespmem:$0x1D0];
	_ =	sdelay $0x4  }
0x7c: {  	v1 =	vmul.f32 v1, v52;
	_ =	sdelay $0x1  }
0x7d: {  	[tilespmem:s19+$0x3050] =	vst v1  }
0x7e: {  	v1 =	vld [tilespmem:$0x1E0];
	_ =	sdelay $0x4  }
0x7f: {  	v1 =	vmul.f32 v1, v52;
	_ =	sdelay $0x1  }
0x80: {  	[tilespmem:s19+$0x3060] =	vst v1  }
0x81: {  	v1 =	vld [tilespmem:$0x1F0];
	_ =	sdelay $0x4  }
0x82: {  	v1 =	vmul.f32 v1, v52;
	_ =	sdelay $0x1  }
0x83: {  	[tilespmem:s19+$0x3070] =	vst v1  }
0x84: {  	v1 =	vld [tilespmem:$0x200];
	_ =	sdelay $0x2  }
0x85: {  	v53 =	vbroadcast v0, $0x4;
	_ =	sdelay $0x1  }
0x86: {  	v1 =	vmul.f32 v1, v53;
	_ =	sdelay $0x1  }
0x87: {  	[tilespmem:s19+$0x3400] =	vst v1  }
0x88: {  	v1 =	vld [tilespmem:$0x210];
	_ =	sdelay $0x4  }
0x89: {  	v1 =	vmul.f32 v1, v53;
	_ =	sdelay $0x1  }
0x8a: {  	[tilespmem:s19+$0x3410] =	vst v1  }
0x8b: {  	v1 =	vld [tilespmem:$0x220];
	_ =	sdelay $0x4  }
0x8c: {  	v1 =	vmul.f32 v1, v53;
	_ =	sdelay $0x1  }
0x8d: {  	[tilespmem:s19+$0x3420] =	vst v1  }
0x8e: {  	v1 =	vld [tilespmem:$0x230];
	_ =	sdelay $0x4  }
0x8f: {  	v1 =	vmul.f32 v1, v53;
	_ =	sdelay $0x1  }
0x90: {  	[tilespmem:s19+$0x3430] =	vst v1  }
0x91: {  	v1 =	vld [tilespmem:$0x240];
	_ =	sdelay $0x4  }
0x92: {  	v1 =	vmul.f32 v1, v53;
	_ =	sdelay $0x1  }
0x93: {  	[tilespmem:s19+$0x3440] =	vst v1  }
0x94: {  	v1 =	vld [tilespmem:$0x250];
	_ =	sdelay $0x4  }
0x95: {  	v1 =	vmul.f32 v1, v53;
	_ =	sdelay $0x1  }
0x96: {  	[tilespmem:s19+$0x3450] =	vst v1  }
0x97: {  	v1 =	vld [tilespmem:$0x260];
	_ =	sdelay $0x4  }
0x98: {  	v1 =	vmul.f32 v1, v53;
	_ =	sdelay $0x1  }
0x99: {  	[tilespmem:s19+$0x3460] =	vst v1  }
0x9a: {  	v1 =	vld [tilespmem:$0x270];
	_ =	sdelay $0x4  }
0x9b: {  	v1 =	vmul.f32 v1, v53;
	_ =	sdelay $0x1  }
0x9c: {  	[tilespmem:s19+$0x3470] =	vst v1  }
0x9d: {  	v1 =	vld [tilespmem:$0x280];
	_ =	sdelay $0x2  }
0x9e: {  	v54 =	vbroadcast v0, $0x5;
	_ =	sdelay $0x1  }
0x9f: {  	v1 =	vmul.f32 v1, v54;
	_ =	sdelay $0x1  }
0xa0: {  	[tilespmem:s19+$0x3800] =	vst v1  }
0xa1: {  	v1 =	vld [tilespmem:$0x290];
	_ =	sdelay $0x4  }
0xa2: {  	v1 =	vmul.f32 v1, v54;
	_ =	sdelay $0x1  }
0xa3: {  	[tilespmem:s19+$0x3810] =	vst v1  }
0xa4: {  	v1 =	vld [tilespmem:$0x2A0];
	_ =	sdelay $0x4  }
0xa5: {  	v1 =	vmul.f32 v1, v54;
	_ =	sdelay $0x1  }
0xa6: {  	[tilespmem:s19+$0x3820] =	vst v1  }
0xa7: {  	v1 =	vld [tilespmem:$0x2B0];
	_ =	sdelay $0x4  }
0xa8: {  	v1 =	vmul.f32 v1, v54;
	_ =	sdelay $0x1  }
0xa9: {  	[tilespmem:s19+$0x3830] =	vst v1  }
0xaa: {  	v1 =	vld [tilespmem:$0x2C0];
	_ =	sdelay $0x4  }
0xab: {  	v1 =	vmul.f32 v1, v54;
	_ =	sdelay $0x1  }
0xac: {  	[tilespmem:s19+$0x3840] =	vst v1  }
0xad: {  	v1 =	vld [tilespmem:$0x2D0];
	_ =	sdelay $0x4  }
0xae: {  	v1 =	vmul.f32 v1, v54;
	_ =	sdelay $0x1  }
0xaf: {  	[tilespmem:s19+$0x3850] =	vst v1  }
0xb0: {  	v1 =	vld [tilespmem:$0x2E0];
	_ =	sdelay $0x4  }
0xb1: {  	v1 =	vmul.f32 v1, v54;
	_ =	sdelay $0x1  }
0xb2: {  	[tilespmem:s19+$0x3860] =	vst v1  }
0xb3: {  	v1 =	vld [tilespmem:$0x2F0];
	_ =	sdelay $0x4  }
0xb4: {  	v1 =	vmul.f32 v1, v54;
	_ =	sdelay $0x1  }
0xb5: {  	[tilespmem:s19+$0x3870] =	vst v1  }
0xb6: {  	v1 =	vld [tilespmem:$0x300];
	_ =	sdelay $0x2  }
0xb7: {  	s29 =	sand.u32 $0x3, s16;
	v55 =	vbroadcast v0, $0x6  }
0xb8: {  	s20 =	sshll.u32 s29, $0x8  }
0xb9: {  	s20 =	sadd.s32 s20, s17;
	v1 =	vmul.f32 v1, v55  }
0xba: {  	s30 =	sor.u32 $0x1800, s20  }
0xbb: {  	[tilespmem:s30+$0x2400] =	vst v1  }
0xbc: {  	v1 =	vld [tilespmem:$0x310];
	_ =	sdelay $0x4  }
0xbd: {  	v1 =	vmul.f32 v1, v55  }
0xbe: {  	s31 =	sor.u32 $0x1810, s20  }
0xbf: {  	[tilespmem:s31+$0x2400] =	vst v1  }
0xc0: {  	v1 =	vld [tilespmem:$0x320];
	_ =	sdelay $0x4  }
0xc1: {  	v1 =	vmul.f32 v1, v55  }
0xc2: {  	s22 =	sor.u32 $0x1820, s20  }
0xc3: {  	[tilespmem:s22+$0x2400] =	vst v1  }
0xc4: {  	v1 =	vld [tilespmem:$0x330];
	_ =	sdelay $0x4  }
0xc5: {  	v1 =	vmul.f32 v1, v55  }
0xc6: {  	s23 =	sor.u32 $0x1830, s20  }
0xc7: {  	[tilespmem:s23+$0x2400] =	vst v1  }
0xc8: {  	v1 =	vld [tilespmem:$0x340];
	_ =	sdelay $0x4  }
0xc9: {  	v1 =	vmul.f32 v1, v55  }
0xca: {  	s24 =	sor.u32 $0x1840, s20  }
0xcb: {  	[tilespmem:s24+$0x2400] =	vst v1  }
0xcc: {  	v1 =	vld [tilespmem:$0x350];
	_ =	sdelay $0x4  }
0xcd: {  	v1 =	vmul.f32 v1, v55  }
0xce: {  	s25 =	sor.u32 $0x1850, s20  }
0xcf: {  	[tilespmem:s25+$0x2400] =	vst v1  }
0xd0: {  	v1 =	vld [tilespmem:$0x360];
	_ =	sdelay $0x4  }
0xd1: {  	v1 =	vmul.f32 v1, v55  }
0xd2: {  	s26 =	sor.u32 $0x1860, s20  }
0xd3: {  	[tilespmem:s26+$0x2400] =	vst v1  }
0xd4: {  	v1 =	vld [tilespmem:$0x370];
	_ =	sdelay $0x4  }
0xd5: {  	v1 =	vmul.f32 v1, v55  }
0xd6: {  	s28 =	sor.u32 $0x1870, s20  }
0xd7: {  	[tilespmem:s28+$0x2400] =	vst v1  }
0xd8: {  	v1 =	vld [tilespmem:$0x380];
	_ =	sdelay $0x2  }
0xd9: {  	v56 =	vbroadcast v0, $0x7;
	_ =	sdelay $0x1  }
0xda: {  	v1 =	vmul.f32 v1, v56  }
0xdb: {  	s29 =	sor.u32 $0x1C00, s20  }
0xdc: {  	[tilespmem:s29+$0x2400] =	vst v1  }
0xdd: {  	v1 =	vld [tilespmem:$0x390];
	_ =	sdelay $0x4  }
0xde: {  	v1 =	vmul.f32 v1, v56  }
0xdf: {  	s30 =	sor.u32 $0x1C10, s20  }
0xe0: {  	[tilespmem:s30+$0x2400] =	vst v1  }
0xe1: {  	v1 =	vld [tilespmem:$0x3A0];
	_ =	sdelay $0x4  }
0xe2: {  	v1 =	vmul.f32 v1, v56  }
0xe3: {  	s31 =	sor.u32 $0x1C20, s20  }
0xe4: {  	[tilespmem:s31+$0x2400] =	vst v1  }
0xe5: {  	v1 =	vld [tilespmem:$0x3B0];
	_ =	sdelay $0x4  }
0xe6: {  	v1 =	vmul.f32 v1, v56  }
0xe7: {  	s22 =	sor.u32 $0x1C30, s20  }
0xe8: {  	[tilespmem:s22+$0x2400] =	vst v1  }
0xe9: {  	v1 =	vld [tilespmem:$0x3C0];
	_ =	sdelay $0x4  }
0xea: {  	v1 =	vmul.f32 v1, v56  }
0xeb: {  	s23 =	sor.u32 $0x1C40, s20  }
0xec: {  	[tilespmem:s23+$0x2400] =	vst v1  }
0xed: {  	v1 =	vld [tilespmem:$0x3D0];
	_ =	sdelay $0x4  }
0xee: {  	v1 =	vmul.f32 v1, v56  }
0xef: {  	s24 =	sor.u32 $0x1C50, s20  }
0xf0: {  	[tilespmem:s24+$0x2400] =	vst v1  }
0xf1: {  	v1 =	vld [tilespmem:$0x3E0];
	_ =	sdelay $0x4  }
0xf2: {  	v1 =	vmul.f32 v1, v56  }
0xf3: {  	s25 =	sor.u32 $0x1C60, s20  }
0xf4: {  	[tilespmem:s25+$0x2400] =	vst v1  }
0xf5: {  	v1 =	vld [tilespmem:$0x3F0];
	_ =	sdelay $0x4  }
0xf6: {  	v1 =	vmul.f32 v1, v56  }
0xf7: {  	s26 =	sor.u32 $0x1C70, s20  }
0xf8: {  	[tilespmem:s26+$0x2400] =	vst v1  }
0xf9: {  	v1 =	vld [tilespmem:$0x0];
	_ =	sdelay $0x2  }
0xfa: {  	v57 =	vbroadcast v0, $0x8;
	_ =	sdelay $0x1  }
0xfb: {  	v1 =	vmul.f32 v1, v57;
	_ =	sdelay $0x1  }
0xfc: {  	[tilespmem:s19+$0x2480] =	vst v1  }
0xfd: {  	v1 =	vld [tilespmem:$0x10];
	_ =	sdelay $0x4  }
0xfe: {  	v1 =	vmul.f32 v1, v57;
	_ =	sdelay $0x1  }
0xff: {  	[tilespmem:s19+$0x2490] =	vst v1  }
0x100: {  	v1 =	vld [tilespmem:$0x20];
	_ =	sdelay $0x4  }
0x101: {  	v1 =	vmul.f32 v1, v57;
	_ =	sdelay $0x1  }
0x102: {  	[tilespmem:s19+$0x24A0] =	vst v1  }
0x103: {  	v1 =	vld [tilespmem:$0x30];
	_ =	sdelay $0x4  }
0x104: {  	v1 =	vmul.f32 v1, v57;
	_ =	sdelay $0x1  }
0x105: {  	[tilespmem:s19+$0x24B0] =	vst v1  }
0x106: {  	v1 =	vld [tilespmem:$0x40];
	_ =	sdelay $0x4  }
0x107: {  	v1 =	vmul.f32 v1, v57;
	_ =	sdelay $0x1  }
0x108: {  	[tilespmem:s19+$0x24C0] =	vst v1  }
0x109: {  	v1 =	vld [tilespmem:$0x50];
	_ =	sdelay $0x4  }
0x10a: {  	v1 =	vmul.f32 v1, v57;
	_ =	sdelay $0x1  }
0x10b: {  	[tilespmem:s19+$0x24D0] =	vst v1  }
0x10c: {  	v1 =	vld [tilespmem:$0x60];
	_ =	sdelay $0x4  }
0x10d: {  	v1 =	vmul.f32 v1, v57;
	_ =	sdelay $0x1  }
0x10e: {  	[tilespmem:s19+$0x24E0] =	vst v1  }
0x10f: {  	v1 =	vld [tilespmem:$0x70];
	_ =	sdelay $0x4  }
0x110: {  	v1 =	vmul.f32 v1, v57;
	_ =	sdelay $0x1  }
0x111: {  	[tilespmem:s19+$0x24F0] =	vst v1  }
0x112: {  	v1 =	vld [tilespmem:$0x80];
	_ =	sdelay $0x2  }
0x113: {  	v58 =	vbroadcast v0, $0x9;
	_ =	sdelay $0x1  }
0x114: {  	v1 =	vmul.f32 v1, v58;
	_ =	sdelay $0x1  }
0x115: {  	[tilespmem:s19+$0x2880] =	vst v1  }
0x116: {  	v1 =	vld [tilespmem:$0x90];
	_ =	sdelay $0x4  }
0x117: {  	v1 =	vmul.f32 v1, v58;
	_ =	sdelay $0x1  }
0x118: {  	[tilespmem:s19+$0x2890] =	vst v1  }
0x119: {  	v1 =	vld [tilespmem:$0xA0];
	_ =	sdelay $0x4  }
0x11a: {  	v1 =	vmul.f32 v1, v58;
	_ =	sdelay $0x1  }
0x11b: {  	[tilespmem:s19+$0x28A0] =	vst v1  }
0x11c: {  	v1 =	vld [tilespmem:$0xB0];
	_ =	sdelay $0x4  }
0x11d: {  	v1 =	vmul.f32 v1, v58;
	_ =	sdelay $0x1  }
0x11e: {  	[tilespmem:s19+$0x28B0] =	vst v1  }
0x11f: {  	v1 =	vld [tilespmem:$0xC0];
	_ =	sdelay $0x4  }
0x120: {  	v1 =	vmul.f32 v1, v58;
	_ =	sdelay $0x1  }
0x121: {  	[tilespmem:s19+$0x28C0] =	vst v1  }
0x122: {  	v1 =	vld [tilespmem:$0xD0];
	_ =	sdelay $0x4  }
0x123: {  	v1 =	vmul.f32 v1, v58;
	_ =	sdelay $0x1  }
0x124: {  	[tilespmem:s19+$0x28D0] =	vst v1  }
0x125: {  	v1 =	vld [tilespmem:$0xE0];
	_ =	sdelay $0x4  }
0x126: {  	v1 =	vmul.f32 v1, v58;
	_ =	sdelay $0x1  }
0x127: {  	[tilespmem:s19+$0x28E0] =	vst v1  }
0x128: {  	v1 =	vld [tilespmem:$0xF0];
	_ =	sdelay $0x4  }
0x129: {  	v1 =	vmul.f32 v1, v58;
	_ =	sdelay $0x1  }
0x12a: {  	[tilespmem:s19+$0x28F0] =	vst v1  }
0x12b: {  	v1 =	vld [tilespmem:$0x100];
	_ =	sdelay $0x2  }
0x12c: {  	v59 =	vbroadcast v0, $0xA;
	_ =	sdelay $0x1  }
0x12d: {  	v1 =	vmul.f32 v1, v59;
	_ =	sdelay $0x1  }
0x12e: {  	[tilespmem:s19+$0x2C80] =	vst v1  }
0x12f: {  	v1 =	vld [tilespmem:$0x110];
	_ =	sdelay $0x4  }
0x130: {  	v1 =	vmul.f32 v1, v59;
	_ =	sdelay $0x1  }
0x131: {  	[tilespmem:s19+$0x2C90] =	vst v1  }
0x132: {  	v1 =	vld [tilespmem:$0x120];
	_ =	sdelay $0x4  }
0x133: {  	v1 =	vmul.f32 v1, v59;
	_ =	sdelay $0x1  }
0x134: {  	[tilespmem:s19+$0x2CA0] =	vst v1  }
0x135: {  	v1 =	vld [tilespmem:$0x130];
	_ =	sdelay $0x4  }
0x136: {  	v1 =	vmul.f32 v1, v59;
	_ =	sdelay $0x1  }
0x137: {  	[tilespmem:s19+$0x2CB0] =	vst v1  }
0x138: {  	v1 =	vld [tilespmem:$0x140];
	_ =	sdelay $0x4  }
0x139: {  	v1 =	vmul.f32 v1, v59;
	_ =	sdelay $0x1  }
0x13a: {  	[tilespmem:s19+$0x2CC0] =	vst v1  }
0x13b: {  	v1 =	vld [tilespmem:$0x150];
	_ =	sdelay $0x4  }
0x13c: {  	v1 =	vmul.f32 v1, v59;
	_ =	sdelay $0x1  }
0x13d: {  	[tilespmem:s19+$0x2CD0] =	vst v1  }
0x13e: {  	v1 =	vld [tilespmem:$0x160];
	_ =	sdelay $0x4  }
0x13f: {  	v1 =	vmul.f32 v1, v59;
	_ =	sdelay $0x1  }
0x140: {  	[tilespmem:s19+$0x2CE0] =	vst v1  }
0x141: {  	v1 =	vld [tilespmem:$0x170];
	_ =	sdelay $0x4  }
0x142: {  	v1 =	vmul.f32 v1, v59;
	_ =	sdelay $0x1  }
0x143: {  	[tilespmem:s19+$0x2CF0] =	vst v1  }
0x144: {  	v1 =	vld [tilespmem:$0x180];
	_ =	sdelay $0x2  }
0x145: {  	v60 =	vbroadcast v0, $0xB;
	_ =	sdelay $0x1  }
0x146: {  	v1 =	vmul.f32 v1, v60;
	_ =	sdelay $0x1  }
0x147: {  	[tilespmem:s19+$0x3080] =	vst v1  }
0x148: {  	v1 =	vld [tilespmem:$0x190];
	_ =	sdelay $0x4  }
0x149: {  	v1 =	vmul.f32 v1, v60;
	_ =	sdelay $0x1  }
0x14a: {  	[tilespmem:s19+$0x3090] =	vst v1  }
0x14b: {  	v1 =	vld [tilespmem:$0x1A0];
	_ =	sdelay $0x4  }
0x14c: {  	v1 =	vmul.f32 v1, v60;
	_ =	sdelay $0x1  }
0x14d: {  	[tilespmem:s19+$0x30A0] =	vst v1  }
0x14e: {  	v1 =	vld [tilespmem:$0x1B0];
	_ =	sdelay $0x4  }
0x14f: {  	v1 =	vmul.f32 v1, v60;
	_ =	sdelay $0x1  }
0x150: {  	[tilespmem:s19+$0x30B0] =	vst v1  }
0x151: {  	v1 =	vld [tilespmem:$0x1C0];
	_ =	sdelay $0x4  }
0x152: {  	v1 =	vmul.f32 v1, v60;
	_ =	sdelay $0x1  }
0x153: {  	[tilespmem:s19+$0x30C0] =	vst v1  }
0x154: {  	v1 =	vld [tilespmem:$0x1D0];
	_ =	sdelay $0x4  }
0x155: {  	v1 =	vmul.f32 v1, v60;
	_ =	sdelay $0x1  }
0x156: {  	[tilespmem:s19+$0x30D0] =	vst v1  }
0x157: {  	v1 =	vld [tilespmem:$0x1E0];
	_ =	sdelay $0x4  }
0x158: {  	v1 =	vmul.f32 v1, v60;
	_ =	sdelay $0x1  }
0x159: {  	[tilespmem:s19+$0x30E0] =	vst v1  }
0x15a: {  	v1 =	vld [tilespmem:$0x1F0];
	_ =	sdelay $0x4  }
0x15b: {  	v1 =	vmul.f32 v1, v60;
	_ =	sdelay $0x1  }
0x15c: {  	[tilespmem:s19+$0x30F0] =	vst v1  }
0x15d: {  	v1 =	vld [tilespmem:$0x200];
	_ =	sdelay $0x2  }
0x15e: {  	v61 =	vbroadcast v0, $0xC;
	_ =	sdelay $0x1  }
0x15f: {  	v1 =	vmul.f32 v1, v61;
	_ =	sdelay $0x1  }
0x160: {  	[tilespmem:s19+$0x3480] =	vst v1  }
0x161: {  	v1 =	vld [tilespmem:$0x210];
	_ =	sdelay $0x4  }
0x162: {  	v1 =	vmul.f32 v1, v61;
	_ =	sdelay $0x1  }
0x163: {  	[tilespmem:s19+$0x3490] =	vst v1  }
0x164: {  	v1 =	vld [tilespmem:$0x220];
	_ =	sdelay $0x4  }
0x165: {  	v1 =	vmul.f32 v1, v61;
	_ =	sdelay $0x1  }
0x166: {  	[tilespmem:s19+$0x34A0] =	vst v1  }
0x167: {  	v1 =	vld [tilespmem:$0x230];
	_ =	sdelay $0x4  }
0x168: {  	v1 =	vmul.f32 v1, v61;
	_ =	sdelay $0x1  }
0x169: {  	[tilespmem:s19+$0x34B0] =	vst v1  }
0x16a: {  	v1 =	vld [tilespmem:$0x240];
	_ =	sdelay $0x4  }
0x16b: {  	v1 =	vmul.f32 v1, v61;
	_ =	sdelay $0x1  }
0x16c: {  	[tilespmem:s19+$0x34C0] =	vst v1  }
0x16d: {  	v1 =	vld [tilespmem:$0x250];
	_ =	sdelay $0x4  }
0x16e: {  	v1 =	vmul.f32 v1, v61;
	_ =	sdelay $0x1  }
0x16f: {  	[tilespmem:s19+$0x34D0] =	vst v1  }
0x170: {  	v1 =	vld [tilespmem:$0x260];
	_ =	sdelay $0x4  }
0x171: {  	v1 =	vmul.f32 v1, v61;
	_ =	sdelay $0x1  }
0x172: {  	[tilespmem:s19+$0x34E0] =	vst v1  }
0x173: {  	v1 =	vld [tilespmem:$0x270];
	_ =	sdelay $0x4  }
0x174: {  	v1 =	vmul.f32 v1, v61;
	_ =	sdelay $0x1  }
0x175: {  	[tilespmem:s19+$0x34F0] =	vst v1  }
0x176: {  	v1 =	vld [tilespmem:$0x280];
	_ =	sdelay $0x2  }
0x177: {  	v62 =	vbroadcast v0, $0xD;
	_ =	sdelay $0x1  }
0x178: {  	v1 =	vmul.f32 v1, v62;
	_ =	sdelay $0x1  }
0x179: {  	[tilespmem:s19+$0x3880] =	vst v1  }
0x17a: {  	v1 =	vld [tilespmem:$0x290];
	_ =	sdelay $0x4  }
0x17b: {  	v1 =	vmul.f32 v1, v62;
	_ =	sdelay $0x1  }
0x17c: {  	[tilespmem:s19+$0x3890] =	vst v1  }
0x17d: {  	v1 =	vld [tilespmem:$0x2A0];
	_ =	sdelay $0x4  }
0x17e: {  	v1 =	vmul.f32 v1, v62;
	_ =	sdelay $0x1  }
0x17f: {  	[tilespmem:s19+$0x38A0] =	vst v1  }
0x180: {  	v1 =	vld [tilespmem:$0x2B0];
	_ =	sdelay $0x4  }
0x181: {  	v1 =	vmul.f32 v1, v62;
	_ =	sdelay $0x1  }
0x182: {  	[tilespmem:s19+$0x38B0] =	vst v1  }
0x183: {  	v1 =	vld [tilespmem:$0x2C0];
	_ =	sdelay $0x4  }
0x184: {  	v1 =	vmul.f32 v1, v62;
	_ =	sdelay $0x1  }
0x185: {  	[tilespmem:s19+$0x38C0] =	vst v1  }
0x186: {  	v1 =	vld [tilespmem:$0x2D0];
	_ =	sdelay $0x4  }
0x187: {  	v1 =	vmul.f32 v1, v62;
	_ =	sdelay $0x1  }
0x188: {  	[tilespmem:s19+$0x38D0] =	vst v1  }
0x189: {  	v1 =	vld [tilespmem:$0x2E0];
	_ =	sdelay $0x4  }
0x18a: {  	v1 =	vmul.f32 v1, v62;
	_ =	sdelay $0x1  }
0x18b: {  	[tilespmem:s19+$0x38E0] =	vst v1  }
0x18c: {  	v1 =	vld [tilespmem:$0x2F0];
	_ =	sdelay $0x4  }
0x18d: {  	v1 =	vmul.f32 v1, v62;
	_ =	sdelay $0x1  }
0x18e: {  	[tilespmem:s19+$0x38F0] =	vst v1  }
0x18f: {  	v1 =	vld [tilespmem:$0x300];
	_ =	sdelay $0x2  }
0x190: {  	v63 =	vbroadcast v0, $0xE;
	_ =	sdelay $0x1  }
0x191: {  	s19 =	sadd.s32 $0x80, s20;
	v1 =	vmul.f32 v1, v63  }
0x192: {  	s20 =	sor.u32 $0x1800, s19  }
0x193: {  	[tilespmem:s20+$0x2400] =	vst v1  }
0x194: {  	v1 =	vld [tilespmem:$0x310];
	_ =	sdelay $0x4  }
0x195: {  	v1 =	vmul.f32 v1, v63  }
0x196: {  	s28 =	sor.u32 $0x1810, s19  }
0x197: {  	[tilespmem:s28+$0x2400] =	vst v1  }
0x198: {  	v1 =	vld [tilespmem:$0x320];
	_ =	sdelay $0x4  }
0x199: {  	v1 =	vmul.f32 v1, v63  }
0x19a: {  	s29 =	sor.u32 $0x1820, s19  }
0x19b: {  	[tilespmem:s29+$0x2400] =	vst v1  }
0x19c: {  	v1 =	vld [tilespmem:$0x330];
	_ =	sdelay $0x4  }
0x19d: {  	v1 =	vmul.f32 v1, v63  }
0x19e: {  	s30 =	sor.u32 $0x1830, s19  }
0x19f: {  	[tilespmem:s30+$0x2400] =	vst v1  }
0x1a0: {  	v1 =	vld [tilespmem:$0x340];
	_ =	sdelay $0x4  }
0x1a1: {  	v1 =	vmul.f32 v1, v63  }
0x1a2: {  	s31 =	sor.u32 $0x1840, s19  }
0x1a3: {  	[tilespmem:s31+$0x2400] =	vst v1  }
0x1a4: {  	v1 =	vld [tilespmem:$0x350];
	_ =	sdelay $0x4  }
0x1a5: {  	v1 =	vmul.f32 v1, v63  }
0x1a6: {  	s21 =	sor.u32 $0x1850, s19  }
0x1a7: {  	[tilespmem:s21+$0x2400] =	vst v1  }
0x1a8: {  	v1 =	vld [tilespmem:$0x360];
	_ =	sdelay $0x4  }
0x1a9: {  	v1 =	vmul.f32 v1, v63  }
0x1aa: {  	s22 =	sor.u32 $0x1860, s19  }
0x1ab: {  	[tilespmem:s22+$0x2400] =	vst v1  }
0x1ac: {  	v1 =	vld [tilespmem:$0x370];
	_ =	sdelay $0x4  }
0x1ad: {  	v1 =	vmul.f32 v1, v63  }
0x1ae: {  	s23 =	sor.u32 $0x1870, s19  }
0x1af: {  	[tilespmem:s23+$0x2400] =	vst v1  }
0x1b0: {  	v1 =	vld [tilespmem:$0x380];
	_ =	sdelay $0x2  }
0x1b1: {  	v0 =	vbroadcast v0, $0xF;
	_ =	sdelay $0x1  }
0x1b2: {  	v1 =	vmul.f32 v1, v0  }
0x1b3: {  	s24 =	sor.u32 $0x1C00, s19  }
0x1b4: {  	[tilespmem:s24+$0x2400] =	vst v1  }
0x1b5: {  	v1 =	vld [tilespmem:$0x390];
	_ =	sdelay $0x4  }
0x1b6: {  	v1 =	vmul.f32 v1, v0  }
0x1b7: {  	s25 =	sor.u32 $0x1C10, s19  }
0x1b8: {  	[tilespmem:s25+$0x2400] =	vst v1  }
0x1b9: {  	v1 =	vld [tilespmem:$0x3A0];
	_ =	sdelay $0x4  }
0x1ba: {  	v1 =	vmul.f32 v1, v0  }
0x1bb: {  	s26 =	sor.u32 $0x1C20, s19  }
0x1bc: {  	[tilespmem:s26+$0x2400] =	vst v1  }
0x1bd: {  	v1 =	vld [tilespmem:$0x3B0];
	_ =	sdelay $0x4  }
0x1be: {  	v1 =	vmul.f32 v1, v0  }
0x1bf: {  	s28 =	sor.u32 $0x1C30, s19  }
0x1c0: {  	[tilespmem:s28+$0x2400] =	vst v1  }
0x1c1: {  	v1 =	vld [tilespmem:$0x3C0];
	_ =	sdelay $0x4  }
0x1c2: {  	v1 =	vmul.f32 v1, v0  }
0x1c3: {  	s29 =	sor.u32 $0x1C40, s19  }
0x1c4: {  	[tilespmem:s29+$0x2400] =	vst v1  }
0x1c5: {  	v1 =	vld [tilespmem:$0x3D0];
	_ =	sdelay $0x4  }
0x1c6: {  	v1 =	vmul.f32 v1, v0  }
0x1c7: {  	s30 =	sor.u32 $0x1C50, s19  }
0x1c8: {  	[tilespmem:s30+$0x2400] =	vst v1  }
0x1c9: {  	v1 =	vld [tilespmem:$0x3E0];
	_ =	sdelay $0x4  }
0x1ca: {  	v1 =	vmul.f32 v1, v0  }
0x1cb: {  	s31 =	sor.u32 $0x1C60, s19  }
0x1cc: {  	[tilespmem:s31+$0x2400] =	vst v1  }
0x1cd: {  	v1 =	vld [tilespmem:$0x3F0];
	_ =	sdelay $0x1  }
0x1ce: {  	p1 =	sne.s32 s18, $0xF00  }
.Ltmp0:
0x1cf: {  	_ = 	snop;
	(pc) =	sbr.rel @p1 .LBB2_3-.Ltmp0, $4  }
0x1d0: {  	_ = 	snop  }
0x1d1: {  	v0 =	vmul.f32 v1, v0  }
0x1d2: {  	s16 =	sadd.s32 $0x1, s16;
	s19 =	sor.u32 $0x1C70, s19  }
0x1d3: {  	s15 =	sadd.s32 $0x10, s15;
	s18 =	sadd.s32 $0x100, s18;
	s17 =	sadd.s32 $0x800, s17;
	[tilespmem:s19+$0x2400] =	vst v0  }
0x1d4: {  	s15 =	sshll.u32 s14, $0xD  }
0x1d5: {  	s15 =	sadd.s32 s15, s5  }
0x1d6: {  	[hbm4b:s15+s3] =	stream.linear.scatter [tilespmem:s9], [sflag:$0x1], $0x8000, $0x38;
	[tilespmem:$0x12400] =	vst v63  }
0x1d7: {  	s16 =	simm.s32 @!p0 $0x2;
	s18 =	simm.s32 $0x0;
	s15 =	sshllo.u32 s14, $0x1  }
0x1d8: {  	s19 =	simm.s32 $0x0;
	_ =	swait.ge @!p0 [sflag:s16], $0x8000;
	s17 =	sshll.u32 s15, $0x8  }
0x1d9: {  	s20 =	simm.s32 $0x0;
	[sflag:s16] =	ssyncset.done @!p0 $0x0;
	s17 =	sand.u32 $0x3FFFFF00, s17  }
0x1da: {  	[sflag:s16] =	ssyncadd.s32 @!p0 $0xFFFF8000;
	s16 =	sadd.s32 $0x400, s17;
	s17 =	simm.s32 $0x0  }
.LBB2_5:
0x1db: {  	s21 =	sand.u32 $0x80, s17  }
0x1dc: {  	s22 =	sand.u32 $0x70, s17;
	s21 =	sadd.s32 s21, s16  }
0x1dd: {  	s21 =	sadd.s32 s22, s21  }
0x1de: {  	v0 =	vld [tilespmem:s21+$0x0];
	_ =	sdelay $0x3  }
0x1df: {  	v1 =	vld [tilespmem:$0x0]  }
0x1e0: {  	v0 =	vcvt.s32.f32 v0;
	_ =	sdelay $0x1  }
0x1e1: {  	v2 =	vbroadcast v0, $0x0;
	_ =	sdelay $0x1  }
0x1e2: {  	s26 =	sand.u32 $0x6000, s19;
	s28 =	sand.u32 $0x300, s20;
	v1 =	vmul.f32 v2, v1  }
0x1e3: {  	s21 =	sor.u32 s28, s26  }
0x1e4: {  	[tilespmem:s21+$0xA400] =	vst v1  }
0x1e5: {  	v1 =	vld [tilespmem:$0x10];
	_ =	sdelay $0x4  }
0x1e6: {  	v1 =	vmul.f32 v1, v2;
	_ =	sdelay $0x1  }
0x1e7: {  	[tilespmem:s21+$0xA410] =	vst v1  }
0x1e8: {  	v1 =	vld [tilespmem:$0x20];
	_ =	sdelay $0x4  }
0x1e9: {  	v1 =	vmul.f32 v1, v2;
	_ =	sdelay $0x1  }
0x1ea: {  	[tilespmem:s21+$0xA420] =	vst v1  }
0x1eb: {  	v1 =	vld [tilespmem:$0x30];
	_ =	sdelay $0x4  }
0x1ec: {  	v1 =	vmul.f32 v1, v2;
	_ =	sdelay $0x1  }
0x1ed: {  	[tilespmem:s21+$0xA430] =	vst v1  }
0x1ee: {  	v1 =	vld [tilespmem:$0x40];
	_ =	sdelay $0x4  }
0x1ef: {  	v1 =	vmul.f32 v1, v2;
	_ =	sdelay $0x1  }
0x1f0: {  	[tilespmem:s21+$0xA440] =	vst v1  }
0x1f1: {  	v1 =	vld [tilespmem:$0x50];
	_ =	sdelay $0x4  }
0x1f2: {  	v1 =	vmul.f32 v1, v2;
	_ =	sdelay $0x1  }
0x1f3: {  	[tilespmem:s21+$0xA450] =	vst v1  }
0x1f4: {  	v1 =	vld [tilespmem:$0x60];
	_ =	sdelay $0x4  }
0x1f5: {  	v1 =	vmul.f32 v1, v2;
	_ =	sdelay $0x1  }
0x1f6: {  	[tilespmem:s21+$0xA460] =	vst v1  }
0x1f7: {  	v1 =	vld [tilespmem:$0x70];
	_ =	sdelay $0x4  }
0x1f8: {  	v1 =	vmul.f32 v1, v2;
	_ =	sdelay $0x1  }
0x1f9: {  	[tilespmem:s21+$0xA470] =	vst v1  }
0x1fa: {  	v1 =	vld [tilespmem:$0x80];
	_ =	sdelay $0x2  }
0x1fb: {  	v50 =	vbroadcast v0, $0x1;
	_ =	sdelay $0x1  }
0x1fc: {  	v1 =	vmul.f32 v1, v50;
	_ =	sdelay $0x1  }
0x1fd: {  	[tilespmem:s21+$0xA800] =	vst v1  }
0x1fe: {  	v1 =	vld [tilespmem:$0x90];
	_ =	sdelay $0x4  }
0x1ff: {  	v1 =	vmul.f32 v1, v50;
	_ =	sdelay $0x1  }
0x200: {  	[tilespmem:s21+$0xA810] =	vst v1  }
0x201: {  	v1 =	vld [tilespmem:$0xA0];
	_ =	sdelay $0x4  }
0x202: {  	v1 =	vmul.f32 v1, v50;
	_ =	sdelay $0x1  }
0x203: {  	[tilespmem:s21+$0xA820] =	vst v1  }
0x204: {  	v1 =	vld [tilespmem:$0xB0];
	_ =	sdelay $0x4  }
0x205: {  	v1 =	vmul.f32 v1, v50;
	_ =	sdelay $0x1  }
0x206: {  	[tilespmem:s21+$0xA830] =	vst v1  }
0x207: {  	v1 =	vld [tilespmem:$0xC0];
	_ =	sdelay $0x4  }
0x208: {  	v1 =	vmul.f32 v1, v50;
	_ =	sdelay $0x1  }
0x209: {  	[tilespmem:s21+$0xA840] =	vst v1  }
0x20a: {  	v1 =	vld [tilespmem:$0xD0];
	_ =	sdelay $0x4  }
0x20b: {  	v1 =	vmul.f32 v1, v50;
	_ =	sdelay $0x1  }
0x20c: {  	[tilespmem:s21+$0xA850] =	vst v1  }
0x20d: {  	v1 =	vld [tilespmem:$0xE0];
	_ =	sdelay $0x4  }
0x20e: {  	v1 =	vmul.f32 v1, v50;
	_ =	sdelay $0x1  }
0x20f: {  	[tilespmem:s21+$0xA860] =	vst v1  }
0x210: {  	v1 =	vld [tilespmem:$0xF0];
	_ =	sdelay $0x4  }
0x211: {  	v1 =	vmul.f32 v1, v50;
	_ =	sdelay $0x1  }
0x212: {  	[tilespmem:s21+$0xA870] =	vst v1  }
0x213: {  	v1 =	vld [tilespmem:$0x100];
	_ =	sdelay $0x2  }
0x214: {  	v51 =	vbroadcast v0, $0x2;
	_ =	sdelay $0x1  }
0x215: {  	v1 =	vmul.f32 v1, v51;
	_ =	sdelay $0x1  }
0x216: {  	[tilespmem:s21+$0xAC00] =	vst v1  }
0x217: {  	v1 =	vld [tilespmem:$0x110];
	_ =	sdelay $0x4  }
0x218: {  	v1 =	vmul.f32 v1, v51;
	_ =	sdelay $0x1  }
0x219: {  	[tilespmem:s21+$0xAC10] =	vst v1  }
0x21a: {  	v1 =	vld [tilespmem:$0x120];
	_ =	sdelay $0x4  }
0x21b: {  	v1 =	vmul.f32 v1, v51;
	_ =	sdelay $0x1  }
0x21c: {  	[tilespmem:s21+$0xAC20] =	vst v1  }
0x21d: {  	v1 =	vld [tilespmem:$0x130];
	_ =	sdelay $0x4  }
0x21e: {  	v1 =	vmul.f32 v1, v51;
	_ =	sdelay $0x1  }
0x21f: {  	[tilespmem:s21+$0xAC30] =	vst v1  }
0x220: {  	v1 =	vld [tilespmem:$0x140];
	_ =	sdelay $0x4  }
0x221: {  	v1 =	vmul.f32 v1, v51;
	_ =	sdelay $0x1  }
0x222: {  	[tilespmem:s21+$0xAC40] =	vst v1  }
0x223: {  	v1 =	vld [tilespmem:$0x150];
	_ =	sdelay $0x4  }
0x224: {  	v1 =	vmul.f32 v1, v51;
	_ =	sdelay $0x1  }
0x225: {  	[tilespmem:s21+$0xAC50] =	vst v1  }
0x226: {  	v1 =	vld [tilespmem:$0x160];
	_ =	sdelay $0x4  }
0x227: {  	v1 =	vmul.f32 v1, v51;
	_ =	sdelay $0x1  }
0x228: {  	[tilespmem:s21+$0xAC60] =	vst v1  }
0x229: {  	v1 =	vld [tilespmem:$0x170];
	_ =	sdelay $0x4  }
0x22a: {  	v1 =	vmul.f32 v1, v51;
	_ =	sdelay $0x1  }
0x22b: {  	[tilespmem:s21+$0xAC70] =	vst v1  }
0x22c: {  	v1 =	vld [tilespmem:$0x180];
	_ =	sdelay $0x2  }
0x22d: {  	v52 =	vbroadcast v0, $0x3;
	_ =	sdelay $0x1  }
0x22e: {  	s22 =	sor.u32 s26, s20;
	v1 =	vmul.f32 v1, v52  }
0x22f: {  	s22 =	sor.u32 $0x8C00, s22  }
0x230: {  	[tilespmem:s22+$0x2400] =	vst v1  }
0x231: {  	v1 =	vld [tilespmem:$0x190];
	_ =	sdelay $0x4  }
0x232: {  	v1 =	vmul.f32 v1, v52;
	_ =	sdelay $0x1  }
0x233: {  	[tilespmem:s22+$0x2410] =	vst v1  }
0x234: {  	v1 =	vld [tilespmem:$0x1A0];
	_ =	sdelay $0x4  }
0x235: {  	v1 =	vmul.f32 v1, v52;
	_ =	sdelay $0x1  }
0x236: {  	[tilespmem:s22+$0x2420] =	vst v1  }
0x237: {  	v1 =	vld [tilespmem:$0x1B0];
	_ =	sdelay $0x4  }
0x238: {  	v1 =	vmul.f32 v1, v52;
	_ =	sdelay $0x1  }
0x239: {  	[tilespmem:s22+$0x2430] =	vst v1  }
0x23a: {  	v1 =	vld [tilespmem:$0x1C0];
	_ =	sdelay $0x4  }
0x23b: {  	v1 =	vmul.f32 v1, v52;
	_ =	sdelay $0x1  }
0x23c: {  	[tilespmem:s22+$0x2440] =	vst v1  }
0x23d: {  	v1 =	vld [tilespmem:$0x1D0];
	_ =	sdelay $0x4  }
0x23e: {  	v1 =	vmul.f32 v1, v52;
	_ =	sdelay $0x1  }
0x23f: {  	[tilespmem:s22+$0x2450] =	vst v1  }
0x240: {  	v1 =	vld [tilespmem:$0x1E0];
	_ =	sdelay $0x4  }
0x241: {  	v1 =	vmul.f32 v1, v52;
	_ =	sdelay $0x1  }
0x242: {  	[tilespmem:s22+$0x2460] =	vst v1  }
0x243: {  	v1 =	vld [tilespmem:$0x1F0];
	_ =	sdelay $0x4  }
0x244: {  	v1 =	vmul.f32 v1, v52;
	_ =	sdelay $0x1  }
0x245: {  	[tilespmem:s22+$0x2470] =	vst v1  }
0x246: {  	v1 =	vld [tilespmem:$0x200];
	_ =	sdelay $0x2  }
0x247: {  	v53 =	vbroadcast v0, $0x4;
	_ =	sdelay $0x1  }
0x248: {  	v1 =	vmul.f32 v1, v53;
	_ =	sdelay $0x1  }
0x249: {  	[tilespmem:s21+$0xB400] =	vst v1  }
0x24a: {  	v1 =	vld [tilespmem:$0x210];
	_ =	sdelay $0x4  }
0x24b: {  	v1 =	vmul.f32 v1, v53;
	_ =	sdelay $0x1  }
0x24c: {  	[tilespmem:s21+$0xB410] =	vst v1  }
0x24d: {  	v1 =	vld [tilespmem:$0x220];
	_ =	sdelay $0x4  }
0x24e: {  	v1 =	vmul.f32 v1, v53;
	_ =	sdelay $0x1  }
0x24f: {  	[tilespmem:s21+$0xB420] =	vst v1  }
0x250: {  	v1 =	vld [tilespmem:$0x230];
	_ =	sdelay $0x4  }
0x251: {  	v1 =	vmul.f32 v1, v53;
	_ =	sdelay $0x1  }
0x252: {  	[tilespmem:s21+$0xB430] =	vst v1  }
0x253: {  	v1 =	vld [tilespmem:$0x240];
	_ =	sdelay $0x4  }
0x254: {  	v1 =	vmul.f32 v1, v53;
	_ =	sdelay $0x1  }
0x255: {  	[tilespmem:s21+$0xB440] =	vst v1  }
0x256: {  	v1 =	vld [tilespmem:$0x250];
	_ =	sdelay $0x4  }
0x257: {  	v1 =	vmul.f32 v1, v53;
	_ =	sdelay $0x1  }
0x258: {  	[tilespmem:s21+$0xB450] =	vst v1  }
0x259: {  	v1 =	vld [tilespmem:$0x260];
	_ =	sdelay $0x4  }
0x25a: {  	v1 =	vmul.f32 v1, v53;
	_ =	sdelay $0x1  }
0x25b: {  	[tilespmem:s21+$0xB460] =	vst v1  }
0x25c: {  	v1 =	vld [tilespmem:$0x270];
	_ =	sdelay $0x4  }
0x25d: {  	v1 =	vmul.f32 v1, v53;
	_ =	sdelay $0x1  }
0x25e: {  	[tilespmem:s21+$0xB470] =	vst v1  }
0x25f: {  	v1 =	vld [tilespmem:$0x280];
	_ =	sdelay $0x2  }
0x260: {  	v54 =	vbroadcast v0, $0x5;
	_ =	sdelay $0x1  }
0x261: {  	v1 =	vmul.f32 v1, v54;
	_ =	sdelay $0x1  }
0x262: {  	[tilespmem:s21+$0xB800] =	vst v1  }
0x263: {  	v1 =	vld [tilespmem:$0x290];
	_ =	sdelay $0x4  }
0x264: {  	v1 =	vmul.f32 v1, v54;
	_ =	sdelay $0x1  }
0x265: {  	[tilespmem:s21+$0xB810] =	vst v1  }
0x266: {  	v1 =	vld [tilespmem:$0x2A0];
	_ =	sdelay $0x4  }
0x267: {  	v1 =	vmul.f32 v1, v54;
	_ =	sdelay $0x1  }
0x268: {  	[tilespmem:s21+$0xB820] =	vst v1  }
0x269: {  	v1 =	vld [tilespmem:$0x2B0];
	_ =	sdelay $0x4  }
0x26a: {  	v1 =	vmul.f32 v1, v54;
	_ =	sdelay $0x1  }
0x26b: {  	[tilespmem:s21+$0xB830] =	vst v1  }
0x26c: {  	v1 =	vld [tilespmem:$0x2C0];
	_ =	sdelay $0x4  }
0x26d: {  	v1 =	vmul.f32 v1, v54;
	_ =	sdelay $0x1  }
0x26e: {  	[tilespmem:s21+$0xB840] =	vst v1  }
0x26f: {  	v1 =	vld [tilespmem:$0x2D0];
	_ =	sdelay $0x4  }
0x270: {  	v1 =	vmul.f32 v1, v54;
	_ =	sdelay $0x1  }
0x271: {  	[tilespmem:s21+$0xB850] =	vst v1  }
0x272: {  	v1 =	vld [tilespmem:$0x2E0];
	_ =	sdelay $0x4  }
0x273: {  	v1 =	vmul.f32 v1, v54;
	_ =	sdelay $0x1  }
0x274: {  	[tilespmem:s21+$0xB860] =	vst v1  }
0x275: {  	v1 =	vld [tilespmem:$0x2F0];
	_ =	sdelay $0x4  }
0x276: {  	v1 =	vmul.f32 v1, v54;
	_ =	sdelay $0x1  }
0x277: {  	[tilespmem:s21+$0xB870] =	vst v1  }
0x278: {  	v1 =	vld [tilespmem:$0x300];
	_ =	sdelay $0x2  }
0x279: {  	s29 =	sand.u32 $0x3, s18;
	v55 =	vbroadcast v0, $0x6  }
0x27a: {  	s22 =	sshll.u32 s29, $0x8  }
0x27b: {  	s22 =	sadd.s32 s22, s19;
	v1 =	vmul.f32 v1, v55  }
0x27c: {  	s23 =	sor.u32 $0x9800, s22  }
0x27d: {  	[tilespmem:s23+$0x2400] =	vst v1  }
0x27e: {  	v1 =	vld [tilespmem:$0x310];
	_ =	sdelay $0x4  }
0x27f: {  	v1 =	vmul.f32 v1, v55;
	_ =	sdelay $0x1  }
0x280: {  	[tilespmem:s23+$0x2410] =	vst v1  }
0x281: {  	v1 =	vld [tilespmem:$0x320];
	_ =	sdelay $0x4  }
0x282: {  	v1 =	vmul.f32 v1, v55;
	_ =	sdelay $0x1  }
0x283: {  	[tilespmem:s23+$0x2420] =	vst v1  }
0x284: {  	v1 =	vld [tilespmem:$0x330];
	_ =	sdelay $0x4  }
0x285: {  	v1 =	vmul.f32 v1, v55;
	_ =	sdelay $0x1  }
0x286: {  	[tilespmem:s23+$0x2430] =	vst v1  }
0x287: {  	v1 =	vld [tilespmem:$0x340];
	_ =	sdelay $0x4  }
0x288: {  	v1 =	vmul.f32 v1, v55;
	_ =	sdelay $0x1  }
0x289: {  	[tilespmem:s23+$0x2440] =	vst v1  }
0x28a: {  	v1 =	vld [tilespmem:$0x350];
	_ =	sdelay $0x4  }
0x28b: {  	v1 =	vmul.f32 v1, v55;
	_ =	sdelay $0x1  }
0x28c: {  	[tilespmem:s23+$0x2450] =	vst v1  }
0x28d: {  	v1 =	vld [tilespmem:$0x360];
	_ =	sdelay $0x4  }
0x28e: {  	v1 =	vmul.f32 v1, v55;
	_ =	sdelay $0x1  }
0x28f: {  	[tilespmem:s23+$0x2460] =	vst v1  }
0x290: {  	v1 =	vld [tilespmem:$0x370];
	_ =	sdelay $0x4  }
0x291: {  	v1 =	vmul.f32 v1, v55;
	_ =	sdelay $0x1  }
0x292: {  	[tilespmem:s23+$0x2470] =	vst v1  }
0x293: {  	v1 =	vld [tilespmem:$0x380];
	_ =	sdelay $0x2  }
0x294: {  	v56 =	vbroadcast v0, $0x7;
	_ =	sdelay $0x1  }
0x295: {  	s30 =	sor.u32 s19, s20;
	v1 =	vmul.f32 v1, v56  }
0x296: {  	s23 =	sor.u32 $0x9C00, s30  }
0x297: {  	[tilespmem:s23+$0x2400] =	vst v1  }
0x298: {  	v1 =	vld [tilespmem:$0x390];
	_ =	sdelay $0x4  }
0x299: {  	v1 =	vmul.f32 v1, v56;
	_ =	sdelay $0x1  }
0x29a: {  	[tilespmem:s23+$0x2410] =	vst v1  }
0x29b: {  	v1 =	vld [tilespmem:$0x3A0];
	_ =	sdelay $0x4  }
0x29c: {  	v1 =	vmul.f32 v1, v56;
	_ =	sdelay $0x1  }
0x29d: {  	[tilespmem:s23+$0x2420] =	vst v1  }
0x29e: {  	v1 =	vld [tilespmem:$0x3B0];
	_ =	sdelay $0x4  }
0x29f: {  	v1 =	vmul.f32 v1, v56;
	_ =	sdelay $0x1  }
0x2a0: {  	[tilespmem:s23+$0x2430] =	vst v1  }
0x2a1: {  	v1 =	vld [tilespmem:$0x3C0];
	_ =	sdelay $0x4  }
0x2a2: {  	v1 =	vmul.f32 v1, v56;
	_ =	sdelay $0x1  }
0x2a3: {  	[tilespmem:s23+$0x2440] =	vst v1  }
0x2a4: {  	v1 =	vld [tilespmem:$0x3D0];
	_ =	sdelay $0x4  }
0x2a5: {  	v1 =	vmul.f32 v1, v56;
	_ =	sdelay $0x1  }
0x2a6: {  	[tilespmem:s23+$0x2450] =	vst v1  }
0x2a7: {  	v1 =	vld [tilespmem:$0x3E0];
	_ =	sdelay $0x4  }
0x2a8: {  	v1 =	vmul.f32 v1, v56;
	_ =	sdelay $0x1  }
0x2a9: {  	[tilespmem:s23+$0x2460] =	vst v1  }
0x2aa: {  	v1 =	vld [tilespmem:$0x3F0];
	_ =	sdelay $0x4  }
0x2ab: {  	v1 =	vmul.f32 v1, v56;
	_ =	sdelay $0x1  }
0x2ac: {  	[tilespmem:s23+$0x2470] =	vst v1  }
0x2ad: {  	v1 =	vld [tilespmem:$0x0];
	_ =	sdelay $0x2  }
0x2ae: {  	v57 =	vbroadcast v0, $0x8;
	_ =	sdelay $0x1  }
0x2af: {  	v1 =	vmul.f32 v1, v57;
	_ =	sdelay $0x1  }
0x2b0: {  	[tilespmem:s21+$0xA480] =	vst v1  }
0x2b1: {  	v1 =	vld [tilespmem:$0x10];
	_ =	sdelay $0x4  }
0x2b2: {  	v1 =	vmul.f32 v1, v57;
	_ =	sdelay $0x1  }
0x2b3: {  	[tilespmem:s21+$0xA490] =	vst v1  }
0x2b4: {  	v1 =	vld [tilespmem:$0x20];
	_ =	sdelay $0x4  }
0x2b5: {  	v1 =	vmul.f32 v1, v57;
	_ =	sdelay $0x1  }
0x2b6: {  	[tilespmem:s21+$0xA4A0] =	vst v1  }
0x2b7: {  	v1 =	vld [tilespmem:$0x30];
	_ =	sdelay $0x4  }
0x2b8: {  	v1 =	vmul.f32 v1, v57;
	_ =	sdelay $0x1  }
0x2b9: {  	[tilespmem:s21+$0xA4B0] =	vst v1  }
0x2ba: {  	v1 =	vld [tilespmem:$0x40];
	_ =	sdelay $0x4  }
0x2bb: {  	v1 =	vmul.f32 v1, v57;
	_ =	sdelay $0x1  }
0x2bc: {  	[tilespmem:s21+$0xA4C0] =	vst v1  }
0x2bd: {  	v1 =	vld [tilespmem:$0x50];
	_ =	sdelay $0x4  }
0x2be: {  	v1 =	vmul.f32 v1, v57;
	_ =	sdelay $0x1  }
0x2bf: {  	[tilespmem:s21+$0xA4D0] =	vst v1  }
0x2c0: {  	v1 =	vld [tilespmem:$0x60];
	_ =	sdelay $0x4  }
0x2c1: {  	v1 =	vmul.f32 v1, v57;
	_ =	sdelay $0x1  }
0x2c2: {  	[tilespmem:s21+$0xA4E0] =	vst v1  }
0x2c3: {  	v1 =	vld [tilespmem:$0x70];
	_ =	sdelay $0x4  }
0x2c4: {  	v1 =	vmul.f32 v1, v57;
	_ =	sdelay $0x1  }
0x2c5: {  	[tilespmem:s21+$0xA4F0] =	vst v1  }
0x2c6: {  	v1 =	vld [tilespmem:$0x80];
	_ =	sdelay $0x2  }
0x2c7: {  	v58 =	vbroadcast v0, $0x9;
	_ =	sdelay $0x1  }
0x2c8: {  	v1 =	vmul.f32 v1, v58;
	_ =	sdelay $0x1  }
0x2c9: {  	[tilespmem:s21+$0xA880] =	vst v1  }
0x2ca: {  	v1 =	vld [tilespmem:$0x90];
	_ =	sdelay $0x4  }
0x2cb: {  	v1 =	vmul.f32 v1, v58;
	_ =	sdelay $0x1  }
0x2cc: {  	[tilespmem:s21+$0xA890] =	vst v1  }
0x2cd: {  	v1 =	vld [tilespmem:$0xA0];
	_ =	sdelay $0x4  }
0x2ce: {  	v1 =	vmul.f32 v1, v58;
	_ =	sdelay $0x1  }
0x2cf: {  	[tilespmem:s21+$0xA8A0] =	vst v1  }
0x2d0: {  	v1 =	vld [tilespmem:$0xB0];
	_ =	sdelay $0x4  }
0x2d1: {  	v1 =	vmul.f32 v1, v58;
	_ =	sdelay $0x1  }
0x2d2: {  	[tilespmem:s21+$0xA8B0] =	vst v1  }
0x2d3: {  	v1 =	vld [tilespmem:$0xC0];
	_ =	sdelay $0x4  }
0x2d4: {  	v1 =	vmul.f32 v1, v58;
	_ =	sdelay $0x1  }
0x2d5: {  	[tilespmem:s21+$0xA8C0] =	vst v1  }
0x2d6: {  	v1 =	vld [tilespmem:$0xD0];
	_ =	sdelay $0x4  }
0x2d7: {  	v1 =	vmul.f32 v1, v58;
	_ =	sdelay $0x1  }
0x2d8: {  	[tilespmem:s21+$0xA8D0] =	vst v1  }
0x2d9: {  	v1 =	vld [tilespmem:$0xE0];
	_ =	sdelay $0x4  }
0x2da: {  	v1 =	vmul.f32 v1, v58;
	_ =	sdelay $0x1  }
0x2db: {  	[tilespmem:s21+$0xA8E0] =	vst v1  }
0x2dc: {  	v1 =	vld [tilespmem:$0xF0];
	_ =	sdelay $0x4  }
0x2dd: {  	v1 =	vmul.f32 v1, v58;
	_ =	sdelay $0x1  }
0x2de: {  	[tilespmem:s21+$0xA8F0] =	vst v1  }
0x2df: {  	v1 =	vld [tilespmem:$0x100];
	_ =	sdelay $0x2  }
0x2e0: {  	v59 =	vbroadcast v0, $0xA;
	_ =	sdelay $0x1  }
0x2e1: {  	v1 =	vmul.f32 v1, v59;
	_ =	sdelay $0x1  }
0x2e2: {  	[tilespmem:s21+$0xAC80] =	vst v1  }
0x2e3: {  	v1 =	vld [tilespmem:$0x110];
	_ =	sdelay $0x4  }
0x2e4: {  	v1 =	vmul.f32 v1, v59;
	_ =	sdelay $0x1  }
0x2e5: {  	[tilespmem:s21+$0xAC90] =	vst v1  }
0x2e6: {  	v1 =	vld [tilespmem:$0x120];
	_ =	sdelay $0x4  }
0x2e7: {  	v1 =	vmul.f32 v1, v59;
	_ =	sdelay $0x1  }
0x2e8: {  	[tilespmem:s21+$0xACA0] =	vst v1  }
0x2e9: {  	v1 =	vld [tilespmem:$0x130];
	_ =	sdelay $0x4  }
0x2ea: {  	v1 =	vmul.f32 v1, v59;
	_ =	sdelay $0x1  }
0x2eb: {  	[tilespmem:s21+$0xACB0] =	vst v1  }
0x2ec: {  	v1 =	vld [tilespmem:$0x140];
	_ =	sdelay $0x4  }
0x2ed: {  	v1 =	vmul.f32 v1, v59;
	_ =	sdelay $0x1  }
0x2ee: {  	[tilespmem:s21+$0xACC0] =	vst v1  }
0x2ef: {  	v1 =	vld [tilespmem:$0x150];
	_ =	sdelay $0x4  }
0x2f0: {  	v1 =	vmul.f32 v1, v59;
	_ =	sdelay $0x1  }
0x2f1: {  	[tilespmem:s21+$0xACD0] =	vst v1  }
0x2f2: {  	v1 =	vld [tilespmem:$0x160];
	_ =	sdelay $0x4  }
0x2f3: {  	v1 =	vmul.f32 v1, v59;
	_ =	sdelay $0x1  }
0x2f4: {  	[tilespmem:s21+$0xACE0] =	vst v1  }
0x2f5: {  	v1 =	vld [tilespmem:$0x170];
	_ =	sdelay $0x4  }
0x2f6: {  	v1 =	vmul.f32 v1, v59;
	_ =	sdelay $0x1  }
0x2f7: {  	[tilespmem:s21+$0xACF0] =	vst v1  }
0x2f8: {  	v1 =	vld [tilespmem:$0x180];
	_ =	sdelay $0x2  }
0x2f9: {  	v60 =	vbroadcast v0, $0xB;
	_ =	sdelay $0x1  }
0x2fa: {  	v1 =	vmul.f32 v1, v60;
	_ =	sdelay $0x1  }
0x2fb: {  	[tilespmem:s21+$0xB080] =	vst v1  }
0x2fc: {  	v1 =	vld [tilespmem:$0x190];
	_ =	sdelay $0x4  }
0x2fd: {  	v1 =	vmul.f32 v1, v60;
	_ =	sdelay $0x1  }
0x2fe: {  	[tilespmem:s21+$0xB090] =	vst v1  }
0x2ff: {  	v1 =	vld [tilespmem:$0x1A0];
	_ =	sdelay $0x4  }
0x300: {  	v1 =	vmul.f32 v1, v60;
	_ =	sdelay $0x1  }
0x301: {  	[tilespmem:s21+$0xB0A0] =	vst v1  }
0x302: {  	v1 =	vld [tilespmem:$0x1B0];
	_ =	sdelay $0x4  }
0x303: {  	v1 =	vmul.f32 v1, v60;
	_ =	sdelay $0x1  }
0x304: {  	[tilespmem:s21+$0xB0B0] =	vst v1  }
0x305: {  	v1 =	vld [tilespmem:$0x1C0];
	_ =	sdelay $0x4  }
0x306: {  	v1 =	vmul.f32 v1, v60;
	_ =	sdelay $0x1  }
0x307: {  	[tilespmem:s21+$0xB0C0] =	vst v1  }
0x308: {  	v1 =	vld [tilespmem:$0x1D0];
	_ =	sdelay $0x4  }
0x309: {  	v1 =	vmul.f32 v1, v60;
	_ =	sdelay $0x1  }
0x30a: {  	[tilespmem:s21+$0xB0D0] =	vst v1  }
0x30b: {  	v1 =	vld [tilespmem:$0x1E0];
	_ =	sdelay $0x4  }
0x30c: {  	v1 =	vmul.f32 v1, v60;
	_ =	sdelay $0x1  }
0x30d: {  	[tilespmem:s21+$0xB0E0] =	vst v1  }
0x30e: {  	v1 =	vld [tilespmem:$0x1F0];
	_ =	sdelay $0x4  }
0x30f: {  	v1 =	vmul.f32 v1, v60;
	_ =	sdelay $0x1  }
0x310: {  	[tilespmem:s21+$0xB0F0] =	vst v1  }
0x311: {  	v1 =	vld [tilespmem:$0x200];
	_ =	sdelay $0x2  }
0x312: {  	v61 =	vbroadcast v0, $0xC;
	_ =	sdelay $0x1  }
0x313: {  	v1 =	vmul.f32 v1, v61;
	_ =	sdelay $0x1  }
0x314: {  	[tilespmem:s21+$0xB480] =	vst v1  }
0x315: {  	v1 =	vld [tilespmem:$0x210];
	_ =	sdelay $0x4  }
0x316: {  	v1 =	vmul.f32 v1, v61;
	_ =	sdelay $0x1  }
0x317: {  	[tilespmem:s21+$0xB490] =	vst v1  }
0x318: {  	v1 =	vld [tilespmem:$0x220];
	_ =	sdelay $0x4  }
0x319: {  	v1 =	vmul.f32 v1, v61;
	_ =	sdelay $0x1  }
0x31a: {  	[tilespmem:s21+$0xB4A0] =	vst v1  }
0x31b: {  	v1 =	vld [tilespmem:$0x230];
	_ =	sdelay $0x4  }
0x31c: {  	v1 =	vmul.f32 v1, v61;
	_ =	sdelay $0x1  }
0x31d: {  	[tilespmem:s21+$0xB4B0] =	vst v1  }
0x31e: {  	v1 =	vld [tilespmem:$0x240];
	_ =	sdelay $0x4  }
0x31f: {  	v1 =	vmul.f32 v1, v61;
	_ =	sdelay $0x1  }
0x320: {  	[tilespmem:s21+$0xB4C0] =	vst v1  }
0x321: {  	v1 =	vld [tilespmem:$0x250];
	_ =	sdelay $0x4  }
0x322: {  	v1 =	vmul.f32 v1, v61;
	_ =	sdelay $0x1  }
0x323: {  	[tilespmem:s21+$0xB4D0] =	vst v1  }
0x324: {  	v1 =	vld [tilespmem:$0x260];
	_ =	sdelay $0x4  }
0x325: {  	v1 =	vmul.f32 v1, v61;
	_ =	sdelay $0x1  }
0x326: {  	[tilespmem:s21+$0xB4E0] =	vst v1  }
0x327: {  	v1 =	vld [tilespmem:$0x270];
	_ =	sdelay $0x4  }
0x328: {  	v1 =	vmul.f32 v1, v61;
	_ =	sdelay $0x1  }
0x329: {  	[tilespmem:s21+$0xB4F0] =	vst v1  }
0x32a: {  	v1 =	vld [tilespmem:$0x280];
	_ =	sdelay $0x2  }
0x32b: {  	v62 =	vbroadcast v0, $0xD;
	_ =	sdelay $0x1  }
0x32c: {  	v1 =	vmul.f32 v1, v62;
	_ =	sdelay $0x1  }
0x32d: {  	[tilespmem:s21+$0xB880] =	vst v1  }
0x32e: {  	v1 =	vld [tilespmem:$0x290];
	_ =	sdelay $0x4  }
0x32f: {  	v1 =	vmul.f32 v1, v62;
	_ =	sdelay $0x1  }
0x330: {  	[tilespmem:s21+$0xB890] =	vst v1  }
0x331: {  	v1 =	vld [tilespmem:$0x2A0];
	_ =	sdelay $0x4  }
0x332: {  	v1 =	vmul.f32 v1, v62;
	_ =	sdelay $0x1  }
0x333: {  	[tilespmem:s21+$0xB8A0] =	vst v1  }
0x334: {  	v1 =	vld [tilespmem:$0x2B0];
	_ =	sdelay $0x4  }
0x335: {  	v1 =	vmul.f32 v1, v62;
	_ =	sdelay $0x1  }
0x336: {  	[tilespmem:s21+$0xB8B0] =	vst v1  }
0x337: {  	v1 =	vld [tilespmem:$0x2C0];
	_ =	sdelay $0x4  }
0x338: {  	v1 =	vmul.f32 v1, v62;
	_ =	sdelay $0x1  }
0x339: {  	[tilespmem:s21+$0xB8C0] =	vst v1  }
0x33a: {  	v1 =	vld [tilespmem:$0x2D0];
	_ =	sdelay $0x4  }
0x33b: {  	v1 =	vmul.f32 v1, v62;
	_ =	sdelay $0x1  }
0x33c: {  	[tilespmem:s21+$0xB8D0] =	vst v1  }
0x33d: {  	v1 =	vld [tilespmem:$0x2E0];
	_ =	sdelay $0x4  }
0x33e: {  	v1 =	vmul.f32 v1, v62;
	_ =	sdelay $0x1  }
0x33f: {  	[tilespmem:s21+$0xB8E0] =	vst v1  }
0x340: {  	v1 =	vld [tilespmem:$0x2F0];
	_ =	sdelay $0x4  }
0x341: {  	v1 =	vmul.f32 v1, v62;
	_ =	sdelay $0x1  }
0x342: {  	[tilespmem:s21+$0xB8F0] =	vst v1  }
0x343: {  	v1 =	vld [tilespmem:$0x300];
	_ =	sdelay $0x2  }
0x344: {  	v63 =	vbroadcast v0, $0xE;
	_ =	sdelay $0x1  }
0x345: {  	s31 =	sadd.s32 $0x80, s22;
	v1 =	vmul.f32 v1, v63  }
0x346: {  	s22 =	sor.u32 $0x9800, s31  }
0x347: {  	[tilespmem:s22+$0x2400] =	vst v1  }
0x348: {  	v1 =	vld [tilespmem:$0x310];
	_ =	sdelay $0x4  }
0x349: {  	v1 =	vmul.f32 v1, v63;
	_ =	sdelay $0x1  }
0x34a: {  	[tilespmem:s22+$0x2410] =	vst v1  }
0x34b: {  	v1 =	vld [tilespmem:$0x320];
	_ =	sdelay $0x4  }
0x34c: {  	v1 =	vmul.f32 v1, v63;
	_ =	sdelay $0x1  }
0x34d: {  	[tilespmem:s22+$0x2420] =	vst v1  }
0x34e: {  	v1 =	vld [tilespmem:$0x330];
	_ =	sdelay $0x4  }
0x34f: {  	v1 =	vmul.f32 v1, v63;
	_ =	sdelay $0x1  }
0x350: {  	[tilespmem:s22+$0x2430] =	vst v1  }
0x351: {  	v1 =	vld [tilespmem:$0x340];
	_ =	sdelay $0x4  }
0x352: {  	v1 =	vmul.f32 v1, v63;
	_ =	sdelay $0x1  }
0x353: {  	[tilespmem:s22+$0x2440] =	vst v1  }
0x354: {  	v1 =	vld [tilespmem:$0x350];
	_ =	sdelay $0x4  }
0x355: {  	v1 =	vmul.f32 v1, v63;
	_ =	sdelay $0x1  }
0x356: {  	[tilespmem:s22+$0x2450] =	vst v1  }
0x357: {  	v1 =	vld [tilespmem:$0x360];
	_ =	sdelay $0x4  }
0x358: {  	v1 =	vmul.f32 v1, v63;
	_ =	sdelay $0x1  }
0x359: {  	[tilespmem:s22+$0x2460] =	vst v1  }
0x35a: {  	v1 =	vld [tilespmem:$0x370];
	_ =	sdelay $0x4  }
0x35b: {  	v1 =	vmul.f32 v1, v63;
	_ =	sdelay $0x1  }
0x35c: {  	[tilespmem:s22+$0x2470] =	vst v1  }
0x35d: {  	v1 =	vld [tilespmem:$0x380];
	_ =	sdelay $0x2  }
0x35e: {  	v0 =	vbroadcast v0, $0xF;
	_ =	sdelay $0x1  }
0x35f: {  	v1 =	vmul.f32 v1, v0  }
0x360: {  	s21 =	sor.u32 $0x9C00, s31  }
0x361: {  	[tilespmem:s21+$0x2400] =	vst v1  }
0x362: {  	v1 =	vld [tilespmem:$0x390];
	_ =	sdelay $0x4  }
0x363: {  	v1 =	vmul.f32 v1, v0;
	_ =	sdelay $0x1  }
0x364: {  	[tilespmem:s21+$0x2410] =	vst v1  }
0x365: {  	v1 =	vld [tilespmem:$0x3A0];
	_ =	sdelay $0x4  }
0x366: {  	v1 =	vmul.f32 v1, v0;
	_ =	sdelay $0x1  }
0x367: {  	[tilespmem:s21+$0x2420] =	vst v1  }
0x368: {  	v1 =	vld [tilespmem:$0x3B0];
	_ =	sdelay $0x4  }
0x369: {  	v1 =	vmul.f32 v1, v0;
	_ =	sdelay $0x1  }
0x36a: {  	[tilespmem:s21+$0x2430] =	vst v1  }
0x36b: {  	v1 =	vld [tilespmem:$0x3C0];
	_ =	sdelay $0x4  }
0x36c: {  	v1 =	vmul.f32 v1, v0;
	_ =	sdelay $0x1  }
0x36d: {  	[tilespmem:s21+$0x2440] =	vst v1  }
0x36e: {  	v1 =	vld [tilespmem:$0x3D0];
	_ =	sdelay $0x4  }
0x36f: {  	v1 =	vmul.f32 v1, v0;
	_ =	sdelay $0x1  }
0x370: {  	[tilespmem:s21+$0x2450] =	vst v1  }
0x371: {  	v1 =	vld [tilespmem:$0x3E0];
	_ =	sdelay $0x4  }
0x372: {  	v1 =	vmul.f32 v1, v0;
	_ =	sdelay $0x1  }
0x373: {  	[tilespmem:s21+$0x2460] =	vst v1  }
0x374: {  	v1 =	vld [tilespmem:$0x3F0];
	_ =	sdelay $0x1  }
0x375: {  	p0 =	sne.s32 s20, $0xF00  }
.Ltmp1:
0x376: {  	_ = 	snop;
	(pc) =	sbr.rel @p0 .LBB2_5-.Ltmp1, $4  }
0x377: {  	_ = 	snop  }
0x378: {  	v0 =	vmul.f32 v1, v0  }
0x379: {  	s18 =	sadd.s32 $0x1, s18  }
0x37a: {  	s17 =	sadd.s32 $0x10, s17;
	s20 =	sadd.s32 $0x100, s20;
	s19 =	sadd.s32 $0x800, s19;
	[tilespmem:s21+$0x2470] =	vst v0  }
0x37b: {  	s14 =	sadd.s32 $0x1, s14  }
0x37c: {  	p0 =	sne.s32 s14, $0x10  }
.Ltmp2:
0x37d: {  	_ = 	snop;
	(pc) =	sbr.rel @p0 .LBB2_2-.Ltmp2, $4  }
0x37e: {  	_ = 	snop  }
0x37f: {  	s15 =	sshll.u32 s15, $0xC  }
0x380: {  	s15 =	sadd.s32 s15, s5  }
0x381: {  	[hbm4b:s15+s3] =	stream.linear.scatter [tilespmem:s10], [sflag:$0x2], $0x8000, $0x38;
	[tilespmem:$0x12400] =	vst v63  }
0x382: {  	s13 =	sadd.s32 $0x1, s13  }
0x383: {  	_ =	swait.ge [sflag:s11], $0x8000;
	p0 =	sne.s32 s13, s6  }
.Ltmp3:
0x384: {  	[sflag:s11] =	ssyncset.done $0x0;
	(pc) =	sbr.rel @p0 .LBB2_1-.Ltmp3, $4  }
0x385: {  	[sflag:s11] =	ssyncadd.s32 $0xFFFF8000  }
0x386: {  	_ =	swait.ge [sflag:s12], $0x8000  }
0x387: {  	[sflag:s12] =	ssyncset.done $0x0  }
0x388: {  	[sflag:s12] =	ssyncadd.s32 $0xFFFF8000  }
0x389: {  	_ =	sfence.sel $0x180000  }
0x38a: {  	[bflag:$0x0] =	sbarrier.arrive $0xFFFF  }
0x38b: {  	p0 =	sne.s32 s2, $0x0;
	_ =	strace $0x90000047  }
0x38c: {  	s0 =	sadd.s32 @!p0 $0x100000, s0;
	[bflag:$0x2] =	sbarrier.arrive $0xFFFF  }
0x38d: {  	[sflag:s0] =	ssyncadd.tile.s32 @!p0 $0x1;
	_ =	shalt  }
.Lfunc_end2:
_tile_overlayer_lowered:
.L_overlay_start_2:
0x38e: {  	(tag) =	ssettag $0x2  }
0x38f: {  	s0 =	rddreg [dreg:$0x0];
	s2 =	stileid.u32  }
0x390: {  	s1 =	rddreg [dreg:$0x1];
	p0 =	sne.s32 s2, $0x0  }
0x391: {  	s3 =	rddreg [dreg:$0x2];
	[bflag:$0x3] =	sbarrier.arrive $0xFFFF;
	s2 =	simm.s32 @!p0 $0x1C03  }
0x392: {  	[timem:s3], [sflag:s2] =	dma.local @!p0 [hbm:s0], s1  }
0x393: {  	s0 =	simm.s32 @!p0 $0x3  }
0x394: {  	_ =	swait.ge @!p0 [sflag:s0], s1  }
0x395: {  	s1 =	ssub.s32 @!p0 $0x0, s1;
	[sflag:s0] =	ssyncset.done @!p0 $0x0  }
0x396: {  	[sflag:s0] =	ssyncadd.s32 @!p0 s1  }
0x397: {  	[bflag:$0x3] =	sbarrier.arrive $0xFFFF  }
0x398: {  	_ =	shalt  }

// kernel: sparse-core-data-format-call.cloned.1.call-start
scs
called_computation_lowered:
.L_overlay_start_0:
0x0: {  	s2 =	sld [smem:$0x3FD9]  }
0x1: {  	s3 =	sld [smem:$0x3FFE];
	_ =	sdelay $0x1  }
0x2: {  	s1 =	srdreg.scid  }
0x3: {  	s0 =	sand.u32 $0x1, s1  }
0x4: {  	s18 =	sshll.u32 s0, $0xA;
	s2 =	sadd.s32 s3, s2  }
0x5: {  	s2 =	sadd.s32 s2, s18  }
0x6: {  	[smem:$0x3FC6] =	sst s2  }
0x7: {  	_ = 	snop  }
0x8: {  	s2 =	sld [smem:$0x3FD0];
	(tm) =	ssettm $0x1  }
0x9: {  	s19 =	sld [smem:$0x3FFB];
	_ =	sdelay $0x3  }
0xa: {  	_ =	strace s19  }
0xb: {  	s3 =	sld [smem:$0x3FFC];
	_ =	sdelay $0x3  }
0xc: {  	_ =	strace s3  }
0xd: {  	s3 =	sld [smem:$0x3FFD];
	_ =	sdelay $0x3  }
0xe: {  	_ =	strace s3  }
0xf: {  	_ =	strace $0x8FFFFFFF  }
0x10: {  	s20 =	sld [smem:$0x3FDB];
	_ =	sdelay $0x1  }
0x11: {  	s4 =	simm.s32 $_scs_section_size  }
0x12: {  	s5 =	simm.s32 $_size__tile_overlayer_lowered;
	s6 =	simm.s32 $_tile_overlayer_lowered  }
0x13: {  	s23 =	simm.s32 $0x1BFF;
	s22 =	sshll.u32 s6, $0x1;
	s3 =	sadd.s32 s4, s20  }
0x14: {  	s7 =	simm.s32 $0x0;
	s21 =	sshll.u32 s5, $0x1;
	s5 =	sadd.s32 s22, s3  }
0x15: {  	[timem:s7], [sflag:s23] =	dma.local [hbm:s5], s21  }
0x16: {  	_ =	swait.ge [sflag:s23], s21  }
0x17: {  	s4 =	ssub.s32 $0x0, s21;
	[sflag:s23] =	ssyncset.done $0x0  }
0x18: {  	[sflag:s23] =	ssyncadd.s32 s4;
	_ =	sdelay $0x1  }
0x19: {  	s24 =	simm.s32 $0x1B8B  }
0x1a: {  	_ =	swait.ge [sflag:s24], $0x1  }
0x1b: {  	[sflag:s24] =	ssyncset.done $0x0  }
0x1c: {  	s26 =	simm.s32 $0x1B8E;
	s25 =	sld [smem:$0x3FFE];
	[sflag:s24] =	ssyncadd.s32 $0xFFFFFFFF  }
0x1d: {  	s27 =	simm.s32 $execute0_lowered;
	[smem:$0x3FD2] =	sst s26  }
0x1e: {  	s5 =	sshll.u32 s27, $0x1;
	_ =	strace $0x80000049;
	[dreg:$0x1] =	wrdreg $0xFFFFFFFF  }
0x1f: {  	s28 =	simm.s32 $_size_execute0_lowered;
	s3 =	sadd.s32 s3, s5;
	[dreg:$0x0] =	wrdreg $0x0  }
0x20: {  	s5 =	sshll.u32 s28, $0x1;
	[dreg:$0x2] =	wrdreg s3  }
0x21: {  	[dreg:$0x3] =	wrdreg s5  }
0x22: {  	[dreg:$0x4] =	wrdreg $0xC0  }
0x23: {  	_ =	task [dreg:s7], $0x5FFFF  }
0x24: {  	[dreg:$0x1] =	wrdreg $0xFFFFFFFF  }
0x25: {  	[dreg:$0x0] =	wrdreg $0x60  }
0x26: {  	[dreg:$0x2] =	wrdreg s25  }
0x27: {  	[dreg:$0x3] =	wrdreg s2  }
0x28: {  	[dreg:$0x4] =	wrdreg $0x9  }
0x29: {  	_ =	task.clear_ibuf [dreg:s7], $0x5FFFF;
	_ =	strace $0x90000049  }
0x2a: {  	s29 =	simm.s32 $0x9;
	_ =	strace $0x8000004B  }
0x2b: {  	_ =	swait.ge [sflag:s29], $0x1  }
0x2c: {  	[sflag:s29] =	ssyncadd.s32 $0xFFFFFFFF  }
0x2d: {  	_ =	strace $0x9000004B  }
0x2e: {  	_ =	sfence  }
0x2f: {  	s30 =	sld [smem:$0x0];
	_ =	sdelay $0x2  }
0x30: {  	s31 =	sshll.u32 s1, $0xD;
	s1 =	sshrl.u32 s1, $0x2  }
0x31: {  	s3 =	sand.u32 $0x4000, s31;
	s1 =	sadd.s32 s1, s30  }
0x32: {  	s0 =	sor.u32 s3, s0;
	s1 =	sshll.u32 s1, $0x11  }
0x33: {  	s0 =	sor.u32 s1, s0  }
0x34: {  	s0 =	sadd.s32 $0x8F2B, s0  }
0x35: {  	[sflag:s0] =	ssyncadd.remote.s32 $0x1  }
0x36: {  	_ =	sfence.sel $0xFFFF  }
0x37: {  	[dreg:$0x0] =	wrdreg $0xFFFFFFFF;
	(pc) =	sbr.abs _section_cstart, $3  }
0x38: {  	[dreg:$0x1] =	wrdreg $0xFFFFFFFF  }
0x39: {  	_ =	task.clear_ibuf [dreg:s7], $0x2FFFF;
	_ =	strace $0x9FFFFFFF  }
0x3a: {  	(tm) =	ssettm $0x7FFFFFFF  }
0x3b: {  	_ =	shalt  }
tec
execute0_lowered:
.L_overlay_start_1:
0x0: {  	(tag) =	ssettag $0x1  }
0x1: {  	s0 =	srdreg.scid  }
0x2: {  	s1 =	sshll.u32 s0, $0x4  }
0x3: {  	s4 =	rddreg [dreg:$0x0];
	s0 =	stileid.u32;
	s1 =	sand.u32 $0x10, s1  }
0x4: {  	s2 =	rddreg [dreg:$0x1];
	s7 =	simm.s32 $0x1;
	s1 =	sor.u32 s0, s1  }
0x5: {  	s8 =	simm.s32 $0x2;
	s9 =	simm.s32 $0x0;
	s3 =	sshll.u32 s1, $0x1  }
0x6: {  	s12 =	simm.s32 $0x0;
	s11 =	simm.s32 $0x0;
	s6 =	ssub.s32 $0x1000, s3  }
.Ltmp0:
0x7: {  	s4 =	sadd.s32 $0x800, s4;
	s5 =	sand.u32 $0x3E, s6;
	(pc) =	sbr.rel .LBB1_1-.Ltmp0, $4  }
0x8: {  	s1 =	rddreg [dreg:$0x2];
	_ =	strace $0x8000004A;
	p0 =	sne.s32 s5, $0x0  }
0x9: {  	s6 =	sshrl.u32 s6, $0x6;
	s5 =	simm.s32 $0x1;
	s7 =	simm.s32 @!p0 $0x0  }
0xa: {  	s10 =	smov.u32 s3;
	[sflag:s5] =	ssyncpa.u1 $0x0;
	s6 =	sadd.s32 s7, s6  }
0xb: {  	[sflag:s8] =	ssyncpa.u1 $0x0;
	s8 =	simm.s32 $0x0;
	s7 =	sadd.s32 $0x1, s6  }
.LBB1_9:
0xc: {  	s14 =	sadd.s32 $0x40, s10  }
0xd: {  	p1 =	sgt.s32 s14, $0xFFF  }
0xe: {  	s14 =	smov.u32 @p1 s3;
	p1 =	sne.s32 s11, s7  }
.Ltmp1:
0xf: {  	p0 =	slt.u32 s11, $0x2;
	(pc) =	sbr.rel @!p1 .LBB1_10-.Ltmp1, $4  }
0x10: {  	s13 =	simm.s32 @!p0 $0x2  }
0x11: {  	s15 =	sadd.s32 $0x1, s11;
	_ =	swait.ge @!p0 [sflag:s13], $0x4000  }
0x12: {  	s12 =	smov.u32 s10;
	s9 =	sadd.s32 $0x4000, s9;
	[sflag:s13] =	ssyncset.done @!p0 $0x0  }
0x13: {  	s11 =	smov.u32 s15;
	s10 =	smov.u32 s14;
	[sflag:s13] =	ssyncadd.s32 @!p0 $0xFFFFC000  }
.LBB1_1:
0x14: {  	p0 =	sge.u32 s11, s6  }
0x15: {  	s13 =	sxor.u32 @!p0 $0xFFFFFFFF, s11  }
0x16: {  	s31 =	sadd.s32 $0xFFFFFFFF, s11;
	s14 =	sshll.u32 @!p0 s10, $0xA;
	s13 =	sshll.u32 @!p0 s13, $0xE  }
0x17: {  	s15 =	simm.s32 @!p0 $0x0;
	s14 =	sadd.s32 @!p0 s4, s14;
	s13 =	sand.u32 @!p0 $0x4000, s13  }
0x18: {  	[tilespmem:s13], [sflag:$0x1] =	stream.linear.gather @!p0 [hbm4b:s14+s15], $0x4000, $0x38;
	[tilespmem:$0x10000] =	vst v63  }
0x19: {  	p0 =	sge.u32 s31, s6  }
.Ltmp2:
0x1a: {  	_ = 	snop;
	(pc) =	sbr.rel @p0 .LBB1_9-.Ltmp2, $1  }
0x1b: {  	_ =	sdelay $0x3  }
0x1c: {  	s13 =	sshll.u32 s9, $0x2  }
0x1d: {  	_ =	swait.ge [sflag:s5], $0x4000;
	s14 =	sshll.u32 s11, $0xE;
	s16 =	simm.s32 $0x0  }
0x1e: {  	p1 =	por $0x1, $0x1;
	s13 =	sand.u32 $0x10000, s13;
	[sflag:s5] =	ssyncset.done $0x0  }
0x1f: {  	s14 =	sand.u32 $0x4000, s14;
	s15 =	sshrl.u32 s13, $0x2;
	[sflag:s5] =	ssyncadd.s32 $0xFFFFC000  }
0x20: {  	s13 =	sor.u32 $0x8000, s14;
	s14 =	sadd.s32 $0x8040, s15;
	s15 =	sadd.s32 $0x40, s15  }
.LBB1_3:
0x21: {  	s16 =	sshll.u32 s16, $0x2  }
0x22: {  	p0 =	por p1, p1;
	s17 =	sshra.s32 s16, $0x2  }
0x23: {  	s18 =	simm.s32 $0x0;
	s16 =	sadd.s32 s17, s14;
	s17 =	sadd.s32 s17, s15  }
.LBB1_4:
0x24: {  	v0 =	vmov s17;
	_ =	sdelay $0x3  }
0x25: {  	s20 =	simm.s32 $0x0  }
0x26: {  	v6 =	vld.idx.msk [tilespmem:v0+s20+$0x30 ss:$0x1], $0xffff  }
0x27: {  	v7 =	vld.idx.msk [tilespmem:v0+s20+$0xFFFFFFC0 ss:$0x1], $0xffff  }
0x28: {  	v5 =	vld.idx.msk [tilespmem:v0+s20+$0xFFFFFFD0 ss:$0x1], $0xffff  }
0x29: {  	v4 =	vld.idx.msk [tilespmem:v0+s20+$0xFFFFFFE0 ss:$0x1], $0xffff  }
0x2a: {  	v3 =	vld.idx.msk [tilespmem:v0+s20+$0xFFFFFFF0 ss:$0x1], $0xffff  }
0x2b: {  	v1 =	vld.idx.msk [tilespmem:v0+s20+$0x0 ss:$0x1], $0xffff  }
0x2c: {  	v2 =	vld.idx.msk [tilespmem:v0+s20+$0x10 ss:$0x1], $0xffff;
	[tilespmem:s16+$0x30] =	vst v6  }
0x2d: {  	s19 =	simm.s32 $0x80;
	s21 =	simm.s32 $0x400;
	[tilespmem:s16+$0xFFFFFFC0] =	vst v7;
	v6 =	vld.idx.msk [tilespmem:v0+s20+$0x20 ss:$0x1], $0xffff;
	s20 =	smov.u32 s16  }
.LBB1_5:
0x2e: {  	p1 =	sne.s32 s21, $0xE00;
	v7 =	vld.idx.msk [tilespmem:v0+s19+$0x30 ss:$0x1], $0xffff;
	[tilespmem:s20+$0xFFFFFFD0] =	vst v5  }
0x2f: {  	v8 =	vld.idx.msk [tilespmem:v0+s19+$0xFFFFFFC0 ss:$0x1], $0xffff;
	[tilespmem:s20+$0xFFFFFFE0] =	vst v4  }
0x30: {  	v5 =	vld.idx.msk [tilespmem:v0+s19+$0xFFFFFFD0 ss:$0x1], $0xffff;
	[tilespmem:s20+$0xFFFFFFF0] =	vst v3  }
.Ltmp3:
0x31: {  	v4 =	vld.idx.msk [tilespmem:v0+s19+$0xFFFFFFE0 ss:$0x1], $0xffff;
	[tilespmem:s20+$0x0] =	vst v1;
	(pc) =	sbr.rel @p1 .LBB1_5-.Ltmp3, $4  }
0x32: {  	v3 =	vld.idx.msk [tilespmem:v0+s19+$0xFFFFFFF0 ss:$0x1], $0xffff;
	[tilespmem:s20+$0x10] =	vst v2  }
0x33: {  	v1 =	vld.idx.msk [tilespmem:v0+s19+$0x0 ss:$0x1], $0xffff;
	[tilespmem:s20+$0x20] =	vst v6;
	s20 =	sadd.s32 $0x400, s20  }
0x34: {  	v2 =	vld.idx.msk [tilespmem:v0+s19+$0x10 ss:$0x1], $0xffff;
	[tilespmem:s20+$0x30] =	vst v7  }
0x35: {  	[tilespmem:s20+$0xFFFFFFC0] =	vst v8;
	v6 =	vld.idx.msk [tilespmem:v0+s19+$0x20 ss:$0x1], $0xffff;
	s19 =	sshra.s32 s21, $0x2;
	s21 =	sadd.s32 $0x200, s21  }
0x36: {  	_ =	sdelay $0x2  }
0x37: {  	[tilespmem:s20+$0xFFFFFFD0] =	vst v5  }
0x38: {  	v56 =	vld.idx.msk [tilespmem:v0+s19+$0x30 ss:$0x1], $0xffff;
	[tilespmem:s20+$0xFFFFFFE0] =	vst v4  }
0x39: {  	v57 =	vld.idx.msk [tilespmem:v0+s19+$0xFFFFFFC0 ss:$0x1], $0xffff;
	[tilespmem:s20+$0xFFFFFFF0] =	vst v3  }
0x3a: {  	v58 =	vld.idx.msk [tilespmem:v0+s19+$0xFFFFFFD0 ss:$0x1], $0xffff;
	[tilespmem:s20+$0x0] =	vst v1  }
0x3b: {  	v59 =	vld.idx.msk [tilespmem:v0+s19+$0xFFFFFFE0 ss:$0x1], $0xffff;
	[tilespmem:s20+$0x10] =	vst v2  }
0x3c: {  	v60 =	vld.idx.msk [tilespmem:v0+s19+$0xFFFFFFF0 ss:$0x1], $0xffff;
	s31 =	sadd.s32 $0x400, s20;
	[tilespmem:s20+$0x20] =	vst v6  }
0x3d: {  	v61 =	vld.idx.msk [tilespmem:v0+s19+$0x0 ss:$0x1], $0xffff;
	[tilespmem:s31+$0x30] =	vst v56  }
0x3e: {  	v62 =	vld.idx.msk [tilespmem:v0+s19+$0x10 ss:$0x1], $0xffff;
	s18 =	sadd.s32 $0x1, s18;
	[tilespmem:s31+$0xFFFFFFC0] =	vst v57  }
0x3f: {  	v63 =	vld.idx.msk [tilespmem:v0+s19+$0x20 ss:$0x1], $0xffff;
	p1 =	sne.s32 s18, $0x8;
	[tilespmem:s31+$0xFFFFFFD0] =	vst v58  }
.Ltmp4:
0x40: {  	[tilespmem:s31+$0xFFFFFFE0] =	vst v59;
	(pc) =	sbr.rel @p1 .LBB1_4-.Ltmp4, $4  }
0x41: {  	[tilespmem:s31+$0xFFFFFFF0] =	vst v60  }
0x42: {  	[tilespmem:s31+$0x0] =	vst v61  }
0x43: {  	[tilespmem:s31+$0x10] =	vst v62  }
0x44: {  	s16 =	sadd.s32 $0x80, s16;
	s17 =	sadd.s32 $0x400, s17;
	[tilespmem:s31+$0x20] =	vst v63  }
.Ltmp5:
0x45: {  	(pc) =	sbr.rel @p0 .LBB1_3-.Ltmp5, $2  }
0x46: {  	_ =	sdelay $0x2  }
0x47: {  	s16 =	simm.s32 $0x2000;
	p1 =	por $0x0, $0x0  }
.Ltmp6:
0x48: {  	(pc) =	sbr.rel .LBB1_9-.Ltmp6, $4  }
0x49: {  	_ = 	snop  }
0x4a: {  	s12 =	sshll.u32 s12, $0xA  }
0x4b: {  	s12 =	sadd.s32 s2, s12  }
0x4c: {  	[hbm4b:s12+s8] =	stream.linear.scatter [tilespmem:s13], [sflag:$0x2], $0x4000, $0x38;
	[tilespmem:$0x10000] =	vst v63  }
.LBB1_10:
0x4d: {  	_ =	sfence.sel $0x180000  }
0x4e: {  	s2 =	simm.s32 $0x1;
	[bflag:$0x0] =	sbarrier.arrive $0xFFFF  }
0x4f: {  	s31 =	simm.s32 $0x2;
	[sflag:s2] =	ssyncpa.u1 $0x1  }
0x50: {  	[sflag:s31] =	ssyncpa.u1 $0x1  }
0x51: {  	p0 =	sne.s32 s0, $0x0;
	_ =	strace $0x9000004A  }
0x52: {  	s0 =	sadd.s32 @!p0 $0x100000, s1;
	[bflag:$0x2] =	sbarrier.arrive $0xFFFF  }
0x53: {  	[sflag:s0] =	ssyncadd.tile.s32 @!p0 $0x1;
	_ =	shalt  }
.Lfunc_end1:
_tile_overlayer_lowered:
.L_overlay_start_2:
0x54: {  	(tag) =	ssettag $0x2  }
0x55: {  	s0 =	rddreg [dreg:$0x0];
	s2 =	stileid.u32  }
0x56: {  	s1 =	rddreg [dreg:$0x1];
	p0 =	sne.s32 s2, $0x0  }
0x57: {  	s3 =	rddreg [dreg:$0x2];
	[bflag:$0x3] =	sbarrier.arrive $0xFFFF;
	s2 =	simm.s32 @!p0 $0x1C01  }
0x58: {  	[timem:s3], [sflag:s2] =	dma.local @!p0 [hbm:s0], s1  }
0x59: {  	s0 =	simm.s32 @!p0 $0x1  }
0x5a: {  	_ =	swait.ge @!p0 [sflag:s0], s1  }
0x5b: {  	s1 =	ssub.s32 @!p0 $0x0, s1;
	[sflag:s0] =	ssyncset.done @!p0 $0x0  }
0x5c: {  	[sflag:s0] =	ssyncadd.s32 @!p0 s1  }
0x5d: {  	[bflag:$0x3] =	sbarrier.arrive $0xFFFF  }
0x5e: {  	_ =	shalt  }

</sc_bundles>
